<compile_context>
chip_gen: v7x
topology: tpu7x:2x2x1
jax: 0.10.2.dev20260603
libtpu: 0.0.44.dev20260713+nightly
codegen_flags: <defaults>
</compile_context>

<pallas_src>
import functools

import jax
import jax.numpy as jnp
from jax import lax
from jax.experimental import pallas as pl
from jax.experimental.pallas import tpu as pltpu
from jax.experimental.pallas import tpu_sc as plsc

B, H, S = 128, 3, 197
HS = H * S
K = 300
KPAD = 304

NC, NS, L = 2, 16, 16
NW = NC * NS
TRIPS = (HS + NW - 1) // NW
NCH = B // L

_mesh = plsc.VectorSubcoreMesh(core_axis_name="c", subcore_axis_name="s")


@functools.partial(
    pl.kernel,
    mesh=_mesh,
    compiler_params=pltpu.CompilerParams(needs_layout_passes=False),
    out_type=jax.ShapeDtypeStruct((HS, S, B), jnp.float32),
    scratch_types=[
        pltpu.VMEM((608,), jnp.float32),
        pltpu.VMEM((K,), jnp.int32),
        pltpu.VMEM((K,), jnp.int32),
        pltpu.VMEM((S, B), jnp.float32),
        pltpu.VMEM((S, B), jnp.float32),
        pltpu.VMEM((S, B), jnp.float32),
        pltpu.VMEM((S, B), jnp.float32),
        pltpu.SemaphoreType.DMA,
        pltpu.SemaphoreType.DMA,
        pltpu.SemaphoreType.DMA,
        pltpu.SemaphoreType.DMA,
    ],
)
def _sc_body(x_hbm, ti0_hbm, ti1_hbm, out_hbm, mask_v, ti0_v, ti1_v,
             in_v0, in_v1, out_v0, out_v1, sin0, sin1, sout0, sout1):
    wid = lax.axis_index("s") * NC + lax.axis_index("c")
    lane = lax.iota(jnp.int32, L)

    zero16 = jnp.zeros((L,), jnp.float32)
    for k in range(608 // L):
        mask_v[pl.ds(k * L, L)] = zero16
    pltpu.sync_copy(ti0_hbm, ti0_v)
    pltpu.sync_copy(ti1_hbm, ti1_v)
    one16 = jnp.ones((L,), jnp.float32)
    for off in list(range(0, K - L + 1, L)) + [K - L]:
        i0 = ti0_v[pl.ds(off, L)]
        i1 = ti1_v[pl.ds(off, L)]
        plsc.store_scatter(mask_v, [i0 * S + i1], one16)

    inv_s = jnp.float32(1.0 / S)

    def make_soft(in_v, out_v):
        def soft():
            for c in range(NCH):
                c0 = c * L

                def accum(k, acc):
                    e = jnp.exp(in_v[k, pl.ds(c0, L)])
                    out_v[k, pl.ds(c0, L)] = e
                    return acc + e

                acc = plsc.parallel_loop(
                    0, S, unroll=8, carry=jnp.zeros((L,), jnp.float32))(accum)
                inv = one16 / acc

                @plsc.parallel_loop(0, S, unroll=8)
                def _(k):
                    out_v[k, pl.ds(c0, L)] = out_v[k, pl.ds(c0, L)] * inv

        return soft

    def make_sq(in_v, out_v):
        def sq():
            for c in range(NCH):
                c0 = c * L

                @plsc.parallel_loop(0, S, unroll=8)
                def _(k):
                    v = in_v[k, pl.ds(c0, L)]
                    out_v[k, pl.ds(c0, L)] = (v * inv_s) * v

        return sq

    bufs = [
        (in_v0, out_v0, sin0, sout0),
        (in_v1, out_v1, sin1, sout1),
    ]
    fns = [(make_soft(i, o), make_sq(i, o)) for i, o, _, _ in bufs]

    def start_in(blk, p):
        pltpu.make_async_copy(x_hbm.at[blk], bufs[p][0], bufs[p][2]).start()

    start_in(wid, 0)
    start_in(wid + NW, 1)

    def step(blk, p):
        in_v, out_v, sin, sout = bufs[p]
        prev = blk - 2 * NW

        @pl.when(jnp.logical_and(prev >= 0, prev < HS))
        def _():
            pltpu.make_async_copy(x_hbm.at[0], out_v, sout).wait()

        @pl.when(blk < HS)
        def _():
            pltpu.make_async_copy(x_hbm.at[0], in_v, sin).wait()
            is_soft = plsc.load_gather(mask_v, [lax.broadcast(blk, (L,))])[0] > 0.5
            lax.cond(is_soft, fns[p][0], fns[p][1])
            pltpu.make_async_copy(out_v, out_hbm.at[blk], sout).start()

        nxt = blk + 2 * NW

        @pl.when(nxt < HS)
        def _():
            start_in(nxt, p)

    def trip(t, _):
        blk = wid + 2 * NW * t
        step(blk, 0)
        step(blk + NW, 1)
        return 0

    lax.fori_loop(0, (TRIPS + 1) // 2, trip, 0)

    last0 = wid + NW * (TRIPS - 1)

    @pl.when(last0 < HS)
    def _():
        pltpu.make_async_copy(x_hbm.at[0], out_v0, sout0).wait()


def kernel(attn_weights, true_idx0, true_idx1, false_idx0, false_idx1):
    x = jnp.transpose(attn_weights, (1, 2, 3, 0)).reshape(HS, S, B)
    out = _sc_body(x, true_idx0, true_idx1)
    return jnp.transpose(out.reshape(H, S, S, B), (3, 0, 1, 2))

# --- scband reference (transcript-rebuilt; emitter-appended) ---
"""Pipeline reference for scband-choose-attention-55147380081323 (READ-ONLY COPY).

The authoritative reference and input builder live on the scoring server;
editing this copy changes nothing except your own understanding.
"""

import jax, jax.numpy as jnp
import numpy as np

B, H, S = 128, 3, 197
K_TRUE = 300


def setup_inputs(seed: int = 0) -> dict:
    key = jax.random.key(seed)
    attn_weights = jax.random.normal(key, (B, H, S, S), dtype=jnp.float32)
    # Deterministic complementary (head, query) index sets, mirroring
    # jnp.where(infer_beta, size=K) / jnp.where(infer_beta < 0.5, size=H*S-K)
    rng = np.random.default_rng(0)
    flat = np.zeros(H * S, dtype=bool)
    sel = rng.choice(H * S, size=K_TRUE, replace=False)
    flat[sel] = True
    mask = flat.reshape(H, S)
    ti = np.nonzero(mask)
    fi = np.nonzero(~mask)
    return {
        "attn_weights": attn_weights,
        "true_idx0": jnp.asarray(ti[0], dtype=jnp.int32),
        "true_idx1": jnp.asarray(ti[1], dtype=jnp.int32),
        "false_idx0": jnp.asarray(fi[0], dtype=jnp.int32),
        "false_idx1": jnp.asarray(fi[1], dtype=jnp.int32),
    }


def reference(attn_weights, true_idx0, true_idx1, false_idx0, false_idx1):
    # Gather rows of the attention matrix at the selected (head, query) pairs.
    selected_attn_weights = attn_weights[:, true_idx0, true_idx1, :]
    selected_attn_weights_false = attn_weights[:, false_idx0, false_idx1, :]
    # True branch: softmax over keys; False branch: square / 197.
    modified_attn_weights = jax.nn.softmax(selected_attn_weights, axis=-1)
    modified_attn_weights_false = jnp.square(selected_attn_weights_false) / 197
    # Scatter-overwrite back into the full attention tensor.
    updated_attn_weights = attn_weights.at[:, true_idx0, true_idx1, :].set(modified_attn_weights)
    updated_attn_weights = updated_attn_weights.at[:, false_idx0, false_idx1, :].set(modified_attn_weights_false)
    return updated_attn_weights

if __name__ == "__main__":
    import jax
    _d = setup_inputs()
    print(jax.jit(kernel)(*tuple(_d.values())))

</pallas_src>

<mosaic_0001>
#map = affine_map<(d0, d1) -> (0, 0, 0)>
#map1 = affine_map<(d0, d1) -> (0)>
module attributes {stable_mosaic.version = 14 : i64} {
  func.func @_sc_body(%arg0: i32, %arg1: i32, %arg2: memref<591x197x128xf32, #tpu.memory_space<hbm>>, %arg3: memref<300xi32, #tpu.memory_space<hbm>>, %arg4: memref<300xi32, #tpu.memory_space<hbm>>, %arg5: memref<591x197x128xf32, #tpu.memory_space<hbm>>, %arg6: memref<608xf32, #tpu.memory_space<vmem>>, %arg7: memref<300xi32, #tpu.memory_space<vmem>>, %arg8: memref<300xi32, #tpu.memory_space<vmem>>, %arg9: memref<197x128xf32, #tpu.memory_space<vmem>>, %arg10: memref<197x128xf32, #tpu.memory_space<vmem>>, %arg11: memref<197x128xf32, #tpu.memory_space<vmem>>, %arg12: memref<197x128xf32, #tpu.memory_space<vmem>>, %arg13: memref<!tpu.dma_semaphore, #tpu.memory_space<semaphore_mem>>, %arg14: memref<!tpu.dma_semaphore, #tpu.memory_space<semaphore_mem>>, %arg15: memref<!tpu.dma_semaphore, #tpu.memory_space<semaphore_mem>>, %arg16: memref<!tpu.dma_semaphore, #tpu.memory_space<semaphore_mem>>) attributes {dimension_semantics = [#tpu.dimension_semantics<core_parallel>, #tpu.dimension_semantics<subcore_parallel>], iteration_bounds = array<i64: 2, 16>, scalar_prefetch = 0 : i64, scratch_operands = 11 : i64, tpu.core_type = #tpu.core_type<sc_vector_subcore>, window_params = [{transform_indices = #map}, {transform_indices = #map1}, {transform_indices = #map1}, {transform_indices = #map}]} {
    %mul3A = arith.constant 2 : i32
    %mul3A_0 = arith.muli %arg1, %mul3A : i32
    %add3A = arith.addi %mul3A_0, %arg0 : i32
    %iota3A = tpu.iota {dimensions = array<i32: 0>} : vector<16xi32>
    %broadcast_in_dim3A = arith.constant 0.000000e+00 : f32
    %broadcast_in_dim3A_1 = vector.broadcast %broadcast_in_dim3A : f32 to vector<16xf32>
    %swap3A = arith.constant 0 : index
    %swap3A_2 = tpu.vector_load %arg6[%swap3A] {strides = array<i32>} : memref<608xf32, #tpu.memory_space<vmem>>, vector<16xf32>,
    tpu.vector_store %arg6[%swap3A], %broadcast_in_dim3A_1 {strides = array<i32>} : memref<608xf32, #tpu.memory_space<vmem>>, vector<16xf32>,
    %swap3A_3 = arith.constant 16 : index
    %swap3A_4 = tpu.vector_load %arg6[%swap3A_3] {strides = array<i32>} : memref<608xf32, #tpu.memory_space<vmem>>, vector<16xf32>,
    tpu.vector_store %arg6[%swap3A_3], %broadcast_in_dim3A_1 {strides = array<i32>} : memref<608xf32, #tpu.memory_space<vmem>>, vector<16xf32>,
    %swap3A_5 = arith.constant 32 : index
    %swap3A_6 = tpu.vector_load %arg6[%swap3A_5] {strides = array<i32>} : memref<608xf32, #tpu.memory_space<vmem>>, vector<16xf32>,
    tpu.vector_store %arg6[%swap3A_5], %broadcast_in_dim3A_1 {strides = array<i32>} : memref<608xf32, #tpu.memory_space<vmem>>, vector<16xf32>,
    %swap3A_7 = arith.constant 48 : index
    %swap3A_8 = tpu.vector_load %arg6[%swap3A_7] {strides = array<i32>} : memref<608xf32, #tpu.memory_space<vmem>>, vector<16xf32>,
    tpu.vector_store %arg6[%swap3A_7], %broadcast_in_dim3A_1 {strides = array<i32>} : memref<608xf32, #tpu.memory_space<vmem>>, vector<16xf32>,
    %swap3A_9 = arith.constant 64 : index
    %swap3A_10 = tpu.vector_load %arg6[%swap3A_9] {strides = array<i32>} : memref<608xf32, #tpu.memory_space<vmem>>, vector<16xf32>,
    tpu.vector_store %arg6[%swap3A_9], %broadcast_in_dim3A_1 {strides = array<i32>} : memref<608xf32, #tpu.memory_space<vmem>>, vector<16xf32>,
    %swap3A_11 = arith.constant 80 : index
    %swap3A_12 = tpu.vector_load %arg6[%swap3A_11] {strides = array<i32>} : memref<608xf32, #tpu.memory_space<vmem>>, vector<16xf32>,
    tpu.vector_store %arg6[%swap3A_11], %broadcast_in_dim3A_1 {strides = array<i32>} : memref<608xf32, #tpu.memory_space<vmem>>, vector<16xf32>,
    %swap3A_13 = arith.constant 96 : index
    %swap3A_14 = tpu.vector_load %arg6[%swap3A_13] {strides = array<i32>} : memref<608xf32, #tpu.memory_space<vmem>>, vector<16xf32>,
    tpu.vector_store %arg6[%swap3A_13], %broadcast_in_dim3A_1 {strides = array<i32>} : memref<608xf32, #tpu.memory_space<vmem>>, vector<16xf32>,
    %swap3A_15 = arith.constant 112 : index
    %swap3A_16 = tpu.vector_load %arg6[%swap3A_15] {strides = array<i32>} : memref<608xf32, #tpu.memory_space<vmem>>, vector<16xf32>,
    tpu.vector_store %arg6[%swap3A_15], %broadcast_in_dim3A_1 {strides = array<i32>} : memref<608xf32, #tpu.memory_space<vmem>>, vector<16xf32>,
    %swap3A_17 = arith.constant 128 : index
    %swap3A_18 = tpu.vector_load %arg6[%swap3A_17] {strides = array<i32>} : memref<608xf32, #tpu.memory_space<vmem>>, vector<16xf32>,
    tpu.vector_store %arg6[%swap3A_17], %broadcast_in_dim3A_1 {strides = array<i32>} : memref<608xf32, #tpu.memory_space<vmem>>, vector<16xf32>,
    %swap3A_19 = arith.constant 144 : index
    %swap3A_20 = tpu.vector_load %arg6[%swap3A_19] {strides = array<i32>} : memref<608xf32, #tpu.memory_space<vmem>>, vector<16xf32>,
    tpu.vector_store %arg6[%swap3A_19], %broadcast_in_dim3A_1 {strides = array<i32>} : memref<608xf32, #tpu.memory_space<vmem>>, vector<16xf32>,
    %swap3A_21 = arith.constant 160 : index
    %swap3A_22 = tpu.vector_load %arg6[%swap3A_21] {strides = array<i32>} : memref<608xf32, #tpu.memory_space<vmem>>, vector<16xf32>,
    tpu.vector_store %arg6[%swap3A_21], %broadcast_in_dim3A_1 {strides = array<i32>} : memref<608xf32, #tpu.memory_space<vmem>>, vector<16xf32>,
    %swap3A_23 = arith.constant 176 : index
    %swap3A_24 = tpu.vector_load %arg6[%swap3A_23] {strides = array<i32>} : memref<608xf32, #tpu.memory_space<vmem>>, vector<16xf32>,
    tpu.vector_store %arg6[%swap3A_23], %broadcast_in_dim3A_1 {strides = array<i32>} : memref<608xf32, #tpu.memory_space<vmem>>, vector<16xf32>,
    %swap3A_25 = arith.constant 192 : index
    %swap3A_26 = tpu.vector_load %arg6[%swap3A_25] {strides = array<i32>} : memref<608xf32, #tpu.memory_space<vmem>>, vector<16xf32>,
    tpu.vector_store %arg6[%swap3A_25], %broadcast_in_dim3A_1 {strides = array<i32>} : memref<608xf32, #tpu.memory_space<vmem>>, vector<16xf32>,
    %swap3A_27 = arith.constant 208 : index
    %swap3A_28 = tpu.vector_load %arg6[%swap3A_27] {strides = array<i32>} : memref<608xf32, #tpu.memory_space<vmem>>, vector<16xf32>,
    tpu.vector_store %arg6[%swap3A_27], %broadcast_in_dim3A_1 {strides = array<i32>} : memref<608xf32, #tpu.memory_space<vmem>>, vector<16xf32>,
    %swap3A_29 = arith.constant 224 : index
    %swap3A_30 = tpu.vector_load %arg6[%swap3A_29] {strides = array<i32>} : memref<608xf32, #tpu.memory_space<vmem>>, vector<16xf32>,
    tpu.vector_store %arg6[%swap3A_29], %broadcast_in_dim3A_1 {strides = array<i32>} : memref<608xf32, #tpu.memory_space<vmem>>, vector<16xf32>,
    %swap3A_31 = arith.constant 240 : index
    %swap3A_32 = tpu.vector_load %arg6[%swap3A_31] {strides = array<i32>} : memref<608xf32, #tpu.memory_space<vmem>>, vector<16xf32>,
    tpu.vector_store %arg6[%swap3A_31], %broadcast_in_dim3A_1 {strides = array<i32>} : memref<608xf32, #tpu.memory_space<vmem>>, vector<16xf32>,
    %swap3A_33 = arith.constant 256 : index
    %swap3A_34 = tpu.vector_load %arg6[%swap3A_33] {strides = array<i32>} : memref<608xf32, #tpu.memory_space<vmem>>, vector<16xf32>,
    tpu.vector_store %arg6[%swap3A_33], %broadcast_in_dim3A_1 {strides = array<i32>} : memref<608xf32, #tpu.memory_space<vmem>>, vector<16xf32>,
    %swap3A_35 = arith.constant 272 : index
    %swap3A_36 = tpu.vector_load %arg6[%swap3A_35] {strides = array<i32>} : memref<608xf32, #tpu.memory_space<vmem>>, vector<16xf32>,
    tpu.vector_store %arg6[%swap3A_35], %broadcast_in_dim3A_1 {strides = array<i32>} : memref<608xf32, #tpu.memory_space<vmem>>, vector<16xf32>,
    %swap3A_37 = arith.constant 288 : index
    %swap3A_38 = tpu.vector_load %arg6[%swap3A_37] {strides = array<i32>} : memref<608xf32, #tpu.memory_space<vmem>>, vector<16xf32>,
    tpu.vector_store %arg6[%swap3A_37], %broadcast_in_dim3A_1 {strides = array<i32>} : memref<608xf32, #tpu.memory_space<vmem>>, vector<16xf32>,
    %swap3A_39 = arith.constant 304 : index
    %swap3A_40 = tpu.vector_load %arg6[%swap3A_39] {strides = array<i32>} : memref<608xf32, #tpu.memory_space<vmem>>, vector<16xf32>,
    tpu.vector_store %arg6[%swap3A_39], %broadcast_in_dim3A_1 {strides = array<i32>} : memref<608xf32, #tpu.memory_space<vmem>>, vector<16xf32>,
    %swap3A_41 = arith.constant 320 : index
    %swap3A_42 = tpu.vector_load %arg6[%swap3A_41] {strides = array<i32>} : memref<608xf32, #tpu.memory_space<vmem>>, vector<16xf32>,
    tpu.vector_store %arg6[%swap3A_41], %broadcast_in_dim3A_1 {strides = array<i32>} : memref<608xf32, #tpu.memory_space<vmem>>, vector<16xf32>,
    %swap3A_43 = arith.constant 336 : index
    %swap3A_44 = tpu.vector_load %arg6[%swap3A_43] {strides = array<i32>} : memref<608xf32, #tpu.memory_space<vmem>>, vector<16xf32>,
    tpu.vector_store %arg6[%swap3A_43], %broadcast_in_dim3A_1 {strides = array<i32>} : memref<608xf32, #tpu.memory_space<vmem>>, vector<16xf32>,
    %swap3A_45 = arith.constant 352 : index
    %swap3A_46 = tpu.vector_load %arg6[%swap3A_45] {strides = array<i32>} : memref<608xf32, #tpu.memory_space<vmem>>, vector<16xf32>,
    tpu.vector_store %arg6[%swap3A_45], %broadcast_in_dim3A_1 {strides = array<i32>} : memref<608xf32, #tpu.memory_space<vmem>>, vector<16xf32>,
    %swap3A_47 = arith.constant 368 : index
    %swap3A_48 = tpu.vector_load %arg6[%swap3A_47] {strides = array<i32>} : memref<608xf32, #tpu.memory_space<vmem>>, vector<16xf32>,
    tpu.vector_store %arg6[%swap3A_47], %broadcast_in_dim3A_1 {strides = array<i32>} : memref<608xf32, #tpu.memory_space<vmem>>, vector<16xf32>,
    %swap3A_49 = arith.constant 384 : index
    %swap3A_50 = tpu.vector_load %arg6[%swap3A_49] {strides = array<i32>} : memref<608xf32, #tpu.memory_space<vmem>>, vector<16xf32>,
    tpu.vector_store %arg6[%swap3A_49], %broadcast_in_dim3A_1 {strides = array<i32>} : memref<608xf32, #tpu.memory_space<vmem>>, vector<16xf32>,
    %swap3A_51 = arith.constant 400 : index
    %swap3A_52 = tpu.vector_load %arg6[%swap3A_51] {strides = array<i32>} : memref<608xf32, #tpu.memory_space<vmem>>, vector<16xf32>,
    tpu.vector_store %arg6[%swap3A_51], %broadcast_in_dim3A_1 {strides = array<i32>} : memref<608xf32, #tpu.memory_space<vmem>>, vector<16xf32>,
    %swap3A_53 = arith.constant 416 : index
    %swap3A_54 = tpu.vector_load %arg6[%swap3A_53] {strides = array<i32>} : memref<608xf32, #tpu.memory_space<vmem>>, vector<16xf32>,
    tpu.vector_store %arg6[%swap3A_53], %broadcast_in_dim3A_1 {strides = array<i32>} : memref<608xf32, #tpu.memory_space<vmem>>, vector<16xf32>,
    %swap3A_55 = arith.constant 432 : index
    %swap3A_56 = tpu.vector_load %arg6[%swap3A_55] {strides = array<i32>} : memref<608xf32, #tpu.memory_space<vmem>>, vector<16xf32>,
    tpu.vector_store %arg6[%swap3A_55], %broadcast_in_dim3A_1 {strides = array<i32>} : memref<608xf32, #tpu.memory_space<vmem>>, vector<16xf32>,
    %swap3A_57 = arith.constant 448 : index
    %swap3A_58 = tpu.vector_load %arg6[%swap3A_57] {strides = array<i32>} : memref<608xf32, #tpu.memory_space<vmem>>, vector<16xf32>,
    tpu.vector_store %arg6[%swap3A_57], %broadcast_in_dim3A_1 {strides = array<i32>} : memref<608xf32, #tpu.memory_space<vmem>>, vector<16xf32>,
    %swap3A_59 = arith.constant 464 : index
    %swap3A_60 = tpu.vector_load %arg6[%swap3A_59] {strides = array<i32>} : memref<608xf32, #tpu.memory_space<vmem>>, vector<16xf32>,
    tpu.vector_store %arg6[%swap3A_59], %broadcast_in_dim3A_1 {strides = array<i32>} : memref<608xf32, #tpu.memory_space<vmem>>, vector<16xf32>,
    %swap3A_61 = arith.constant 480 : index
    %swap3A_62 = tpu.vector_load %arg6[%swap3A_61] {strides = array<i32>} : memref<608xf32, #tpu.memory_space<vmem>>, vector<16xf32>,
    tpu.vector_store %arg6[%swap3A_61], %broadcast_in_dim3A_1 {strides = array<i32>} : memref<608xf32, #tpu.memory_space<vmem>>, vector<16xf32>,
    %swap3A_63 = arith.constant 496 : index
    %swap3A_64 = tpu.vector_load %arg6[%swap3A_63] {strides = array<i32>} : memref<608xf32, #tpu.memory_space<vmem>>, vector<16xf32>,
    tpu.vector_store %arg6[%swap3A_63], %broadcast_in_dim3A_1 {strides = array<i32>} : memref<608xf32, #tpu.memory_space<vmem>>, vector<16xf32>,
    %swap3A_65 = arith.constant 512 : index
    %swap3A_66 = tpu.vector_load %arg6[%swap3A_65] {strides = array<i32>} : memref<608xf32, #tpu.memory_space<vmem>>, vector<16xf32>,
    tpu.vector_store %arg6[%swap3A_65], %broadcast_in_dim3A_1 {strides = array<i32>} : memref<608xf32, #tpu.memory_space<vmem>>, vector<16xf32>,
    %swap3A_67 = arith.constant 528 : index
    %swap3A_68 = tpu.vector_load %arg6[%swap3A_67] {strides = array<i32>} : memref<608xf32, #tpu.memory_space<vmem>>, vector<16xf32>,
    tpu.vector_store %arg6[%swap3A_67], %broadcast_in_dim3A_1 {strides = array<i32>} : memref<608xf32, #tpu.memory_space<vmem>>, vector<16xf32>,
    %swap3A_69 = arith.constant 544 : index
    %swap3A_70 = tpu.vector_load %arg6[%swap3A_69] {strides = array<i32>} : memref<608xf32, #tpu.memory_space<vmem>>, vector<16xf32>,
    tpu.vector_store %arg6[%swap3A_69], %broadcast_in_dim3A_1 {strides = array<i32>} : memref<608xf32, #tpu.memory_space<vmem>>, vector<16xf32>,
    %swap3A_71 = arith.constant 560 : index
    %swap3A_72 = tpu.vector_load %arg6[%swap3A_71] {strides = array<i32>} : memref<608xf32, #tpu.memory_space<vmem>>, vector<16xf32>,
    tpu.vector_store %arg6[%swap3A_71], %broadcast_in_dim3A_1 {strides = array<i32>} : memref<608xf32, #tpu.memory_space<vmem>>, vector<16xf32>,
    %swap3A_73 = arith.constant 576 : index
    %swap3A_74 = tpu.vector_load %arg6[%swap3A_73] {strides = array<i32>} : memref<608xf32, #tpu.memory_space<vmem>>, vector<16xf32>,
    tpu.vector_store %arg6[%swap3A_73], %broadcast_in_dim3A_1 {strides = array<i32>} : memref<608xf32, #tpu.memory_space<vmem>>, vector<16xf32>,
    %swap3A_75 = arith.constant 592 : index
    %swap3A_76 = tpu.vector_load %arg6[%swap3A_75] {strides = array<i32>} : memref<608xf32, #tpu.memory_space<vmem>>, vector<16xf32>,
    tpu.vector_store %arg6[%swap3A_75], %broadcast_in_dim3A_1 {strides = array<i32>} : memref<608xf32, #tpu.memory_space<vmem>>, vector<16xf32>,
    "tpu.region"() ({
      %run_scoped3A = tpu.sem_alloc : memref<!tpu.dma_semaphore, #tpu.memory_space<semaphore_mem>>
      tpu.enqueue_dma source(%arg3 : memref<300xi32, #tpu.memory_space<hbm>>) target(%arg7 : memref<300xi32, #tpu.memory_space<vmem>>) target_semaphore(%run_scoped3A : memref<!tpu.dma_semaphore, #tpu.memory_space<semaphore_mem>>)
      tpu.wait_dma2 semaphore(%run_scoped3A : memref<!tpu.dma_semaphore, #tpu.memory_space<semaphore_mem>>) src(%arg3 : memref<300xi32, #tpu.memory_space<hbm>>) dst(%arg7 : memref<300xi32, #tpu.memory_space<vmem>>)
      tpu.yield
    }) : () -> ()
    "tpu.region"() ({
      %run_scoped3A = tpu.sem_alloc : memref<!tpu.dma_semaphore, #tpu.memory_space<semaphore_mem>>
      tpu.enqueue_dma source(%arg4 : memref<300xi32, #tpu.memory_space<hbm>>) target(%arg8 : memref<300xi32, #tpu.memory_space<vmem>>) target_semaphore(%run_scoped3A : memref<!tpu.dma_semaphore, #tpu.memory_space<semaphore_mem>>)
      tpu.wait_dma2 semaphore(%run_scoped3A : memref<!tpu.dma_semaphore, #tpu.memory_space<semaphore_mem>>) src(%arg4 : memref<300xi32, #tpu.memory_space<hbm>>) dst(%arg8 : memref<300xi32, #tpu.memory_space<vmem>>)
      tpu.yield
    }) : () -> ()
    %broadcast_in_dim3A_77 = arith.constant 1.000000e+00 : f32
    %broadcast_in_dim3A_78 = vector.broadcast %broadcast_in_dim3A_77 : f32 to vector<16xf32>
    %get3A = arith.constant 0 : index
    %get3A_79 = tpu.vector_load %arg7[%get3A] {strides = array<i32>} : memref<300xi32, #tpu.memory_space<vmem>>, vector<16xi32>,
    %get3A_80 = arith.constant 0 : index
    %get3A_81 = tpu.vector_load %arg8[%get3A_80] {strides = array<i32>} : memref<300xi32, #tpu.memory_space<vmem>>, vector<16xi32>,
    %mul3A_82 = arith.constant 197 : i32
    %mul3A_83 = vector.broadcast %mul3A_82 : i32 to vector<16xi32>
    %mul3A_84 = arith.muli %get3A_79, %mul3A_83 : vector<16xi32>
    %add3A_85 = arith.addi %mul3A_84, %get3A_81 : vector<16xi32>
    tpu.vector_store_idx %arg6[%add3A_85], %broadcast_in_dim3A_78 : memref<608xf32, #tpu.memory_space<vmem>>[vector<16xi32>], vector<16xf32>,
    %get3A_86 = arith.constant 16 : index
    %get3A_87 = tpu.vector_load %arg7[%get3A_86] {strides = array<i32>} : memref<300xi32, #tpu.memory_space<vmem>>, vector<16xi32>,
    %get3A_88 = arith.constant 16 : index
    %get3A_89 = tpu.vector_load %arg8[%get3A_88] {strides = array<i32>} : memref<300xi32, #tpu.memory_space<vmem>>, vector<16xi32>,
    %mul3A_90 = arith.constant 197 : i32
    %mul3A_91 = vector.broadcast %mul3A_90 : i32 to vector<16xi32>
    %mul3A_92 = arith.muli %get3A_87, %mul3A_91 : vector<16xi32>
    %add3A_93 = arith.addi %mul3A_92, %get3A_89 : vector<16xi32>
    tpu.vector_store_idx %arg6[%add3A_93], %broadcast_in_dim3A_78 : memref<608xf32, #tpu.memory_space<vmem>>[vector<16xi32>], vector<16xf32>,
    %get3A_94 = arith.constant 32 : index
    %get3A_95 = tpu.vector_load %arg7[%get3A_94] {strides = array<i32>} : memref<300xi32, #tpu.memory_space<vmem>>, vector<16xi32>,
    %get3A_96 = arith.constant 32 : index
    %get3A_97 = tpu.vector_load %arg8[%get3A_96] {strides = array<i32>} : memref<300xi32, #tpu.memory_space<vmem>>, vector<16xi32>,
    %mul3A_98 = arith.constant 197 : i32
    %mul3A_99 = vector.broadcast %mul3A_98 : i32 to vector<16xi32>
    %mul3A_100 = arith.muli %get3A_95, %mul3A_99 : vector<16xi32>
    %add3A_101 = arith.addi %mul3A_100, %get3A_97 : vector<16xi32>
    tpu.vector_store_idx %arg6[%add3A_101], %broadcast_in_dim3A_78 : memref<608xf32, #tpu.memory_space<vmem>>[vector<16xi32>], vector<16xf32>,
    %get3A_102 = arith.constant 48 : index
    %get3A_103 = tpu.vector_load %arg7[%get3A_102] {strides = array<i32>} : memref<300xi32, #tpu.memory_space<vmem>>, vector<16xi32>,
    %get3A_104 = arith.constant 48 : index
    %get3A_105 = tpu.vector_load %arg8[%get3A_104] {strides = array<i32>} : memref<300xi32, #tpu.memory_space<vmem>>, vector<16xi32>,
    %mul3A_106 = arith.constant 197 : i32
    %mul3A_107 = vector.broadcast %mul3A_106 : i32 to vector<16xi32>
    %mul3A_108 = arith.muli %get3A_103, %mul3A_107 : vector<16xi32>
    %add3A_109 = arith.addi %mul3A_108, %get3A_105 : vector<16xi32>
    tpu.vector_store_idx %arg6[%add3A_109], %broadcast_in_dim3A_78 : memref<608xf32, #tpu.memory_space<vmem>>[vector<16xi32>], vector<16xf32>,
    %get3A_110 = arith.constant 64 : index
    %get3A_111 = tpu.vector_load %arg7[%get3A_110] {strides = array<i32>} : memref<300xi32, #tpu.memory_space<vmem>>, vector<16xi32>,
    %get3A_112 = arith.constant 64 : index
    %get3A_113 = tpu.vector_load %arg8[%get3A_112] {strides = array<i32>} : memref<300xi32, #tpu.memory_space<vmem>>, vector<16xi32>,
    %mul3A_114 = arith.constant 197 : i32
    %mul3A_115 = vector.broadcast %mul3A_114 : i32 to vector<16xi32>
    %mul3A_116 = arith.muli %get3A_111, %mul3A_115 : vector<16xi32>
    %add3A_117 = arith.addi %mul3A_116, %get3A_113 : vector<16xi32>
    tpu.vector_store_idx %arg6[%add3A_117], %broadcast_in_dim3A_78 : memref<608xf32, #tpu.memory_space<vmem>>[vector<16xi32>], vector<16xf32>,
    %get3A_118 = arith.constant 80 : index
    %get3A_119 = tpu.vector_load %arg7[%get3A_118] {strides = array<i32>} : memref<300xi32, #tpu.memory_space<vmem>>, vector<16xi32>,
    %get3A_120 = arith.constant 80 : index
    %get3A_121 = tpu.vector_load %arg8[%get3A_120] {strides = array<i32>} : memref<300xi32, #tpu.memory_space<vmem>>, vector<16xi32>,
    %mul3A_122 = arith.constant 197 : i32
    %mul3A_123 = vector.broadcast %mul3A_122 : i32 to vector<16xi32>
    %mul3A_124 = arith.muli %get3A_119, %mul3A_123 : vector<16xi32>
    %add3A_125 = arith.addi %mul3A_124, %get3A_121 : vector<16xi32>
    tpu.vector_store_idx %arg6[%add3A_125], %broadcast_in_dim3A_78 : memref<608xf32, #tpu.memory_space<vmem>>[vector<16xi32>], vector<16xf32>,
    %get3A_126 = arith.constant 96 : index
    %get3A_127 = tpu.vector_load %arg7[%get3A_126] {strides = array<i32>} : memref<300xi32, #tpu.memory_space<vmem>>, vector<16xi32>,
    %get3A_128 = arith.constant 96 : index
    %get3A_129 = tpu.vector_load %arg8[%get3A_128] {strides = array<i32>} : memref<300xi32, #tpu.memory_space<vmem>>, vector<16xi32>,
    %mul3A_130 = arith.constant 197 : i32
    %mul3A_131 = vector.broadcast %mul3A_130 : i32 to vector<16xi32>
    %mul3A_132 = arith.muli %get3A_127, %mul3A_131 : vector<16xi32>
    %add3A_133 = arith.addi %mul3A_132, %get3A_129 : vector<16xi32>
    tpu.vector_store_idx %arg6[%add3A_133], %broadcast_in_dim3A_78 : memref<608xf32, #tpu.memory_space<vmem>>[vector<16xi32>], vector<16xf32>,
    %get3A_134 = arith.constant 112 : index
    %get3A_135 = tpu.vector_load %arg7[%get3A_134] {strides = array<i32>} : memref<300xi32, #tpu.memory_space<vmem>>, vector<16xi32>,
    %get3A_136 = arith.constant 112 : index
    %get3A_137 = tpu.vector_load %arg8[%get3A_136] {strides = array<i32>} : memref<300xi32, #tpu.memory_space<vmem>>, vector<16xi32>,
    %mul3A_138 = arith.constant 197 : i32
    %mul3A_139 = vector.broadcast %mul3A_138 : i32 to vector<16xi32>
    %mul3A_140 = arith.muli %get3A_135, %mul3A_139 : vector<16xi32>
    %add3A_141 = arith.addi %mul3A_140, %get3A_137 : vector<16xi32>
    tpu.vector_store_idx %arg6[%add3A_141], %broadcast_in_dim3A_78 : memref<608xf32, #tpu.memory_space<vmem>>[vector<16xi32>], vector<16xf32>,
    %get3A_142 = arith.constant 128 : index
    %get3A_143 = tpu.vector_load %arg7[%get3A_142] {strides = array<i32>} : memref<300xi32, #tpu.memory_space<vmem>>, vector<16xi32>,
    %get3A_144 = arith.constant 128 : index
    %get3A_145 = tpu.vector_load %arg8[%get3A_144] {strides = array<i32>} : memref<300xi32, #tpu.memory_space<vmem>>, vector<16xi32>,
    %mul3A_146 = arith.constant 197 : i32
    %mul3A_147 = vector.broadcast %mul3A_146 : i32 to vector<16xi32>
    %mul3A_148 = arith.muli %get3A_143, %mul3A_147 : vector<16xi32>
    %add3A_149 = arith.addi %mul3A_148, %get3A_145 : vector<16xi32>
    tpu.vector_store_idx %arg6[%add3A_149], %broadcast_in_dim3A_78 : memref<608xf32, #tpu.memory_space<vmem>>[vector<16xi32>], vector<16xf32>,
    %get3A_150 = arith.constant 144 : index
    %get3A_151 = tpu.vector_load %arg7[%get3A_150] {strides = array<i32>} : memref<300xi32, #tpu.memory_space<vmem>>, vector<16xi32>,
    %get3A_152 = arith.constant 144 : index
    %get3A_153 = tpu.vector_load %arg8[%get3A_152] {strides = array<i32>} : memref<300xi32, #tpu.memory_space<vmem>>, vector<16xi32>,
    %mul3A_154 = arith.constant 197 : i32
    %mul3A_155 = vector.broadcast %mul3A_154 : i32 to vector<16xi32>
    %mul3A_156 = arith.muli %get3A_151, %mul3A_155 : vector<16xi32>
    %add3A_157 = arith.addi %mul3A_156, %get3A_153 : vector<16xi32>
    tpu.vector_store_idx %arg6[%add3A_157], %broadcast_in_dim3A_78 : memref<608xf32, #tpu.memory_space<vmem>>[vector<16xi32>], vector<16xf32>,
    %get3A_158 = arith.constant 160 : index
    %get3A_159 = tpu.vector_load %arg7[%get3A_158] {strides = array<i32>} : memref<300xi32, #tpu.memory_space<vmem>>, vector<16xi32>,
    %get3A_160 = arith.constant 160 : index
    %get3A_161 = tpu.vector_load %arg8[%get3A_160] {strides = array<i32>} : memref<300xi32, #tpu.memory_space<vmem>>, vector<16xi32>,
    %mul3A_162 = arith.constant 197 : i32
    %mul3A_163 = vector.broadcast %mul3A_162 : i32 to vector<16xi32>
    %mul3A_164 = arith.muli %get3A_159, %mul3A_163 : vector<16xi32>
    %add3A_165 = arith.addi %mul3A_164, %get3A_161 : vector<16xi32>
    tpu.vector_store_idx %arg6[%add3A_165], %broadcast_in_dim3A_78 : memref<608xf32, #tpu.memory_space<vmem>>[vector<16xi32>], vector<16xf32>,
    %get3A_166 = arith.constant 176 : index
    %get3A_167 = tpu.vector_load %arg7[%get3A_166] {strides = array<i32>} : memref<300xi32, #tpu.memory_space<vmem>>, vector<16xi32>,
    %get3A_168 = arith.constant 176 : index
    %get3A_169 = tpu.vector_load %arg8[%get3A_168] {strides = array<i32>} : memref<300xi32, #tpu.memory_space<vmem>>, vector<16xi32>,
    %mul3A_170 = arith.constant 197 : i32
    %mul3A_171 = vector.broadcast %mul3A_170 : i32 to vector<16xi32>
    %mul3A_172 = arith.muli %get3A_167, %mul3A_171 : vector<16xi32>
    %add3A_173 = arith.addi %mul3A_172, %get3A_169 : vector<16xi32>
    tpu.vector_store_idx %arg6[%add3A_173], %broadcast_in_dim3A_78 : memref<608xf32, #tpu.memory_space<vmem>>[vector<16xi32>], vector<16xf32>,
    %get3A_174 = arith.constant 192 : index
    %get3A_175 = tpu.vector_load %arg7[%get3A_174] {strides = array<i32>} : memref<300xi32, #tpu.memory_space<vmem>>, vector<16xi32>,
    %get3A_176 = arith.constant 192 : index
    %get3A_177 = tpu.vector_load %arg8[%get3A_176] {strides = array<i32>} : memref<300xi32, #tpu.memory_space<vmem>>, vector<16xi32>,
    %mul3A_178 = arith.constant 197 : i32
    %mul3A_179 = vector.broadcast %mul3A_178 : i32 to vector<16xi32>
    %mul3A_180 = arith.muli %get3A_175, %mul3A_179 : vector<16xi32>
    %add3A_181 = arith.addi %mul3A_180, %get3A_177 : vector<16xi32>
    tpu.vector_store_idx %arg6[%add3A_181], %broadcast_in_dim3A_78 : memref<608xf32, #tpu.memory_space<vmem>>[vector<16xi32>], vector<16xf32>,
    %get3A_182 = arith.constant 208 : index
    %get3A_183 = tpu.vector_load %arg7[%get3A_182] {strides = array<i32>} : memref<300xi32, #tpu.memory_space<vmem>>, vector<16xi32>,
    %get3A_184 = arith.constant 208 : index
    %get3A_185 = tpu.vector_load %arg8[%get3A_184] {strides = array<i32>} : memref<300xi32, #tpu.memory_space<vmem>>, vector<16xi32>,
    %mul3A_186 = arith.constant 197 : i32
    %mul3A_187 = vector.broadcast %mul3A_186 : i32 to vector<16xi32>
    %mul3A_188 = arith.muli %get3A_183, %mul3A_187 : vector<16xi32>
    %add3A_189 = arith.addi %mul3A_188, %get3A_185 : vector<16xi32>
    tpu.vector_store_idx %arg6[%add3A_189], %broadcast_in_dim3A_78 : memref<608xf32, #tpu.memory_space<vmem>>[vector<16xi32>], vector<16xf32>,
    %get3A_190 = arith.constant 224 : index
    %get3A_191 = tpu.vector_load %arg7[%get3A_190] {strides = array<i32>} : memref<300xi32, #tpu.memory_space<vmem>>, vector<16xi32>,
    %get3A_192 = arith.constant 224 : index
    %get3A_193 = tpu.vector_load %arg8[%get3A_192] {strides = array<i32>} : memref<300xi32, #tpu.memory_space<vmem>>, vector<16xi32>,
    %mul3A_194 = arith.constant 197 : i32
    %mul3A_195 = vector.broadcast %mul3A_194 : i32 to vector<16xi32>
    %mul3A_196 = arith.muli %get3A_191, %mul3A_195 : vector<16xi32>
    %add3A_197 = arith.addi %mul3A_196, %get3A_193 : vector<16xi32>
    tpu.vector_store_idx %arg6[%add3A_197], %broadcast_in_dim3A_78 : memref<608xf32, #tpu.memory_space<vmem>>[vector<16xi32>], vector<16xf32>,
    %get3A_198 = arith.constant 240 : index
    %get3A_199 = tpu.vector_load %arg7[%get3A_198] {strides = array<i32>} : memref<300xi32, #tpu.memory_space<vmem>>, vector<16xi32>,
    %get3A_200 = arith.constant 240 : index
    %get3A_201 = tpu.vector_load %arg8[%get3A_200] {strides = array<i32>} : memref<300xi32, #tpu.memory_space<vmem>>, vector<16xi32>,
    %mul3A_202 = arith.constant 197 : i32
    %mul3A_203 = vector.broadcast %mul3A_202 : i32 to vector<16xi32>
    %mul3A_204 = arith.muli %get3A_199, %mul3A_203 : vector<16xi32>
    %add3A_205 = arith.addi %mul3A_204, %get3A_201 : vector<16xi32>
    tpu.vector_store_idx %arg6[%add3A_205], %broadcast_in_dim3A_78 : memref<608xf32, #tpu.memory_space<vmem>>[vector<16xi32>], vector<16xf32>,
    %get3A_206 = arith.constant 256 : index
    %get3A_207 = tpu.vector_load %arg7[%get3A_206] {strides = array<i32>} : memref<300xi32, #tpu.memory_space<vmem>>, vector<16xi32>,
    %get3A_208 = arith.constant 256 : index
    %get3A_209 = tpu.vector_load %arg8[%get3A_208] {strides = array<i32>} : memref<300xi32, #tpu.memory_space<vmem>>, vector<16xi32>,
    %mul3A_210 = arith.constant 197 : i32
    %mul3A_211 = vector.broadcast %mul3A_210 : i32 to vector<16xi32>
    %mul3A_212 = arith.muli %get3A_207, %mul3A_211 : vector<16xi32>
    %add3A_213 = arith.addi %mul3A_212, %get3A_209 : vector<16xi32>
    tpu.vector_store_idx %arg6[%add3A_213], %broadcast_in_dim3A_78 : memref<608xf32, #tpu.memory_space<vmem>>[vector<16xi32>], vector<16xf32>,
    %get3A_214 = arith.constant 272 : index
    %get3A_215 = tpu.vector_load %arg7[%get3A_214] {strides = array<i32>} : memref<300xi32, #tpu.memory_space<vmem>>, vector<16xi32>,
    %get3A_216 = arith.constant 272 : index
    %get3A_217 = tpu.vector_load %arg8[%get3A_216] {strides = array<i32>} : memref<300xi32, #tpu.memory_space<vmem>>, vector<16xi32>,
    %mul3A_218 = arith.constant 197 : i32
    %mul3A_219 = vector.broadcast %mul3A_218 : i32 to vector<16xi32>
    %mul3A_220 = arith.muli %get3A_215, %mul3A_219 : vector<16xi32>
    %add3A_221 = arith.addi %mul3A_220, %get3A_217 : vector<16xi32>
    tpu.vector_store_idx %arg6[%add3A_221], %broadcast_in_dim3A_78 : memref<608xf32, #tpu.memory_space<vmem>>[vector<16xi32>], vector<16xf32>,
    %get3A_222 = arith.constant 284 : index
    %get3A_223 = tpu.vector_load %arg7[%get3A_222] {strides = array<i32>} : memref<300xi32, #tpu.memory_space<vmem>>, vector<16xi32>,
    %get3A_224 = arith.constant 284 : index
    %get3A_225 = tpu.vector_load %arg8[%get3A_224] {strides = array<i32>} : memref<300xi32, #tpu.memory_space<vmem>>, vector<16xi32>,
    %mul3A_226 = arith.constant 197 : i32
    %mul3A_227 = vector.broadcast %mul3A_226 : i32 to vector<16xi32>
    %mul3A_228 = arith.muli %get3A_223, %mul3A_227 : vector<16xi32>
    %add3A_229 = arith.addi %mul3A_228, %get3A_225 : vector<16xi32>
    tpu.vector_store_idx %arg6[%add3A_229], %broadcast_in_dim3A_78 : memref<608xf32, #tpu.memory_space<vmem>>[vector<16xi32>], vector<16xf32>,
    %dma_start3A = arith.constant 0 : i32
    %dma_start3A_230 = arith.constant 0 : i32
    %dma_start3A_231 = tpu.memref_slice %arg2[%add3A, %dma_start3A, %dma_start3A_230] : memref<591x197x128xf32, #tpu.memory_space<hbm>> -> memref<1x197x128xf32, #tpu.memory_space<hbm>>
    %dma_start3A_232 = tpu.memref_squeeze %dma_start3A_231 : memref<1x197x128xf32, #tpu.memory_space<hbm>> -> memref<197x128xf32, #tpu.memory_space<hbm>>
    %dma_start3A_233 = arith.constant 0 : i32
    %dma_start3A_234 = arith.constant 0 : i32
    %dma_start3A_235 = tpu.memref_slice %arg2[%add3A, %dma_start3A_233, %dma_start3A_234] : memref<591x197x128xf32, #tpu.memory_space<hbm>> -> memref<1x197x128xf32, #tpu.memory_space<hbm>>
    %dma_start3A_236 = tpu.memref_squeeze %dma_start3A_235 : memref<1x197x128xf32, #tpu.memory_space<hbm>> -> memref<197x128xf32, #tpu.memory_space<hbm>>
    tpu.enqueue_dma source(%dma_start3A_236 : memref<197x128xf32, #tpu.memory_space<hbm>>) target(%arg9 : memref<197x128xf32, #tpu.memory_space<vmem>>) target_semaphore(%arg13 : memref<!tpu.dma_semaphore, #tpu.memory_space<semaphore_mem>>)
    %add3A_237 = arith.constant 32 : i32
    %add3A_238 = arith.addi %add3A, %add3A_237 : i32
    %dma_start3A_239 = arith.constant 0 : i32
    %dma_start3A_240 = arith.constant 0 : i32
    %dma_start3A_241 = tpu.memref_slice %arg2[%add3A_238, %dma_start3A_239, %dma_start3A_240] : memref<591x197x128xf32, #tpu.memory_space<hbm>> -> memref<1x197x128xf32, #tpu.memory_space<hbm>>
    %dma_start3A_242 = tpu.memref_squeeze %dma_start3A_241 : memref<1x197x128xf32, #tpu.memory_space<hbm>> -> memref<197x128xf32, #tpu.memory_space<hbm>>
    %dma_start3A_243 = arith.constant 0 : i32
    %dma_start3A_244 = arith.constant 0 : i32
    %dma_start3A_245 = tpu.memref_slice %arg2[%add3A_238, %dma_start3A_243, %dma_start3A_244] : memref<591x197x128xf32, #tpu.memory_space<hbm>> -> memref<1x197x128xf32, #tpu.memory_space<hbm>>
    %dma_start3A_246 = tpu.memref_squeeze %dma_start3A_245 : memref<1x197x128xf32, #tpu.memory_space<hbm>> -> memref<197x128xf32, #tpu.memory_space<hbm>>
    tpu.enqueue_dma source(%dma_start3A_246 : memref<197x128xf32, #tpu.memory_space<hbm>>) target(%arg10 : memref<197x128xf32, #tpu.memory_space<vmem>>) target_semaphore(%arg14 : memref<!tpu.dma_semaphore, #tpu.memory_space<semaphore_mem>>)
    %scan3A = arith.constant 0.00507614203 : f32
    %scan3A_247 = arith.constant 0 : i32
    %scan3A_248 = arith.constant 0 : i32
    %scan3A_249 = arith.constant 10 : i32
    %scan3A_250 = arith.addi %scan3A_248, %scan3A_249 : i32
    %scan3A_251 = arith.constant 1 : i32
    %scan3A_252 = scf.for %scan3A_258 = %scan3A_248 to %scan3A_250 step %scan3A_251 iter_args(%scan3A_259 = %scan3A_247) -> (i32)  : i32 {
      %mul3A_260 = arith.constant 64 : i32
      %mul3A_261 = arith.muli %mul3A_260, %scan3A_258 : i32
      %add3A_262 = arith.addi %add3A, %mul3A_261 : i32
      %sub3A = arith.constant 64 : i32
      %sub3A_263 = arith.subi %add3A_262, %sub3A : i32
      %ge3A = arith.constant 0 : i32
      %ge3A_264 = arith.cmpi sge, %sub3A_263, %ge3A : i32
      %lt3A_265 = arith.constant 591 : i32
      %lt3A_266 = arith.cmpi slt, %sub3A_263, %lt3A_265 : i32
      %and3A = arith.andi %ge3A_264, %lt3A_266 : i1
      %convert_element_type3A_267 = arith.extui %and3A : i1 to i32
      %cond3A_268 = arith.constant 0 : i32
      %cond3A_269 = arith.cmpi ne, %convert_element_type3A_267, %cond3A_268 : i32
      scf.if %cond3A_269 {
        %dma_wait3A = arith.constant 0 : i32
        %dma_wait3A_307 = arith.constant 0 : i32
        %dma_wait3A_308 = arith.constant 0 : i32
        %dma_wait3A_309 = tpu.memref_slice %arg2[%dma_wait3A, %dma_wait3A_307, %dma_wait3A_308] : memref<591x197x128xf32, #tpu.memory_space<hbm>> -> memref<1x197x128xf32, #tpu.memory_space<hbm>>
        %dma_wait3A_310 = tpu.memref_squeeze %dma_wait3A_309 : memref<1x197x128xf32, #tpu.memory_space<hbm>> -> memref<197x128xf32, #tpu.memory_space<hbm>>
        %dma_wait3A_311 = arith.constant 0 : i32
        %dma_wait3A_312 = arith.constant 0 : i32
        %dma_wait3A_313 = tpu.memref_slice %arg2[%dma_wait3A, %dma_wait3A_311, %dma_wait3A_312] : memref<591x197x128xf32, #tpu.memory_space<hbm>> -> memref<1x197x128xf32, #tpu.memory_space<hbm>>
        %dma_wait3A_314 = tpu.memref_squeeze %dma_wait3A_313 : memref<1x197x128xf32, #tpu.memory_space<hbm>> -> memref<197x128xf32, #tpu.memory_space<hbm>>
        tpu.wait_dma2 semaphore(%arg15 : memref<!tpu.dma_semaphore, #tpu.memory_space<semaphore_mem>>) src(%dma_wait3A_314 : memref<197x128xf32, #tpu.memory_space<hbm>>) dst(%arg11 : memref<197x128xf32, #tpu.memory_space<vmem>>)
      } else {
      }
      %lt3A_270 = arith.constant 591 : i32
      %lt3A_271 = arith.cmpi slt, %add3A_262, %lt3A_270 : i32
      %convert_element_type3A_272 = arith.extui %lt3A_271 : i1 to i32
      %cond3A_273 = arith.constant 0 : i32
      %cond3A_274 = arith.cmpi ne, %convert_element_type3A_272, %cond3A_273 : i32
      scf.if %cond3A_274 {
        %dma_wait3A = arith.constant 0 : i32
        %dma_wait3A_307 = arith.constant 0 : i32
        %dma_wait3A_308 = arith.constant 0 : i32
        %dma_wait3A_309 = tpu.memref_slice %arg2[%dma_wait3A, %dma_wait3A_307, %dma_wait3A_308] : memref<591x197x128xf32, #tpu.memory_space<hbm>> -> memref<1x197x128xf32, #tpu.memory_space<hbm>>
        %dma_wait3A_310 = tpu.memref_squeeze %dma_wait3A_309 : memref<1x197x128xf32, #tpu.memory_space<hbm>> -> memref<197x128xf32, #tpu.memory_space<hbm>>
        %dma_wait3A_311 = arith.constant 0 : i32
        %dma_wait3A_312 = arith.constant 0 : i32
        %dma_wait3A_313 = tpu.memref_slice %arg2[%dma_wait3A, %dma_wait3A_311, %dma_wait3A_312] : memref<591x197x128xf32, #tpu.memory_space<hbm>> -> memref<1x197x128xf32, #tpu.memory_space<hbm>>
        %dma_wait3A_314 = tpu.memref_squeeze %dma_wait3A_313 : memref<1x197x128xf32, #tpu.memory_space<hbm>> -> memref<197x128xf32, #tpu.memory_space<hbm>>
        tpu.wait_dma2 semaphore(%arg13 : memref<!tpu.dma_semaphore, #tpu.memory_space<semaphore_mem>>) src(%dma_wait3A_314 : memref<197x128xf32, #tpu.memory_space<hbm>>) dst(%arg9 : memref<197x128xf32, #tpu.memory_space<vmem>>)
        %broadcast_in_dim3A_315 = vector.broadcast %add3A_262 : i32 to vector<16xi32>
        %gather3A = tpu.vector_load_idx %arg6[%broadcast_in_dim3A_315] : memref<608xf32, #tpu.memory_space<vmem>>[vector<16xi32>], vector<16xf32>,
        %slice3A = vector.extract_strided_slice %gather3A {offsets = [0], sizes = [1], strides = [1]} : vector<16xf32> to vector<1xf32>
        %squeeze3A = vector.extract %slice3A[0] : f32 from vector<1xf32>
        %gt3A = arith.constant 5.000000e-01 : f32
        %gt3A_316 = arith.cmpf ogt, %squeeze3A, %gt3A : f32
        %convert_element_type3A_317 = arith.extui %gt3A_316 : i1 to i32
        %cond3A_318 = arith.constant 0 : i32
        %cond3A_319 = arith.cmpi ne, %convert_element_type3A_317, %cond3A_318 : i32
        scf.if %cond3A_319 {
          %broadcast_in_dim3A_328 = arith.constant 0.000000e+00 : f32
          %broadcast_in_dim3A_329 = vector.broadcast %broadcast_in_dim3A_328 : f32 to vector<16xf32>
          %parallel_loop3A = arith.constant 0 : i32
          %parallel_loop3A_330 = arith.constant 197 : i32
          %parallel_loop3A_331 = arith.constant 1 : i32
          %parallel_loop3A_332 = scf.for %parallel_loop3A_406 = %parallel_loop3A to %parallel_loop3A_330 step %parallel_loop3A_331 iter_args(%parallel_loop3A_407 = %broadcast_in_dim3A_329) -> (vector<16xf32>)  : i32 {
            %parallel_loop3A_408 = arith.index_cast %parallel_loop3A_406 : i32 to index
            %parallel_loop3A_409 = arith.constant 0 : index
            %parallel_loop3A_410 = tpu.vector_load %arg9[%parallel_loop3A_408, %parallel_loop3A_409] {strides = array<i32>} : memref<197x128xf32, #tpu.memory_space<vmem>>, vector<16xf32>,
            %parallel_loop3A_411 = math.exp %parallel_loop3A_410 : vector<16xf32>
            %parallel_loop3A_412 = arith.index_cast %parallel_loop3A_406 : i32 to index
            %parallel_loop3A_413 = arith.constant 0 : index
            %parallel_loop3A_414 = tpu.vector_load %arg11[%parallel_loop3A_412, %parallel_loop3A_413] {strides = array<i32>} : memref<197x128xf32, #tpu.memory_space<vmem>>, vector<16xf32>,
            tpu.vector_store %arg11[%parallel_loop3A_412, %parallel_loop3A_413], %parallel_loop3A_411 {strides = array<i32>} : memref<197x128xf32, #tpu.memory_space<vmem>>, vector<16xf32>,
            %parallel_loop3A_415 = arith.addf %parallel_loop3A_407, %parallel_loop3A_411 : vector<16xf32>
            scf.yield %parallel_loop3A_415 : vector<16xf32>
          } {sc.loop_unroll_factor = 8 : i64, sc.parallel_access}
          %div3A = arith.divf %broadcast_in_dim3A_78, %parallel_loop3A_332 : vector<16xf32>
          %parallel_loop3A_333 = arith.constant 0 : i32
          %parallel_loop3A_334 = arith.constant 197 : i32
          %parallel_loop3A_335 = arith.constant 1 : i32
          scf.for %parallel_loop3A_406 = %parallel_loop3A_333 to %parallel_loop3A_334 step %parallel_loop3A_335  : i32 {
            %parallel_loop3A_407 = arith.index_cast %parallel_loop3A_406 : i32 to index
            %parallel_loop3A_408 = arith.constant 0 : index
            %parallel_loop3A_409 = tpu.vector_load %arg11[%parallel_loop3A_407, %parallel_loop3A_408] {strides = array<i32>} : memref<197x128xf32, #tpu.memory_space<vmem>>, vector<16xf32>,
            %parallel_loop3A_410 = arith.mulf %parallel_loop3A_409, %div3A : vector<16xf32>
            %parallel_loop3A_411 = arith.index_cast %parallel_loop3A_406 : i32 to index
            %parallel_loop3A_412 = arith.constant 0 : index
            %parallel_loop3A_413 = tpu.vector_load %arg11[%parallel_loop3A_411, %parallel_loop3A_412] {strides = array<i32>} : memref<197x128xf32, #tpu.memory_space<vmem>>, vector<16xf32>,
            tpu.vector_store %arg11[%parallel_loop3A_411, %parallel_loop3A_412], %parallel_loop3A_410 {strides = array<i32>} : memref<197x128xf32, #tpu.memory_space<vmem>>, vector<16xf32>,
          } {sc.loop_unroll_factor = 8 : i64, sc.parallel_access}
          %broadcast_in_dim3A_336 = arith.constant 0.000000e+00 : f32
          %broadcast_in_dim3A_337 = vector.broadcast %broadcast_in_dim3A_336 : f32 to vector<16xf32>
          %parallel_loop3A_338 = arith.constant 0 : i32
          %parallel_loop3A_339 = arith.constant 197 : i32
          %parallel_loop3A_340 = arith.constant 1 : i32
          %parallel_loop3A_341 = scf.for %parallel_loop3A_406 = %parallel_loop3A_338 to %parallel_loop3A_339 step %parallel_loop3A_340 iter_args(%parallel_loop3A_407 = %broadcast_in_dim3A_337) -> (vector<16xf32>)  : i32 {
            %parallel_loop3A_408 = arith.index_cast %parallel_loop3A_406 : i32 to index
            %parallel_loop3A_409 = arith.constant 16 : index
            %parallel_loop3A_410 = tpu.vector_load %arg9[%parallel_loop3A_408, %parallel_loop3A_409] {strides = array<i32>} : memref<197x128xf32, #tpu.memory_space<vmem>>, vector<16xf32>,
            %parallel_loop3A_411 = math.exp %parallel_loop3A_410 : vector<16xf32>
            %parallel_loop3A_412 = arith.index_cast %parallel_loop3A_406 : i32 to index
            %parallel_loop3A_413 = arith.constant 16 : index
            %parallel_loop3A_414 = tpu.vector_load %arg11[%parallel_loop3A_412, %parallel_loop3A_413] {strides = array<i32>} : memref<197x128xf32, #tpu.memory_space<vmem>>, vector<16xf32>,
            tpu.vector_store %arg11[%parallel_loop3A_412, %parallel_loop3A_413], %parallel_loop3A_411 {strides = array<i32>} : memref<197x128xf32, #tpu.memory_space<vmem>>, vector<16xf32>,
            %parallel_loop3A_415 = arith.addf %parallel_loop3A_407, %parallel_loop3A_411 : vector<16xf32>
            scf.yield %parallel_loop3A_415 : vector<16xf32>
          } {sc.loop_unroll_factor = 8 : i64, sc.parallel_access}
          %div3A_342 = arith.divf %broadcast_in_dim3A_78, %parallel_loop3A_341 : vector<16xf32>
          %parallel_loop3A_343 = arith.constant 0 : i32
          %parallel_loop3A_344 = arith.constant 197 : i32
          %parallel_loop3A_345 = arith.constant 1 : i32
          scf.for %parallel_loop3A_406 = %parallel_loop3A_343 to %parallel_loop3A_344 step %parallel_loop3A_345  : i32 {
            %parallel_loop3A_407 = arith.index_cast %parallel_loop3A_406 : i32 to index
            %parallel_loop3A_408 = arith.constant 16 : index
            %parallel_loop3A_409 = tpu.vector_load %arg11[%parallel_loop3A_407, %parallel_loop3A_408] {strides = array<i32>} : memref<197x128xf32, #tpu.memory_space<vmem>>, vector<16xf32>,
            %parallel_loop3A_410 = arith.mulf %parallel_loop3A_409, %div3A_342 : vector<16xf32>
            %parallel_loop3A_411 = arith.index_cast %parallel_loop3A_406 : i32 to index
            %parallel_loop3A_412 = arith.constant 16 : index
            %parallel_loop3A_413 = tpu.vector_load %arg11[%parallel_loop3A_411, %parallel_loop3A_412] {strides = array<i32>} : memref<197x128xf32, #tpu.memory_space<vmem>>, vector<16xf32>,
            tpu.vector_store %arg11[%parallel_loop3A_411, %parallel_loop3A_412], %parallel_loop3A_410 {strides = array<i32>} : memref<197x128xf32, #tpu.memory_space<vmem>>, vector<16xf32>,
          } {sc.loop_unroll_factor = 8 : i64, sc.parallel_access}
          %broadcast_in_dim3A_346 = arith.constant 0.000000e+00 : f32
          %broadcast_in_dim3A_347 = vector.broadcast %broadcast_in_dim3A_346 : f32 to vector<16xf32>
          %parallel_loop3A_348 = arith.constant 0 : i32
          %parallel_loop3A_349 = arith.constant 197 : i32
          %parallel_loop3A_350 = arith.constant 1 : i32
          %parallel_loop3A_351 = scf.for %parallel_loop3A_406 = %parallel_loop3A_348 to %parallel_loop3A_349 step %parallel_loop3A_350 iter_args(%parallel_loop3A_407 = %broadcast_in_dim3A_347) -> (vector<16xf32>)  : i32 {
            %parallel_loop3A_408 = arith.index_cast %parallel_loop3A_406 : i32 to index
            %parallel_loop3A_409 = arith.constant 32 : index
            %parallel_loop3A_410 = tpu.vector_load %arg9[%parallel_loop3A_408, %parallel_loop3A_409] {strides = array<i32>} : memref<197x128xf32, #tpu.memory_space<vmem>>, vector<16xf32>,
            %parallel_loop3A_411 = math.exp %parallel_loop3A_410 : vector<16xf32>
            %parallel_loop3A_412 = arith.index_cast %parallel_loop3A_406 : i32 to index
            %parallel_loop3A_413 = arith.constant 32 : index
            %parallel_loop3A_414 = tpu.vector_load %arg11[%parallel_loop3A_412, %parallel_loop3A_413] {strides = array<i32>} : memref<197x128xf32, #tpu.memory_space<vmem>>, vector<16xf32>,
            tpu.vector_store %arg11[%parallel_loop3A_412, %parallel_loop3A_413], %parallel_loop3A_411 {strides = array<i32>} : memref<197x128xf32, #tpu.memory_space<vmem>>, vector<16xf32>,
            %parallel_loop3A_415 = arith.addf %parallel_loop3A_407, %parallel_loop3A_411 : vector<16xf32>
            scf.yield %parallel_loop3A_415 : vector<16xf32>
          } {sc.loop_unroll_factor = 8 : i64, sc.parallel_access}
          %div3A_352 = arith.divf %broadcast_in_dim3A_78, %parallel_loop3A_351 : vector<16xf32>
          %parallel_loop3A_353 = arith.constant 0 : i32
          %parallel_loop3A_354 = arith.constant 197 : i32
          %parallel_loop3A_355 = arith.constant 1 : i32
          scf.for %parallel_loop3A_406 = %parallel_loop3A_353 to %parallel_loop3A_354 step %parallel_loop3A_355  : i32 {
            %parallel_loop3A_407 = arith.index_cast %parallel_loop3A_406 : i32 to index
            %parallel_loop3A_408 = arith.constant 32 : index
            %parallel_loop3A_409 = tpu.vector_load %arg11[%parallel_loop3A_407, %parallel_loop3A_408] {strides = array<i32>} : memref<197x128xf32, #tpu.memory_space<vmem>>, vector<16xf32>,
            %parallel_loop3A_410 = arith.mulf %parallel_loop3A_409, %div3A_352 : vector<16xf32>
            %parallel_loop3A_411 = arith.index_cast %parallel_loop3A_406 : i32 to index
            %parallel_loop3A_412 = arith.constant 32 : index
            %parallel_loop3A_413 = tpu.vector_load %arg11[%parallel_loop3A_411, %parallel_loop3A_412] {strides = array<i32>} : memref<197x128xf32, #tpu.memory_space<vmem>>, vector<16xf32>,
            tpu.vector_store %arg11[%parallel_loop3A_411, %parallel_loop3A_412], %parallel_loop3A_410 {strides = array<i32>} : memref<197x128xf32, #tpu.memory_space<vmem>>, vector<16xf32>,
          } {sc.loop_unroll_factor = 8 : i64, sc.parallel_access}
          %broadcast_in_dim3A_356 = arith.constant 0.000000e+00 : f32
          %broadcast_in_dim3A_357 = vector.broadcast %broadcast_in_dim3A_356 : f32 to vector<16xf32>
          %parallel_loop3A_358 = arith.constant 0 : i32
          %parallel_loop3A_359 = arith.constant 197 : i32
          %parallel_loop3A_360 = arith.constant 1 : i32
          %parallel_loop3A_361 = scf.for %parallel_loop3A_406 = %parallel_loop3A_358 to %parallel_loop3A_359 step %parallel_loop3A_360 iter_args(%parallel_loop3A_407 = %broadcast_in_dim3A_357) -> (vector<16xf32>)  : i32 {
            %parallel_loop3A_408 = arith.index_cast %parallel_loop3A_406 : i32 to index
            %parallel_loop3A_409 = arith.constant 48 : index
            %parallel_loop3A_410 = tpu.vector_load %arg9[%parallel_loop3A_408, %parallel_loop3A_409] {strides = array<i32>} : memref<197x128xf32, #tpu.memory_space<vmem>>, vector<16xf32>,
            %parallel_loop3A_411 = math.exp %parallel_loop3A_410 : vector<16xf32>
            %parallel_loop3A_412 = arith.index_cast %parallel_loop3A_406 : i32 to index
            %parallel_loop3A_413 = arith.constant 48 : index
            %parallel_loop3A_414 = tpu.vector_load %arg11[%parallel_loop3A_412, %parallel_loop3A_413] {strides = array<i32>} : memref<197x128xf32, #tpu.memory_space<vmem>>, vector<16xf32>,
            tpu.vector_store %arg11[%parallel_loop3A_412, %parallel_loop3A_413], %parallel_loop3A_411 {strides = array<i32>} : memref<197x128xf32, #tpu.memory_space<vmem>>, vector<16xf32>,
            %parallel_loop3A_415 = arith.addf %parallel_loop3A_407, %parallel_loop3A_411 : vector<16xf32>
            scf.yield %parallel_loop3A_415 : vector<16xf32>
          } {sc.loop_unroll_factor = 8 : i64, sc.parallel_access}
          %div3A_362 = arith.divf %broadcast_in_dim3A_78, %parallel_loop3A_361 : vector<16xf32>
          %parallel_loop3A_363 = arith.constant 0 : i32
          %parallel_loop3A_364 = arith.constant 197 : i32
          %parallel_loop3A_365 = arith.constant 1 : i32
          scf.for %parallel_loop3A_406 = %parallel_loop3A_363 to %parallel_loop3A_364 step %parallel_loop3A_365  : i32 {
            %parallel_loop3A_407 = arith.index_cast %parallel_loop3A_406 : i32 to index
            %parallel_loop3A_408 = arith.constant 48 : index
            %parallel_loop3A_409 = tpu.vector_load %arg11[%parallel_loop3A_407, %parallel_loop3A_408] {strides = array<i32>} : memref<197x128xf32, #tpu.memory_space<vmem>>, vector<16xf32>,
            %parallel_loop3A_410 = arith.mulf %parallel_loop3A_409, %div3A_362 : vector<16xf32>
            %parallel_loop3A_411 = arith.index_cast %parallel_loop3A_406 : i32 to index
            %parallel_loop3A_412 = arith.constant 48 : index
            %parallel_loop3A_413 = tpu.vector_load %arg11[%parallel_loop3A_411, %parallel_loop3A_412] {strides = array<i32>} : memref<197x128xf32, #tpu.memory_space<vmem>>, vector<16xf32>,
            tpu.vector_store %arg11[%parallel_loop3A_411, %parallel_loop3A_412], %parallel_loop3A_410 {strides = array<i32>} : memref<197x128xf32, #tpu.memory_space<vmem>>, vector<16xf32>,
          } {sc.loop_unroll_factor = 8 : i64, sc.parallel_access}
          %broadcast_in_dim3A_366 = arith.constant 0.000000e+00 : f32
          %broadcast_in_dim3A_367 = vector.broadcast %broadcast_in_dim3A_366 : f32 to vector<16xf32>
          %parallel_loop3A_368 = arith.constant 0 : i32
          %parallel_loop3A_369 = arith.constant 197 : i32
          %parallel_loop3A_370 = arith.constant 1 : i32
          %parallel_loop3A_371 = scf.for %parallel_loop3A_406 = %parallel_loop3A_368 to %parallel_loop3A_369 step %parallel_loop3A_370 iter_args(%parallel_loop3A_407 = %broadcast_in_dim3A_367) -> (vector<16xf32>)  : i32 {
            %parallel_loop3A_408 = arith.index_cast %parallel_loop3A_406 : i32 to index
            %parallel_loop3A_409 = arith.constant 64 : index
            %parallel_loop3A_410 = tpu.vector_load %arg9[%parallel_loop3A_408, %parallel_loop3A_409] {strides = array<i32>} : memref<197x128xf32, #tpu.memory_space<vmem>>, vector<16xf32>,
            %parallel_loop3A_411 = math.exp %parallel_loop3A_410 : vector<16xf32>
            %parallel_loop3A_412 = arith.index_cast %parallel_loop3A_406 : i32 to index
            %parallel_loop3A_413 = arith.constant 64 : index
            %parallel_loop3A_414 = tpu.vector_load %arg11[%parallel_loop3A_412, %parallel_loop3A_413] {strides = array<i32>} : memref<197x128xf32, #tpu.memory_space<vmem>>, vector<16xf32>,
            tpu.vector_store %arg11[%parallel_loop3A_412, %parallel_loop3A_413], %parallel_loop3A_411 {strides = array<i32>} : memref<197x128xf32, #tpu.memory_space<vmem>>, vector<16xf32>,
            %parallel_loop3A_415 = arith.addf %parallel_loop3A_407, %parallel_loop3A_411 : vector<16xf32>
            scf.yield %parallel_loop3A_415 : vector<16xf32>
          } {sc.loop_unroll_factor = 8 : i64, sc.parallel_access}
          %div3A_372 = arith.divf %broadcast_in_dim3A_78, %parallel_loop3A_371 : vector<16xf32>
          %parallel_loop3A_373 = arith.constant 0 : i32
          %parallel_loop3A_374 = arith.constant 197 : i32
          %parallel_loop3A_375 = arith.constant 1 : i32
          scf.for %parallel_loop3A_406 = %parallel_loop3A_373 to %parallel_loop3A_374 step %parallel_loop3A_375  : i32 {
            %parallel_loop3A_407 = arith.index_cast %parallel_loop3A_406 : i32 to index
            %parallel_loop3A_408 = arith.constant 64 : index
            %parallel_loop3A_409 = tpu.vector_load %arg11[%parallel_loop3A_407, %parallel_loop3A_408] {strides = array<i32>} : memref<197x128xf32, #tpu.memory_space<vmem>>, vector<16xf32>,
            %parallel_loop3A_410 = arith.mulf %parallel_loop3A_409, %div3A_372 : vector<16xf32>
            %parallel_loop3A_411 = arith.index_cast %parallel_loop3A_406 : i32 to index
            %parallel_loop3A_412 = arith.constant 64 : index
            %parallel_loop3A_413 = tpu.vector_load %arg11[%parallel_loop3A_411, %parallel_loop3A_412] {strides = array<i32>} : memref<197x128xf32, #tpu.memory_space<vmem>>, vector<16xf32>,
            tpu.vector_store %arg11[%parallel_loop3A_411, %parallel_loop3A_412], %parallel_loop3A_410 {strides = array<i32>} : memref<197x128xf32, #tpu.memory_space<vmem>>, vector<16xf32>,
          } {sc.loop_unroll_factor = 8 : i64, sc.parallel_access}
          %broadcast_in_dim3A_376 = arith.constant 0.000000e+00 : f32
          %broadcast_in_dim3A_377 = vector.broadcast %broadcast_in_dim3A_376 : f32 to vector<16xf32>
          %parallel_loop3A_378 = arith.constant 0 : i32
          %parallel_loop3A_379 = arith.constant 197 : i32
          %parallel_loop3A_380 = arith.constant 1 : i32
          %parallel_loop3A_381 = scf.for %parallel_loop3A_406 = %parallel_loop3A_378 to %parallel_loop3A_379 step %parallel_loop3A_380 iter_args(%parallel_loop3A_407 = %broadcast_in_dim3A_377) -> (vector<16xf32>)  : i32 {
            %parallel_loop3A_408 = arith.index_cast %parallel_loop3A_406 : i32 to index
            %parallel_loop3A_409 = arith.constant 80 : index
            %parallel_loop3A_410 = tpu.vector_load %arg9[%parallel_loop3A_408, %parallel_loop3A_409] {strides = array<i32>} : memref<197x128xf32, #tpu.memory_space<vmem>>, vector<16xf32>,
            %parallel_loop3A_411 = math.exp %parallel_loop3A_410 : vector<16xf32>
            %parallel_loop3A_412 = arith.index_cast %parallel_loop3A_406 : i32 to index
            %parallel_loop3A_413 = arith.constant 80 : index
            %parallel_loop3A_414 = tpu.vector_load %arg11[%parallel_loop3A_412, %parallel_loop3A_413] {strides = array<i32>} : memref<197x128xf32, #tpu.memory_space<vmem>>, vector<16xf32>,
            tpu.vector_store %arg11[%parallel_loop3A_412, %parallel_loop3A_413], %parallel_loop3A_411 {strides = array<i32>} : memref<197x128xf32, #tpu.memory_space<vmem>>, vector<16xf32>,
            %parallel_loop3A_415 = arith.addf %parallel_loop3A_407, %parallel_loop3A_411 : vector<16xf32>
            scf.yield %parallel_loop3A_415 : vector<16xf32>
          } {sc.loop_unroll_factor = 8 : i64, sc.parallel_access}
          %div3A_382 = arith.divf %broadcast_in_dim3A_78, %parallel_loop3A_381 : vector<16xf32>
          %parallel_loop3A_383 = arith.constant 0 : i32
          %parallel_loop3A_384 = arith.constant 197 : i32
          %parallel_loop3A_385 = arith.constant 1 : i32
          scf.for %parallel_loop3A_406 = %parallel_loop3A_383 to %parallel_loop3A_384 step %parallel_loop3A_385  : i32 {
            %parallel_loop3A_407 = arith.index_cast %parallel_loop3A_406 : i32 to index
            %parallel_loop3A_408 = arith.constant 80 : index
            %parallel_loop3A_409 = tpu.vector_load %arg11[%parallel_loop3A_407, %parallel_loop3A_408] {strides = array<i32>} : memref<197x128xf32, #tpu.memory_space<vmem>>, vector<16xf32>,
            %parallel_loop3A_410 = arith.mulf %parallel_loop3A_409, %div3A_382 : vector<16xf32>
            %parallel_loop3A_411 = arith.index_cast %parallel_loop3A_406 : i32 to index
            %parallel_loop3A_412 = arith.constant 80 : index
            %parallel_loop3A_413 = tpu.vector_load %arg11[%parallel_loop3A_411, %parallel_loop3A_412] {strides = array<i32>} : memref<197x128xf32, #tpu.memory_space<vmem>>, vector<16xf32>,
            tpu.vector_store %arg11[%parallel_loop3A_411, %parallel_loop3A_412], %parallel_loop3A_410 {strides = array<i32>} : memref<197x128xf32, #tpu.memory_space<vmem>>, vector<16xf32>,
          } {sc.loop_unroll_factor = 8 : i64, sc.parallel_access}
          %broadcast_in_dim3A_386 = arith.constant 0.000000e+00 : f32
          %broadcast_in_dim3A_387 = vector.broadcast %broadcast_in_dim3A_386 : f32 to vector<16xf32>
          %parallel_loop3A_388 = arith.constant 0 : i32
          %parallel_loop3A_389 = arith.constant 197 : i32
          %parallel_loop3A_390 = arith.constant 1 : i32
          %parallel_loop3A_391 = scf.for %parallel_loop3A_406 = %parallel_loop3A_388 to %parallel_loop3A_389 step %parallel_loop3A_390 iter_args(%parallel_loop3A_407 = %broadcast_in_dim3A_387) -> (vector<16xf32>)  : i32 {
            %parallel_loop3A_408 = arith.index_cast %parallel_loop3A_406 : i32 to index
            %parallel_loop3A_409 = arith.constant 96 : index
            %parallel_loop3A_410 = tpu.vector_load %arg9[%parallel_loop3A_408, %parallel_loop3A_409] {strides = array<i32>} : memref<197x128xf32, #tpu.memory_space<vmem>>, vector<16xf32>,
            %parallel_loop3A_411 = math.exp %parallel_loop3A_410 : vector<16xf32>
            %parallel_loop3A_412 = arith.index_cast %parallel_loop3A_406 : i32 to index
            %parallel_loop3A_413 = arith.constant 96 : index
            %parallel_loop3A_414 = tpu.vector_load %arg11[%parallel_loop3A_412, %parallel_loop3A_413] {strides = array<i32>} : memref<197x128xf32, #tpu.memory_space<vmem>>, vector<16xf32>,
            tpu.vector_store %arg11[%parallel_loop3A_412, %parallel_loop3A_413], %parallel_loop3A_411 {strides = array<i32>} : memref<197x128xf32, #tpu.memory_space<vmem>>, vector<16xf32>,
            %parallel_loop3A_415 = arith.addf %parallel_loop3A_407, %parallel_loop3A_411 : vector<16xf32>
            scf.yield %parallel_loop3A_415 : vector<16xf32>
          } {sc.loop_unroll_factor = 8 : i64, sc.parallel_access}
          %div3A_392 = arith.divf %broadcast_in_dim3A_78, %parallel_loop3A_391 : vector<16xf32>
          %parallel_loop3A_393 = arith.constant 0 : i32
          %parallel_loop3A_394 = arith.constant 197 : i32
          %parallel_loop3A_395 = arith.constant 1 : i32
          scf.for %parallel_loop3A_406 = %parallel_loop3A_393 to %parallel_loop3A_394 step %parallel_loop3A_395  : i32 {
            %parallel_loop3A_407 = arith.index_cast %parallel_loop3A_406 : i32 to index
            %parallel_loop3A_408 = arith.constant 96 : index
            %parallel_loop3A_409 = tpu.vector_load %arg11[%parallel_loop3A_407, %parallel_loop3A_408] {strides = array<i32>} : memref<197x128xf32, #tpu.memory_space<vmem>>, vector<16xf32>,
            %parallel_loop3A_410 = arith.mulf %parallel_loop3A_409, %div3A_392 : vector<16xf32>
            %parallel_loop3A_411 = arith.index_cast %parallel_loop3A_406 : i32 to index
            %parallel_loop3A_412 = arith.constant 96 : index
            %parallel_loop3A_413 = tpu.vector_load %arg11[%parallel_loop3A_411, %parallel_loop3A_412] {strides = array<i32>} : memref<197x128xf32, #tpu.memory_space<vmem>>, vector<16xf32>,
            tpu.vector_store %arg11[%parallel_loop3A_411, %parallel_loop3A_412], %parallel_loop3A_410 {strides = array<i32>} : memref<197x128xf32, #tpu.memory_space<vmem>>, vector<16xf32>,
          } {sc.loop_unroll_factor = 8 : i64, sc.parallel_access}
          %broadcast_in_dim3A_396 = arith.constant 0.000000e+00 : f32
          %broadcast_in_dim3A_397 = vector.broadcast %broadcast_in_dim3A_396 : f32 to vector<16xf32>
          %parallel_loop3A_398 = arith.constant 0 : i32
          %parallel_loop3A_399 = arith.constant 197 : i32
          %parallel_loop3A_400 = arith.constant 1 : i32
          %parallel_loop3A_401 = scf.for %parallel_loop3A_406 = %parallel_loop3A_398 to %parallel_loop3A_399 step %parallel_loop3A_400 iter_args(%parallel_loop3A_407 = %broadcast_in_dim3A_397) -> (vector<16xf32>)  : i32 {
            %parallel_loop3A_408 = arith.index_cast %parallel_loop3A_406 : i32 to index
            %parallel_loop3A_409 = arith.constant 112 : index
            %parallel_loop3A_410 = tpu.vector_load %arg9[%parallel_loop3A_408, %parallel_loop3A_409] {strides = array<i32>} : memref<197x128xf32, #tpu.memory_space<vmem>>, vector<16xf32>,
            %parallel_loop3A_411 = math.exp %parallel_loop3A_410 : vector<16xf32>
            %parallel_loop3A_412 = arith.index_cast %parallel_loop3A_406 : i32 to index
            %parallel_loop3A_413 = arith.constant 112 : index
            %parallel_loop3A_414 = tpu.vector_load %arg11[%parallel_loop3A_412, %parallel_loop3A_413] {strides = array<i32>} : memref<197x128xf32, #tpu.memory_space<vmem>>, vector<16xf32>,
            tpu.vector_store %arg11[%parallel_loop3A_412, %parallel_loop3A_413], %parallel_loop3A_411 {strides = array<i32>} : memref<197x128xf32, #tpu.memory_space<vmem>>, vector<16xf32>,
            %parallel_loop3A_415 = arith.addf %parallel_loop3A_407, %parallel_loop3A_411 : vector<16xf32>
            scf.yield %parallel_loop3A_415 : vector<16xf32>
          } {sc.loop_unroll_factor = 8 : i64, sc.parallel_access}
          %div3A_402 = arith.divf %broadcast_in_dim3A_78, %parallel_loop3A_401 : vector<16xf32>
          %parallel_loop3A_403 = arith.constant 0 : i32
          %parallel_loop3A_404 = arith.constant 197 : i32
          %parallel_loop3A_405 = arith.constant 1 : i32
          scf.for %parallel_loop3A_406 = %parallel_loop3A_403 to %parallel_loop3A_404 step %parallel_loop3A_405  : i32 {
            %parallel_loop3A_407 = arith.index_cast %parallel_loop3A_406 : i32 to index
            %parallel_loop3A_408 = arith.constant 112 : index
            %parallel_loop3A_409 = tpu.vector_load %arg11[%parallel_loop3A_407, %parallel_loop3A_408] {strides = array<i32>} : memref<197x128xf32, #tpu.memory_space<vmem>>, vector<16xf32>,
            %parallel_loop3A_410 = arith.mulf %parallel_loop3A_409, %div3A_402 : vector<16xf32>
            %parallel_loop3A_411 = arith.index_cast %parallel_loop3A_406 : i32 to index
            %parallel_loop3A_412 = arith.constant 112 : index
            %parallel_loop3A_413 = tpu.vector_load %arg11[%parallel_loop3A_411, %parallel_loop3A_412] {strides = array<i32>} : memref<197x128xf32, #tpu.memory_space<vmem>>, vector<16xf32>,
            tpu.vector_store %arg11[%parallel_loop3A_411, %parallel_loop3A_412], %parallel_loop3A_410 {strides = array<i32>} : memref<197x128xf32, #tpu.memory_space<vmem>>, vector<16xf32>,
          } {sc.loop_unroll_factor = 8 : i64, sc.parallel_access}
        } else {
          %parallel_loop3A = arith.constant 0 : i32
          %parallel_loop3A_328 = arith.constant 197 : i32
          %parallel_loop3A_329 = arith.constant 1 : i32
          scf.for %parallel_loop3A_351 = %parallel_loop3A to %parallel_loop3A_328 step %parallel_loop3A_329  : i32 {
            %parallel_loop3A_352 = arith.index_cast %parallel_loop3A_351 : i32 to index
            %parallel_loop3A_353 = arith.constant 0 : index
            %parallel_loop3A_354 = tpu.vector_load %arg9[%parallel_loop3A_352, %parallel_loop3A_353] {strides = array<i32>} : memref<197x128xf32, #tpu.memory_space<vmem>>, vector<16xf32>,
            %parallel_loop3A_355 = vector.broadcast %scan3A : f32 to vector<16xf32>
            %parallel_loop3A_356 = arith.mulf %parallel_loop3A_354, %parallel_loop3A_355 : vector<16xf32>
            %parallel_loop3A_357 = arith.mulf %parallel_loop3A_356, %parallel_loop3A_354 : vector<16xf32>
            %parallel_loop3A_358 = arith.index_cast %parallel_loop3A_351 : i32 to index
            %parallel_loop3A_359 = arith.constant 0 : index
            %parallel_loop3A_360 = tpu.vector_load %arg11[%parallel_loop3A_358, %parallel_loop3A_359] {strides = array<i32>} : memref<197x128xf32, #tpu.memory_space<vmem>>, vector<16xf32>,
            tpu.vector_store %arg11[%parallel_loop3A_358, %parallel_loop3A_359], %parallel_loop3A_357 {strides = array<i32>} : memref<197x128xf32, #tpu.memory_space<vmem>>, vector<16xf32>,
          } {sc.loop_unroll_factor = 8 : i64, sc.parallel_access}
          %parallel_loop3A_330 = arith.constant 0 : i32
          %parallel_loop3A_331 = arith.constant 197 : i32
          %parallel_loop3A_332 = arith.constant 1 : i32
          scf.for %parallel_loop3A_351 = %parallel_loop3A_330 to %parallel_loop3A_331 step %parallel_loop3A_332  : i32 {
            %parallel_loop3A_352 = arith.index_cast %parallel_loop3A_351 : i32 to index
            %parallel_loop3A_353 = arith.constant 16 : index
            %parallel_loop3A_354 = tpu.vector_load %arg9[%parallel_loop3A_352, %parallel_loop3A_353] {strides = array<i32>} : memref<197x128xf32, #tpu.memory_space<vmem>>, vector<16xf32>,
            %parallel_loop3A_355 = vector.broadcast %scan3A : f32 to vector<16xf32>
            %parallel_loop3A_356 = arith.mulf %parallel_loop3A_354, %parallel_loop3A_355 : vector<16xf32>
            %parallel_loop3A_357 = arith.mulf %parallel_loop3A_356, %parallel_loop3A_354 : vector<16xf32>
            %parallel_loop3A_358 = arith.index_cast %parallel_loop3A_351 : i32 to index
            %parallel_loop3A_359 = arith.constant 16 : index
            %parallel_loop3A_360 = tpu.vector_load %arg11[%parallel_loop3A_358, %parallel_loop3A_359] {strides = array<i32>} : memref<197x128xf32, #tpu.memory_space<vmem>>, vector<16xf32>,
            tpu.vector_store %arg11[%parallel_loop3A_358, %parallel_loop3A_359], %parallel_loop3A_357 {strides = array<i32>} : memref<197x128xf32, #tpu.memory_space<vmem>>, vector<16xf32>,
          } {sc.loop_unroll_factor = 8 : i64, sc.parallel_access}
          %parallel_loop3A_333 = arith.constant 0 : i32
          %parallel_loop3A_334 = arith.constant 197 : i32
          %parallel_loop3A_335 = arith.constant 1 : i32
          scf.for %parallel_loop3A_351 = %parallel_loop3A_333 to %parallel_loop3A_334 step %parallel_loop3A_335  : i32 {
            %parallel_loop3A_352 = arith.index_cast %parallel_loop3A_351 : i32 to index
            %parallel_loop3A_353 = arith.constant 32 : index
            %parallel_loop3A_354 = tpu.vector_load %arg9[%parallel_loop3A_352, %parallel_loop3A_353] {strides = array<i32>} : memref<197x128xf32, #tpu.memory_space<vmem>>, vector<16xf32>,
            %parallel_loop3A_355 = vector.broadcast %scan3A : f32 to vector<16xf32>
            %parallel_loop3A_356 = arith.mulf %parallel_loop3A_354, %parallel_loop3A_355 : vector<16xf32>
            %parallel_loop3A_357 = arith.mulf %parallel_loop3A_356, %parallel_loop3A_354 : vector<16xf32>
            %parallel_loop3A_358 = arith.index_cast %parallel_loop3A_351 : i32 to index
            %parallel_loop3A_359 = arith.constant 32 : index
            %parallel_loop3A_360 = tpu.vector_load %arg11[%parallel_loop3A_358, %parallel_loop3A_359] {strides = array<i32>} : memref<197x128xf32, #tpu.memory_space<vmem>>, vector<16xf32>,
            tpu.vector_store %arg11[%parallel_loop3A_358, %parallel_loop3A_359], %parallel_loop3A_357 {strides = array<i32>} : memref<197x128xf32, #tpu.memory_space<vmem>>, vector<16xf32>,
          } {sc.loop_unroll_factor = 8 : i64, sc.parallel_access}
          %parallel_loop3A_336 = arith.constant 0 : i32
          %parallel_loop3A_337 = arith.constant 197 : i32
          %parallel_loop3A_338 = arith.constant 1 : i32
          scf.for %parallel_loop3A_351 = %parallel_loop3A_336 to %parallel_loop3A_337 step %parallel_loop3A_338  : i32 {
            %parallel_loop3A_352 = arith.index_cast %parallel_loop3A_351 : i32 to index
            %parallel_loop3A_353 = arith.constant 48 : index
            %parallel_loop3A_354 = tpu.vector_load %arg9[%parallel_loop3A_352, %parallel_loop3A_353] {strides = array<i32>} : memref<197x128xf32, #tpu.memory_space<vmem>>, vector<16xf32>,
            %parallel_loop3A_355 = vector.broadcast %scan3A : f32 to vector<16xf32>
            %parallel_loop3A_356 = arith.mulf %parallel_loop3A_354, %parallel_loop3A_355 : vector<16xf32>
            %parallel_loop3A_357 = arith.mulf %parallel_loop3A_356, %parallel_loop3A_354 : vector<16xf32>
            %parallel_loop3A_358 = arith.index_cast %parallel_loop3A_351 : i32 to index
            %parallel_loop3A_359 = arith.constant 48 : index
            %parallel_loop3A_360 = tpu.vector_load %arg11[%parallel_loop3A_358, %parallel_loop3A_359] {strides = array<i32>} : memref<197x128xf32, #tpu.memory_space<vmem>>, vector<16xf32>,
            tpu.vector_store %arg11[%parallel_loop3A_358, %parallel_loop3A_359], %parallel_loop3A_357 {strides = array<i32>} : memref<197x128xf32, #tpu.memory_space<vmem>>, vector<16xf32>,
          } {sc.loop_unroll_factor = 8 : i64, sc.parallel_access}
          %parallel_loop3A_339 = arith.constant 0 : i32
          %parallel_loop3A_340 = arith.constant 197 : i32
          %parallel_loop3A_341 = arith.constant 1 : i32
          scf.for %parallel_loop3A_351 = %parallel_loop3A_339 to %parallel_loop3A_340 step %parallel_loop3A_341  : i32 {
            %parallel_loop3A_352 = arith.index_cast %parallel_loop3A_351 : i32 to index
            %parallel_loop3A_353 = arith.constant 64 : index
            %parallel_loop3A_354 = tpu.vector_load %arg9[%parallel_loop3A_352, %parallel_loop3A_353] {strides = array<i32>} : memref<197x128xf32, #tpu.memory_space<vmem>>, vector<16xf32>,
            %parallel_loop3A_355 = vector.broadcast %scan3A : f32 to vector<16xf32>
            %parallel_loop3A_356 = arith.mulf %parallel_loop3A_354, %parallel_loop3A_355 : vector<16xf32>
            %parallel_loop3A_357 = arith.mulf %parallel_loop3A_356, %parallel_loop3A_354 : vector<16xf32>
            %parallel_loop3A_358 = arith.index_cast %parallel_loop3A_351 : i32 to index
            %parallel_loop3A_359 = arith.constant 64 : index
            %parallel_loop3A_360 = tpu.vector_load %arg11[%parallel_loop3A_358, %parallel_loop3A_359] {strides = array<i32>} : memref<197x128xf32, #tpu.memory_space<vmem>>, vector<16xf32>,
            tpu.vector_store %arg11[%parallel_loop3A_358, %parallel_loop3A_359], %parallel_loop3A_357 {strides = array<i32>} : memref<197x128xf32, #tpu.memory_space<vmem>>, vector<16xf32>,
          } {sc.loop_unroll_factor = 8 : i64, sc.parallel_access}
          %parallel_loop3A_342 = arith.constant 0 : i32
          %parallel_loop3A_343 = arith.constant 197 : i32
          %parallel_loop3A_344 = arith.constant 1 : i32
          scf.for %parallel_loop3A_351 = %parallel_loop3A_342 to %parallel_loop3A_343 step %parallel_loop3A_344  : i32 {
            %parallel_loop3A_352 = arith.index_cast %parallel_loop3A_351 : i32 to index
            %parallel_loop3A_353 = arith.constant 80 : index
            %parallel_loop3A_354 = tpu.vector_load %arg9[%parallel_loop3A_352, %parallel_loop3A_353] {strides = array<i32>} : memref<197x128xf32, #tpu.memory_space<vmem>>, vector<16xf32>,
            %parallel_loop3A_355 = vector.broadcast %scan3A : f32 to vector<16xf32>
            %parallel_loop3A_356 = arith.mulf %parallel_loop3A_354, %parallel_loop3A_355 : vector<16xf32>
            %parallel_loop3A_357 = arith.mulf %parallel_loop3A_356, %parallel_loop3A_354 : vector<16xf32>
            %parallel_loop3A_358 = arith.index_cast %parallel_loop3A_351 : i32 to index
            %parallel_loop3A_359 = arith.constant 80 : index
            %parallel_loop3A_360 = tpu.vector_load %arg11[%parallel_loop3A_358, %parallel_loop3A_359] {strides = array<i32>} : memref<197x128xf32, #tpu.memory_space<vmem>>, vector<16xf32>,
            tpu.vector_store %arg11[%parallel_loop3A_358, %parallel_loop3A_359], %parallel_loop3A_357 {strides = array<i32>} : memref<197x128xf32, #tpu.memory_space<vmem>>, vector<16xf32>,
          } {sc.loop_unroll_factor = 8 : i64, sc.parallel_access}
          %parallel_loop3A_345 = arith.constant 0 : i32
          %parallel_loop3A_346 = arith.constant 197 : i32
          %parallel_loop3A_347 = arith.constant 1 : i32
          scf.for %parallel_loop3A_351 = %parallel_loop3A_345 to %parallel_loop3A_346 step %parallel_loop3A_347  : i32 {
            %parallel_loop3A_352 = arith.index_cast %parallel_loop3A_351 : i32 to index
            %parallel_loop3A_353 = arith.constant 96 : index
            %parallel_loop3A_354 = tpu.vector_load %arg9[%parallel_loop3A_352, %parallel_loop3A_353] {strides = array<i32>} : memref<197x128xf32, #tpu.memory_space<vmem>>, vector<16xf32>,
            %parallel_loop3A_355 = vector.broadcast %scan3A : f32 to vector<16xf32>
            %parallel_loop3A_356 = arith.mulf %parallel_loop3A_354, %parallel_loop3A_355 : vector<16xf32>
            %parallel_loop3A_357 = arith.mulf %parallel_loop3A_356, %parallel_loop3A_354 : vector<16xf32>
            %parallel_loop3A_358 = arith.index_cast %parallel_loop3A_351 : i32 to index
            %parallel_loop3A_359 = arith.constant 96 : index
            %parallel_loop3A_360 = tpu.vector_load %arg11[%parallel_loop3A_358, %parallel_loop3A_359] {strides = array<i32>} : memref<197x128xf32, #tpu.memory_space<vmem>>, vector<16xf32>,
            tpu.vector_store %arg11[%parallel_loop3A_358, %parallel_loop3A_359], %parallel_loop3A_357 {strides = array<i32>} : memref<197x128xf32, #tpu.memory_space<vmem>>, vector<16xf32>,
          } {sc.loop_unroll_factor = 8 : i64, sc.parallel_access}
          %parallel_loop3A_348 = arith.constant 0 : i32
          %parallel_loop3A_349 = arith.constant 197 : i32
          %parallel_loop3A_350 = arith.constant 1 : i32
          scf.for %parallel_loop3A_351 = %parallel_loop3A_348 to %parallel_loop3A_349 step %parallel_loop3A_350  : i32 {
            %parallel_loop3A_352 = arith.index_cast %parallel_loop3A_351 : i32 to index
            %parallel_loop3A_353 = arith.constant 112 : index
            %parallel_loop3A_354 = tpu.vector_load %arg9[%parallel_loop3A_352, %parallel_loop3A_353] {strides = array<i32>} : memref<197x128xf32, #tpu.memory_space<vmem>>, vector<16xf32>,
            %parallel_loop3A_355 = vector.broadcast %scan3A : f32 to vector<16xf32>
            %parallel_loop3A_356 = arith.mulf %parallel_loop3A_354, %parallel_loop3A_355 : vector<16xf32>
            %parallel_loop3A_357 = arith.mulf %parallel_loop3A_356, %parallel_loop3A_354 : vector<16xf32>
            %parallel_loop3A_358 = arith.index_cast %parallel_loop3A_351 : i32 to index
            %parallel_loop3A_359 = arith.constant 112 : index
            %parallel_loop3A_360 = tpu.vector_load %arg11[%parallel_loop3A_358, %parallel_loop3A_359] {strides = array<i32>} : memref<197x128xf32, #tpu.memory_space<vmem>>, vector<16xf32>,
            tpu.vector_store %arg11[%parallel_loop3A_358, %parallel_loop3A_359], %parallel_loop3A_357 {strides = array<i32>} : memref<197x128xf32, #tpu.memory_space<vmem>>, vector<16xf32>,
          } {sc.loop_unroll_factor = 8 : i64, sc.parallel_access}
        }
        %dma_start3A_320 = arith.constant 0 : i32
        %dma_start3A_321 = arith.constant 0 : i32
        %dma_start3A_322 = tpu.memref_slice %arg5[%add3A_262, %dma_start3A_320, %dma_start3A_321] : memref<591x197x128xf32, #tpu.memory_space<hbm>> -> memref<1x197x128xf32, #tpu.memory_space<hbm>>
        %dma_start3A_323 = tpu.memref_squeeze %dma_start3A_322 : memref<1x197x128xf32, #tpu.memory_space<hbm>> -> memref<197x128xf32, #tpu.memory_space<hbm>>
        %dma_start3A_324 = arith.constant 0 : i32
        %dma_start3A_325 = arith.constant 0 : i32
        %dma_start3A_326 = tpu.memref_slice %arg5[%add3A_262, %dma_start3A_324, %dma_start3A_325] : memref<591x197x128xf32, #tpu.memory_space<hbm>> -> memref<1x197x128xf32, #tpu.memory_space<hbm>>
        %dma_start3A_327 = tpu.memref_squeeze %dma_start3A_326 : memref<1x197x128xf32, #tpu.memory_space<hbm>> -> memref<197x128xf32, #tpu.memory_space<hbm>>
        tpu.enqueue_dma source(%arg11 : memref<197x128xf32, #tpu.memory_space<vmem>>) target(%dma_start3A_327 : memref<197x128xf32, #tpu.memory_space<hbm>>) target_semaphore(%arg15 : memref<!tpu.dma_semaphore, #tpu.memory_space<semaphore_mem>>)
      } else {
      }
      %add3A_275 = arith.constant 64 : i32
      %add3A_276 = arith.addi %add3A_262, %add3A_275 : i32
      %lt3A_277 = arith.constant 591 : i32
      %lt3A_278 = arith.cmpi slt, %add3A_276, %lt3A_277 : i32
      %convert_element_type3A_279 = arith.extui %lt3A_278 : i1 to i32
      %cond3A_280 = arith.constant 0 : i32
      %cond3A_281 = arith.cmpi ne, %convert_element_type3A_279, %cond3A_280 : i32
      scf.if %cond3A_281 {
        %dma_start3A_307 = arith.constant 0 : i32
        %dma_start3A_308 = arith.constant 0 : i32
        %dma_start3A_309 = tpu.memref_slice %arg2[%add3A_276, %dma_start3A_307, %dma_start3A_308] : memref<591x197x128xf32, #tpu.memory_space<hbm>> -> memref<1x197x128xf32, #tpu.memory_space<hbm>>
        %dma_start3A_310 = tpu.memref_squeeze %dma_start3A_309 : memref<1x197x128xf32, #tpu.memory_space<hbm>> -> memref<197x128xf32, #tpu.memory_space<hbm>>
        %dma_start3A_311 = arith.constant 0 : i32
        %dma_start3A_312 = arith.constant 0 : i32
        %dma_start3A_313 = tpu.memref_slice %arg2[%add3A_276, %dma_start3A_311, %dma_start3A_312] : memref<591x197x128xf32, #tpu.memory_space<hbm>> -> memref<1x197x128xf32, #tpu.memory_space<hbm>>
        %dma_start3A_314 = tpu.memref_squeeze %dma_start3A_313 : memref<1x197x128xf32, #tpu.memory_space<hbm>> -> memref<197x128xf32, #tpu.memory_space<hbm>>
        tpu.enqueue_dma source(%dma_start3A_314 : memref<197x128xf32, #tpu.memory_space<hbm>>) target(%arg9 : memref<197x128xf32, #tpu.memory_space<vmem>>) target_semaphore(%arg13 : memref<!tpu.dma_semaphore, #tpu.memory_space<semaphore_mem>>)
      } else {
      }
      %add3A_282 = arith.constant 32 : i32
      %add3A_283 = arith.addi %add3A_262, %add3A_282 : i32
      %sub3A_284 = arith.constant 64 : i32
      %sub3A_285 = arith.subi %add3A_283, %sub3A_284 : i32
      %ge3A_286 = arith.constant 0 : i32
      %ge3A_287 = arith.cmpi sge, %sub3A_285, %ge3A_286 : i32
      %lt3A_288 = arith.constant 591 : i32
      %lt3A_289 = arith.cmpi slt, %sub3A_285, %lt3A_288 : i32
      %and3A_290 = arith.andi %ge3A_287, %lt3A_289 : i1
      %convert_element_type3A_291 = arith.extui %and3A_290 : i1 to i32
      %cond3A_292 = arith.constant 0 : i32
      %cond3A_293 = arith.cmpi ne, %convert_element_type3A_291, %cond3A_292 : i32
      scf.if %cond3A_293 {
        %dma_wait3A = arith.constant 0 : i32
        %dma_wait3A_307 = arith.constant 0 : i32
        %dma_wait3A_308 = arith.constant 0 : i32
        %dma_wait3A_309 = tpu.memref_slice %arg2[%dma_wait3A, %dma_wait3A_307, %dma_wait3A_308] : memref<591x197x128xf32, #tpu.memory_space<hbm>> -> memref<1x197x128xf32, #tpu.memory_space<hbm>>
        %dma_wait3A_310 = tpu.memref_squeeze %dma_wait3A_309 : memref<1x197x128xf32, #tpu.memory_space<hbm>> -> memref<197x128xf32, #tpu.memory_space<hbm>>
        %dma_wait3A_311 = arith.constant 0 : i32
        %dma_wait3A_312 = arith.constant 0 : i32
        %dma_wait3A_313 = tpu.memref_slice %arg2[%dma_wait3A, %dma_wait3A_311, %dma_wait3A_312] : memref<591x197x128xf32, #tpu.memory_space<hbm>> -> memref<1x197x128xf32, #tpu.memory_space<hbm>>
        %dma_wait3A_314 = tpu.memref_squeeze %dma_wait3A_313 : memref<1x197x128xf32, #tpu.memory_space<hbm>> -> memref<197x128xf32, #tpu.memory_space<hbm>>
        tpu.wait_dma2 semaphore(%arg16 : memref<!tpu.dma_semaphore, #tpu.memory_space<semaphore_mem>>) src(%dma_wait3A_314 : memref<197x128xf32, #tpu.memory_space<hbm>>) dst(%arg12 : memref<197x128xf32, #tpu.memory_space<vmem>>)
      } else {
      }
      %lt3A_294 = arith.constant 591 : i32
      %lt3A_295 = arith.cmpi slt, %add3A_283, %lt3A_294 : i32
      %convert_element_type3A_296 = arith.extui %lt3A_295 : i1 to i32
      %cond3A_297 = arith.constant 0 : i32
      %cond3A_298 = arith.cmpi ne, %convert_element_type3A_296, %cond3A_297 : i32
      scf.if %cond3A_298 {
        %dma_wait3A = arith.constant 0 : i32
        %dma_wait3A_307 = arith.constant 0 : i32
        %dma_wait3A_308 = arith.constant 0 : i32
        %dma_wait3A_309 = tpu.memref_slice %arg2[%dma_wait3A, %dma_wait3A_307, %dma_wait3A_308] : memref<591x197x128xf32, #tpu.memory_space<hbm>> -> memref<1x197x128xf32, #tpu.memory_space<hbm>>
        %dma_wait3A_310 = tpu.memref_squeeze %dma_wait3A_309 : memref<1x197x128xf32, #tpu.memory_space<hbm>> -> memref<197x128xf32, #tpu.memory_space<hbm>>
        %dma_wait3A_311 = arith.constant 0 : i32
        %dma_wait3A_312 = arith.constant 0 : i32
        %dma_wait3A_313 = tpu.memref_slice %arg2[%dma_wait3A, %dma_wait3A_311, %dma_wait3A_312] : memref<591x197x128xf32, #tpu.memory_space<hbm>> -> memref<1x197x128xf32, #tpu.memory_space<hbm>>
        %dma_wait3A_314 = tpu.memref_squeeze %dma_wait3A_313 : memref<1x197x128xf32, #tpu.memory_space<hbm>> -> memref<197x128xf32, #tpu.memory_space<hbm>>
        tpu.wait_dma2 semaphore(%arg14 : memref<!tpu.dma_semaphore, #tpu.memory_space<semaphore_mem>>) src(%dma_wait3A_314 : memref<197x128xf32, #tpu.memory_space<hbm>>) dst(%arg10 : memref<197x128xf32, #tpu.memory_space<vmem>>)
        %broadcast_in_dim3A_315 = vector.broadcast %add3A_283 : i32 to vector<16xi32>
        %gather3A = tpu.vector_load_idx %arg6[%broadcast_in_dim3A_315] : memref<608xf32, #tpu.memory_space<vmem>>[vector<16xi32>], vector<16xf32>,
        %slice3A = vector.extract_strided_slice %gather3A {offsets = [0], sizes = [1], strides = [1]} : vector<16xf32> to vector<1xf32>
        %squeeze3A = vector.extract %slice3A[0] : f32 from vector<1xf32>
        %gt3A = arith.constant 5.000000e-01 : f32
        %gt3A_316 = arith.cmpf ogt, %squeeze3A, %gt3A : f32
        %convert_element_type3A_317 = arith.extui %gt3A_316 : i1 to i32
        %cond3A_318 = arith.constant 0 : i32
        %cond3A_319 = arith.cmpi ne, %convert_element_type3A_317, %cond3A_318 : i32
        scf.if %cond3A_319 {
          %broadcast_in_dim3A_328 = arith.constant 0.000000e+00 : f32
          %broadcast_in_dim3A_329 = vector.broadcast %broadcast_in_dim3A_328 : f32 to vector<16xf32>
          %parallel_loop3A = arith.constant 0 : i32
          %parallel_loop3A_330 = arith.constant 197 : i32
          %parallel_loop3A_331 = arith.constant 1 : i32
          %parallel_loop3A_332 = scf.for %parallel_loop3A_406 = %parallel_loop3A to %parallel_loop3A_330 step %parallel_loop3A_331 iter_args(%parallel_loop3A_407 = %broadcast_in_dim3A_329) -> (vector<16xf32>)  : i32 {
            %parallel_loop3A_408 = arith.index_cast %parallel_loop3A_406 : i32 to index
            %parallel_loop3A_409 = arith.constant 0 : index
            %parallel_loop3A_410 = tpu.vector_load %arg10[%parallel_loop3A_408, %parallel_loop3A_409] {strides = array<i32>} : memref<197x128xf32, #tpu.memory_space<vmem>>, vector<16xf32>,
            %parallel_loop3A_411 = math.exp %parallel_loop3A_410 : vector<16xf32>
            %parallel_loop3A_412 = arith.index_cast %parallel_loop3A_406 : i32 to index
            %parallel_loop3A_413 = arith.constant 0 : index
            %parallel_loop3A_414 = tpu.vector_load %arg12[%parallel_loop3A_412, %parallel_loop3A_413] {strides = array<i32>} : memref<197x128xf32, #tpu.memory_space<vmem>>, vector<16xf32>,
            tpu.vector_store %arg12[%parallel_loop3A_412, %parallel_loop3A_413], %parallel_loop3A_411 {strides = array<i32>} : memref<197x128xf32, #tpu.memory_space<vmem>>, vector<16xf32>,
            %parallel_loop3A_415 = arith.addf %parallel_loop3A_407, %parallel_loop3A_411 : vector<16xf32>
            scf.yield %parallel_loop3A_415 : vector<16xf32>
          } {sc.loop_unroll_factor = 8 : i64, sc.parallel_access}
          %div3A = arith.divf %broadcast_in_dim3A_78, %parallel_loop3A_332 : vector<16xf32>
          %parallel_loop3A_333 = arith.constant 0 : i32
          %parallel_loop3A_334 = arith.constant 197 : i32
          %parallel_loop3A_335 = arith.constant 1 : i32
          scf.for %parallel_loop3A_406 = %parallel_loop3A_333 to %parallel_loop3A_334 step %parallel_loop3A_335  : i32 {
            %parallel_loop3A_407 = arith.index_cast %parallel_loop3A_406 : i32 to index
            %parallel_loop3A_408 = arith.constant 0 : index
            %parallel_loop3A_409 = tpu.vector_load %arg12[%parallel_loop3A_407, %parallel_loop3A_408] {strides = array<i32>} : memref<197x128xf32, #tpu.memory_space<vmem>>, vector<16xf32>,
            %parallel_loop3A_410 = arith.mulf %parallel_loop3A_409, %div3A : vector<16xf32>
            %parallel_loop3A_411 = arith.index_cast %parallel_loop3A_406 : i32 to index
            %parallel_loop3A_412 = arith.constant 0 : index
            %parallel_loop3A_413 = tpu.vector_load %arg12[%parallel_loop3A_411, %parallel_loop3A_412] {strides = array<i32>} : memref<197x128xf32, #tpu.memory_space<vmem>>, vector<16xf32>,
            tpu.vector_store %arg12[%parallel_loop3A_411, %parallel_loop3A_412], %parallel_loop3A_410 {strides = array<i32>} : memref<197x128xf32, #tpu.memory_space<vmem>>, vector<16xf32>,
          } {sc.loop_unroll_factor = 8 : i64, sc.parallel_access}
          %broadcast_in_dim3A_336 = arith.constant 0.000000e+00 : f32
          %broadcast_in_dim3A_337 = vector.broadcast %broadcast_in_dim3A_336 : f32 to vector<16xf32>
          %parallel_loop3A_338 = arith.constant 0 : i32
          %parallel_loop3A_339 = arith.constant 197 : i32
          %parallel_loop3A_340 = arith.constant 1 : i32
          %parallel_loop3A_341 = scf.for %parallel_loop3A_406 = %parallel_loop3A_338 to %parallel_loop3A_339 step %parallel_loop3A_340 iter_args(%parallel_loop3A_407 = %broadcast_in_dim3A_337) -> (vector<16xf32>)  : i32 {
            %parallel_loop3A_408 = arith.index_cast %parallel_loop3A_406 : i32 to index
            %parallel_loop3A_409 = arith.constant 16 : index
            %parallel_loop3A_410 = tpu.vector_load %arg10[%parallel_loop3A_408, %parallel_loop3A_409] {strides = array<i32>} : memref<197x128xf32, #tpu.memory_space<vmem>>, vector<16xf32>,
            %parallel_loop3A_411 = math.exp %parallel_loop3A_410 : vector<16xf32>
            %parallel_loop3A_412 = arith.index_cast %parallel_loop3A_406 : i32 to index
            %parallel_loop3A_413 = arith.constant 16 : index
            %parallel_loop3A_414 = tpu.vector_load %arg12[%parallel_loop3A_412, %parallel_loop3A_413] {strides = array<i32>} : memref<197x128xf32, #tpu.memory_space<vmem>>, vector<16xf32>,
            tpu.vector_store %arg12[%parallel_loop3A_412, %parallel_loop3A_413], %parallel_loop3A_411 {strides = array<i32>} : memref<197x128xf32, #tpu.memory_space<vmem>>, vector<16xf32>,
            %parallel_loop3A_415 = arith.addf %parallel_loop3A_407, %parallel_loop3A_411 : vector<16xf32>
            scf.yield %parallel_loop3A_415 : vector<16xf32>
          } {sc.loop_unroll_factor = 8 : i64, sc.parallel_access}
          %div3A_342 = arith.divf %broadcast_in_dim3A_78, %parallel_loop3A_341 : vector<16xf32>
          %parallel_loop3A_343 = arith.constant 0 : i32
          %parallel_loop3A_344 = arith.constant 197 : i32
          %parallel_loop3A_345 = arith.constant 1 : i32
          scf.for %parallel_loop3A_406 = %parallel_loop3A_343 to %parallel_loop3A_344 step %parallel_loop3A_345  : i32 {
            %parallel_loop3A_407 = arith.index_cast %parallel_loop3A_406 : i32 to index
            %parallel_loop3A_408 = arith.constant 16 : index
            %parallel_loop3A_409 = tpu.vector_load %arg12[%parallel_loop3A_407, %parallel_loop3A_408] {strides = array<i32>} : memref<197x128xf32, #tpu.memory_space<vmem>>, vector<16xf32>,
            %parallel_loop3A_410 = arith.mulf %parallel_loop3A_409, %div3A_342 : vector<16xf32>
            %parallel_loop3A_411 = arith.index_cast %parallel_loop3A_406 : i32 to index
            %parallel_loop3A_412 = arith.constant 16 : index
            %parallel_loop3A_413 = tpu.vector_load %arg12[%parallel_loop3A_411, %parallel_loop3A_412] {strides = array<i32>} : memref<197x128xf32, #tpu.memory_space<vmem>>, vector<16xf32>,
            tpu.vector_store %arg12[%parallel_loop3A_411, %parallel_loop3A_412], %parallel_loop3A_410 {strides = array<i32>} : memref<197x128xf32, #tpu.memory_space<vmem>>, vector<16xf32>,
          } {sc.loop_unroll_factor = 8 : i64, sc.parallel_access}
          %broadcast_in_dim3A_346 = arith.constant 0.000000e+00 : f32
          %broadcast_in_dim3A_347 = vector.broadcast %broadcast_in_dim3A_346 : f32 to vector<16xf32>
          %parallel_loop3A_348 = arith.constant 0 : i32
          %parallel_loop3A_349 = arith.constant 197 : i32
          %parallel_loop3A_350 = arith.constant 1 : i32
          %parallel_loop3A_351 = scf.for %parallel_loop3A_406 = %parallel_loop3A_348 to %parallel_loop3A_349 step %parallel_loop3A_350 iter_args(%parallel_loop3A_407 = %broadcast_in_dim3A_347) -> (vector<16xf32>)  : i32 {
            %parallel_loop3A_408 = arith.index_cast %parallel_loop3A_406 : i32 to index
            %parallel_loop3A_409 = arith.constant 32 : index
            %parallel_loop3A_410 = tpu.vector_load %arg10[%parallel_loop3A_408, %parallel_loop3A_409] {strides = array<i32>} : memref<197x128xf32, #tpu.memory_space<vmem>>, vector<16xf32>,
            %parallel_loop3A_411 = math.exp %parallel_loop3A_410 : vector<16xf32>
            %parallel_loop3A_412 = arith.index_cast %parallel_loop3A_406 : i32 to index
            %parallel_loop3A_413 = arith.constant 32 : index
            %parallel_loop3A_414 = tpu.vector_load %arg12[%parallel_loop3A_412, %parallel_loop3A_413] {strides = array<i32>} : memref<197x128xf32, #tpu.memory_space<vmem>>, vector<16xf32>,
            tpu.vector_store %arg12[%parallel_loop3A_412, %parallel_loop3A_413], %parallel_loop3A_411 {strides = array<i32>} : memref<197x128xf32, #tpu.memory_space<vmem>>, vector<16xf32>,
            %parallel_loop3A_415 = arith.addf %parallel_loop3A_407, %parallel_loop3A_411 : vector<16xf32>
            scf.yield %parallel_loop3A_415 : vector<16xf32>
          } {sc.loop_unroll_factor = 8 : i64, sc.parallel_access}
          %div3A_352 = arith.divf %broadcast_in_dim3A_78, %parallel_loop3A_351 : vector<16xf32>
          %parallel_loop3A_353 = arith.constant 0 : i32
          %parallel_loop3A_354 = arith.constant 197 : i32
          %parallel_loop3A_355 = arith.constant 1 : i32
          scf.for %parallel_loop3A_406 = %parallel_loop3A_353 to %parallel_loop3A_354 step %parallel_loop3A_355  : i32 {
            %parallel_loop3A_407 = arith.index_cast %parallel_loop3A_406 : i32 to index
            %parallel_loop3A_408 = arith.constant 32 : index
            %parallel_loop3A_409 = tpu.vector_load %arg12[%parallel_loop3A_407, %parallel_loop3A_408] {strides = array<i32>} : memref<197x128xf32, #tpu.memory_space<vmem>>, vector<16xf32>,
            %parallel_loop3A_410 = arith.mulf %parallel_loop3A_409, %div3A_352 : vector<16xf32>
            %parallel_loop3A_411 = arith.index_cast %parallel_loop3A_406 : i32 to index
            %parallel_loop3A_412 = arith.constant 32 : index
            %parallel_loop3A_413 = tpu.vector_load %arg12[%parallel_loop3A_411, %parallel_loop3A_412] {strides = array<i32>} : memref<197x128xf32, #tpu.memory_space<vmem>>, vector<16xf32>,
            tpu.vector_store %arg12[%parallel_loop3A_411, %parallel_loop3A_412], %parallel_loop3A_410 {strides = array<i32>} : memref<197x128xf32, #tpu.memory_space<vmem>>, vector<16xf32>,
          } {sc.loop_unroll_factor = 8 : i64, sc.parallel_access}
          %broadcast_in_dim3A_356 = arith.constant 0.000000e+00 : f32
          %broadcast_in_dim3A_357 = vector.broadcast %broadcast_in_dim3A_356 : f32 to vector<16xf32>
          %parallel_loop3A_358 = arith.constant 0 : i32
          %parallel_loop3A_359 = arith.constant 197 : i32
          %parallel_loop3A_360 = arith.constant 1 : i32
          %parallel_loop3A_361 = scf.for %parallel_loop3A_406 = %parallel_loop3A_358 to %parallel_loop3A_359 step %parallel_loop3A_360 iter_args(%parallel_loop3A_407 = %broadcast_in_dim3A_357) -> (vector<16xf32>)  : i32 {
            %parallel_loop3A_408 = arith.index_cast %parallel_loop3A_406 : i32 to index
            %parallel_loop3A_409 = arith.constant 48 : index
            %parallel_loop3A_410 = tpu.vector_load %arg10[%parallel_loop3A_408, %parallel_loop3A_409] {strides = array<i32>} : memref<197x128xf32, #tpu.memory_space<vmem>>, vector<16xf32>,
            %parallel_loop3A_411 = math.exp %parallel_loop3A_410 : vector<16xf32>
            %parallel_loop3A_412 = arith.index_cast %parallel_loop3A_406 : i32 to index
            %parallel_loop3A_413 = arith.constant 48 : index
            %parallel_loop3A_414 = tpu.vector_load %arg12[%parallel_loop3A_412, %parallel_loop3A_413] {strides = array<i32>} : memref<197x128xf32, #tpu.memory_space<vmem>>, vector<16xf32>,
            tpu.vector_store %arg12[%parallel_loop3A_412, %parallel_loop3A_413], %parallel_loop3A_411 {strides = array<i32>} : memref<197x128xf32, #tpu.memory_space<vmem>>, vector<16xf32>,
            %parallel_loop3A_415 = arith.addf %parallel_loop3A_407, %parallel_loop3A_411 : vector<16xf32>
            scf.yield %parallel_loop3A_415 : vector<16xf32>
          } {sc.loop_unroll_factor = 8 : i64, sc.parallel_access}
          %div3A_362 = arith.divf %broadcast_in_dim3A_78, %parallel_loop3A_361 : vector<16xf32>
          %parallel_loop3A_363 = arith.constant 0 : i32
          %parallel_loop3A_364 = arith.constant 197 : i32
          %parallel_loop3A_365 = arith.constant 1 : i32
          scf.for %parallel_loop3A_406 = %parallel_loop3A_363 to %parallel_loop3A_364 step %parallel_loop3A_365  : i32 {
            %parallel_loop3A_407 = arith.index_cast %parallel_loop3A_406 : i32 to index
            %parallel_loop3A_408 = arith.constant 48 : index
            %parallel_loop3A_409 = tpu.vector_load %arg12[%parallel_loop3A_407, %parallel_loop3A_408] {strides = array<i32>} : memref<197x128xf32, #tpu.memory_space<vmem>>, vector<16xf32>,
            %parallel_loop3A_410 = arith.mulf %parallel_loop3A_409, %div3A_362 : vector<16xf32>
            %parallel_loop3A_411 = arith.index_cast %parallel_loop3A_406 : i32 to index
            %parallel_loop3A_412 = arith.constant 48 : index
            %parallel_loop3A_413 = tpu.vector_load %arg12[%parallel_loop3A_411, %parallel_loop3A_412] {strides = array<i32>} : memref<197x128xf32, #tpu.memory_space<vmem>>, vector<16xf32>,
            tpu.vector_store %arg12[%parallel_loop3A_411, %parallel_loop3A_412], %parallel_loop3A_410 {strides = array<i32>} : memref<197x128xf32, #tpu.memory_space<vmem>>, vector<16xf32>,
          } {sc.loop_unroll_factor = 8 : i64, sc.parallel_access}
          %broadcast_in_dim3A_366 = arith.constant 0.000000e+00 : f32
          %broadcast_in_dim3A_367 = vector.broadcast %broadcast_in_dim3A_366 : f32 to vector<16xf32>
          %parallel_loop3A_368 = arith.constant 0 : i32
          %parallel_loop3A_369 = arith.constant 197 : i32
          %parallel_loop3A_370 = arith.constant 1 : i32
          %parallel_loop3A_371 = scf.for %parallel_loop3A_406 = %parallel_loop3A_368 to %parallel_loop3A_369 step %parallel_loop3A_370 iter_args(%parallel_loop3A_407 = %broadcast_in_dim3A_367) -> (vector<16xf32>)  : i32 {
            %parallel_loop3A_408 = arith.index_cast %parallel_loop3A_406 : i32 to index
            %parallel_loop3A_409 = arith.constant 64 : index
            %parallel_loop3A_410 = tpu.vector_load %arg10[%parallel_loop3A_408, %parallel_loop3A_409] {strides = array<i32>} : memref<197x128xf32, #tpu.memory_space<vmem>>, vector<16xf32>,
            %parallel_loop3A_411 = math.exp %parallel_loop3A_410 : vector<16xf32>
            %parallel_loop3A_412 = arith.index_cast %parallel_loop3A_406 : i32 to index
            %parallel_loop3A_413 = arith.constant 64 : index
            %parallel_loop3A_414 = tpu.vector_load %arg12[%parallel_loop3A_412, %parallel_loop3A_413] {strides = array<i32>} : memref<197x128xf32, #tpu.memory_space<vmem>>, vector<16xf32>,
            tpu.vector_store %arg12[%parallel_loop3A_412, %parallel_loop3A_413], %parallel_loop3A_411 {strides = array<i32>} : memref<197x128xf32, #tpu.memory_space<vmem>>, vector<16xf32>,
            %parallel_loop3A_415 = arith.addf %parallel_loop3A_407, %parallel_loop3A_411 : vector<16xf32>
            scf.yield %parallel_loop3A_415 : vector<16xf32>
          } {sc.loop_unroll_factor = 8 : i64, sc.parallel_access}
          %div3A_372 = arith.divf %broadcast_in_dim3A_78, %parallel_loop3A_371 : vector<16xf32>
          %parallel_loop3A_373 = arith.constant 0 : i32
          %parallel_loop3A_374 = arith.constant 197 : i32
          %parallel_loop3A_375 = arith.constant 1 : i32
          scf.for %parallel_loop3A_406 = %parallel_loop3A_373 to %parallel_loop3A_374 step %parallel_loop3A_375  : i32 {
            %parallel_loop3A_407 = arith.index_cast %parallel_loop3A_406 : i32 to index
            %parallel_loop3A_408 = arith.constant 64 : index
            %parallel_loop3A_409 = tpu.vector_load %arg12[%parallel_loop3A_407, %parallel_loop3A_408] {strides = array<i32>} : memref<197x128xf32, #tpu.memory_space<vmem>>, vector<16xf32>,
            %parallel_loop3A_410 = arith.mulf %parallel_loop3A_409, %div3A_372 : vector<16xf32>
            %parallel_loop3A_411 = arith.index_cast %parallel_loop3A_406 : i32 to index
            %parallel_loop3A_412 = arith.constant 64 : index
            %parallel_loop3A_413 = tpu.vector_load %arg12[%parallel_loop3A_411, %parallel_loop3A_412] {strides = array<i32>} : memref<197x128xf32, #tpu.memory_space<vmem>>, vector<16xf32>,
            tpu.vector_store %arg12[%parallel_loop3A_411, %parallel_loop3A_412], %parallel_loop3A_410 {strides = array<i32>} : memref<197x128xf32, #tpu.memory_space<vmem>>, vector<16xf32>,
          } {sc.loop_unroll_factor = 8 : i64, sc.parallel_access}
          %broadcast_in_dim3A_376 = arith.constant 0.000000e+00 : f32
          %broadcast_in_dim3A_377 = vector.broadcast %broadcast_in_dim3A_376 : f32 to vector<16xf32>
          %parallel_loop3A_378 = arith.constant 0 : i32
          %parallel_loop3A_379 = arith.constant 197 : i32
          %parallel_loop3A_380 = arith.constant 1 : i32
          %parallel_loop3A_381 = scf.for %parallel_loop3A_406 = %parallel_loop3A_378 to %parallel_loop3A_379 step %parallel_loop3A_380 iter_args(%parallel_loop3A_407 = %broadcast_in_dim3A_377) -> (vector<16xf32>)  : i32 {
            %parallel_loop3A_408 = arith.index_cast %parallel_loop3A_406 : i32 to index
            %parallel_loop3A_409 = arith.constant 80 : index
            %parallel_loop3A_410 = tpu.vector_load %arg10[%parallel_loop3A_408, %parallel_loop3A_409] {strides = array<i32>} : memref<197x128xf32, #tpu.memory_space<vmem>>, vector<16xf32>,
            %parallel_loop3A_411 = math.exp %parallel_loop3A_410 : vector<16xf32>
            %parallel_loop3A_412 = arith.index_cast %parallel_loop3A_406 : i32 to index
            %parallel_loop3A_413 = arith.constant 80 : index
            %parallel_loop3A_414 = tpu.vector_load %arg12[%parallel_loop3A_412, %parallel_loop3A_413] {strides = array<i32>} : memref<197x128xf32, #tpu.memory_space<vmem>>, vector<16xf32>,
            tpu.vector_store %arg12[%parallel_loop3A_412, %parallel_loop3A_413], %parallel_loop3A_411 {strides = array<i32>} : memref<197x128xf32, #tpu.memory_space<vmem>>, vector<16xf32>,
            %parallel_loop3A_415 = arith.addf %parallel_loop3A_407, %parallel_loop3A_411 : vector<16xf32>
            scf.yield %parallel_loop3A_415 : vector<16xf32>
          } {sc.loop_unroll_factor = 8 : i64, sc.parallel_access}
          %div3A_382 = arith.divf %broadcast_in_dim3A_78, %parallel_loop3A_381 : vector<16xf32>
          %parallel_loop3A_383 = arith.constant 0 : i32
          %parallel_loop3A_384 = arith.constant 197 : i32
          %parallel_loop3A_385 = arith.constant 1 : i32
          scf.for %parallel_loop3A_406 = %parallel_loop3A_383 to %parallel_loop3A_384 step %parallel_loop3A_385  : i32 {
            %parallel_loop3A_407 = arith.index_cast %parallel_loop3A_406 : i32 to index
            %parallel_loop3A_408 = arith.constant 80 : index
            %parallel_loop3A_409 = tpu.vector_load %arg12[%parallel_loop3A_407, %parallel_loop3A_408] {strides = array<i32>} : memref<197x128xf32, #tpu.memory_space<vmem>>, vector<16xf32>,
            %parallel_loop3A_410 = arith.mulf %parallel_loop3A_409, %div3A_382 : vector<16xf32>
            %parallel_loop3A_411 = arith.index_cast %parallel_loop3A_406 : i32 to index
            %parallel_loop3A_412 = arith.constant 80 : index
            %parallel_loop3A_413 = tpu.vector_load %arg12[%parallel_loop3A_411, %parallel_loop3A_412] {strides = array<i32>} : memref<197x128xf32, #tpu.memory_space<vmem>>, vector<16xf32>,
            tpu.vector_store %arg12[%parallel_loop3A_411, %parallel_loop3A_412], %parallel_loop3A_410 {strides = array<i32>} : memref<197x128xf32, #tpu.memory_space<vmem>>, vector<16xf32>,
          } {sc.loop_unroll_factor = 8 : i64, sc.parallel_access}
          %broadcast_in_dim3A_386 = arith.constant 0.000000e+00 : f32
          %broadcast_in_dim3A_387 = vector.broadcast %broadcast_in_dim3A_386 : f32 to vector<16xf32>
          %parallel_loop3A_388 = arith.constant 0 : i32
          %parallel_loop3A_389 = arith.constant 197 : i32
          %parallel_loop3A_390 = arith.constant 1 : i32
          %parallel_loop3A_391 = scf.for %parallel_loop3A_406 = %parallel_loop3A_388 to %parallel_loop3A_389 step %parallel_loop3A_390 iter_args(%parallel_loop3A_407 = %broadcast_in_dim3A_387) -> (vector<16xf32>)  : i32 {
            %parallel_loop3A_408 = arith.index_cast %parallel_loop3A_406 : i32 to index
            %parallel_loop3A_409 = arith.constant 96 : index
            %parallel_loop3A_410 = tpu.vector_load %arg10[%parallel_loop3A_408, %parallel_loop3A_409] {strides = array<i32>} : memref<197x128xf32, #tpu.memory_space<vmem>>, vector<16xf32>,
            %parallel_loop3A_411 = math.exp %parallel_loop3A_410 : vector<16xf32>
            %parallel_loop3A_412 = arith.index_cast %parallel_loop3A_406 : i32 to index
            %parallel_loop3A_413 = arith.constant 96 : index
            %parallel_loop3A_414 = tpu.vector_load %arg12[%parallel_loop3A_412, %parallel_loop3A_413] {strides = array<i32>} : memref<197x128xf32, #tpu.memory_space<vmem>>, vector<16xf32>,
            tpu.vector_store %arg12[%parallel_loop3A_412, %parallel_loop3A_413], %parallel_loop3A_411 {strides = array<i32>} : memref<197x128xf32, #tpu.memory_space<vmem>>, vector<16xf32>,
            %parallel_loop3A_415 = arith.addf %parallel_loop3A_407, %parallel_loop3A_411 : vector<16xf32>
            scf.yield %parallel_loop3A_415 : vector<16xf32>
          } {sc.loop_unroll_factor = 8 : i64, sc.parallel_access}
          %div3A_392 = arith.divf %broadcast_in_dim3A_78, %parallel_loop3A_391 : vector<16xf32>
          %parallel_loop3A_393 = arith.constant 0 : i32
          %parallel_loop3A_394 = arith.constant 197 : i32
          %parallel_loop3A_395 = arith.constant 1 : i32
          scf.for %parallel_loop3A_406 = %parallel_loop3A_393 to %parallel_loop3A_394 step %parallel_loop3A_395  : i32 {
            %parallel_loop3A_407 = arith.index_cast %parallel_loop3A_406 : i32 to index
            %parallel_loop3A_408 = arith.constant 96 : index
            %parallel_loop3A_409 = tpu.vector_load %arg12[%parallel_loop3A_407, %parallel_loop3A_408] {strides = array<i32>} : memref<197x128xf32, #tpu.memory_space<vmem>>, vector<16xf32>,
            %parallel_loop3A_410 = arith.mulf %parallel_loop3A_409, %div3A_392 : vector<16xf32>
            %parallel_loop3A_411 = arith.index_cast %parallel_loop3A_406 : i32 to index
            %parallel_loop3A_412 = arith.constant 96 : index
            %parallel_loop3A_413 = tpu.vector_load %arg12[%parallel_loop3A_411, %parallel_loop3A_412] {strides = array<i32>} : memref<197x128xf32, #tpu.memory_space<vmem>>, vector<16xf32>,
            tpu.vector_store %arg12[%parallel_loop3A_411, %parallel_loop3A_412], %parallel_loop3A_410 {strides = array<i32>} : memref<197x128xf32, #tpu.memory_space<vmem>>, vector<16xf32>,
          } {sc.loop_unroll_factor = 8 : i64, sc.parallel_access}
          %broadcast_in_dim3A_396 = arith.constant 0.000000e+00 : f32
          %broadcast_in_dim3A_397 = vector.broadcast %broadcast_in_dim3A_396 : f32 to vector<16xf32>
          %parallel_loop3A_398 = arith.constant 0 : i32
          %parallel_loop3A_399 = arith.constant 197 : i32
          %parallel_loop3A_400 = arith.constant 1 : i32
          %parallel_loop3A_401 = scf.for %parallel_loop3A_406 = %parallel_loop3A_398 to %parallel_loop3A_399 step %parallel_loop3A_400 iter_args(%parallel_loop3A_407 = %broadcast_in_dim3A_397) -> (vector<16xf32>)  : i32 {
            %parallel_loop3A_408 = arith.index_cast %parallel_loop3A_406 : i32 to index
            %parallel_loop3A_409 = arith.constant 112 : index
            %parallel_loop3A_410 = tpu.vector_load %arg10[%parallel_loop3A_408, %parallel_loop3A_409] {strides = array<i32>} : memref<197x128xf32, #tpu.memory_space<vmem>>, vector<16xf32>,
            %parallel_loop3A_411 = math.exp %parallel_loop3A_410 : vector<16xf32>
            %parallel_loop3A_412 = arith.index_cast %parallel_loop3A_406 : i32 to index
            %parallel_loop3A_413 = arith.constant 112 : index
            %parallel_loop3A_414 = tpu.vector_load %arg12[%parallel_loop3A_412, %parallel_loop3A_413] {strides = array<i32>} : memref<197x128xf32, #tpu.memory_space<vmem>>, vector<16xf32>,
            tpu.vector_store %arg12[%parallel_loop3A_412, %parallel_loop3A_413], %parallel_loop3A_411 {strides = array<i32>} : memref<197x128xf32, #tpu.memory_space<vmem>>, vector<16xf32>,
            %parallel_loop3A_415 = arith.addf %parallel_loop3A_407, %parallel_loop3A_411 : vector<16xf32>
            scf.yield %parallel_loop3A_415 : vector<16xf32>
          } {sc.loop_unroll_factor = 8 : i64, sc.parallel_access}
          %div3A_402 = arith.divf %broadcast_in_dim3A_78, %parallel_loop3A_401 : vector<16xf32>
          %parallel_loop3A_403 = arith.constant 0 : i32
          %parallel_loop3A_404 = arith.constant 197 : i32
          %parallel_loop3A_405 = arith.constant 1 : i32
          scf.for %parallel_loop3A_406 = %parallel_loop3A_403 to %parallel_loop3A_404 step %parallel_loop3A_405  : i32 {
            %parallel_loop3A_407 = arith.index_cast %parallel_loop3A_406 : i32 to index
            %parallel_loop3A_408 = arith.constant 112 : index
            %parallel_loop3A_409 = tpu.vector_load %arg12[%parallel_loop3A_407, %parallel_loop3A_408] {strides = array<i32>} : memref<197x128xf32, #tpu.memory_space<vmem>>, vector<16xf32>,
            %parallel_loop3A_410 = arith.mulf %parallel_loop3A_409, %div3A_402 : vector<16xf32>
            %parallel_loop3A_411 = arith.index_cast %parallel_loop3A_406 : i32 to index
            %parallel_loop3A_412 = arith.constant 112 : index
            %parallel_loop3A_413 = tpu.vector_load %arg12[%parallel_loop3A_411, %parallel_loop3A_412] {strides = array<i32>} : memref<197x128xf32, #tpu.memory_space<vmem>>, vector<16xf32>,
            tpu.vector_store %arg12[%parallel_loop3A_411, %parallel_loop3A_412], %parallel_loop3A_410 {strides = array<i32>} : memref<197x128xf32, #tpu.memory_space<vmem>>, vector<16xf32>,
          } {sc.loop_unroll_factor = 8 : i64, sc.parallel_access}
        } else {
          %parallel_loop3A = arith.constant 0 : i32
          %parallel_loop3A_328 = arith.constant 197 : i32
          %parallel_loop3A_329 = arith.constant 1 : i32
          scf.for %parallel_loop3A_351 = %parallel_loop3A to %parallel_loop3A_328 step %parallel_loop3A_329  : i32 {
            %parallel_loop3A_352 = arith.index_cast %parallel_loop3A_351 : i32 to index
            %parallel_loop3A_353 = arith.constant 0 : index
            %parallel_loop3A_354 = tpu.vector_load %arg10[%parallel_loop3A_352, %parallel_loop3A_353] {strides = array<i32>} : memref<197x128xf32, #tpu.memory_space<vmem>>, vector<16xf32>,
            %parallel_loop3A_355 = vector.broadcast %scan3A : f32 to vector<16xf32>
            %parallel_loop3A_356 = arith.mulf %parallel_loop3A_354, %parallel_loop3A_355 : vector<16xf32>
            %parallel_loop3A_357 = arith.mulf %parallel_loop3A_356, %parallel_loop3A_354 : vector<16xf32>
            %parallel_loop3A_358 = arith.index_cast %parallel_loop3A_351 : i32 to index
            %parallel_loop3A_359 = arith.constant 0 : index
            %parallel_loop3A_360 = tpu.vector_load %arg12[%parallel_loop3A_358, %parallel_loop3A_359] {strides = array<i32>} : memref<197x128xf32, #tpu.memory_space<vmem>>, vector<16xf32>,
            tpu.vector_store %arg12[%parallel_loop3A_358, %parallel_loop3A_359], %parallel_loop3A_357 {strides = array<i32>} : memref<197x128xf32, #tpu.memory_space<vmem>>, vector<16xf32>,
          } {sc.loop_unroll_factor = 8 : i64, sc.parallel_access}
          %parallel_loop3A_330 = arith.constant 0 : i32
          %parallel_loop3A_331 = arith.constant 197 : i32
          %parallel_loop3A_332 = arith.constant 1 : i32
          scf.for %parallel_loop3A_351 = %parallel_loop3A_330 to %parallel_loop3A_331 step %parallel_loop3A_332  : i32 {
            %parallel_loop3A_352 = arith.index_cast %parallel_loop3A_351 : i32 to index
            %parallel_loop3A_353 = arith.constant 16 : index
            %parallel_loop3A_354 = tpu.vector_load %arg10[%parallel_loop3A_352, %parallel_loop3A_353] {strides = array<i32>} : memref<197x128xf32, #tpu.memory_space<vmem>>, vector<16xf32>,
            %parallel_loop3A_355 = vector.broadcast %scan3A : f32 to vector<16xf32>
            %parallel_loop3A_356 = arith.mulf %parallel_loop3A_354, %parallel_loop3A_355 : vector<16xf32>
            %parallel_loop3A_357 = arith.mulf %parallel_loop3A_356, %parallel_loop3A_354 : vector<16xf32>
            %parallel_loop3A_358 = arith.index_cast %parallel_loop3A_351 : i32 to index
            %parallel_loop3A_359 = arith.constant 16 : index
            %parallel_loop3A_360 = tpu.vector_load %arg12[%parallel_loop3A_358, %parallel_loop3A_359] {strides = array<i32>} : memref<197x128xf32, #tpu.memory_space<vmem>>, vector<16xf32>,
            tpu.vector_store %arg12[%parallel_loop3A_358, %parallel_loop3A_359], %parallel_loop3A_357 {strides = array<i32>} : memref<197x128xf32, #tpu.memory_space<vmem>>, vector<16xf32>,
          } {sc.loop_unroll_factor = 8 : i64, sc.parallel_access}
          %parallel_loop3A_333 = arith.constant 0 : i32
          %parallel_loop3A_334 = arith.constant 197 : i32
          %parallel_loop3A_335 = arith.constant 1 : i32
          scf.for %parallel_loop3A_351 = %parallel_loop3A_333 to %parallel_loop3A_334 step %parallel_loop3A_335  : i32 {
            %parallel_loop3A_352 = arith.index_cast %parallel_loop3A_351 : i32 to index
            %parallel_loop3A_353 = arith.constant 32 : index
            %parallel_loop3A_354 = tpu.vector_load %arg10[%parallel_loop3A_352, %parallel_loop3A_353] {strides = array<i32>} : memref<197x128xf32, #tpu.memory_space<vmem>>, vector<16xf32>,
            %parallel_loop3A_355 = vector.broadcast %scan3A : f32 to vector<16xf32>
            %parallel_loop3A_356 = arith.mulf %parallel_loop3A_354, %parallel_loop3A_355 : vector<16xf32>
            %parallel_loop3A_357 = arith.mulf %parallel_loop3A_356, %parallel_loop3A_354 : vector<16xf32>
            %parallel_loop3A_358 = arith.index_cast %parallel_loop3A_351 : i32 to index
            %parallel_loop3A_359 = arith.constant 32 : index
            %parallel_loop3A_360 = tpu.vector_load %arg12[%parallel_loop3A_358, %parallel_loop3A_359] {strides = array<i32>} : memref<197x128xf32, #tpu.memory_space<vmem>>, vector<16xf32>,
            tpu.vector_store %arg12[%parallel_loop3A_358, %parallel_loop3A_359], %parallel_loop3A_357 {strides = array<i32>} : memref<197x128xf32, #tpu.memory_space<vmem>>, vector<16xf32>,
          } {sc.loop_unroll_factor = 8 : i64, sc.parallel_access}
          %parallel_loop3A_336 = arith.constant 0 : i32
          %parallel_loop3A_337 = arith.constant 197 : i32
          %parallel_loop3A_338 = arith.constant 1 : i32
          scf.for %parallel_loop3A_351 = %parallel_loop3A_336 to %parallel_loop3A_337 step %parallel_loop3A_338  : i32 {
            %parallel_loop3A_352 = arith.index_cast %parallel_loop3A_351 : i32 to index
            %parallel_loop3A_353 = arith.constant 48 : index
            %parallel_loop3A_354 = tpu.vector_load %arg10[%parallel_loop3A_352, %parallel_loop3A_353] {strides = array<i32>} : memref<197x128xf32, #tpu.memory_space<vmem>>, vector<16xf32>,
            %parallel_loop3A_355 = vector.broadcast %scan3A : f32 to vector<16xf32>
            %parallel_loop3A_356 = arith.mulf %parallel_loop3A_354, %parallel_loop3A_355 : vector<16xf32>
            %parallel_loop3A_357 = arith.mulf %parallel_loop3A_356, %parallel_loop3A_354 : vector<16xf32>
            %parallel_loop3A_358 = arith.index_cast %parallel_loop3A_351 : i32 to index
            %parallel_loop3A_359 = arith.constant 48 : index
            %parallel_loop3A_360 = tpu.vector_load %arg12[%parallel_loop3A_358, %parallel_loop3A_359] {strides = array<i32>} : memref<197x128xf32, #tpu.memory_space<vmem>>, vector<16xf32>,
            tpu.vector_store %arg12[%parallel_loop3A_358, %parallel_loop3A_359], %parallel_loop3A_357 {strides = array<i32>} : memref<197x128xf32, #tpu.memory_space<vmem>>, vector<16xf32>,
          } {sc.loop_unroll_factor = 8 : i64, sc.parallel_access}
          %parallel_loop3A_339 = arith.constant 0 : i32
          %parallel_loop3A_340 = arith.constant 197 : i32
          %parallel_loop3A_341 = arith.constant 1 : i32
          scf.for %parallel_loop3A_351 = %parallel_loop3A_339 to %parallel_loop3A_340 step %parallel_loop3A_341  : i32 {
            %parallel_loop3A_352 = arith.index_cast %parallel_loop3A_351 : i32 to index
            %parallel_loop3A_353 = arith.constant 64 : index
            %parallel_loop3A_354 = tpu.vector_load %arg10[%parallel_loop3A_352, %parallel_loop3A_353] {strides = array<i32>} : memref<197x128xf32, #tpu.memory_space<vmem>>, vector<16xf32>,
            %parallel_loop3A_355 = vector.broadcast %scan3A : f32 to vector<16xf32>
            %parallel_loop3A_356 = arith.mulf %parallel_loop3A_354, %parallel_loop3A_355 : vector<16xf32>
            %parallel_loop3A_357 = arith.mulf %parallel_loop3A_356, %parallel_loop3A_354 : vector<16xf32>
            %parallel_loop3A_358 = arith.index_cast %parallel_loop3A_351 : i32 to index
            %parallel_loop3A_359 = arith.constant 64 : index
            %parallel_loop3A_360 = tpu.vector_load %arg12[%parallel_loop3A_358, %parallel_loop3A_359] {strides = array<i32>} : memref<197x128xf32, #tpu.memory_space<vmem>>, vector<16xf32>,
            tpu.vector_store %arg12[%parallel_loop3A_358, %parallel_loop3A_359], %parallel_loop3A_357 {strides = array<i32>} : memref<197x128xf32, #tpu.memory_space<vmem>>, vector<16xf32>,
          } {sc.loop_unroll_factor = 8 : i64, sc.parallel_access}
          %parallel_loop3A_342 = arith.constant 0 : i32
          %parallel_loop3A_343 = arith.constant 197 : i32
          %parallel_loop3A_344 = arith.constant 1 : i32
          scf.for %parallel_loop3A_351 = %parallel_loop3A_342 to %parallel_loop3A_343 step %parallel_loop3A_344  : i32 {
            %parallel_loop3A_352 = arith.index_cast %parallel_loop3A_351 : i32 to index
            %parallel_loop3A_353 = arith.constant 80 : index
            %parallel_loop3A_354 = tpu.vector_load %arg10[%parallel_loop3A_352, %parallel_loop3A_353] {strides = array<i32>} : memref<197x128xf32, #tpu.memory_space<vmem>>, vector<16xf32>,
            %parallel_loop3A_355 = vector.broadcast %scan3A : f32 to vector<16xf32>
            %parallel_loop3A_356 = arith.mulf %parallel_loop3A_354, %parallel_loop3A_355 : vector<16xf32>
            %parallel_loop3A_357 = arith.mulf %parallel_loop3A_356, %parallel_loop3A_354 : vector<16xf32>
            %parallel_loop3A_358 = arith.index_cast %parallel_loop3A_351 : i32 to index
            %parallel_loop3A_359 = arith.constant 80 : index
            %parallel_loop3A_360 = tpu.vector_load %arg12[%parallel_loop3A_358, %parallel_loop3A_359] {strides = array<i32>} : memref<197x128xf32, #tpu.memory_space<vmem>>, vector<16xf32>,
            tpu.vector_store %arg12[%parallel_loop3A_358, %parallel_loop3A_359], %parallel_loop3A_357 {strides = array<i32>} : memref<197x128xf32, #tpu.memory_space<vmem>>, vector<16xf32>,
          } {sc.loop_unroll_factor = 8 : i64, sc.parallel_access}
          %parallel_loop3A_345 = arith.constant 0 : i32
          %parallel_loop3A_346 = arith.constant 197 : i32
          %parallel_loop3A_347 = arith.constant 1 : i32
          scf.for %parallel_loop3A_351 = %parallel_loop3A_345 to %parallel_loop3A_346 step %parallel_loop3A_347  : i32 {
            %parallel_loop3A_352 = arith.index_cast %parallel_loop3A_351 : i32 to index
            %parallel_loop3A_353 = arith.constant 96 : index
            %parallel_loop3A_354 = tpu.vector_load %arg10[%parallel_loop3A_352, %parallel_loop3A_353] {strides = array<i32>} : memref<197x128xf32, #tpu.memory_space<vmem>>, vector<16xf32>,
            %parallel_loop3A_355 = vector.broadcast %scan3A : f32 to vector<16xf32>
            %parallel_loop3A_356 = arith.mulf %parallel_loop3A_354, %parallel_loop3A_355 : vector<16xf32>
            %parallel_loop3A_357 = arith.mulf %parallel_loop3A_356, %parallel_loop3A_354 : vector<16xf32>
            %parallel_loop3A_358 = arith.index_cast %parallel_loop3A_351 : i32 to index
            %parallel_loop3A_359 = arith.constant 96 : index
            %parallel_loop3A_360 = tpu.vector_load %arg12[%parallel_loop3A_358, %parallel_loop3A_359] {strides = array<i32>} : memref<197x128xf32, #tpu.memory_space<vmem>>, vector<16xf32>,
            tpu.vector_store %arg12[%parallel_loop3A_358, %parallel_loop3A_359], %parallel_loop3A_357 {strides = array<i32>} : memref<197x128xf32, #tpu.memory_space<vmem>>, vector<16xf32>,
          } {sc.loop_unroll_factor = 8 : i64, sc.parallel_access}
          %parallel_loop3A_348 = arith.constant 0 : i32
          %parallel_loop3A_349 = arith.constant 197 : i32
          %parallel_loop3A_350 = arith.constant 1 : i32
          scf.for %parallel_loop3A_351 = %parallel_loop3A_348 to %parallel_loop3A_349 step %parallel_loop3A_350  : i32 {
            %parallel_loop3A_352 = arith.index_cast %parallel_loop3A_351 : i32 to index
            %parallel_loop3A_353 = arith.constant 112 : index
            %parallel_loop3A_354 = tpu.vector_load %arg10[%parallel_loop3A_352, %parallel_loop3A_353] {strides = array<i32>} : memref<197x128xf32, #tpu.memory_space<vmem>>, vector<16xf32>,
            %parallel_loop3A_355 = vector.broadcast %scan3A : f32 to vector<16xf32>
            %parallel_loop3A_356 = arith.mulf %parallel_loop3A_354, %parallel_loop3A_355 : vector<16xf32>
            %parallel_loop3A_357 = arith.mulf %parallel_loop3A_356, %parallel_loop3A_354 : vector<16xf32>
            %parallel_loop3A_358 = arith.index_cast %parallel_loop3A_351 : i32 to index
            %parallel_loop3A_359 = arith.constant 112 : index
            %parallel_loop3A_360 = tpu.vector_load %arg12[%parallel_loop3A_358, %parallel_loop3A_359] {strides = array<i32>} : memref<197x128xf32, #tpu.memory_space<vmem>>, vector<16xf32>,
            tpu.vector_store %arg12[%parallel_loop3A_358, %parallel_loop3A_359], %parallel_loop3A_357 {strides = array<i32>} : memref<197x128xf32, #tpu.memory_space<vmem>>, vector<16xf32>,
          } {sc.loop_unroll_factor = 8 : i64, sc.parallel_access}
        }
        %dma_start3A_320 = arith.constant 0 : i32
        %dma_start3A_321 = arith.constant 0 : i32
        %dma_start3A_322 = tpu.memref_slice %arg5[%add3A_283, %dma_start3A_320, %dma_start3A_321] : memref<591x197x128xf32, #tpu.memory_space<hbm>> -> memref<1x197x128xf32, #tpu.memory_space<hbm>>
        %dma_start3A_323 = tpu.memref_squeeze %dma_start3A_322 : memref<1x197x128xf32, #tpu.memory_space<hbm>> -> memref<197x128xf32, #tpu.memory_space<hbm>>
        %dma_start3A_324 = arith.constant 0 : i32
        %dma_start3A_325 = arith.constant 0 : i32
        %dma_start3A_326 = tpu.memref_slice %arg5[%add3A_283, %dma_start3A_324, %dma_start3A_325] : memref<591x197x128xf32, #tpu.memory_space<hbm>> -> memref<1x197x128xf32, #tpu.memory_space<hbm>>
        %dma_start3A_327 = tpu.memref_squeeze %dma_start3A_326 : memref<1x197x128xf32, #tpu.memory_space<hbm>> -> memref<197x128xf32, #tpu.memory_space<hbm>>
        tpu.enqueue_dma source(%arg12 : memref<197x128xf32, #tpu.memory_space<vmem>>) target(%dma_start3A_327 : memref<197x128xf32, #tpu.memory_space<hbm>>) target_semaphore(%arg16 : memref<!tpu.dma_semaphore, #tpu.memory_space<semaphore_mem>>)
      } else {
      }
      %add3A_299 = arith.constant 64 : i32
      %add3A_300 = arith.addi %add3A_283, %add3A_299 : i32
      %lt3A_301 = arith.constant 591 : i32
      %lt3A_302 = arith.cmpi slt, %add3A_300, %lt3A_301 : i32
      %convert_element_type3A_303 = arith.extui %lt3A_302 : i1 to i32
      %cond3A_304 = arith.constant 0 : i32
      %cond3A_305 = arith.cmpi ne, %convert_element_type3A_303, %cond3A_304 : i32
      scf.if %cond3A_305 {
        %dma_start3A_307 = arith.constant 0 : i32
        %dma_start3A_308 = arith.constant 0 : i32
        %dma_start3A_309 = tpu.memref_slice %arg2[%add3A_300, %dma_start3A_307, %dma_start3A_308] : memref<591x197x128xf32, #tpu.memory_space<hbm>> -> memref<1x197x128xf32, #tpu.memory_space<hbm>>
        %dma_start3A_310 = tpu.memref_squeeze %dma_start3A_309 : memref<1x197x128xf32, #tpu.memory_space<hbm>> -> memref<197x128xf32, #tpu.memory_space<hbm>>
        %dma_start3A_311 = arith.constant 0 : i32
        %dma_start3A_312 = arith.constant 0 : i32
        %dma_start3A_313 = tpu.memref_slice %arg2[%add3A_300, %dma_start3A_311, %dma_start3A_312] : memref<591x197x128xf32, #tpu.memory_space<hbm>> -> memref<1x197x128xf32, #tpu.memory_space<hbm>>
        %dma_start3A_314 = tpu.memref_squeeze %dma_start3A_313 : memref<1x197x128xf32, #tpu.memory_space<hbm>> -> memref<197x128xf32, #tpu.memory_space<hbm>>
        tpu.enqueue_dma source(%dma_start3A_314 : memref<197x128xf32, #tpu.memory_space<hbm>>) target(%arg10 : memref<197x128xf32, #tpu.memory_space<vmem>>) target_semaphore(%arg14 : memref<!tpu.dma_semaphore, #tpu.memory_space<semaphore_mem>>)
      } else {
      }
      %scan3A_306 = arith.constant 0 : i32
      scf.yield %scan3A_306 : i32
    }
    %scan3A_253 = arith.constant 10 : i32
    %add3A_254 = arith.constant 576 : i32
    %add3A_255 = arith.addi %add3A, %add3A_254 : i32
    %lt3A = arith.constant 591 : i32
    %lt3A_256 = arith.cmpi slt, %add3A_255, %lt3A : i32
    %convert_element_type3A = arith.extui %lt3A_256 : i1 to i32
    %cond3A = arith.constant 0 : i32
    %cond3A_257 = arith.cmpi ne, %convert_element_type3A, %cond3A : i32
    scf.if %cond3A_257 {
      %dma_wait3A = arith.constant 0 : i32
      %dma_wait3A_258 = arith.constant 0 : i32
      %dma_wait3A_259 = arith.constant 0 : i32
      %dma_wait3A_260 = tpu.memref_slice %arg2[%dma_wait3A, %dma_wait3A_258, %dma_wait3A_259] : memref<591x197x128xf32, #tpu.memory_space<hbm>> -> memref<1x197x128xf32, #tpu.memory_space<hbm>>
      %dma_wait3A_261 = tpu.memref_squeeze %dma_wait3A_260 : memref<1x197x128xf32, #tpu.memory_space<hbm>> -> memref<197x128xf32, #tpu.memory_space<hbm>>
      %dma_wait3A_262 = arith.constant 0 : i32
      %dma_wait3A_263 = arith.constant 0 : i32
      %dma_wait3A_264 = tpu.memref_slice %arg2[%dma_wait3A, %dma_wait3A_262, %dma_wait3A_263] : memref<591x197x128xf32, #tpu.memory_space<hbm>> -> memref<1x197x128xf32, #tpu.memory_space<hbm>>
      %dma_wait3A_265 = tpu.memref_squeeze %dma_wait3A_264 : memref<1x197x128xf32, #tpu.memory_space<hbm>> -> memref<197x128xf32, #tpu.memory_space<hbm>>
      tpu.wait_dma2 semaphore(%arg15 : memref<!tpu.dma_semaphore, #tpu.memory_space<semaphore_mem>>) src(%dma_wait3A_265 : memref<197x128xf32, #tpu.memory_space<hbm>>) dst(%arg11 : memref<197x128xf32, #tpu.memory_space<vmem>>)
    } else {
    }
    return
  }
}

</mosaic_0001>

<sc_bundles>
// kernel: kernel.3.cloned.1.call-start
scs
__scs_entry_jumppad:
0x0: {  	(pc) =	sbr.rel $0x88, $3  }
0x1: {  	(tag) =	ssettag $0x0;
	lr =	simm.s32 $0x1  }
0x2: {  	[smem:$0x3F9E] =	sst lr;
	_ =	strace $0xD0000000  }
0x3: {  	_ = 	snop  }
0x4: {  	_ = 	snop  }
0x5: {  	_ = 	snop  }
0x6: {  	_ = 	snop  }
0x7: {  	_ = 	snop  }
__scs_overlays_trampoline_lowered:
0x8: {  	[smem:$0x3FAD] =	sst s0  }
0x9: {  	[smem:$0x3FAE] =	sst s1  }
0xa: {  	[smem:$0x3FAF] =	sst s2  }
0xb: {  	[smem:$0x3FB0] =	sst s3  }
0xc: {  	[smem:$0x3FB1] =	sst s4  }
0xd: {  	[smem:$0x3FB2] =	sst s5  }
0xe: {  	[smem:$0x3FB3] =	sst s6  }
0xf: {  	[smem:$0x3FB4] =	sst s7  }
0x10: {  	[smem:$0x3FB5] =	sst s8  }
0x11: {  	[smem:$0x3FB6] =	sst s9;
	s0 =	simm.s32 @!p0 $0x0  }
0x12: {  	s1 =	sld [smem:$0x3F9C];
	s0 =	simm.s32 @p0 $0x1  }
0x13: {  	[smem:$0x3FB7] =	sst s0;
	s0 =	simm.s32 @!p1 $0x0  }
0x14: {  	s2 =	sld [smem:$0x3F9B];
	s0 =	simm.s32 @p1 $0x1  }
0x15: {  	[smem:$0x3FB8] =	sst s0;
	s0 =	simm.s32 @!p2 $0x0  }
0x16: {  	s3 =	sld [smem:$0x3FDB];
	s0 =	simm.s32 @p2 $0x1  }
0x17: {  	s4 =	simm.s32 $0x1BF5;
	[smem:$0x3FBA] =	sst s0  }
0x18: {  	s0 =	sld [smem:$0x3F9D];
	_ =	swait.ge [sflag:s4], $0x0  }
0x19: {  	s7 =	sld [smem:$0x3F9E]  }
0x1a: {  	s8 =	sadd.s32 $0xFFFFE003, lr  }
0x1b: {  	s9 =	sadd.s32 $0xFFFFFEF7, lr;
	s5 =	simm.s32 $0xFFFFFFFF;
	p2 =	slt.u32 s8, $0xFFFFF086  }
0x1c: {  	p1 =	slt.u32 s9, $0xF7A;
	s5 =	simm.s32 @!p2 $0x0  }
0x1d: {  	s5 =	simm.s32 @p1 $0x1;
	p0 =	seq.s32 s7, s2  }
0x1e: {  	s7 =	smul.u32 @!p0 $0xF7A, s2;
	p2 =	seq.s32 @!p0 s5, $0x0  }
0x1f: {  	s9 =	smul.u32 $0xF7A, s1;
	s8 =	simm.s32 @!p0 $0x1BF5;
	p2 =	por !p2, p0  }
0x20: {  	[sflag:s8] =	ssyncset.s32 @!p0 $0xFFFFF086;
	s6 =	sadd.s32 @!p0 s3, s7;
	s7 =	simm.s32 @!p0 $0x108  }
0x21: {  	s3 =	sadd.s32 s3, s9;
	s6 =	sadd.s32 @!p0 $0x88, s6;
	s7 =	simm.s32 @p2 $0x1082  }
0x22: {  	[simem:s7], [sflag:s8] =	dma.local @!p0 [hbm:s6], $0xF7A  }
0x23: {  	s9 =	sor.u32 $0xD0000000, s2;
	s6 =	simm.s32 $0x108;
	_ =	swait.ge @!p0 [sflag:s8], $0x0  }
0x24: {  	s3 =	sadd.s32 $0x88, s3;
	s6 =	simm.s32 @!p1 $0x1082;
	[sflag:s4] =	ssyncset.s32 $0xFFFFF086  }
0x25: {  	[simem:s6], [sflag:s4] =	dma.local [hbm:s3], $0xF7A  }
0x26: {  	[smem:$0x3F9E] =	sst s1;
	(tag) =	ssettag s2;
	_ =	strace s9  }
0x27: {  	s1 =	sld [smem:$0x3FAE]  }
0x28: {  	s2 =	sld [smem:$0x3FAF]  }
0x29: {  	s4 =	sld [smem:$0x3FB1]  }
0x2a: {  	p0 =	seq.s32 s5, $0x0;
	s5 =	sld [smem:$0x3FB2]  }
0x2b: {  	s6 =	sld [smem:$0x3FB3]  }
0x2c: {  	s7 =	sld [smem:$0x3FB4]  }
0x2d: {  	s3 =	simm.s32 $0x108;
	s8 =	sld [smem:$0x3FB5]  }
0x2e: {  	s3 =	simm.s32 @!p0 $0x1082;
	s9 =	sld [smem:$0x3FB6]  }
0x2f: {  	lr =	sadd.s32 s0, s3;
	s0 =	sld [smem:$0x3FAD]  }
0x30: {  	s3 =	sld [smem:$0x3FB0]  }
0x31: {  	[smem:$0x3FB9] =	sst s10  }
0x32: {  	s10 =	sld [smem:$0x3FB7];
	_ =	sdelay $0x3  }
0x33: {  	p0 =	seq.s32 s10, $0x1;
	s10 =	sld [smem:$0x3FB9];
	_ =	sdelay $0x3  }
0x34: {  	[smem:$0x3FB9] =	sst s10  }
0x35: {  	s10 =	sld [smem:$0x3FB8];
	_ =	sdelay $0x3  }
0x36: {  	p1 =	seq.s32 s10, $0x1;
	s10 =	sld [smem:$0x3FB9];
	_ =	sdelay $0x3  }
0x37: {  	[smem:$0x3FB9] =	sst s10  }
0x38: {  	s10 =	sld [smem:$0x3FBA]  }
0x39: {  	_ = 	snop;
	(pc) =	sbr.ind lr, $3  }
0x3a: {  	_ = 	snop  }
0x3b: {  	_ = 	snop  }
0x3c: {  	p2 =	seq.s32 s10, $0x1;
	s10 =	sld [smem:$0x3FB9]  }
0x3d: {  	_ =	shalt  }
0x3e: {  	_ =	shalt  }
0x3f: {  	_ =	shalt  }
0x40: {  	_ =	shalt  }
0x41: {  	_ =	shalt  }
0x42: {  	_ =	shalt  }
0x43: {  	_ =	shalt  }
0x44: {  	_ =	shalt  }
0x45: {  	_ =	shalt  }
0x46: {  	_ =	shalt  }
0x47: {  	_ =	shalt  }
0x48: {  	_ =	shalt  }
0x49: {  	_ =	shalt  }
0x4a: {  	_ =	shalt  }
0x4b: {  	_ =	shalt  }
0x4c: {  	_ =	shalt  }
0x4d: {  	_ =	shalt  }
0x4e: {  	_ =	shalt  }
0x4f: {  	_ =	shalt  }
0x50: {  	_ =	shalt  }
0x51: {  	_ =	shalt  }
0x52: {  	_ =	shalt  }
0x53: {  	_ =	shalt  }
0x54: {  	_ =	shalt  }
0x55: {  	_ =	shalt  }
0x56: {  	_ =	shalt  }
0x57: {  	_ =	shalt  }
0x58: {  	_ =	shalt  }
0x59: {  	_ =	shalt  }
0x5a: {  	_ =	shalt  }
0x5b: {  	_ =	shalt  }
0x5c: {  	_ =	shalt  }
0x5d: {  	_ =	shalt  }
0x5e: {  	_ =	shalt  }
0x5f: {  	_ =	shalt  }
0x60: {  	_ =	shalt  }
0x61: {  	_ =	shalt  }
0x62: {  	_ =	shalt  }
0x63: {  	_ =	shalt  }
0x64: {  	_ =	shalt  }
0x65: {  	_ =	shalt  }
0x66: {  	_ =	shalt  }
0x67: {  	_ =	shalt  }
0x68: {  	_ =	shalt  }
0x69: {  	_ =	shalt  }
0x6a: {  	_ =	shalt  }
0x6b: {  	_ =	shalt  }
0x6c: {  	_ =	shalt  }
0x6d: {  	_ =	shalt  }
0x6e: {  	_ =	shalt  }
0x6f: {  	_ =	shalt  }
0x70: {  	_ =	shalt  }
0x71: {  	_ =	shalt  }
0x72: {  	_ =	shalt  }
0x73: {  	_ =	shalt  }
0x74: {  	_ =	shalt  }
0x75: {  	_ =	shalt  }
0x76: {  	_ =	shalt  }
0x77: {  	_ =	shalt  }
0x78: {  	_ =	shalt  }
0x79: {  	_ =	shalt  }
0x7a: {  	_ =	shalt  }
0x7b: {  	_ =	shalt  }
0x7c: {  	_ =	shalt  }
0x7d: {  	_ =	shalt  }
0x7e: {  	_ =	shalt  }
0x7f: {  	_ =	shalt  }
0x80: {  	_ =	shalt  }
0x81: {  	_ =	shalt  }
0x82: {  	_ =	shalt  }
0x83: {  	_ =	shalt  }
0x84: {  	_ =	shalt  }
0x85: {  	_ =	shalt  }
0x86: {  	_ =	shalt  }
0x87: {  	_ =	shalt  }
.Lfunc_end0:
.L_simem_size_0:
called_computation_lowered:
.L_overlay_start_0:
0x88: {  	s2 =	sld [smem:$0x3FD9]  }
0x89: {  	s3 =	sld [smem:$0x3FFE];
	_ =	sdelay $0x1  }
0x8a: {  	s1 =	srdreg.scid  }
0x8b: {  	s0 =	sand.u32 $0x1, s1  }
0x8c: {  	s18 =	sshll.u32 s0, $0xA;
	s2 =	sadd.s32 s3, s2  }
0x8d: {  	s2 =	sadd.s32 s2, s18  }
0x8e: {  	[smem:$0x3FC5] =	sst s2  }
0x8f: {  	_ = 	snop  }
0x90: {  	s2 =	sld [smem:$0x3FC9]  }
0x91: {  	s19 =	sld [smem:$0x3FC8]  }
0x92: {  	s4 =	sld [smem:$0x3FC7]  }
0x93: {  	s5 =	sld [smem:$0x3FD0];
	(tm) =	ssettm $0x1  }
0x94: {  	s6 =	sld [smem:$0x3FFB];
	_ =	sdelay $0x3  }
0x95: {  	_ =	strace s6  }
0x96: {  	s6 =	sld [smem:$0x3FFC];
	_ =	sdelay $0x3  }
0x97: {  	_ =	strace s6  }
0x98: {  	s6 =	sld [smem:$0x3FFD];
	_ =	sdelay $0x3  }
0x99: {  	_ =	strace s6  }
0x9a: {  	_ =	strace $0x8FFFFFFF  }
0x9b: {  	s20 =	sld [smem:$0x3FDB];
	_ =	sdelay $0x1  }
0x9c: {  	s7 =	simm.s32 $_scs_section_size  }
0x9d: {  	s8 =	simm.s32 $_size__tile_overlayer_lowered;
	s9 =	simm.s32 $_tile_overlayer_lowered  }
0x9e: {  	s23 =	simm.s32 $0x1BFF;
	s22 =	sshll.u32 s9, $0x1;
	s6 =	sadd.s32 s7, s20  }
0x9f: {  	s10 =	simm.s32 $0x0;
	s21 =	sshll.u32 s8, $0x1;
	s8 =	sadd.s32 s22, s6  }
0xa0: {  	[timem:s10], [sflag:s23] =	dma.local [hbm:s8], s21  }
0xa1: {  	_ =	swait.ge [sflag:s23], s21  }
0xa2: {  	s7 =	ssub.s32 $0x0, s21;
	[sflag:s23] =	ssyncset.done $0x0  }
0xa3: {  	[sflag:s23] =	ssyncadd.s32 s7;
	_ =	sdelay $0x1  }
0xa4: {  	s24 =	simm.s32 $0x1B8B  }
0xa5: {  	_ =	swait.ge [sflag:s24], $0x1  }
0xa6: {  	[sflag:s24] =	ssyncset.done $0x0  }
0xa7: {  	s25 =	simm.s32 $0x1B8E;
	[sflag:s24] =	ssyncadd.s32 $0xFFFFFFFF  }
0xa8: {  	s26 =	simm.s32 $execute0_lowered;
	[smem:$0x3FD2] =	sst s25  }
0xa9: {  	s7 =	sshll.u32 s26, $0x1;
	_ =	strace $0x80000046;
	[dreg:$0x1] =	wrdreg $0xFFFFFFFF  }
0xaa: {  	s28 =	simm.s32 $_size_execute0_lowered;
	s6 =	sadd.s32 s6, s7;
	[dreg:$0x0] =	wrdreg $0x0  }
0xab: {  	s7 =	sshll.u32 s28, $0x1;
	[dreg:$0x2] =	wrdreg s6  }
0xac: {  	[dreg:$0x3] =	wrdreg s7  }
0xad: {  	[dreg:$0x4] =	wrdreg $0xC0  }
0xae: {  	_ =	task [dreg:s10], $0x5FFFF  }
0xaf: {  	[dreg:$0x1] =	wrdreg $0xFFFFFFFF  }
0xb0: {  	[dreg:$0x0] =	wrdreg $0x60  }
0xb1: {  	[dreg:$0x2] =	wrdreg s2  }
0xb2: {  	[dreg:$0x3] =	wrdreg s19  }
0xb3: {  	[dreg:$0x4] =	wrdreg s4  }
0xb4: {  	[dreg:$0x5] =	wrdreg s5  }
0xb5: {  	[dreg:$0x6] =	wrdreg $0x9  }
0xb6: {  	_ =	task.clear_ibuf [dreg:s10], $0x7FFFF;
	_ =	strace $0x90000046  }
0xb7: {  	s29 =	simm.s32 $0x9;
	_ =	strace $0x80000048  }
0xb8: {  	_ =	swait.ge [sflag:s29], $0x1  }
0xb9: {  	[sflag:s29] =	ssyncadd.s32 $0xFFFFFFFF  }
0xba: {  	_ =	strace $0x90000048  }
0xbb: {  	_ =	sfence  }
0xbc: {  	s30 =	sld [smem:$0x0];
	_ =	sdelay $0x2  }
0xbd: {  	s31 =	sshll.u32 s1, $0xD;
	s1 =	sshrl.u32 s1, $0x2  }
0xbe: {  	s3 =	sand.u32 $0x4000, s31;
	s1 =	sadd.s32 s1, s30  }
0xbf: {  	s0 =	sor.u32 s3, s0;
	s1 =	sshll.u32 s1, $0x11  }
0xc0: {  	s0 =	sor.u32 s1, s0  }
0xc1: {  	s0 =	sadd.s32 $0x8F2B, s0  }
0xc2: {  	[sflag:s0] =	ssyncadd.remote.s32 $0x1  }
0xc3: {  	_ =	sfence.sel $0xFFFF  }
0xc4: {  	[dreg:$0x0] =	wrdreg $0xFFFFFFFF;
	(pc) =	sbr.abs _section_cstart, $3  }
0xc5: {  	[dreg:$0x1] =	wrdreg $0xFFFFFFFF  }
0xc6: {  	_ =	task.clear_ibuf [dreg:s10], $0x2FFFF;
	_ =	strace $0x9FFFFFFF  }
0xc7: {  	(tm) =	ssettm $0x7FFFFFFF  }
tec
execute0_lowered:
.L_overlay_start_1:
0x0: {  	(tag) =	ssettag $0x1  }
0x1: {  	s1 =	rddreg [dreg:$0x0]  }
0x2: {  	s2 =	rddreg [dreg:$0x1]  }
0x3: {  	s3 =	srdreg.scid;
	s4 =	rddreg [dreg:$0x2]  }
0x4: {  	s0 =	stileid.u32;
	s5 =	rddreg [dreg:$0x3]  }
0x5: {  	s7 =	simm.s32 $0x0;
	s12 =	simm.s32 $0x5;
	s13 =	simm.s32 $0x400  }
0x6: {  	s14 =	simm.s32 $0x580;
	s15 =	simm.s32 $0x6980;
	s16 =	simm.s32 $0x1  }
0x7: {  	s17 =	simm.s32 $0xCD80;
	s8 =	sand.u32 $0x1, s3;
	s31 =	sshll.u32 s0, $0x1  }
0x8: {  	s18 =	simm.s32 $0x4;
	s19 =	simm.s32 $0x2;
	s6 =	sor.u32 s8, s31  }
0x9: {  	s20 =	simm.s32 $0x13180;
	s3 =	rddreg [dreg:$0x4];
	s9 =	smul.u32 $0x6400, s6  }
.Ltmp0:
0xa: {  	s21 =	simm.s32 $0x0;
	[smem:$0x7FF] =	sst s7;
	(pc) =	sbr.rel .LBB2_1-.Ltmp0, $4  }
0xb: {  	s8 =	ssub.s32 $0x2, s8;
	_ =	strace $0x80000047;
	s11 =	smul.u32 $0xC80, s6  }
0xc: {  	s10 =	sshrl.u32 s8, $0x1;
	p0 =	sgt.u32 s6, $0xE;
	s9 =	sshrl.u32 s9, $0x3  }
0xd: {  	s10 =	ssub.s32 s8, s10;
	s8 =	sadd.s32 s1, s11;
	s9 =	sadd.s32 s1, s9  }
0xe: {  	v0 =	vimm.f32 $0.0e+00;
	v1 =	vimm.f32 $1.000000000e+00;
	s10 =	smax.u32 s10, $0x1;
	s11 =	simm.s32 $0x280;
	s9 =	sadd.s32 $0x19000, s9  }
.LBB2_205:
0xf: {  	s21 =	sadd.s32 $0x1, s21  }
0x10: {  	p1 =	sne.s32 s21, s10  }
.Ltmp1:
0x11: {  	_ = 	snop;
	(pc) =	sbr.rel @!p1 .LBB2_206-.Ltmp1, $4  }
0x12: {  	s22 =	simm.s32 @!p0 $0x3  }
0x13: {  	_ =	swait.ge @!p0 [sflag:s22], $0x6280  }
0x14: {  	[sflag:s22] =	ssyncset.done @!p0 $0x0  }
0x15: {  	[sflag:s22] =	ssyncadd.s32 @!p0 $0xFFFF9D80  }
.LBB2_1:
0x16: {  	[tilespmem:$0x0] =	vst v0  }
0x17: {  	[tilespmem:$0x10] =	vst v0  }
0x18: {  	[tilespmem:$0x20] =	vst v0  }
0x19: {  	[tilespmem:$0x30] =	vst v0  }
0x1a: {  	[tilespmem:$0x40] =	vst v0  }
0x1b: {  	[tilespmem:$0x50] =	vst v0  }
0x1c: {  	[tilespmem:$0x60] =	vst v0  }
0x1d: {  	[tilespmem:$0x70] =	vst v0  }
0x1e: {  	[tilespmem:$0x80] =	vst v0  }
0x1f: {  	[tilespmem:$0x90] =	vst v0  }
0x20: {  	[tilespmem:$0xA0] =	vst v0  }
0x21: {  	[tilespmem:$0xB0] =	vst v0  }
0x22: {  	[tilespmem:$0xC0] =	vst v0  }
0x23: {  	[tilespmem:$0xD0] =	vst v0  }
0x24: {  	[tilespmem:$0xE0] =	vst v0  }
0x25: {  	[tilespmem:$0xF0] =	vst v0  }
0x26: {  	[tilespmem:$0x100] =	vst v0  }
0x27: {  	[tilespmem:$0x110] =	vst v0  }
0x28: {  	[tilespmem:$0x120] =	vst v0  }
0x29: {  	[tilespmem:$0x130] =	vst v0  }
0x2a: {  	[tilespmem:$0x140] =	vst v0  }
0x2b: {  	[tilespmem:$0x150] =	vst v0  }
0x2c: {  	[tilespmem:$0x160] =	vst v0  }
0x2d: {  	[tilespmem:$0x170] =	vst v0  }
0x2e: {  	[tilespmem:$0x180] =	vst v0  }
0x2f: {  	[tilespmem:$0x190] =	vst v0  }
0x30: {  	[tilespmem:$0x1A0] =	vst v0  }
0x31: {  	[tilespmem:$0x1B0] =	vst v0  }
0x32: {  	[tilespmem:$0x1C0] =	vst v0  }
0x33: {  	[tilespmem:$0x1D0] =	vst v0  }
0x34: {  	[tilespmem:$0x1E0] =	vst v0  }
0x35: {  	[tilespmem:$0x1F0] =	vst v0  }
0x36: {  	[tilespmem:$0x200] =	vst v0  }
0x37: {  	[tilespmem:$0x210] =	vst v0  }
0x38: {  	[tilespmem:$0x220] =	vst v0  }
0x39: {  	[tilespmem:$0x230] =	vst v0  }
0x3a: {  	[tilespmem:$0x240] =	vst v0  }
0x3b: {  	[tilespmem:$0x250] =	vst v0  }
0x3c: {  	[tilespmem:s11], [sflag:$0x5] =	stream.linear.gather [hbm4b:s2+s7], $0x180, $0x38;
	[tilespmem:$0x19580] =	vst v63  }
0x3d: {  	_ =	swait.ge [sflag:s12], $0x180  }
0x3e: {  	[sflag:s12] =	ssyncset.done $0x0  }
0x3f: {  	[sflag:s12] =	ssyncadd.s32 $0xFFFFFE80  }
0x40: {  	[tilespmem:s13], [sflag:$0x5] =	stream.linear.gather [hbm4b:s4+s7], $0x180, $0x38;
	[tilespmem:$0x19580] =	vst v63  }
0x41: {  	_ =	swait.ge [sflag:s12], $0x180  }
0x42: {  	[sflag:s12] =	ssyncset.done $0x0  }
0x43: {  	[sflag:s12] =	ssyncadd.s32 $0xFFFFFE80  }
0x44: {  	v2 =	vld [tilespmem:$0x280];
	_ =	sdelay $0x1  }
0x45: {  	v3 =	vld [tilespmem:$0x400];
	_ =	sdelay $0x2  }
0x46: {  	v2 =	vmul.u32 $0xC5, v2;
	_ =	sdelay $0x1  }
0x47: {  	v2 =	vadd.s32 v3, v2;
	_ =	sdelay $0x4  }
0x48: {  	[tilespmem:v2+s7+$0x0] =	vst.idx.msk $0xffff, v1  }
0x49: {  	v2 =	vld [tilespmem:$0x290];
	_ =	sdelay $0x1  }
0x4a: {  	v3 =	vld [tilespmem:$0x410];
	_ =	sdelay $0x2  }
0x4b: {  	v2 =	vmul.u32 $0xC5, v2;
	_ =	sdelay $0x1  }
0x4c: {  	v2 =	vadd.s32 v3, v2;
	_ =	sdelay $0x4  }
0x4d: {  	[tilespmem:v2+s7+$0x0] =	vst.idx.msk $0xffff, v1  }
0x4e: {  	v2 =	vld [tilespmem:$0x2A0];
	_ =	sdelay $0x1  }
0x4f: {  	v3 =	vld [tilespmem:$0x420];
	_ =	sdelay $0x2  }
0x50: {  	v2 =	vmul.u32 $0xC5, v2;
	_ =	sdelay $0x1  }
0x51: {  	v2 =	vadd.s32 v3, v2;
	_ =	sdelay $0x4  }
0x52: {  	[tilespmem:v2+s7+$0x0] =	vst.idx.msk $0xffff, v1  }
0x53: {  	v2 =	vld [tilespmem:$0x2B0];
	_ =	sdelay $0x1  }
0x54: {  	v3 =	vld [tilespmem:$0x430];
	_ =	sdelay $0x2  }
0x55: {  	v2 =	vmul.u32 $0xC5, v2;
	_ =	sdelay $0x1  }
0x56: {  	v2 =	vadd.s32 v3, v2;
	_ =	sdelay $0x4  }
0x57: {  	[tilespmem:v2+s7+$0x0] =	vst.idx.msk $0xffff, v1  }
0x58: {  	v2 =	vld [tilespmem:$0x2C0];
	_ =	sdelay $0x1  }
0x59: {  	v3 =	vld [tilespmem:$0x440];
	_ =	sdelay $0x2  }
0x5a: {  	v2 =	vmul.u32 $0xC5, v2;
	_ =	sdelay $0x1  }
0x5b: {  	v2 =	vadd.s32 v3, v2;
	_ =	sdelay $0x4  }
0x5c: {  	[tilespmem:v2+s7+$0x0] =	vst.idx.msk $0xffff, v1  }
0x5d: {  	v2 =	vld [tilespmem:$0x2D0];
	_ =	sdelay $0x1  }
0x5e: {  	v3 =	vld [tilespmem:$0x450];
	_ =	sdelay $0x2  }
0x5f: {  	v2 =	vmul.u32 $0xC5, v2;
	_ =	sdelay $0x1  }
0x60: {  	v2 =	vadd.s32 v3, v2;
	_ =	sdelay $0x4  }
0x61: {  	[tilespmem:v2+s7+$0x0] =	vst.idx.msk $0xffff, v1  }
0x62: {  	v2 =	vld [tilespmem:$0x2E0];
	_ =	sdelay $0x1  }
0x63: {  	v3 =	vld [tilespmem:$0x460];
	_ =	sdelay $0x2  }
0x64: {  	v2 =	vmul.u32 $0xC5, v2;
	_ =	sdelay $0x1  }
0x65: {  	v2 =	vadd.s32 v3, v2;
	_ =	sdelay $0x4  }
0x66: {  	[tilespmem:v2+s7+$0x0] =	vst.idx.msk $0xffff, v1  }
0x67: {  	v2 =	vld [tilespmem:$0x2F0];
	_ =	sdelay $0x1  }
0x68: {  	v3 =	vld [tilespmem:$0x470];
	_ =	sdelay $0x2  }
0x69: {  	v2 =	vmul.u32 $0xC5, v2;
	_ =	sdelay $0x1  }
0x6a: {  	v2 =	vadd.s32 v3, v2;
	_ =	sdelay $0x4  }
0x6b: {  	[tilespmem:v2+s7+$0x0] =	vst.idx.msk $0xffff, v1  }
0x6c: {  	v2 =	vld [tilespmem:$0x300];
	_ =	sdelay $0x1  }
0x6d: {  	v3 =	vld [tilespmem:$0x480];
	_ =	sdelay $0x2  }
0x6e: {  	v2 =	vmul.u32 $0xC5, v2;
	_ =	sdelay $0x1  }
0x6f: {  	v2 =	vadd.s32 v3, v2;
	_ =	sdelay $0x4  }
0x70: {  	[tilespmem:v2+s7+$0x0] =	vst.idx.msk $0xffff, v1  }
0x71: {  	v2 =	vld [tilespmem:$0x310];
	_ =	sdelay $0x1  }
0x72: {  	v3 =	vld [tilespmem:$0x490];
	_ =	sdelay $0x2  }
0x73: {  	v2 =	vmul.u32 $0xC5, v2;
	_ =	sdelay $0x1  }
0x74: {  	v2 =	vadd.s32 v3, v2;
	_ =	sdelay $0x4  }
0x75: {  	[tilespmem:v2+s7+$0x0] =	vst.idx.msk $0xffff, v1  }
0x76: {  	v2 =	vld [tilespmem:$0x320];
	_ =	sdelay $0x1  }
0x77: {  	v3 =	vld [tilespmem:$0x4A0];
	_ =	sdelay $0x2  }
0x78: {  	v2 =	vmul.u32 $0xC5, v2;
	_ =	sdelay $0x1  }
0x79: {  	v2 =	vadd.s32 v3, v2;
	_ =	sdelay $0x4  }
0x7a: {  	[tilespmem:v2+s7+$0x0] =	vst.idx.msk $0xffff, v1  }
0x7b: {  	v2 =	vld [tilespmem:$0x330];
	_ =	sdelay $0x1  }
0x7c: {  	v3 =	vld [tilespmem:$0x4B0];
	_ =	sdelay $0x2  }
0x7d: {  	v2 =	vmul.u32 $0xC5, v2;
	_ =	sdelay $0x1  }
0x7e: {  	v2 =	vadd.s32 v3, v2;
	_ =	sdelay $0x4  }
0x7f: {  	[tilespmem:v2+s7+$0x0] =	vst.idx.msk $0xffff, v1  }
0x80: {  	v2 =	vld [tilespmem:$0x340];
	_ =	sdelay $0x1  }
0x81: {  	v3 =	vld [tilespmem:$0x4C0];
	_ =	sdelay $0x2  }
0x82: {  	v2 =	vmul.u32 $0xC5, v2;
	_ =	sdelay $0x1  }
0x83: {  	v2 =	vadd.s32 v3, v2;
	_ =	sdelay $0x4  }
0x84: {  	[tilespmem:v2+s7+$0x0] =	vst.idx.msk $0xffff, v1  }
0x85: {  	v2 =	vld [tilespmem:$0x350];
	_ =	sdelay $0x1  }
0x86: {  	v3 =	vld [tilespmem:$0x4D0];
	_ =	sdelay $0x2  }
0x87: {  	v2 =	vmul.u32 $0xC5, v2;
	_ =	sdelay $0x1  }
0x88: {  	v2 =	vadd.s32 v3, v2;
	_ =	sdelay $0x4  }
0x89: {  	[tilespmem:v2+s7+$0x0] =	vst.idx.msk $0xffff, v1  }
0x8a: {  	v2 =	vld [tilespmem:$0x360];
	_ =	sdelay $0x1  }
0x8b: {  	v3 =	vld [tilespmem:$0x4E0];
	_ =	sdelay $0x2  }
0x8c: {  	v2 =	vmul.u32 $0xC5, v2;
	_ =	sdelay $0x1  }
0x8d: {  	v2 =	vadd.s32 v3, v2;
	_ =	sdelay $0x4  }
0x8e: {  	[tilespmem:v2+s7+$0x0] =	vst.idx.msk $0xffff, v1  }
0x8f: {  	v2 =	vld [tilespmem:$0x370];
	_ =	sdelay $0x1  }
0x90: {  	v3 =	vld [tilespmem:$0x4F0];
	_ =	sdelay $0x2  }
0x91: {  	v2 =	vmul.u32 $0xC5, v2;
	_ =	sdelay $0x1  }
0x92: {  	v2 =	vadd.s32 v3, v2;
	_ =	sdelay $0x4  }
0x93: {  	[tilespmem:v2+s7+$0x0] =	vst.idx.msk $0xffff, v1  }
0x94: {  	v2 =	vld [tilespmem:$0x380];
	_ =	sdelay $0x1  }
0x95: {  	v3 =	vld [tilespmem:$0x500];
	_ =	sdelay $0x2  }
0x96: {  	v2 =	vmul.u32 $0xC5, v2;
	_ =	sdelay $0x1  }
0x97: {  	v2 =	vadd.s32 v3, v2;
	_ =	sdelay $0x4  }
0x98: {  	[tilespmem:v2+s7+$0x0] =	vst.idx.msk $0xffff, v1  }
0x99: {  	v2 =	vld [tilespmem:$0x390];
	_ =	sdelay $0x1  }
0x9a: {  	v3 =	vld [tilespmem:$0x510];
	_ =	sdelay $0x2  }
0x9b: {  	v2 =	vmul.u32 $0xC5, v2;
	_ =	sdelay $0x1  }
0x9c: {  	v2 =	vadd.s32 v3, v2;
	_ =	sdelay $0x4  }
0x9d: {  	[tilespmem:v2+s7+$0x0] =	vst.idx.msk $0xffff, v1  }
0x9e: {  	v2 =	vld [tilespmem:$0x39C];
	_ =	sdelay $0x1  }
0x9f: {  	v3 =	vld [tilespmem:$0x51C];
	_ =	sdelay $0x2  }
0xa0: {  	v2 =	vmul.u32 $0xC5, v2;
	_ =	sdelay $0x1  }
0xa1: {  	v2 =	vadd.s32 v3, v2;
	_ =	sdelay $0x3  }
.Ltmp2:
0xa2: {  	_ = 	snop;
	(pc) =	sbr.rel .LBB2_2-.Ltmp2, $4  }
0xa3: {  	[tilespmem:v2+s7+$0x0] =	vst.idx.msk $0xffff, v1  }
0xa4: {  	[tilespmem:s14], [sflag:$0x1] =	stream.linear.gather [hbm4b:s8+s7], $0x6280, $0x38;
	[tilespmem:$0x19580] =	vst v63  }
0xa5: {  	s22 =	simm.s32 $0x0  }
0xa6: {  	[tilespmem:s15], [sflag:$0x2] =	stream.linear.gather [hbm4b:s9+s7], $0x6280, $0x38;
	[tilespmem:$0x19580] =	vst v63  }
.LBB2_203:
0xa7: {  	s24 =	smul.u32 $0xC80, s24  }
0xa8: {  	p1 =	sgt.u32 s23, $0x1EE  }
0xa9: {  	s23 =	smul.u32 @!p1 $0x6400, s23;
	s24 =	sadd.s32 s5, s24  }
0xaa: {  	[hbm4b:s24+s7] =	stream.linear.scatter [tilespmem:s20], [sflag:$0x4], $0x6280, $0x38;
	[tilespmem:$0x19580] =	vst v63  }
0xab: {  	s23 =	sshrl.u32 @!p1 s23, $0x3  }
0xac: {  	s23 =	sadd.s32 @!p1 s1, s23  }
0xad: {  	s25 =	simm.s32 @!p1 $0x6980;
	s24 =	simm.s32 @!p1 $0x0;
	s23 =	sadd.s32 @!p1 $0x4B000, s23  }
0xae: {  	[tilespmem:s25], [sflag:$0x2] =	stream.linear.gather @!p1 [hbm4b:s23+s24], $0x6280, $0x38;
	[tilespmem:$0x19580] =	vst v63  }
.LBB2_204:
0xaf: {  	s22 =	sadd.s32 $0x1, s22  }
0xb0: {  	p1 =	sne.s32 s22, $0xA  }
.Ltmp3:
0xb1: {  	_ = 	snop;
	(pc) =	sbr.rel @!p1 .LBB2_205-.Ltmp3, $1  }
0xb2: {  	_ =	sdelay $0x3  }
.LBB2_2:
0xb3: {  	s23 =	sshll.u32 s22, $0x6  }
0xb4: {  	s23 =	sor.u32 s6, s23  }
0xb5: {  	s24 =	sadd.s32 $0xFFFFFFC0, s23;
	p2 =	sgt.u32 s23, $0x24E  }
.Ltmp4:
0xb6: {  	p1 =	sgt.u32 s24, $0x24E;
	(pc) =	sbr.rel @p2 .LBB2_103-.Ltmp4, $4  }
0xb7: {  	s24 =	simm.s32 @!p1 $0x3  }
0xb8: {  	_ =	swait.ge @!p1 [sflag:s24], $0x6280  }
0xb9: {  	[sflag:s24] =	ssyncset.done @!p1 $0x0  }
0xba: {  	[sflag:s24] =	ssyncadd.s32 @!p1 $0xFFFF9D80  }
0xbb: {  	v2 =	vmov s23;
	_ =	sdelay $0x1  }
0xbc: {  	_ =	swait.ge [sflag:s16], $0x6280  }
0xbd: {  	[sflag:s16] =	ssyncset.done $0x0  }
0xbe: {  	[sflag:s16] =	ssyncadd.s32 $0xFFFF9D80  }
0xbf: {  	v2 =	vld.idx.msk [tilespmem:v2+s7+$0x0], $0xffff;
	_ =	sdelay $0x4  }
0xc0: {  	(v2sf) =	vpush v2, $0x0;
	_ =	sdelay $0xe  }
0xc1: {  	s24 =	spop (v2sf)  }
0xc2: {  	p1 =	sgt.f32 s24, $5.000000000e-01  }
.Ltmp5:
0xc3: {  	_ = 	snop;
	(pc) =	sbr.rel @!p1 .LBB2_68-.Ltmp5, $2  }
0xc4: {  	_ =	sdelay $0x2  }
0xc5: {  	s25 =	simm.s32 $0xFFFFFFF8;
	s26 =	simm.s32 $0x780;
	v2 =	vimm.f32 $0.0e+00;
	s24 =	simm.s32 $0xCF80  }
0xc6: {  	v3 =	vld [tilespmem:s26+$0xFFFFFE00]  }
0xc7: {  	v4 =	vld [tilespmem:s26+$0xFFFFFE80];
	_ =	sdelay $0x1  }
0xc8: {  	v5 =	vld [tilespmem:s26+$0xFFFFFF00];
	_ =	sdelay $0x1  }
0xc9: {  	v3 =	vmul.f32 $1.442695020e+00, v3  }
0xca: {  	v6 =	vld [tilespmem:s26+$0xFFFFFF80];
	v4 =	vmul.f32 $1.442695020e+00, v4  }
0xcb: {  	(erf) = vpow2.f32 v3;
	v3 =	vld [tilespmem:s26+$0x0]  }
0xcc: {  	v5 =	vmul.f32 $1.442695020e+00, v5;
	(erf) = vpow2.f32 v4;
	v4 =	vld [tilespmem:s26+$0x80];
	_ =	sdelay $0x1  }
0xcd: {  	(erf) = vpow2.f32 v5;
	v5 =	vld [tilespmem:s26+$0x100]  }
0xce: {  	v6 =	vmul.f32 $1.442695020e+00, v6  }
0xcf: {  	v3 =	vmul.f32 $1.442695020e+00, v3  }
0xd0: {  	(erf) = vpow2.f32 v6;
	v4 =	vmul.f32 $1.442695020e+00, v4  }
0xd1: {  	v6 =	vld [tilespmem:s26+$0x180]  }
0xd2: {  	(erf) = vpow2.f32 v3;
	v5 =	vmul.f32 $1.442695020e+00, v5  }
0xd3: {  	s31 =	sadd.s32 $0x400, s26;
	v3 =	vpop (erf);
	(erf) = vpow2.f32 v4  }
0xd4: {  	v2 =	vadd.f32 v3, v2;
	v4 =	vpop (erf);
	(erf) = vpow2.f32 v5;
	v5 =	vld [tilespmem:s31+$0xFFFFFE00];
	_ =	sdelay $0x1  }
0xd5: {  	v8 =	vld [tilespmem:s31+$0xFFFFFE80];
	v6 =	vmul.f32 $1.442695020e+00, v6;
	v2 =	vadd.f32 v4, v2  }
0xd6: {  	v7 =	vpop (erf)  }
0xd7: {  	(erf) = vpow2.f32 v6;
	v6 =	vld [tilespmem:s31+$0xFFFFFF00];
	v2 =	vadd.f32 v7, v2  }
0xd8: {  	v10 =	vld [tilespmem:s31+$0xFFFFFF80];
	[tilespmem:s24+$0xFFFFFE80] =	vst v4;
	v9 =	vpop (erf);
	v4 =	vmul.f32 $1.442695020e+00, v5  }
0xd9: {  	v2 =	vadd.f32 v9, v2  }
0xda: {  	v5 =	vmul.f32 $1.442695020e+00, v8;
	v11 =	vpop (erf);
	(erf) = vpow2.f32 v4  }
0xdb: {  	[tilespmem:s24+$0xFFFFFE00] =	vst v3;
	v3 =	vld [tilespmem:s31+$0x0];
	v2 =	vadd.f32 v11, v2  }
0xdc: {  	v4 =	vmul.f32 $1.442695020e+00, v6;
	v61 =	vpop (erf);
	(erf) = vpow2.f32 v5  }
0xdd: {  	[tilespmem:s24+$0xFFFFFF00] =	vst v7;
	v7 =	vld [tilespmem:s31+$0x80];
	v5 =	vmul.f32 $1.442695020e+00, v10;
	v2 =	vadd.f32 v61, v2  }
0xde: {  	[tilespmem:s24+$0xFFFFFF80] =	vst v9;
	v6 =	vpop (erf);
	(erf) = vpow2.f32 v4  }
0xdf: {  	[tilespmem:s24+$0x0] =	vst v11;
	v63 =	vadd.f32 v6, v2;
	v2 =	vld [tilespmem:s31+$0x100]  }
0xe0: {  	v62 =	vmul.f32 $1.442695020e+00, v3;
	[tilespmem:s24+$0x80] =	vst v61;
	(erf) = vpow2.f32 v5  }
0xe1: {  	s25 =	sadd.s32 $0x8, s25;
	v3 =	vld [tilespmem:s31+$0x180];
	[tilespmem:s24+$0x100] =	vst v6;
	v5 =	vpop (erf)  }
0xe2: {  	s25 =	sadd.s32 $0x8, s25;
	s26 =	sadd.s32 $0x400, s31;
	v4 =	vmul.f32 $1.442695020e+00, v7;
	(erf) = vpow2.f32 v62;
	[tilespmem:s24+$0x180] =	vst v5;
	v5 =	vadd.f32 v5, v63  }
.LBB2_5:
0xe3: {  	v6 =	vld [tilespmem:s26+$0xFFFFFE00];
	s25 =	sadd.s32 $0x8, s25;
	v7 =	vpop (erf);
	s24 =	sadd.s32 $0x400, s24  }
0xe4: {  	p1 =	slt.u32 s25, $0xB8;
	[tilespmem:s24+$0xFFFFFE00] =	vst v7;
	v5 =	vadd.f32 v7, v5;
	v2 =	vmul.f32 $1.442695020e+00, v2;
	(erf) = vpow2.f32 v4  }
0xe5: {  	v4 =	vld [tilespmem:s26+$0xFFFFFE80];
	v7 =	vpop (erf)  }
0xe6: {  	[tilespmem:s24+$0xFFFFFE80] =	vst v7;
	v5 =	vadd.f32 v7, v5;
	v3 =	vmul.f32 $1.442695020e+00, v3;
	(erf) = vpow2.f32 v2  }
0xe7: {  	v2 =	vld [tilespmem:s26+$0xFFFFFF00];
	v7 =	vpop (erf)  }
0xe8: {  	v6 =	vmul.f32 $1.442695020e+00, v6;
	[tilespmem:s24+$0xFFFFFF00] =	vst v7;
	v5 =	vadd.f32 v7, v5;
	(erf) = vpow2.f32 v3  }
0xe9: {  	v3 =	vld [tilespmem:s26+$0xFFFFFF80];
	v7 =	vpop (erf)  }
0xea: {  	v4 =	vmul.f32 $1.442695020e+00, v4;
	(erf) = vpow2.f32 v6;
	[tilespmem:s24+$0xFFFFFF80] =	vst v7;
	v5 =	vadd.f32 v7, v5  }
0xeb: {  	v6 =	vld [tilespmem:s26+$0x0];
	v7 =	vpop (erf)  }
0xec: {  	v2 =	vmul.f32 $1.442695020e+00, v2;
	(erf) = vpow2.f32 v4;
	[tilespmem:s24+$0x0] =	vst v7;
	v4 =	vadd.f32 v7, v5  }
0xed: {  	v5 =	vld [tilespmem:s26+$0x80];
	v7 =	vpop (erf)  }
.Ltmp6:
0xee: {  	v3 =	vmul.f32 $1.442695020e+00, v3;
	(erf) = vpow2.f32 v2;
	[tilespmem:s24+$0x80] =	vst v7;
	v4 =	vadd.f32 v7, v4;
	(pc) =	sbr.rel @p1 .LBB2_5-.Ltmp6, $4  }
0xef: {  	v2 =	vld [tilespmem:s26+$0x100];
	v7 =	vpop (erf)  }
0xf0: {  	v6 =	vmul.f32 $1.442695020e+00, v6;
	(erf) = vpow2.f32 v3;
	[tilespmem:s24+$0x100] =	vst v7;
	v7 =	vadd.f32 v7, v4  }
0xf1: {  	v3 =	vld [tilespmem:s26+$0x180];
	v8 =	vpop (erf)  }
0xf2: {  	s26 =	sadd.s32 $0x400, s26;
	v4 =	vmul.f32 $1.442695020e+00, v5;
	(erf) = vpow2.f32 v6;
	[tilespmem:s24+$0x180] =	vst v8;
	v5 =	vadd.f32 v8, v7  }
0xf3: {  	_ = 	snop  }
0xf4: {  	v6 =	vpop (erf);
	v2 =	vmul.f32 $1.442695020e+00, v2  }
0xf5: {  	v5 =	vadd.f32 v6, v5;
	(erf) = vpow2.f32 v4  }
0xf6: {  	v60 =	vpop (erf);
	v3 =	vmul.f32 $1.442695020e+00, v3  }
0xf7: {  	v5 =	vadd.f32 v60, v5  }
0xf8: {  	(erf) = vpow2.f32 v2;
	v2 =	vpop (erf)  }
0xf9: {  	v5 =	vadd.f32 v2, v5  }
0xfa: {  	(erf) = vpow2.f32 v3;
	v3 =	vpop (erf)  }
0xfb: {  	v5 =	vadd.f32 v3, v5  }
0xfc: {  	s24 =	sadd.s32 $0x400, s24;
	v61 =	vpop (erf)  }
0xfd: {  	[tilespmem:s24+$0xFFFFFE00] =	vst v6;
	v62 =	vadd.f32 v61, v5  }
0xfe: {  	[tilespmem:s24+$0xFFFFFF00] =	vst v2;
	v2 =	vpop (erf)  }
0xff: {  	[tilespmem:s24+$0xFFFFFF80] =	vst v3;
	v3 =	vadd.f32 v2, v62  }
0x100: {  	[tilespmem:s24+$0xFFFFFE80] =	vst v60  }
0x101: {  	[tilespmem:s24+$0x0] =	vst v61;
	v63 =	vpop (erf)  }
0x102: {  	[tilespmem:s24+$0x80] =	vst v2;
	v2 =	vadd.f32 v63, v3  }
0x103: {  	[tilespmem:s24+$0x100] =	vst v63;
	v3 =	vpop (erf)  }
0x104: {  	[tilespmem:s24+$0x180] =	vst v3;
	v2 =	vadd.f32 v3, v2;
	s24 =	simm.s32 $0x0  }
.LBB2_7:
0x105: {  	s25 =	sshra.s32 s24, $0x2  }
0x106: {  	v3 =	vld [tilespmem:s25+$0x6580];
	_ =	sdelay $0x4  }
0x107: {  	v3 =	vmul.f32 $1.442695020e+00, v3;
	_ =	sdelay $0x1  }
0x108: {  	(erf) = vpow2.f32 v3;
	_ =	sdelay $0x4  }
0x109: {  	p1 =	sne.s32 s24, $0x800  }
.Ltmp7:
0x10a: {  	_ = 	snop;
	(pc) =	sbr.rel @p1 .LBB2_7-.Ltmp7, $3  }
0x10b: {  	_ =	sdelay $0x1  }
0x10c: {  	v3 =	vpop (erf)  }
0x10d: {  	s24 =	sadd.s32 $0x200, s24;
	[tilespmem:s25+$0x12D80] =	vst v3;
	v2 =	vadd.f32 v3, v2  }
0x10e: {  	_ = 	snop  }
0x10f: {  	(erf) = vrcp.f32 v2;
	_ =	sdelay $0x3  }
0x110: {  	s24 =	simm.s32 $0xCF80  }
0x111: {  	v5 =	vld [tilespmem:s24+$0x180]  }
0x112: {  	v7 =	vld [tilespmem:s24+$0xFFFFFE80]  }
0x113: {  	v9 =	vld [tilespmem:s24+$0xFFFFFF00]  }
0x114: {  	v6 =	vld [tilespmem:s24+$0xFFFFFF80]  }
0x115: {  	v4 =	vld [tilespmem:s24+$0x0];
	v2 =	vpop (erf)  }
0x116: {  	v3 =	vld [tilespmem:s24+$0x80];
	v10 =	vmul.f32 v5, v2  }
0x117: {  	v5 =	vld [tilespmem:s24+$0x100];
	v8 =	vmul.f32 v7, v2  }
0x118: {  	s25 =	simm.s32 $0x0;
	s26 =	simm.s32 $0xD380;
	v7 =	vld [tilespmem:s24+$0xFFFFFE00];
	v9 =	vmul.f32 v9, v2;
	[tilespmem:s24+$0x180] =	vst v10  }
.LBB2_9:
0x119: {  	v10 =	vld [tilespmem:s26+$0x180];
	s25 =	sadd.s32 $0x8, s25;
	[tilespmem:s24+$0xFFFFFE80] =	vst v8;
	v6 =	vmul.f32 v6, v2  }
0x11a: {  	v8 =	vld [tilespmem:s26+$0xFFFFFE80];
	p1 =	slt.u32 s25, $0xB8;
	[tilespmem:s24+$0xFFFFFF00] =	vst v9;
	v4 =	vmul.f32 v4, v2  }
0x11b: {  	v9 =	vld [tilespmem:s26+$0xFFFFFF00];
	[tilespmem:s24+$0xFFFFFF80] =	vst v6;
	v3 =	vmul.f32 v3, v2  }
.Ltmp8:
0x11c: {  	v6 =	vld [tilespmem:s26+$0xFFFFFF80];
	[tilespmem:s24+$0x0] =	vst v4;
	v5 =	vmul.f32 v5, v2;
	(pc) =	sbr.rel @p1 .LBB2_9-.Ltmp8, $4  }
0x11d: {  	v4 =	vld [tilespmem:s26+$0x0];
	v7 =	vmul.f32 v7, v2;
	[tilespmem:s24+$0x80] =	vst v3  }
0x11e: {  	v3 =	vld [tilespmem:s26+$0x80];
	v10 =	vmul.f32 v10, v2;
	[tilespmem:s24+$0x100] =	vst v5  }
0x11f: {  	v8 =	vmul.f32 v8, v2;
	v5 =	vld [tilespmem:s26+$0x100];
	[tilespmem:s24+$0xFFFFFE00] =	vst v7;
	s24 =	smov.u32 s26  }
0x120: {  	s28 =	simm.s32 $0x0;
	s26 =	sadd.s32 $0x400, s26;
	v7 =	vld [tilespmem:s24+$0xFFFFFE00];
	v9 =	vmul.f32 v9, v2;
	[tilespmem:s24+$0x180] =	vst v10  }
0x121: {  	[tilespmem:s24+$0xFFFFFE80] =	vst v8;
	v6 =	vmul.f32 v6, v2  }
0x122: {  	[tilespmem:s24+$0xFFFFFF00] =	vst v9;
	v4 =	vmul.f32 v4, v2  }
0x123: {  	[tilespmem:s24+$0xFFFFFF80] =	vst v6;
	v3 =	vmul.f32 v3, v2  }
0x124: {  	[tilespmem:s24+$0x0] =	vst v4;
	v62 =	vmul.f32 v5, v2  }
0x125: {  	v63 =	vmul.f32 v7, v2;
	[tilespmem:s24+$0x80] =	vst v3  }
0x126: {  	[tilespmem:s24+$0x100] =	vst v62  }
0x127: {  	[tilespmem:s24+$0xFFFFFE00] =	vst v63  }
.LBB2_11:
0x128: {  	s24 =	sshra.s32 s28, $0x2  }
0x129: {  	v3 =	vld [tilespmem:s24+$0x12D80];
	_ =	sdelay $0x1  }
0x12a: {  	p1 =	sne.s32 s28, $0x800  }
.Ltmp9:
0x12b: {  	_ = 	snop;
	(pc) =	sbr.rel @p1 .LBB2_11-.Ltmp9, $3  }
0x12c: {  	_ = 	snop  }
0x12d: {  	v3 =	vmul.f32 v3, v2;
	_ =	sdelay $0x1  }
0x12e: {  	s28 =	sadd.s32 $0x200, s28;
	[tilespmem:s24+$0x12D80] =	vst v3  }
0x12f: {  	s24 =	simm.s32 $0x790  }
0x130: {  	v2 =	vld [tilespmem:s24+$0xFFFFFE00]  }
0x131: {  	v3 =	vld [tilespmem:s24+$0xFFFFFE80];
	_ =	sdelay $0x1  }
0x132: {  	v4 =	vld [tilespmem:s24+$0xFFFFFF00];
	_ =	sdelay $0x1  }
0x133: {  	v5 =	vld [tilespmem:s24+$0xFFFFFF80];
	v2 =	vmul.f32 $1.442695020e+00, v2  }
0x134: {  	v3 =	vmul.f32 $1.442695020e+00, v3  }
0x135: {  	(erf) = vpow2.f32 v2;
	v2 =	vld [tilespmem:s24+$0x0]  }
0x136: {  	v4 =	vmul.f32 $1.442695020e+00, v4;
	(erf) = vpow2.f32 v3;
	v3 =	vld [tilespmem:s24+$0x80];
	_ =	sdelay $0x1  }
0x137: {  	v5 =	vmul.f32 $1.442695020e+00, v5;
	(erf) = vpow2.f32 v4;
	v4 =	vld [tilespmem:s24+$0x100];
	_ =	sdelay $0x1  }
0x138: {  	(erf) = vpow2.f32 v5  }
0x139: {  	v2 =	vmul.f32 $1.442695020e+00, v2;
	v3 =	vmul.f32 $1.442695020e+00, v3  }
0x13a: {  	v5 =	vld [tilespmem:s24+$0x180]  }
0x13b: {  	(erf) = vpow2.f32 v2;
	v4 =	vmul.f32 $1.442695020e+00, v4  }
0x13c: {  	s26 =	simm.s32 $0xB90;
	v2 =	vimm.f32 $0.0e+00;
	v6 =	vpop (erf);
	(erf) = vpow2.f32 v3  }
0x13d: {  	v2 =	vadd.f32 v6, v2;
	v3 =	vpop (erf);
	(erf) = vpow2.f32 v4;
	v4 =	vld [tilespmem:s26+$0xFFFFFE00];
	_ =	sdelay $0x1  }
0x13e: {  	v8 =	vld [tilespmem:s26+$0xFFFFFE80];
	v5 =	vmul.f32 $1.442695020e+00, v5;
	v2 =	vadd.f32 v3, v2  }
0x13f: {  	v7 =	vpop (erf)  }
0x140: {  	s24 =	simm.s32 $0xCF90;
	(erf) = vpow2.f32 v5;
	v5 =	vld [tilespmem:s26+$0xFFFFFF00];
	v2 =	vadd.f32 v7, v2  }
0x141: {  	[tilespmem:s24+$0xFFFFFE80] =	vst v3;
	v9 =	vpop (erf);
	v3 =	vmul.f32 $1.442695020e+00, v4  }
0x142: {  	v10 =	vld [tilespmem:s26+$0xFFFFFF80];
	v2 =	vadd.f32 v9, v2  }
0x143: {  	v4 =	vmul.f32 $1.442695020e+00, v8;
	v11 =	vpop (erf);
	(erf) = vpow2.f32 v3  }
0x144: {  	[tilespmem:s24+$0xFFFFFE00] =	vst v6;
	v6 =	vld [tilespmem:s26+$0x0];
	v2 =	vadd.f32 v11, v2  }
0x145: {  	v3 =	vmul.f32 $1.442695020e+00, v5;
	v62 =	vpop (erf);
	(erf) = vpow2.f32 v4  }
0x146: {  	[tilespmem:s24+$0xFFFFFF00] =	vst v7;
	v7 =	vld [tilespmem:s26+$0x80];
	v2 =	vadd.f32 v62, v2  }
0x147: {  	[tilespmem:s24+$0xFFFFFF80] =	vst v9;
	v4 =	vmul.f32 $1.442695020e+00, v10;
	v5 =	vpop (erf);
	(erf) = vpow2.f32 v3  }
0x148: {  	[tilespmem:s24+$0x0] =	vst v11;
	v63 =	vadd.f32 v5, v2;
	v2 =	vld [tilespmem:s26+$0x100]  }
0x149: {  	v6 =	vmul.f32 $1.442695020e+00, v6;
	[tilespmem:s24+$0x80] =	vst v62;
	(erf) = vpow2.f32 v4  }
0x14a: {  	v3 =	vld [tilespmem:s26+$0x180];
	[tilespmem:s24+$0x100] =	vst v5;
	v5 =	vpop (erf)  }
0x14b: {  	s25 =	simm.s32 $0x8;
	v4 =	vmul.f32 $1.442695020e+00, v7;
	(erf) = vpow2.f32 v6;
	s26 =	simm.s32 $0xF90;
	[tilespmem:s24+$0x180] =	vst v5;
	v5 =	vadd.f32 v5, v63  }
.LBB2_13:
0x14c: {  	v6 =	vld [tilespmem:s26+$0xFFFFFE00];
	s25 =	sadd.s32 $0x8, s25;
	v7 =	vpop (erf);
	s24 =	sadd.s32 $0x400, s24  }
0x14d: {  	p1 =	slt.u32 s25, $0xB8;
	[tilespmem:s24+$0xFFFFFE00] =	vst v7;
	v5 =	vadd.f32 v7, v5;
	v2 =	vmul.f32 $1.442695020e+00, v2;
	(erf) = vpow2.f32 v4  }
0x14e: {  	v4 =	vld [tilespmem:s26+$0xFFFFFE80];
	v7 =	vpop (erf)  }
0x14f: {  	[tilespmem:s24+$0xFFFFFE80] =	vst v7;
	v5 =	vadd.f32 v7, v5;
	v3 =	vmul.f32 $1.442695020e+00, v3;
	(erf) = vpow2.f32 v2  }
0x150: {  	v2 =	vld [tilespmem:s26+$0xFFFFFF00];
	v7 =	vpop (erf)  }
0x151: {  	v6 =	vmul.f32 $1.442695020e+00, v6;
	[tilespmem:s24+$0xFFFFFF00] =	vst v7;
	v5 =	vadd.f32 v7, v5;
	(erf) = vpow2.f32 v3  }
0x152: {  	v3 =	vld [tilespmem:s26+$0xFFFFFF80];
	v7 =	vpop (erf)  }
0x153: {  	v4 =	vmul.f32 $1.442695020e+00, v4;
	(erf) = vpow2.f32 v6;
	[tilespmem:s24+$0xFFFFFF80] =	vst v7;
	v5 =	vadd.f32 v7, v5  }
0x154: {  	v6 =	vld [tilespmem:s26+$0x0];
	v7 =	vpop (erf)  }
0x155: {  	v2 =	vmul.f32 $1.442695020e+00, v2;
	(erf) = vpow2.f32 v4;
	[tilespmem:s24+$0x0] =	vst v7;
	v4 =	vadd.f32 v7, v5  }
0x156: {  	v5 =	vld [tilespmem:s26+$0x80];
	v7 =	vpop (erf)  }
.Ltmp10:
0x157: {  	v3 =	vmul.f32 $1.442695020e+00, v3;
	(erf) = vpow2.f32 v2;
	[tilespmem:s24+$0x80] =	vst v7;
	v4 =	vadd.f32 v7, v4;
	(pc) =	sbr.rel @p1 .LBB2_13-.Ltmp10, $4  }
0x158: {  	v2 =	vld [tilespmem:s26+$0x100];
	v7 =	vpop (erf)  }
0x159: {  	v6 =	vmul.f32 $1.442695020e+00, v6;
	(erf) = vpow2.f32 v3;
	[tilespmem:s24+$0x100] =	vst v7;
	v7 =	vadd.f32 v7, v4  }
0x15a: {  	v3 =	vld [tilespmem:s26+$0x180];
	v8 =	vpop (erf)  }
0x15b: {  	s26 =	sadd.s32 $0x400, s26;
	v4 =	vmul.f32 $1.442695020e+00, v5;
	(erf) = vpow2.f32 v6;
	[tilespmem:s24+$0x180] =	vst v8;
	v5 =	vadd.f32 v8, v7  }
0x15c: {  	_ = 	snop  }
0x15d: {  	v6 =	vpop (erf);
	v2 =	vmul.f32 $1.442695020e+00, v2  }
0x15e: {  	v5 =	vadd.f32 v6, v5;
	(erf) = vpow2.f32 v4  }
0x15f: {  	v60 =	vpop (erf);
	v3 =	vmul.f32 $1.442695020e+00, v3  }
0x160: {  	v5 =	vadd.f32 v60, v5  }
0x161: {  	(erf) = vpow2.f32 v2;
	v2 =	vpop (erf)  }
0x162: {  	v5 =	vadd.f32 v2, v5  }
0x163: {  	(erf) = vpow2.f32 v3;
	v3 =	vpop (erf)  }
0x164: {  	v5 =	vadd.f32 v3, v5  }
0x165: {  	s24 =	sadd.s32 $0x400, s24;
	v61 =	vpop (erf)  }
0x166: {  	[tilespmem:s24+$0xFFFFFE00] =	vst v6;
	v62 =	vadd.f32 v61, v5  }
0x167: {  	[tilespmem:s24+$0xFFFFFF00] =	vst v2;
	v2 =	vpop (erf)  }
0x168: {  	[tilespmem:s24+$0xFFFFFF80] =	vst v3;
	v3 =	vadd.f32 v2, v62  }
0x169: {  	[tilespmem:s24+$0xFFFFFE80] =	vst v60  }
0x16a: {  	[tilespmem:s24+$0x0] =	vst v61;
	v63 =	vpop (erf)  }
0x16b: {  	[tilespmem:s24+$0x80] =	vst v2;
	v2 =	vadd.f32 v63, v3  }
0x16c: {  	[tilespmem:s24+$0x100] =	vst v63;
	v3 =	vpop (erf)  }
0x16d: {  	[tilespmem:s24+$0x180] =	vst v3;
	v2 =	vadd.f32 v3, v2;
	s24 =	simm.s32 $0x0  }
.LBB2_15:
0x16e: {  	s25 =	sshra.s32 s24, $0x2  }
0x16f: {  	v3 =	vld [tilespmem:s25+$0x6590];
	_ =	sdelay $0x4  }
0x170: {  	v3 =	vmul.f32 $1.442695020e+00, v3;
	_ =	sdelay $0x1  }
0x171: {  	(erf) = vpow2.f32 v3;
	_ =	sdelay $0x4  }
0x172: {  	p1 =	sne.s32 s24, $0x800  }
.Ltmp11:
0x173: {  	_ = 	snop;
	(pc) =	sbr.rel @p1 .LBB2_15-.Ltmp11, $3  }
0x174: {  	_ =	sdelay $0x1  }
0x175: {  	v3 =	vpop (erf)  }
0x176: {  	s24 =	sadd.s32 $0x200, s24;
	[tilespmem:s25+$0x12D90] =	vst v3;
	v2 =	vadd.f32 v3, v2  }
0x177: {  	_ = 	snop  }
0x178: {  	(erf) = vrcp.f32 v2;
	_ =	sdelay $0x3  }
0x179: {  	s24 =	simm.s32 $0xCF90  }
0x17a: {  	v5 =	vld [tilespmem:s24+$0x180]  }
0x17b: {  	v7 =	vld [tilespmem:s24+$0xFFFFFE80]  }
0x17c: {  	v9 =	vld [tilespmem:s24+$0xFFFFFF00]  }
0x17d: {  	v6 =	vld [tilespmem:s24+$0xFFFFFF80]  }
0x17e: {  	v4 =	vld [tilespmem:s24+$0x0];
	v2 =	vpop (erf)  }
0x17f: {  	v3 =	vld [tilespmem:s24+$0x80];
	v10 =	vmul.f32 v5, v2  }
0x180: {  	v5 =	vld [tilespmem:s24+$0x100];
	v8 =	vmul.f32 v7, v2  }
0x181: {  	s25 =	simm.s32 $0x0;
	s26 =	simm.s32 $0xD390;
	v7 =	vld [tilespmem:s24+$0xFFFFFE00];
	v9 =	vmul.f32 v9, v2;
	[tilespmem:s24+$0x180] =	vst v10  }
.LBB2_17:
0x182: {  	v10 =	vld [tilespmem:s26+$0x180];
	s25 =	sadd.s32 $0x8, s25;
	[tilespmem:s24+$0xFFFFFE80] =	vst v8;
	v6 =	vmul.f32 v6, v2  }
0x183: {  	v8 =	vld [tilespmem:s26+$0xFFFFFE80];
	p1 =	slt.u32 s25, $0xB8;
	[tilespmem:s24+$0xFFFFFF00] =	vst v9;
	v4 =	vmul.f32 v4, v2  }
0x184: {  	v9 =	vld [tilespmem:s26+$0xFFFFFF00];
	[tilespmem:s24+$0xFFFFFF80] =	vst v6;
	v3 =	vmul.f32 v3, v2  }
.Ltmp12:
0x185: {  	v6 =	vld [tilespmem:s26+$0xFFFFFF80];
	[tilespmem:s24+$0x0] =	vst v4;
	v5 =	vmul.f32 v5, v2;
	(pc) =	sbr.rel @p1 .LBB2_17-.Ltmp12, $4  }
0x186: {  	v4 =	vld [tilespmem:s26+$0x0];
	v7 =	vmul.f32 v7, v2;
	[tilespmem:s24+$0x80] =	vst v3  }
0x187: {  	v3 =	vld [tilespmem:s26+$0x80];
	v10 =	vmul.f32 v10, v2;
	[tilespmem:s24+$0x100] =	vst v5  }
0x188: {  	v8 =	vmul.f32 v8, v2;
	v5 =	vld [tilespmem:s26+$0x100];
	[tilespmem:s24+$0xFFFFFE00] =	vst v7;
	s24 =	smov.u32 s26  }
0x189: {  	s28 =	simm.s32 $0x0;
	s26 =	sadd.s32 $0x400, s26;
	v7 =	vld [tilespmem:s24+$0xFFFFFE00];
	v9 =	vmul.f32 v9, v2;
	[tilespmem:s24+$0x180] =	vst v10  }
0x18a: {  	[tilespmem:s24+$0xFFFFFE80] =	vst v8;
	v6 =	vmul.f32 v6, v2  }
0x18b: {  	[tilespmem:s24+$0xFFFFFF00] =	vst v9;
	v4 =	vmul.f32 v4, v2  }
0x18c: {  	[tilespmem:s24+$0xFFFFFF80] =	vst v6;
	v3 =	vmul.f32 v3, v2  }
0x18d: {  	[tilespmem:s24+$0x0] =	vst v4;
	v62 =	vmul.f32 v5, v2  }
0x18e: {  	v63 =	vmul.f32 v7, v2;
	[tilespmem:s24+$0x80] =	vst v3  }
0x18f: {  	[tilespmem:s24+$0x100] =	vst v62  }
0x190: {  	[tilespmem:s24+$0xFFFFFE00] =	vst v63  }
.LBB2_19:
0x191: {  	s24 =	sshra.s32 s28, $0x2  }
0x192: {  	v3 =	vld [tilespmem:s24+$0x12D90];
	_ =	sdelay $0x1  }
0x193: {  	p1 =	sne.s32 s28, $0x800  }
.Ltmp13:
0x194: {  	_ = 	snop;
	(pc) =	sbr.rel @p1 .LBB2_19-.Ltmp13, $3  }
0x195: {  	_ = 	snop  }
0x196: {  	v3 =	vmul.f32 v3, v2;
	_ =	sdelay $0x1  }
0x197: {  	s28 =	sadd.s32 $0x200, s28;
	[tilespmem:s24+$0x12D90] =	vst v3  }
0x198: {  	s24 =	simm.s32 $0x7A0  }
0x199: {  	v2 =	vld [tilespmem:s24+$0xFFFFFE00]  }
0x19a: {  	v3 =	vld [tilespmem:s24+$0xFFFFFE80];
	_ =	sdelay $0x1  }
0x19b: {  	v4 =	vld [tilespmem:s24+$0xFFFFFF00];
	_ =	sdelay $0x1  }
0x19c: {  	v5 =	vld [tilespmem:s24+$0xFFFFFF80];
	v2 =	vmul.f32 $1.442695020e+00, v2  }
0x19d: {  	v3 =	vmul.f32 $1.442695020e+00, v3  }
0x19e: {  	(erf) = vpow2.f32 v2;
	v2 =	vld [tilespmem:s24+$0x0]  }
0x19f: {  	v4 =	vmul.f32 $1.442695020e+00, v4;
	(erf) = vpow2.f32 v3;
	v3 =	vld [tilespmem:s24+$0x80];
	_ =	sdelay $0x1  }
0x1a0: {  	v5 =	vmul.f32 $1.442695020e+00, v5;
	(erf) = vpow2.f32 v4;
	v4 =	vld [tilespmem:s24+$0x100];
	_ =	sdelay $0x1  }
0x1a1: {  	(erf) = vpow2.f32 v5  }
0x1a2: {  	v2 =	vmul.f32 $1.442695020e+00, v2;
	v3 =	vmul.f32 $1.442695020e+00, v3  }
0x1a3: {  	v5 =	vld [tilespmem:s24+$0x180]  }
0x1a4: {  	(erf) = vpow2.f32 v2;
	v4 =	vmul.f32 $1.442695020e+00, v4  }
0x1a5: {  	s26 =	simm.s32 $0xBA0;
	v2 =	vimm.f32 $0.0e+00;
	v6 =	vpop (erf);
	(erf) = vpow2.f32 v3  }
0x1a6: {  	v2 =	vadd.f32 v6, v2;
	v3 =	vpop (erf);
	(erf) = vpow2.f32 v4;
	v4 =	vld [tilespmem:s26+$0xFFFFFE00];
	_ =	sdelay $0x1  }
0x1a7: {  	v8 =	vld [tilespmem:s26+$0xFFFFFE80];
	v5 =	vmul.f32 $1.442695020e+00, v5;
	v2 =	vadd.f32 v3, v2  }
0x1a8: {  	v7 =	vpop (erf)  }
0x1a9: {  	s24 =	simm.s32 $0xCFA0;
	(erf) = vpow2.f32 v5;
	v5 =	vld [tilespmem:s26+$0xFFFFFF00];
	v2 =	vadd.f32 v7, v2  }
0x1aa: {  	[tilespmem:s24+$0xFFFFFE80] =	vst v3;
	v9 =	vpop (erf);
	v3 =	vmul.f32 $1.442695020e+00, v4  }
0x1ab: {  	v10 =	vld [tilespmem:s26+$0xFFFFFF80];
	v2 =	vadd.f32 v9, v2  }
0x1ac: {  	v4 =	vmul.f32 $1.442695020e+00, v8;
	v11 =	vpop (erf);
	(erf) = vpow2.f32 v3  }
0x1ad: {  	[tilespmem:s24+$0xFFFFFE00] =	vst v6;
	v6 =	vld [tilespmem:s26+$0x0];
	v2 =	vadd.f32 v11, v2  }
0x1ae: {  	v3 =	vmul.f32 $1.442695020e+00, v5;
	v62 =	vpop (erf);
	(erf) = vpow2.f32 v4  }
0x1af: {  	[tilespmem:s24+$0xFFFFFF00] =	vst v7;
	v7 =	vld [tilespmem:s26+$0x80];
	v2 =	vadd.f32 v62, v2  }
0x1b0: {  	[tilespmem:s24+$0xFFFFFF80] =	vst v9;
	v4 =	vmul.f32 $1.442695020e+00, v10;
	v5 =	vpop (erf);
	(erf) = vpow2.f32 v3  }
0x1b1: {  	[tilespmem:s24+$0x0] =	vst v11;
	v63 =	vadd.f32 v5, v2;
	v2 =	vld [tilespmem:s26+$0x100]  }
0x1b2: {  	v6 =	vmul.f32 $1.442695020e+00, v6;
	[tilespmem:s24+$0x80] =	vst v62;
	(erf) = vpow2.f32 v4  }
0x1b3: {  	v3 =	vld [tilespmem:s26+$0x180];
	[tilespmem:s24+$0x100] =	vst v5;
	v5 =	vpop (erf)  }
0x1b4: {  	s25 =	simm.s32 $0x8;
	v4 =	vmul.f32 $1.442695020e+00, v7;
	(erf) = vpow2.f32 v6;
	s26 =	simm.s32 $0xFA0;
	[tilespmem:s24+$0x180] =	vst v5;
	v5 =	vadd.f32 v5, v63  }
.LBB2_21:
0x1b5: {  	v6 =	vld [tilespmem:s26+$0xFFFFFE00];
	s25 =	sadd.s32 $0x8, s25;
	v7 =	vpop (erf);
	s24 =	sadd.s32 $0x400, s24  }
0x1b6: {  	p1 =	slt.u32 s25, $0xB8;
	[tilespmem:s24+$0xFFFFFE00] =	vst v7;
	v5 =	vadd.f32 v7, v5;
	v2 =	vmul.f32 $1.442695020e+00, v2;
	(erf) = vpow2.f32 v4  }
0x1b7: {  	v4 =	vld [tilespmem:s26+$0xFFFFFE80];
	v7 =	vpop (erf)  }
0x1b8: {  	[tilespmem:s24+$0xFFFFFE80] =	vst v7;
	v5 =	vadd.f32 v7, v5;
	v3 =	vmul.f32 $1.442695020e+00, v3;
	(erf) = vpow2.f32 v2  }
0x1b9: {  	v2 =	vld [tilespmem:s26+$0xFFFFFF00];
	v7 =	vpop (erf)  }
0x1ba: {  	v6 =	vmul.f32 $1.442695020e+00, v6;
	[tilespmem:s24+$0xFFFFFF00] =	vst v7;
	v5 =	vadd.f32 v7, v5;
	(erf) = vpow2.f32 v3  }
0x1bb: {  	v3 =	vld [tilespmem:s26+$0xFFFFFF80];
	v7 =	vpop (erf)  }
0x1bc: {  	v4 =	vmul.f32 $1.442695020e+00, v4;
	(erf) = vpow2.f32 v6;
	[tilespmem:s24+$0xFFFFFF80] =	vst v7;
	v5 =	vadd.f32 v7, v5  }
0x1bd: {  	v6 =	vld [tilespmem:s26+$0x0];
	v7 =	vpop (erf)  }
0x1be: {  	v2 =	vmul.f32 $1.442695020e+00, v2;
	(erf) = vpow2.f32 v4;
	[tilespmem:s24+$0x0] =	vst v7;
	v4 =	vadd.f32 v7, v5  }
0x1bf: {  	v5 =	vld [tilespmem:s26+$0x80];
	v7 =	vpop (erf)  }
.Ltmp14:
0x1c0: {  	v3 =	vmul.f32 $1.442695020e+00, v3;
	(erf) = vpow2.f32 v2;
	[tilespmem:s24+$0x80] =	vst v7;
	v4 =	vadd.f32 v7, v4;
	(pc) =	sbr.rel @p1 .LBB2_21-.Ltmp14, $4  }
0x1c1: {  	v2 =	vld [tilespmem:s26+$0x100];
	v7 =	vpop (erf)  }
0x1c2: {  	v6 =	vmul.f32 $1.442695020e+00, v6;
	(erf) = vpow2.f32 v3;
	[tilespmem:s24+$0x100] =	vst v7;
	v7 =	vadd.f32 v7, v4  }
0x1c3: {  	v3 =	vld [tilespmem:s26+$0x180];
	v8 =	vpop (erf)  }
0x1c4: {  	s26 =	sadd.s32 $0x400, s26;
	v4 =	vmul.f32 $1.442695020e+00, v5;
	(erf) = vpow2.f32 v6;
	[tilespmem:s24+$0x180] =	vst v8;
	v5 =	vadd.f32 v8, v7  }
0x1c5: {  	_ = 	snop  }
0x1c6: {  	v6 =	vpop (erf);
	v2 =	vmul.f32 $1.442695020e+00, v2  }
0x1c7: {  	v5 =	vadd.f32 v6, v5;
	(erf) = vpow2.f32 v4  }
0x1c8: {  	v60 =	vpop (erf);
	v3 =	vmul.f32 $1.442695020e+00, v3  }
0x1c9: {  	v5 =	vadd.f32 v60, v5  }
0x1ca: {  	(erf) = vpow2.f32 v2;
	v2 =	vpop (erf)  }
0x1cb: {  	v5 =	vadd.f32 v2, v5  }
0x1cc: {  	(erf) = vpow2.f32 v3;
	v3 =	vpop (erf)  }
0x1cd: {  	v5 =	vadd.f32 v3, v5  }
0x1ce: {  	s24 =	sadd.s32 $0x400, s24;
	v61 =	vpop (erf)  }
0x1cf: {  	[tilespmem:s24+$0xFFFFFE00] =	vst v6;
	v62 =	vadd.f32 v61, v5  }
0x1d0: {  	[tilespmem:s24+$0xFFFFFF00] =	vst v2;
	v2 =	vpop (erf)  }
0x1d1: {  	[tilespmem:s24+$0xFFFFFF80] =	vst v3;
	v3 =	vadd.f32 v2, v62  }
0x1d2: {  	[tilespmem:s24+$0xFFFFFE80] =	vst v60  }
0x1d3: {  	[tilespmem:s24+$0x0] =	vst v61;
	v63 =	vpop (erf)  }
0x1d4: {  	[tilespmem:s24+$0x80] =	vst v2;
	v2 =	vadd.f32 v63, v3  }
0x1d5: {  	[tilespmem:s24+$0x100] =	vst v63;
	v3 =	vpop (erf)  }
0x1d6: {  	[tilespmem:s24+$0x180] =	vst v3;
	v2 =	vadd.f32 v3, v2;
	s24 =	simm.s32 $0x0  }
.LBB2_23:
0x1d7: {  	s25 =	sshra.s32 s24, $0x2  }
0x1d8: {  	v3 =	vld [tilespmem:s25+$0x65A0];
	_ =	sdelay $0x4  }
0x1d9: {  	v3 =	vmul.f32 $1.442695020e+00, v3;
	_ =	sdelay $0x1  }
0x1da: {  	(erf) = vpow2.f32 v3;
	_ =	sdelay $0x4  }
0x1db: {  	p1 =	sne.s32 s24, $0x800  }
.Ltmp15:
0x1dc: {  	_ = 	snop;
	(pc) =	sbr.rel @p1 .LBB2_23-.Ltmp15, $3  }
0x1dd: {  	_ =	sdelay $0x1  }
0x1de: {  	v3 =	vpop (erf)  }
0x1df: {  	s24 =	sadd.s32 $0x200, s24;
	[tilespmem:s25+$0x12DA0] =	vst v3;
	v2 =	vadd.f32 v3, v2  }
0x1e0: {  	_ = 	snop  }
0x1e1: {  	(erf) = vrcp.f32 v2;
	_ =	sdelay $0x3  }
0x1e2: {  	s24 =	simm.s32 $0xCFA0  }
0x1e3: {  	v5 =	vld [tilespmem:s24+$0x180]  }
0x1e4: {  	v7 =	vld [tilespmem:s24+$0xFFFFFE80]  }
0x1e5: {  	v9 =	vld [tilespmem:s24+$0xFFFFFF00]  }
0x1e6: {  	v6 =	vld [tilespmem:s24+$0xFFFFFF80]  }
0x1e7: {  	v4 =	vld [tilespmem:s24+$0x0];
	v2 =	vpop (erf)  }
0x1e8: {  	v3 =	vld [tilespmem:s24+$0x80];
	v10 =	vmul.f32 v5, v2  }
0x1e9: {  	v5 =	vld [tilespmem:s24+$0x100];
	v8 =	vmul.f32 v7, v2  }
0x1ea: {  	s25 =	simm.s32 $0x0;
	s26 =	simm.s32 $0xD3A0;
	v7 =	vld [tilespmem:s24+$0xFFFFFE00];
	v9 =	vmul.f32 v9, v2;
	[tilespmem:s24+$0x180] =	vst v10  }
.LBB2_25:
0x1eb: {  	v10 =	vld [tilespmem:s26+$0x180];
	s25 =	sadd.s32 $0x8, s25;
	[tilespmem:s24+$0xFFFFFE80] =	vst v8;
	v6 =	vmul.f32 v6, v2  }
0x1ec: {  	v8 =	vld [tilespmem:s26+$0xFFFFFE80];
	p1 =	slt.u32 s25, $0xB8;
	[tilespmem:s24+$0xFFFFFF00] =	vst v9;
	v4 =	vmul.f32 v4, v2  }
0x1ed: {  	v9 =	vld [tilespmem:s26+$0xFFFFFF00];
	[tilespmem:s24+$0xFFFFFF80] =	vst v6;
	v3 =	vmul.f32 v3, v2  }
.Ltmp16:
0x1ee: {  	v6 =	vld [tilespmem:s26+$0xFFFFFF80];
	[tilespmem:s24+$0x0] =	vst v4;
	v5 =	vmul.f32 v5, v2;
	(pc) =	sbr.rel @p1 .LBB2_25-.Ltmp16, $4  }
0x1ef: {  	v4 =	vld [tilespmem:s26+$0x0];
	v7 =	vmul.f32 v7, v2;
	[tilespmem:s24+$0x80] =	vst v3  }
0x1f0: {  	v3 =	vld [tilespmem:s26+$0x80];
	v10 =	vmul.f32 v10, v2;
	[tilespmem:s24+$0x100] =	vst v5  }
0x1f1: {  	v8 =	vmul.f32 v8, v2;
	v5 =	vld [tilespmem:s26+$0x100];
	[tilespmem:s24+$0xFFFFFE00] =	vst v7;
	s24 =	smov.u32 s26  }
0x1f2: {  	s28 =	simm.s32 $0x0;
	s26 =	sadd.s32 $0x400, s26;
	v7 =	vld [tilespmem:s24+$0xFFFFFE00];
	v9 =	vmul.f32 v9, v2;
	[tilespmem:s24+$0x180] =	vst v10  }
0x1f3: {  	[tilespmem:s24+$0xFFFFFE80] =	vst v8;
	v6 =	vmul.f32 v6, v2  }
0x1f4: {  	[tilespmem:s24+$0xFFFFFF00] =	vst v9;
	v4 =	vmul.f32 v4, v2  }
0x1f5: {  	[tilespmem:s24+$0xFFFFFF80] =	vst v6;
	v3 =	vmul.f32 v3, v2  }
0x1f6: {  	[tilespmem:s24+$0x0] =	vst v4;
	v62 =	vmul.f32 v5, v2  }
0x1f7: {  	v63 =	vmul.f32 v7, v2;
	[tilespmem:s24+$0x80] =	vst v3  }
0x1f8: {  	[tilespmem:s24+$0x100] =	vst v62  }
0x1f9: {  	[tilespmem:s24+$0xFFFFFE00] =	vst v63  }
.LBB2_27:
0x1fa: {  	s24 =	sshra.s32 s28, $0x2  }
0x1fb: {  	v3 =	vld [tilespmem:s24+$0x12DA0];
	_ =	sdelay $0x1  }
0x1fc: {  	p1 =	sne.s32 s28, $0x800  }
.Ltmp17:
0x1fd: {  	_ = 	snop;
	(pc) =	sbr.rel @p1 .LBB2_27-.Ltmp17, $3  }
0x1fe: {  	_ = 	snop  }
0x1ff: {  	v3 =	vmul.f32 v3, v2;
	_ =	sdelay $0x1  }
0x200: {  	s28 =	sadd.s32 $0x200, s28;
	[tilespmem:s24+$0x12DA0] =	vst v3  }
0x201: {  	s24 =	simm.s32 $0x7B0  }
0x202: {  	v2 =	vld [tilespmem:s24+$0xFFFFFE00]  }
0x203: {  	v3 =	vld [tilespmem:s24+$0xFFFFFE80];
	_ =	sdelay $0x1  }
0x204: {  	v4 =	vld [tilespmem:s24+$0xFFFFFF00];
	_ =	sdelay $0x1  }
0x205: {  	v5 =	vld [tilespmem:s24+$0xFFFFFF80];
	v2 =	vmul.f32 $1.442695020e+00, v2  }
0x206: {  	v3 =	vmul.f32 $1.442695020e+00, v3  }
0x207: {  	(erf) = vpow2.f32 v2;
	v2 =	vld [tilespmem:s24+$0x0]  }
0x208: {  	v4 =	vmul.f32 $1.442695020e+00, v4;
	(erf) = vpow2.f32 v3;
	v3 =	vld [tilespmem:s24+$0x80];
	_ =	sdelay $0x1  }
0x209: {  	v5 =	vmul.f32 $1.442695020e+00, v5;
	(erf) = vpow2.f32 v4;
	v4 =	vld [tilespmem:s24+$0x100];
	_ =	sdelay $0x1  }
0x20a: {  	(erf) = vpow2.f32 v5  }
0x20b: {  	v2 =	vmul.f32 $1.442695020e+00, v2;
	v3 =	vmul.f32 $1.442695020e+00, v3  }
0x20c: {  	v5 =	vld [tilespmem:s24+$0x180]  }
0x20d: {  	(erf) = vpow2.f32 v2;
	v4 =	vmul.f32 $1.442695020e+00, v4  }
0x20e: {  	s26 =	simm.s32 $0xBB0;
	v2 =	vimm.f32 $0.0e+00;
	v6 =	vpop (erf);
	(erf) = vpow2.f32 v3  }
0x20f: {  	v2 =	vadd.f32 v6, v2;
	v3 =	vpop (erf);
	(erf) = vpow2.f32 v4;
	v4 =	vld [tilespmem:s26+$0xFFFFFE00];
	_ =	sdelay $0x1  }
0x210: {  	v8 =	vld [tilespmem:s26+$0xFFFFFE80];
	v5 =	vmul.f32 $1.442695020e+00, v5;
	v2 =	vadd.f32 v3, v2  }
0x211: {  	v7 =	vpop (erf)  }
0x212: {  	s24 =	simm.s32 $0xCFB0;
	(erf) = vpow2.f32 v5;
	v5 =	vld [tilespmem:s26+$0xFFFFFF00];
	v2 =	vadd.f32 v7, v2  }
0x213: {  	[tilespmem:s24+$0xFFFFFE80] =	vst v3;
	v9 =	vpop (erf);
	v3 =	vmul.f32 $1.442695020e+00, v4  }
0x214: {  	v10 =	vld [tilespmem:s26+$0xFFFFFF80];
	v2 =	vadd.f32 v9, v2  }
0x215: {  	v4 =	vmul.f32 $1.442695020e+00, v8;
	v11 =	vpop (erf);
	(erf) = vpow2.f32 v3  }
0x216: {  	[tilespmem:s24+$0xFFFFFE00] =	vst v6;
	v6 =	vld [tilespmem:s26+$0x0];
	v2 =	vadd.f32 v11, v2  }
0x217: {  	v3 =	vmul.f32 $1.442695020e+00, v5;
	v62 =	vpop (erf);
	(erf) = vpow2.f32 v4  }
0x218: {  	[tilespmem:s24+$0xFFFFFF00] =	vst v7;
	v7 =	vld [tilespmem:s26+$0x80];
	v2 =	vadd.f32 v62, v2  }
0x219: {  	[tilespmem:s24+$0xFFFFFF80] =	vst v9;
	v4 =	vmul.f32 $1.442695020e+00, v10;
	v5 =	vpop (erf);
	(erf) = vpow2.f32 v3  }
0x21a: {  	[tilespmem:s24+$0x0] =	vst v11;
	v63 =	vadd.f32 v5, v2;
	v2 =	vld [tilespmem:s26+$0x100]  }
0x21b: {  	v6 =	vmul.f32 $1.442695020e+00, v6;
	[tilespmem:s24+$0x80] =	vst v62;
	(erf) = vpow2.f32 v4  }
0x21c: {  	v3 =	vld [tilespmem:s26+$0x180];
	[tilespmem:s24+$0x100] =	vst v5;
	v5 =	vpop (erf)  }
0x21d: {  	s25 =	simm.s32 $0x8;
	v4 =	vmul.f32 $1.442695020e+00, v7;
	(erf) = vpow2.f32 v6;
	s26 =	simm.s32 $0xFB0;
	[tilespmem:s24+$0x180] =	vst v5;
	v5 =	vadd.f32 v5, v63  }
.LBB2_29:
0x21e: {  	v6 =	vld [tilespmem:s26+$0xFFFFFE00];
	s25 =	sadd.s32 $0x8, s25;
	v7 =	vpop (erf);
	s24 =	sadd.s32 $0x400, s24  }
0x21f: {  	p1 =	slt.u32 s25, $0xB8;
	[tilespmem:s24+$0xFFFFFE00] =	vst v7;
	v5 =	vadd.f32 v7, v5;
	v2 =	vmul.f32 $1.442695020e+00, v2;
	(erf) = vpow2.f32 v4  }
0x220: {  	v4 =	vld [tilespmem:s26+$0xFFFFFE80];
	v7 =	vpop (erf)  }
0x221: {  	[tilespmem:s24+$0xFFFFFE80] =	vst v7;
	v5 =	vadd.f32 v7, v5;
	v3 =	vmul.f32 $1.442695020e+00, v3;
	(erf) = vpow2.f32 v2  }
0x222: {  	v2 =	vld [tilespmem:s26+$0xFFFFFF00];
	v7 =	vpop (erf)  }
0x223: {  	v6 =	vmul.f32 $1.442695020e+00, v6;
	[tilespmem:s24+$0xFFFFFF00] =	vst v7;
	v5 =	vadd.f32 v7, v5;
	(erf) = vpow2.f32 v3  }
0x224: {  	v3 =	vld [tilespmem:s26+$0xFFFFFF80];
	v7 =	vpop (erf)  }
0x225: {  	v4 =	vmul.f32 $1.442695020e+00, v4;
	(erf) = vpow2.f32 v6;
	[tilespmem:s24+$0xFFFFFF80] =	vst v7;
	v5 =	vadd.f32 v7, v5  }
0x226: {  	v6 =	vld [tilespmem:s26+$0x0];
	v7 =	vpop (erf)  }
0x227: {  	v2 =	vmul.f32 $1.442695020e+00, v2;
	(erf) = vpow2.f32 v4;
	[tilespmem:s24+$0x0] =	vst v7;
	v4 =	vadd.f32 v7, v5  }
0x228: {  	v5 =	vld [tilespmem:s26+$0x80];
	v7 =	vpop (erf)  }
.Ltmp18:
0x229: {  	v3 =	vmul.f32 $1.442695020e+00, v3;
	(erf) = vpow2.f32 v2;
	[tilespmem:s24+$0x80] =	vst v7;
	v4 =	vadd.f32 v7, v4;
	(pc) =	sbr.rel @p1 .LBB2_29-.Ltmp18, $4  }
0x22a: {  	v2 =	vld [tilespmem:s26+$0x100];
	v7 =	vpop (erf)  }
0x22b: {  	v6 =	vmul.f32 $1.442695020e+00, v6;
	(erf) = vpow2.f32 v3;
	[tilespmem:s24+$0x100] =	vst v7;
	v7 =	vadd.f32 v7, v4  }
0x22c: {  	v3 =	vld [tilespmem:s26+$0x180];
	v8 =	vpop (erf)  }
0x22d: {  	s26 =	sadd.s32 $0x400, s26;
	v4 =	vmul.f32 $1.442695020e+00, v5;
	(erf) = vpow2.f32 v6;
	[tilespmem:s24+$0x180] =	vst v8;
	v5 =	vadd.f32 v8, v7  }
0x22e: {  	_ = 	snop  }
0x22f: {  	v6 =	vpop (erf);
	v2 =	vmul.f32 $1.442695020e+00, v2  }
0x230: {  	v5 =	vadd.f32 v6, v5;
	(erf) = vpow2.f32 v4  }
0x231: {  	v60 =	vpop (erf);
	v3 =	vmul.f32 $1.442695020e+00, v3  }
0x232: {  	v5 =	vadd.f32 v60, v5  }
0x233: {  	(erf) = vpow2.f32 v2;
	v2 =	vpop (erf)  }
0x234: {  	v5 =	vadd.f32 v2, v5  }
0x235: {  	(erf) = vpow2.f32 v3;
	v3 =	vpop (erf)  }
0x236: {  	v5 =	vadd.f32 v3, v5  }
0x237: {  	s24 =	sadd.s32 $0x400, s24;
	v61 =	vpop (erf)  }
0x238: {  	[tilespmem:s24+$0xFFFFFE00] =	vst v6;
	v62 =	vadd.f32 v61, v5  }
0x239: {  	[tilespmem:s24+$0xFFFFFF00] =	vst v2;
	v2 =	vpop (erf)  }
0x23a: {  	[tilespmem:s24+$0xFFFFFF80] =	vst v3;
	v3 =	vadd.f32 v2, v62  }
0x23b: {  	[tilespmem:s24+$0xFFFFFE80] =	vst v60  }
0x23c: {  	[tilespmem:s24+$0x0] =	vst v61;
	v63 =	vpop (erf)  }
0x23d: {  	[tilespmem:s24+$0x80] =	vst v2;
	v2 =	vadd.f32 v63, v3  }
0x23e: {  	[tilespmem:s24+$0x100] =	vst v63;
	v3 =	vpop (erf)  }
0x23f: {  	[tilespmem:s24+$0x180] =	vst v3;
	v2 =	vadd.f32 v3, v2;
	s24 =	simm.s32 $0x0  }
.LBB2_31:
0x240: {  	s25 =	sshra.s32 s24, $0x2  }
0x241: {  	v3 =	vld [tilespmem:s25+$0x65B0];
	_ =	sdelay $0x4  }
0x242: {  	v3 =	vmul.f32 $1.442695020e+00, v3;
	_ =	sdelay $0x1  }
0x243: {  	(erf) = vpow2.f32 v3;
	_ =	sdelay $0x4  }
0x244: {  	p1 =	sne.s32 s24, $0x800  }
.Ltmp19:
0x245: {  	_ = 	snop;
	(pc) =	sbr.rel @p1 .LBB2_31-.Ltmp19, $3  }
0x246: {  	_ =	sdelay $0x1  }
0x247: {  	v3 =	vpop (erf)  }
0x248: {  	s24 =	sadd.s32 $0x200, s24;
	[tilespmem:s25+$0x12DB0] =	vst v3;
	v2 =	vadd.f32 v3, v2  }
0x249: {  	_ = 	snop  }
0x24a: {  	(erf) = vrcp.f32 v2;
	_ =	sdelay $0x3  }
0x24b: {  	s24 =	simm.s32 $0xCFB0  }
0x24c: {  	v5 =	vld [tilespmem:s24+$0x180]  }
0x24d: {  	v7 =	vld [tilespmem:s24+$0xFFFFFE80]  }
0x24e: {  	v9 =	vld [tilespmem:s24+$0xFFFFFF00]  }
0x24f: {  	v6 =	vld [tilespmem:s24+$0xFFFFFF80]  }
0x250: {  	v4 =	vld [tilespmem:s24+$0x0];
	v2 =	vpop (erf)  }
0x251: {  	v3 =	vld [tilespmem:s24+$0x80];
	v10 =	vmul.f32 v5, v2  }
0x252: {  	v5 =	vld [tilespmem:s24+$0x100];
	v8 =	vmul.f32 v7, v2  }
0x253: {  	s25 =	simm.s32 $0x0;
	s26 =	simm.s32 $0xD3B0;
	v7 =	vld [tilespmem:s24+$0xFFFFFE00];
	v9 =	vmul.f32 v9, v2;
	[tilespmem:s24+$0x180] =	vst v10  }
.LBB2_33:
0x254: {  	v10 =	vld [tilespmem:s26+$0x180];
	s25 =	sadd.s32 $0x8, s25;
	[tilespmem:s24+$0xFFFFFE80] =	vst v8;
	v6 =	vmul.f32 v6, v2  }
0x255: {  	v8 =	vld [tilespmem:s26+$0xFFFFFE80];
	p1 =	slt.u32 s25, $0xB8;
	[tilespmem:s24+$0xFFFFFF00] =	vst v9;
	v4 =	vmul.f32 v4, v2  }
0x256: {  	v9 =	vld [tilespmem:s26+$0xFFFFFF00];
	[tilespmem:s24+$0xFFFFFF80] =	vst v6;
	v3 =	vmul.f32 v3, v2  }
.Ltmp20:
0x257: {  	v6 =	vld [tilespmem:s26+$0xFFFFFF80];
	[tilespmem:s24+$0x0] =	vst v4;
	v5 =	vmul.f32 v5, v2;
	(pc) =	sbr.rel @p1 .LBB2_33-.Ltmp20, $4  }
0x258: {  	v4 =	vld [tilespmem:s26+$0x0];
	v7 =	vmul.f32 v7, v2;
	[tilespmem:s24+$0x80] =	vst v3  }
0x259: {  	v3 =	vld [tilespmem:s26+$0x80];
	v10 =	vmul.f32 v10, v2;
	[tilespmem:s24+$0x100] =	vst v5  }
0x25a: {  	v8 =	vmul.f32 v8, v2;
	v5 =	vld [tilespmem:s26+$0x100];
	[tilespmem:s24+$0xFFFFFE00] =	vst v7;
	s24 =	smov.u32 s26  }
0x25b: {  	s28 =	simm.s32 $0x0;
	s26 =	sadd.s32 $0x400, s26;
	v7 =	vld [tilespmem:s24+$0xFFFFFE00];
	v9 =	vmul.f32 v9, v2;
	[tilespmem:s24+$0x180] =	vst v10  }
0x25c: {  	[tilespmem:s24+$0xFFFFFE80] =	vst v8;
	v6 =	vmul.f32 v6, v2  }
0x25d: {  	[tilespmem:s24+$0xFFFFFF00] =	vst v9;
	v4 =	vmul.f32 v4, v2  }
0x25e: {  	[tilespmem:s24+$0xFFFFFF80] =	vst v6;
	v3 =	vmul.f32 v3, v2  }
0x25f: {  	[tilespmem:s24+$0x0] =	vst v4;
	v62 =	vmul.f32 v5, v2  }
0x260: {  	v63 =	vmul.f32 v7, v2;
	[tilespmem:s24+$0x80] =	vst v3  }
0x261: {  	[tilespmem:s24+$0x100] =	vst v62  }
0x262: {  	[tilespmem:s24+$0xFFFFFE00] =	vst v63  }
.LBB2_35:
0x263: {  	s24 =	sshra.s32 s28, $0x2  }
0x264: {  	v3 =	vld [tilespmem:s24+$0x12DB0];
	_ =	sdelay $0x1  }
0x265: {  	p1 =	sne.s32 s28, $0x800  }
.Ltmp21:
0x266: {  	_ = 	snop;
	(pc) =	sbr.rel @p1 .LBB2_35-.Ltmp21, $3  }
0x267: {  	_ = 	snop  }
0x268: {  	v3 =	vmul.f32 v3, v2;
	_ =	sdelay $0x1  }
0x269: {  	s28 =	sadd.s32 $0x200, s28;
	[tilespmem:s24+$0x12DB0] =	vst v3  }
0x26a: {  	s24 =	simm.s32 $0x7C0  }
0x26b: {  	v2 =	vld [tilespmem:s24+$0xFFFFFE00]  }
0x26c: {  	v3 =	vld [tilespmem:s24+$0xFFFFFE80];
	_ =	sdelay $0x1  }
0x26d: {  	v4 =	vld [tilespmem:s24+$0xFFFFFF00];
	_ =	sdelay $0x1  }
0x26e: {  	v5 =	vld [tilespmem:s24+$0xFFFFFF80];
	v2 =	vmul.f32 $1.442695020e+00, v2  }
0x26f: {  	v3 =	vmul.f32 $1.442695020e+00, v3  }
0x270: {  	(erf) = vpow2.f32 v2;
	v2 =	vld [tilespmem:s24+$0x0]  }
0x271: {  	v4 =	vmul.f32 $1.442695020e+00, v4;
	(erf) = vpow2.f32 v3;
	v3 =	vld [tilespmem:s24+$0x80];
	_ =	sdelay $0x1  }
0x272: {  	v5 =	vmul.f32 $1.442695020e+00, v5;
	(erf) = vpow2.f32 v4;
	v4 =	vld [tilespmem:s24+$0x100];
	_ =	sdelay $0x1  }
0x273: {  	(erf) = vpow2.f32 v5  }
0x274: {  	v2 =	vmul.f32 $1.442695020e+00, v2;
	v3 =	vmul.f32 $1.442695020e+00, v3  }
0x275: {  	v5 =	vld [tilespmem:s24+$0x180]  }
0x276: {  	(erf) = vpow2.f32 v2;
	v4 =	vmul.f32 $1.442695020e+00, v4  }
0x277: {  	s26 =	simm.s32 $0xBC0;
	v2 =	vimm.f32 $0.0e+00;
	v6 =	vpop (erf);
	(erf) = vpow2.f32 v3  }
0x278: {  	v2 =	vadd.f32 v6, v2;
	v3 =	vpop (erf);
	(erf) = vpow2.f32 v4;
	v4 =	vld [tilespmem:s26+$0xFFFFFE00];
	_ =	sdelay $0x1  }
0x279: {  	v8 =	vld [tilespmem:s26+$0xFFFFFE80];
	v5 =	vmul.f32 $1.442695020e+00, v5;
	v2 =	vadd.f32 v3, v2  }
0x27a: {  	v7 =	vpop (erf)  }
0x27b: {  	s24 =	simm.s32 $0xCFC0;
	(erf) = vpow2.f32 v5;
	v5 =	vld [tilespmem:s26+$0xFFFFFF00];
	v2 =	vadd.f32 v7, v2  }
0x27c: {  	[tilespmem:s24+$0xFFFFFE80] =	vst v3;
	v9 =	vpop (erf);
	v3 =	vmul.f32 $1.442695020e+00, v4  }
0x27d: {  	v10 =	vld [tilespmem:s26+$0xFFFFFF80];
	v2 =	vadd.f32 v9, v2  }
0x27e: {  	v4 =	vmul.f32 $1.442695020e+00, v8;
	v11 =	vpop (erf);
	(erf) = vpow2.f32 v3  }
0x27f: {  	[tilespmem:s24+$0xFFFFFE00] =	vst v6;
	v6 =	vld [tilespmem:s26+$0x0];
	v2 =	vadd.f32 v11, v2  }
0x280: {  	v3 =	vmul.f32 $1.442695020e+00, v5;
	v62 =	vpop (erf);
	(erf) = vpow2.f32 v4  }
0x281: {  	[tilespmem:s24+$0xFFFFFF00] =	vst v7;
	v7 =	vld [tilespmem:s26+$0x80];
	v2 =	vadd.f32 v62, v2  }
0x282: {  	[tilespmem:s24+$0xFFFFFF80] =	vst v9;
	v4 =	vmul.f32 $1.442695020e+00, v10;
	v5 =	vpop (erf);
	(erf) = vpow2.f32 v3  }
0x283: {  	[tilespmem:s24+$0x0] =	vst v11;
	v63 =	vadd.f32 v5, v2;
	v2 =	vld [tilespmem:s26+$0x100]  }
0x284: {  	v6 =	vmul.f32 $1.442695020e+00, v6;
	[tilespmem:s24+$0x80] =	vst v62;
	(erf) = vpow2.f32 v4  }
0x285: {  	v3 =	vld [tilespmem:s26+$0x180];
	[tilespmem:s24+$0x100] =	vst v5;
	v5 =	vpop (erf)  }
0x286: {  	s25 =	simm.s32 $0x8;
	v4 =	vmul.f32 $1.442695020e+00, v7;
	(erf) = vpow2.f32 v6;
	s26 =	simm.s32 $0xFC0;
	[tilespmem:s24+$0x180] =	vst v5;
	v5 =	vadd.f32 v5, v63  }
.LBB2_37:
0x287: {  	v6 =	vld [tilespmem:s26+$0xFFFFFE00];
	s25 =	sadd.s32 $0x8, s25;
	v7 =	vpop (erf);
	s24 =	sadd.s32 $0x400, s24  }
0x288: {  	p1 =	slt.u32 s25, $0xB8;
	[tilespmem:s24+$0xFFFFFE00] =	vst v7;
	v5 =	vadd.f32 v7, v5;
	v2 =	vmul.f32 $1.442695020e+00, v2;
	(erf) = vpow2.f32 v4  }
0x289: {  	v4 =	vld [tilespmem:s26+$0xFFFFFE80];
	v7 =	vpop (erf)  }
0x28a: {  	[tilespmem:s24+$0xFFFFFE80] =	vst v7;
	v5 =	vadd.f32 v7, v5;
	v3 =	vmul.f32 $1.442695020e+00, v3;
	(erf) = vpow2.f32 v2  }
0x28b: {  	v2 =	vld [tilespmem:s26+$0xFFFFFF00];
	v7 =	vpop (erf)  }
0x28c: {  	v6 =	vmul.f32 $1.442695020e+00, v6;
	[tilespmem:s24+$0xFFFFFF00] =	vst v7;
	v5 =	vadd.f32 v7, v5;
	(erf) = vpow2.f32 v3  }
0x28d: {  	v3 =	vld [tilespmem:s26+$0xFFFFFF80];
	v7 =	vpop (erf)  }
0x28e: {  	v4 =	vmul.f32 $1.442695020e+00, v4;
	(erf) = vpow2.f32 v6;
	[tilespmem:s24+$0xFFFFFF80] =	vst v7;
	v5 =	vadd.f32 v7, v5  }
0x28f: {  	v6 =	vld [tilespmem:s26+$0x0];
	v7 =	vpop (erf)  }
0x290: {  	v2 =	vmul.f32 $1.442695020e+00, v2;
	(erf) = vpow2.f32 v4;
	[tilespmem:s24+$0x0] =	vst v7;
	v4 =	vadd.f32 v7, v5  }
0x291: {  	v5 =	vld [tilespmem:s26+$0x80];
	v7 =	vpop (erf)  }
.Ltmp22:
0x292: {  	v3 =	vmul.f32 $1.442695020e+00, v3;
	(erf) = vpow2.f32 v2;
	[tilespmem:s24+$0x80] =	vst v7;
	v4 =	vadd.f32 v7, v4;
	(pc) =	sbr.rel @p1 .LBB2_37-.Ltmp22, $4  }
0x293: {  	v2 =	vld [tilespmem:s26+$0x100];
	v7 =	vpop (erf)  }
0x294: {  	v6 =	vmul.f32 $1.442695020e+00, v6;
	(erf) = vpow2.f32 v3;
	[tilespmem:s24+$0x100] =	vst v7;
	v7 =	vadd.f32 v7, v4  }
0x295: {  	v3 =	vld [tilespmem:s26+$0x180];
	v8 =	vpop (erf)  }
0x296: {  	s26 =	sadd.s32 $0x400, s26;
	v4 =	vmul.f32 $1.442695020e+00, v5;
	(erf) = vpow2.f32 v6;
	[tilespmem:s24+$0x180] =	vst v8;
	v5 =	vadd.f32 v8, v7  }
0x297: {  	_ = 	snop  }
0x298: {  	v6 =	vpop (erf);
	v2 =	vmul.f32 $1.442695020e+00, v2  }
0x299: {  	v5 =	vadd.f32 v6, v5;
	(erf) = vpow2.f32 v4  }
0x29a: {  	v60 =	vpop (erf);
	v3 =	vmul.f32 $1.442695020e+00, v3  }
0x29b: {  	v5 =	vadd.f32 v60, v5  }
0x29c: {  	(erf) = vpow2.f32 v2;
	v2 =	vpop (erf)  }
0x29d: {  	v5 =	vadd.f32 v2, v5  }
0x29e: {  	(erf) = vpow2.f32 v3;
	v3 =	vpop (erf)  }
0x29f: {  	v5 =	vadd.f32 v3, v5  }
0x2a0: {  	s24 =	sadd.s32 $0x400, s24;
	v61 =	vpop (erf)  }
0x2a1: {  	[tilespmem:s24+$0xFFFFFE00] =	vst v6;
	v62 =	vadd.f32 v61, v5  }
0x2a2: {  	[tilespmem:s24+$0xFFFFFF00] =	vst v2;
	v2 =	vpop (erf)  }
0x2a3: {  	[tilespmem:s24+$0xFFFFFF80] =	vst v3;
	v3 =	vadd.f32 v2, v62  }
0x2a4: {  	[tilespmem:s24+$0xFFFFFE80] =	vst v60  }
0x2a5: {  	[tilespmem:s24+$0x0] =	vst v61;
	v63 =	vpop (erf)  }
0x2a6: {  	[tilespmem:s24+$0x80] =	vst v2;
	v2 =	vadd.f32 v63, v3  }
0x2a7: {  	[tilespmem:s24+$0x100] =	vst v63;
	v3 =	vpop (erf)  }
0x2a8: {  	[tilespmem:s24+$0x180] =	vst v3;
	v2 =	vadd.f32 v3, v2;
	s24 =	simm.s32 $0x0  }
.LBB2_39:
0x2a9: {  	s25 =	sshra.s32 s24, $0x2  }
0x2aa: {  	v3 =	vld [tilespmem:s25+$0x65C0];
	_ =	sdelay $0x4  }
0x2ab: {  	v3 =	vmul.f32 $1.442695020e+00, v3;
	_ =	sdelay $0x1  }
0x2ac: {  	(erf) = vpow2.f32 v3;
	_ =	sdelay $0x4  }
0x2ad: {  	p1 =	sne.s32 s24, $0x800  }
.Ltmp23:
0x2ae: {  	_ = 	snop;
	(pc) =	sbr.rel @p1 .LBB2_39-.Ltmp23, $3  }
0x2af: {  	_ =	sdelay $0x1  }
0x2b0: {  	v3 =	vpop (erf)  }
0x2b1: {  	s24 =	sadd.s32 $0x200, s24;
	[tilespmem:s25+$0x12DC0] =	vst v3;
	v2 =	vadd.f32 v3, v2  }
0x2b2: {  	_ = 	snop  }
0x2b3: {  	(erf) = vrcp.f32 v2;
	_ =	sdelay $0x3  }
0x2b4: {  	s24 =	simm.s32 $0xCFC0  }
0x2b5: {  	v5 =	vld [tilespmem:s24+$0x180]  }
0x2b6: {  	v7 =	vld [tilespmem:s24+$0xFFFFFE80]  }
0x2b7: {  	v9 =	vld [tilespmem:s24+$0xFFFFFF00]  }
0x2b8: {  	v6 =	vld [tilespmem:s24+$0xFFFFFF80]  }
0x2b9: {  	v4 =	vld [tilespmem:s24+$0x0];
	v2 =	vpop (erf)  }
0x2ba: {  	v3 =	vld [tilespmem:s24+$0x80];
	v10 =	vmul.f32 v5, v2  }
0x2bb: {  	v5 =	vld [tilespmem:s24+$0x100];
	v8 =	vmul.f32 v7, v2  }
0x2bc: {  	s25 =	simm.s32 $0x0;
	s26 =	simm.s32 $0xD3C0;
	v7 =	vld [tilespmem:s24+$0xFFFFFE00];
	v9 =	vmul.f32 v9, v2;
	[tilespmem:s24+$0x180] =	vst v10  }
.LBB2_41:
0x2bd: {  	v10 =	vld [tilespmem:s26+$0x180];
	s25 =	sadd.s32 $0x8, s25;
	[tilespmem:s24+$0xFFFFFE80] =	vst v8;
	v6 =	vmul.f32 v6, v2  }
0x2be: {  	v8 =	vld [tilespmem:s26+$0xFFFFFE80];
	p1 =	slt.u32 s25, $0xB8;
	[tilespmem:s24+$0xFFFFFF00] =	vst v9;
	v4 =	vmul.f32 v4, v2  }
0x2bf: {  	v9 =	vld [tilespmem:s26+$0xFFFFFF00];
	[tilespmem:s24+$0xFFFFFF80] =	vst v6;
	v3 =	vmul.f32 v3, v2  }
.Ltmp24:
0x2c0: {  	v6 =	vld [tilespmem:s26+$0xFFFFFF80];
	[tilespmem:s24+$0x0] =	vst v4;
	v5 =	vmul.f32 v5, v2;
	(pc) =	sbr.rel @p1 .LBB2_41-.Ltmp24, $4  }
0x2c1: {  	v4 =	vld [tilespmem:s26+$0x0];
	v7 =	vmul.f32 v7, v2;
	[tilespmem:s24+$0x80] =	vst v3  }
0x2c2: {  	v3 =	vld [tilespmem:s26+$0x80];
	v10 =	vmul.f32 v10, v2;
	[tilespmem:s24+$0x100] =	vst v5  }
0x2c3: {  	v8 =	vmul.f32 v8, v2;
	v5 =	vld [tilespmem:s26+$0x100];
	[tilespmem:s24+$0xFFFFFE00] =	vst v7;
	s24 =	smov.u32 s26  }
0x2c4: {  	s28 =	simm.s32 $0x0;
	s26 =	sadd.s32 $0x400, s26;
	v7 =	vld [tilespmem:s24+$0xFFFFFE00];
	v9 =	vmul.f32 v9, v2;
	[tilespmem:s24+$0x180] =	vst v10  }
0x2c5: {  	[tilespmem:s24+$0xFFFFFE80] =	vst v8;
	v6 =	vmul.f32 v6, v2  }
0x2c6: {  	[tilespmem:s24+$0xFFFFFF00] =	vst v9;
	v4 =	vmul.f32 v4, v2  }
0x2c7: {  	[tilespmem:s24+$0xFFFFFF80] =	vst v6;
	v3 =	vmul.f32 v3, v2  }
0x2c8: {  	[tilespmem:s24+$0x0] =	vst v4;
	v62 =	vmul.f32 v5, v2  }
0x2c9: {  	v63 =	vmul.f32 v7, v2;
	[tilespmem:s24+$0x80] =	vst v3  }
0x2ca: {  	[tilespmem:s24+$0x100] =	vst v62  }
0x2cb: {  	[tilespmem:s24+$0xFFFFFE00] =	vst v63  }
.LBB2_43:
0x2cc: {  	s24 =	sshra.s32 s28, $0x2  }
0x2cd: {  	v3 =	vld [tilespmem:s24+$0x12DC0];
	_ =	sdelay $0x1  }
0x2ce: {  	p1 =	sne.s32 s28, $0x800  }
.Ltmp25:
0x2cf: {  	_ = 	snop;
	(pc) =	sbr.rel @p1 .LBB2_43-.Ltmp25, $3  }
0x2d0: {  	_ = 	snop  }
0x2d1: {  	v3 =	vmul.f32 v3, v2;
	_ =	sdelay $0x1  }
0x2d2: {  	s28 =	sadd.s32 $0x200, s28;
	[tilespmem:s24+$0x12DC0] =	vst v3  }
0x2d3: {  	s24 =	simm.s32 $0x7D0  }
0x2d4: {  	v2 =	vld [tilespmem:s24+$0xFFFFFE00]  }
0x2d5: {  	v3 =	vld [tilespmem:s24+$0xFFFFFE80];
	_ =	sdelay $0x1  }
0x2d6: {  	v4 =	vld [tilespmem:s24+$0xFFFFFF00];
	_ =	sdelay $0x1  }
0x2d7: {  	v5 =	vld [tilespmem:s24+$0xFFFFFF80];
	v2 =	vmul.f32 $1.442695020e+00, v2  }
0x2d8: {  	v3 =	vmul.f32 $1.442695020e+00, v3  }
0x2d9: {  	(erf) = vpow2.f32 v2;
	v2 =	vld [tilespmem:s24+$0x0]  }
0x2da: {  	v4 =	vmul.f32 $1.442695020e+00, v4;
	(erf) = vpow2.f32 v3;
	v3 =	vld [tilespmem:s24+$0x80];
	_ =	sdelay $0x1  }
0x2db: {  	v5 =	vmul.f32 $1.442695020e+00, v5;
	(erf) = vpow2.f32 v4;
	v4 =	vld [tilespmem:s24+$0x100];
	_ =	sdelay $0x1  }
0x2dc: {  	(erf) = vpow2.f32 v5  }
0x2dd: {  	v2 =	vmul.f32 $1.442695020e+00, v2;
	v3 =	vmul.f32 $1.442695020e+00, v3  }
0x2de: {  	v5 =	vld [tilespmem:s24+$0x180]  }
0x2df: {  	(erf) = vpow2.f32 v2;
	v4 =	vmul.f32 $1.442695020e+00, v4  }
0x2e0: {  	s26 =	simm.s32 $0xBD0;
	v2 =	vimm.f32 $0.0e+00;
	v6 =	vpop (erf);
	(erf) = vpow2.f32 v3  }
0x2e1: {  	v2 =	vadd.f32 v6, v2;
	v3 =	vpop (erf);
	(erf) = vpow2.f32 v4;
	v4 =	vld [tilespmem:s26+$0xFFFFFE00];
	_ =	sdelay $0x1  }
0x2e2: {  	v8 =	vld [tilespmem:s26+$0xFFFFFE80];
	v5 =	vmul.f32 $1.442695020e+00, v5;
	v2 =	vadd.f32 v3, v2  }
0x2e3: {  	v7 =	vpop (erf)  }
0x2e4: {  	s24 =	simm.s32 $0xCFD0;
	(erf) = vpow2.f32 v5;
	v5 =	vld [tilespmem:s26+$0xFFFFFF00];
	v2 =	vadd.f32 v7, v2  }
0x2e5: {  	[tilespmem:s24+$0xFFFFFE80] =	vst v3;
	v9 =	vpop (erf);
	v3 =	vmul.f32 $1.442695020e+00, v4  }
0x2e6: {  	v10 =	vld [tilespmem:s26+$0xFFFFFF80];
	v2 =	vadd.f32 v9, v2  }
0x2e7: {  	v4 =	vmul.f32 $1.442695020e+00, v8;
	v11 =	vpop (erf);
	(erf) = vpow2.f32 v3  }
0x2e8: {  	[tilespmem:s24+$0xFFFFFE00] =	vst v6;
	v6 =	vld [tilespmem:s26+$0x0];
	v2 =	vadd.f32 v11, v2  }
0x2e9: {  	v3 =	vmul.f32 $1.442695020e+00, v5;
	v62 =	vpop (erf);
	(erf) = vpow2.f32 v4  }
0x2ea: {  	[tilespmem:s24+$0xFFFFFF00] =	vst v7;
	v7 =	vld [tilespmem:s26+$0x80];
	v2 =	vadd.f32 v62, v2  }
0x2eb: {  	[tilespmem:s24+$0xFFFFFF80] =	vst v9;
	v4 =	vmul.f32 $1.442695020e+00, v10;
	v5 =	vpop (erf);
	(erf) = vpow2.f32 v3  }
0x2ec: {  	[tilespmem:s24+$0x0] =	vst v11;
	v63 =	vadd.f32 v5, v2;
	v2 =	vld [tilespmem:s26+$0x100]  }
0x2ed: {  	v6 =	vmul.f32 $1.442695020e+00, v6;
	[tilespmem:s24+$0x80] =	vst v62;
	(erf) = vpow2.f32 v4  }
0x2ee: {  	v3 =	vld [tilespmem:s26+$0x180];
	[tilespmem:s24+$0x100] =	vst v5;
	v5 =	vpop (erf)  }
0x2ef: {  	s25 =	simm.s32 $0x8;
	v4 =	vmul.f32 $1.442695020e+00, v7;
	(erf) = vpow2.f32 v6;
	s26 =	simm.s32 $0xFD0;
	[tilespmem:s24+$0x180] =	vst v5;
	v5 =	vadd.f32 v5, v63  }
.LBB2_45:
0x2f0: {  	v6 =	vld [tilespmem:s26+$0xFFFFFE00];
	s25 =	sadd.s32 $0x8, s25;
	v7 =	vpop (erf);
	s24 =	sadd.s32 $0x400, s24  }
0x2f1: {  	p1 =	slt.u32 s25, $0xB8;
	[tilespmem:s24+$0xFFFFFE00] =	vst v7;
	v5 =	vadd.f32 v7, v5;
	v2 =	vmul.f32 $1.442695020e+00, v2;
	(erf) = vpow2.f32 v4  }
0x2f2: {  	v4 =	vld [tilespmem:s26+$0xFFFFFE80];
	v7 =	vpop (erf)  }
0x2f3: {  	[tilespmem:s24+$0xFFFFFE80] =	vst v7;
	v5 =	vadd.f32 v7, v5;
	v3 =	vmul.f32 $1.442695020e+00, v3;
	(erf) = vpow2.f32 v2  }
0x2f4: {  	v2 =	vld [tilespmem:s26+$0xFFFFFF00];
	v7 =	vpop (erf)  }
0x2f5: {  	v6 =	vmul.f32 $1.442695020e+00, v6;
	[tilespmem:s24+$0xFFFFFF00] =	vst v7;
	v5 =	vadd.f32 v7, v5;
	(erf) = vpow2.f32 v3  }
0x2f6: {  	v3 =	vld [tilespmem:s26+$0xFFFFFF80];
	v7 =	vpop (erf)  }
0x2f7: {  	v4 =	vmul.f32 $1.442695020e+00, v4;
	(erf) = vpow2.f32 v6;
	[tilespmem:s24+$0xFFFFFF80] =	vst v7;
	v5 =	vadd.f32 v7, v5  }
0x2f8: {  	v6 =	vld [tilespmem:s26+$0x0];
	v7 =	vpop (erf)  }
0x2f9: {  	v2 =	vmul.f32 $1.442695020e+00, v2;
	(erf) = vpow2.f32 v4;
	[tilespmem:s24+$0x0] =	vst v7;
	v4 =	vadd.f32 v7, v5  }
0x2fa: {  	v5 =	vld [tilespmem:s26+$0x80];
	v7 =	vpop (erf)  }
.Ltmp26:
0x2fb: {  	v3 =	vmul.f32 $1.442695020e+00, v3;
	(erf) = vpow2.f32 v2;
	[tilespmem:s24+$0x80] =	vst v7;
	v4 =	vadd.f32 v7, v4;
	(pc) =	sbr.rel @p1 .LBB2_45-.Ltmp26, $4  }
0x2fc: {  	v2 =	vld [tilespmem:s26+$0x100];
	v7 =	vpop (erf)  }
0x2fd: {  	v6 =	vmul.f32 $1.442695020e+00, v6;
	(erf) = vpow2.f32 v3;
	[tilespmem:s24+$0x100] =	vst v7;
	v7 =	vadd.f32 v7, v4  }
0x2fe: {  	v3 =	vld [tilespmem:s26+$0x180];
	v8 =	vpop (erf)  }
0x2ff: {  	s26 =	sadd.s32 $0x400, s26;
	v4 =	vmul.f32 $1.442695020e+00, v5;
	(erf) = vpow2.f32 v6;
	[tilespmem:s24+$0x180] =	vst v8;
	v5 =	vadd.f32 v8, v7  }
0x300: {  	_ = 	snop  }
0x301: {  	v6 =	vpop (erf);
	v2 =	vmul.f32 $1.442695020e+00, v2  }
0x302: {  	v5 =	vadd.f32 v6, v5;
	(erf) = vpow2.f32 v4  }
0x303: {  	v60 =	vpop (erf);
	v3 =	vmul.f32 $1.442695020e+00, v3  }
0x304: {  	v5 =	vadd.f32 v60, v5  }
0x305: {  	(erf) = vpow2.f32 v2;
	v2 =	vpop (erf)  }
0x306: {  	v5 =	vadd.f32 v2, v5  }
0x307: {  	(erf) = vpow2.f32 v3;
	v3 =	vpop (erf)  }
0x308: {  	v5 =	vadd.f32 v3, v5  }
0x309: {  	s24 =	sadd.s32 $0x400, s24;
	v61 =	vpop (erf)  }
0x30a: {  	[tilespmem:s24+$0xFFFFFE00] =	vst v6;
	v62 =	vadd.f32 v61, v5  }
0x30b: {  	[tilespmem:s24+$0xFFFFFF00] =	vst v2;
	v2 =	vpop (erf)  }
0x30c: {  	[tilespmem:s24+$0xFFFFFF80] =	vst v3;
	v3 =	vadd.f32 v2, v62  }
0x30d: {  	[tilespmem:s24+$0xFFFFFE80] =	vst v60  }
0x30e: {  	[tilespmem:s24+$0x0] =	vst v61;
	v63 =	vpop (erf)  }
0x30f: {  	[tilespmem:s24+$0x80] =	vst v2;
	v2 =	vadd.f32 v63, v3  }
0x310: {  	[tilespmem:s24+$0x100] =	vst v63;
	v3 =	vpop (erf)  }
0x311: {  	[tilespmem:s24+$0x180] =	vst v3;
	v2 =	vadd.f32 v3, v2;
	s24 =	simm.s32 $0x0  }
.LBB2_47:
0x312: {  	s25 =	sshra.s32 s24, $0x2  }
0x313: {  	v3 =	vld [tilespmem:s25+$0x65D0];
	_ =	sdelay $0x4  }
0x314: {  	v3 =	vmul.f32 $1.442695020e+00, v3;
	_ =	sdelay $0x1  }
0x315: {  	(erf) = vpow2.f32 v3;
	_ =	sdelay $0x4  }
0x316: {  	p1 =	sne.s32 s24, $0x800  }
.Ltmp27:
0x317: {  	_ = 	snop;
	(pc) =	sbr.rel @p1 .LBB2_47-.Ltmp27, $3  }
0x318: {  	_ =	sdelay $0x1  }
0x319: {  	v3 =	vpop (erf)  }
0x31a: {  	s24 =	sadd.s32 $0x200, s24;
	[tilespmem:s25+$0x12DD0] =	vst v3;
	v2 =	vadd.f32 v3, v2  }
0x31b: {  	_ = 	snop  }
0x31c: {  	(erf) = vrcp.f32 v2;
	_ =	sdelay $0x3  }
0x31d: {  	s24 =	simm.s32 $0xCFD0  }
0x31e: {  	v5 =	vld [tilespmem:s24+$0x180]  }
0x31f: {  	v7 =	vld [tilespmem:s24+$0xFFFFFE80]  }
0x320: {  	v9 =	vld [tilespmem:s24+$0xFFFFFF00]  }
0x321: {  	v6 =	vld [tilespmem:s24+$0xFFFFFF80]  }
0x322: {  	v4 =	vld [tilespmem:s24+$0x0];
	v2 =	vpop (erf)  }
0x323: {  	v3 =	vld [tilespmem:s24+$0x80];
	v10 =	vmul.f32 v5, v2  }
0x324: {  	v5 =	vld [tilespmem:s24+$0x100];
	v8 =	vmul.f32 v7, v2  }
0x325: {  	s25 =	simm.s32 $0x0;
	s26 =	simm.s32 $0xD3D0;
	v7 =	vld [tilespmem:s24+$0xFFFFFE00];
	v9 =	vmul.f32 v9, v2;
	[tilespmem:s24+$0x180] =	vst v10  }
.LBB2_49:
0x326: {  	v10 =	vld [tilespmem:s26+$0x180];
	s25 =	sadd.s32 $0x8, s25;
	[tilespmem:s24+$0xFFFFFE80] =	vst v8;
	v6 =	vmul.f32 v6, v2  }
0x327: {  	v8 =	vld [tilespmem:s26+$0xFFFFFE80];
	p1 =	slt.u32 s25, $0xB8;
	[tilespmem:s24+$0xFFFFFF00] =	vst v9;
	v4 =	vmul.f32 v4, v2  }
0x328: {  	v9 =	vld [tilespmem:s26+$0xFFFFFF00];
	[tilespmem:s24+$0xFFFFFF80] =	vst v6;
	v3 =	vmul.f32 v3, v2  }
.Ltmp28:
0x329: {  	v6 =	vld [tilespmem:s26+$0xFFFFFF80];
	[tilespmem:s24+$0x0] =	vst v4;
	v5 =	vmul.f32 v5, v2;
	(pc) =	sbr.rel @p1 .LBB2_49-.Ltmp28, $4  }
0x32a: {  	v4 =	vld [tilespmem:s26+$0x0];
	v7 =	vmul.f32 v7, v2;
	[tilespmem:s24+$0x80] =	vst v3  }
0x32b: {  	v3 =	vld [tilespmem:s26+$0x80];
	v10 =	vmul.f32 v10, v2;
	[tilespmem:s24+$0x100] =	vst v5  }
0x32c: {  	v8 =	vmul.f32 v8, v2;
	v5 =	vld [tilespmem:s26+$0x100];
	[tilespmem:s24+$0xFFFFFE00] =	vst v7;
	s24 =	smov.u32 s26  }
0x32d: {  	s28 =	simm.s32 $0x0;
	s26 =	sadd.s32 $0x400, s26;
	v7 =	vld [tilespmem:s24+$0xFFFFFE00];
	v9 =	vmul.f32 v9, v2;
	[tilespmem:s24+$0x180] =	vst v10  }
0x32e: {  	[tilespmem:s24+$0xFFFFFE80] =	vst v8;
	v6 =	vmul.f32 v6, v2  }
0x32f: {  	[tilespmem:s24+$0xFFFFFF00] =	vst v9;
	v4 =	vmul.f32 v4, v2  }
0x330: {  	[tilespmem:s24+$0xFFFFFF80] =	vst v6;
	v3 =	vmul.f32 v3, v2  }
0x331: {  	[tilespmem:s24+$0x0] =	vst v4;
	v62 =	vmul.f32 v5, v2  }
0x332: {  	v63 =	vmul.f32 v7, v2;
	[tilespmem:s24+$0x80] =	vst v3  }
0x333: {  	[tilespmem:s24+$0x100] =	vst v62  }
0x334: {  	[tilespmem:s24+$0xFFFFFE00] =	vst v63  }
.LBB2_51:
0x335: {  	s24 =	sshra.s32 s28, $0x2  }
0x336: {  	v3 =	vld [tilespmem:s24+$0x12DD0];
	_ =	sdelay $0x1  }
0x337: {  	p1 =	sne.s32 s28, $0x800  }
.Ltmp29:
0x338: {  	_ = 	snop;
	(pc) =	sbr.rel @p1 .LBB2_51-.Ltmp29, $3  }
0x339: {  	_ = 	snop  }
0x33a: {  	v3 =	vmul.f32 v3, v2;
	_ =	sdelay $0x1  }
0x33b: {  	s28 =	sadd.s32 $0x200, s28;
	[tilespmem:s24+$0x12DD0] =	vst v3  }
0x33c: {  	s24 =	simm.s32 $0x7E0  }
0x33d: {  	v2 =	vld [tilespmem:s24+$0xFFFFFE00]  }
0x33e: {  	v3 =	vld [tilespmem:s24+$0xFFFFFE80];
	_ =	sdelay $0x1  }
0x33f: {  	v4 =	vld [tilespmem:s24+$0xFFFFFF00];
	_ =	sdelay $0x1  }
0x340: {  	v5 =	vld [tilespmem:s24+$0xFFFFFF80];
	v2 =	vmul.f32 $1.442695020e+00, v2  }
0x341: {  	v3 =	vmul.f32 $1.442695020e+00, v3  }
0x342: {  	(erf) = vpow2.f32 v2;
	v2 =	vld [tilespmem:s24+$0x0]  }
0x343: {  	v4 =	vmul.f32 $1.442695020e+00, v4;
	(erf) = vpow2.f32 v3;
	v3 =	vld [tilespmem:s24+$0x80];
	_ =	sdelay $0x1  }
0x344: {  	v5 =	vmul.f32 $1.442695020e+00, v5;
	(erf) = vpow2.f32 v4;
	v4 =	vld [tilespmem:s24+$0x100];
	_ =	sdelay $0x1  }
0x345: {  	(erf) = vpow2.f32 v5  }
0x346: {  	v2 =	vmul.f32 $1.442695020e+00, v2;
	v3 =	vmul.f32 $1.442695020e+00, v3  }
0x347: {  	v5 =	vld [tilespmem:s24+$0x180]  }
0x348: {  	(erf) = vpow2.f32 v2;
	v4 =	vmul.f32 $1.442695020e+00, v4  }
0x349: {  	s26 =	simm.s32 $0xBE0;
	v2 =	vimm.f32 $0.0e+00;
	v6 =	vpop (erf);
	(erf) = vpow2.f32 v3  }
0x34a: {  	v2 =	vadd.f32 v6, v2;
	v3 =	vpop (erf);
	(erf) = vpow2.f32 v4;
	v4 =	vld [tilespmem:s26+$0xFFFFFE00];
	_ =	sdelay $0x1  }
0x34b: {  	v8 =	vld [tilespmem:s26+$0xFFFFFE80];
	v5 =	vmul.f32 $1.442695020e+00, v5;
	v2 =	vadd.f32 v3, v2  }
0x34c: {  	v7 =	vpop (erf)  }
0x34d: {  	s24 =	simm.s32 $0xCFE0;
	(erf) = vpow2.f32 v5;
	v5 =	vld [tilespmem:s26+$0xFFFFFF00];
	v2 =	vadd.f32 v7, v2  }
0x34e: {  	[tilespmem:s24+$0xFFFFFE80] =	vst v3;
	v9 =	vpop (erf);
	v3 =	vmul.f32 $1.442695020e+00, v4  }
0x34f: {  	v10 =	vld [tilespmem:s26+$0xFFFFFF80];
	v2 =	vadd.f32 v9, v2  }
0x350: {  	v4 =	vmul.f32 $1.442695020e+00, v8;
	v11 =	vpop (erf);
	(erf) = vpow2.f32 v3  }
0x351: {  	[tilespmem:s24+$0xFFFFFE00] =	vst v6;
	v6 =	vld [tilespmem:s26+$0x0];
	v2 =	vadd.f32 v11, v2  }
0x352: {  	v3 =	vmul.f32 $1.442695020e+00, v5;
	v62 =	vpop (erf);
	(erf) = vpow2.f32 v4  }
0x353: {  	[tilespmem:s24+$0xFFFFFF00] =	vst v7;
	v7 =	vld [tilespmem:s26+$0x80];
	v2 =	vadd.f32 v62, v2  }
0x354: {  	[tilespmem:s24+$0xFFFFFF80] =	vst v9;
	v4 =	vmul.f32 $1.442695020e+00, v10;
	v5 =	vpop (erf);
	(erf) = vpow2.f32 v3  }
0x355: {  	[tilespmem:s24+$0x0] =	vst v11;
	v63 =	vadd.f32 v5, v2;
	v2 =	vld [tilespmem:s26+$0x100]  }
0x356: {  	v6 =	vmul.f32 $1.442695020e+00, v6;
	[tilespmem:s24+$0x80] =	vst v62;
	(erf) = vpow2.f32 v4  }
0x357: {  	v3 =	vld [tilespmem:s26+$0x180];
	[tilespmem:s24+$0x100] =	vst v5;
	v5 =	vpop (erf)  }
0x358: {  	s25 =	simm.s32 $0x8;
	v4 =	vmul.f32 $1.442695020e+00, v7;
	(erf) = vpow2.f32 v6;
	s26 =	simm.s32 $0xFE0;
	[tilespmem:s24+$0x180] =	vst v5;
	v5 =	vadd.f32 v5, v63  }
.LBB2_53:
0x359: {  	v6 =	vld [tilespmem:s26+$0xFFFFFE00];
	s25 =	sadd.s32 $0x8, s25;
	v7 =	vpop (erf);
	s24 =	sadd.s32 $0x400, s24  }
0x35a: {  	p1 =	slt.u32 s25, $0xB8;
	[tilespmem:s24+$0xFFFFFE00] =	vst v7;
	v5 =	vadd.f32 v7, v5;
	v2 =	vmul.f32 $1.442695020e+00, v2;
	(erf) = vpow2.f32 v4  }
0x35b: {  	v4 =	vld [tilespmem:s26+$0xFFFFFE80];
	v7 =	vpop (erf)  }
0x35c: {  	[tilespmem:s24+$0xFFFFFE80] =	vst v7;
	v5 =	vadd.f32 v7, v5;
	v3 =	vmul.f32 $1.442695020e+00, v3;
	(erf) = vpow2.f32 v2  }
0x35d: {  	v2 =	vld [tilespmem:s26+$0xFFFFFF00];
	v7 =	vpop (erf)  }
0x35e: {  	v6 =	vmul.f32 $1.442695020e+00, v6;
	[tilespmem:s24+$0xFFFFFF00] =	vst v7;
	v5 =	vadd.f32 v7, v5;
	(erf) = vpow2.f32 v3  }
0x35f: {  	v3 =	vld [tilespmem:s26+$0xFFFFFF80];
	v7 =	vpop (erf)  }
0x360: {  	v4 =	vmul.f32 $1.442695020e+00, v4;
	(erf) = vpow2.f32 v6;
	[tilespmem:s24+$0xFFFFFF80] =	vst v7;
	v5 =	vadd.f32 v7, v5  }
0x361: {  	v6 =	vld [tilespmem:s26+$0x0];
	v7 =	vpop (erf)  }
0x362: {  	v2 =	vmul.f32 $1.442695020e+00, v2;
	(erf) = vpow2.f32 v4;
	[tilespmem:s24+$0x0] =	vst v7;
	v4 =	vadd.f32 v7, v5  }
0x363: {  	v5 =	vld [tilespmem:s26+$0x80];
	v7 =	vpop (erf)  }
.Ltmp30:
0x364: {  	v3 =	vmul.f32 $1.442695020e+00, v3;
	(erf) = vpow2.f32 v2;
	[tilespmem:s24+$0x80] =	vst v7;
	v4 =	vadd.f32 v7, v4;
	(pc) =	sbr.rel @p1 .LBB2_53-.Ltmp30, $4  }
0x365: {  	v2 =	vld [tilespmem:s26+$0x100];
	v7 =	vpop (erf)  }
0x366: {  	v6 =	vmul.f32 $1.442695020e+00, v6;
	(erf) = vpow2.f32 v3;
	[tilespmem:s24+$0x100] =	vst v7;
	v7 =	vadd.f32 v7, v4  }
0x367: {  	v3 =	vld [tilespmem:s26+$0x180];
	v8 =	vpop (erf)  }
0x368: {  	s26 =	sadd.s32 $0x400, s26;
	v4 =	vmul.f32 $1.442695020e+00, v5;
	(erf) = vpow2.f32 v6;
	[tilespmem:s24+$0x180] =	vst v8;
	v5 =	vadd.f32 v8, v7  }
0x369: {  	_ = 	snop  }
0x36a: {  	v6 =	vpop (erf);
	v2 =	vmul.f32 $1.442695020e+00, v2  }
0x36b: {  	v5 =	vadd.f32 v6, v5;
	(erf) = vpow2.f32 v4  }
0x36c: {  	v60 =	vpop (erf);
	v3 =	vmul.f32 $1.442695020e+00, v3  }
0x36d: {  	v5 =	vadd.f32 v60, v5  }
0x36e: {  	(erf) = vpow2.f32 v2;
	v2 =	vpop (erf)  }
0x36f: {  	v5 =	vadd.f32 v2, v5  }
0x370: {  	(erf) = vpow2.f32 v3;
	v3 =	vpop (erf)  }
0x371: {  	v5 =	vadd.f32 v3, v5  }
0x372: {  	s24 =	sadd.s32 $0x400, s24;
	v61 =	vpop (erf)  }
0x373: {  	[tilespmem:s24+$0xFFFFFE00] =	vst v6;
	v62 =	vadd.f32 v61, v5  }
0x374: {  	[tilespmem:s24+$0xFFFFFF00] =	vst v2;
	v2 =	vpop (erf)  }
0x375: {  	[tilespmem:s24+$0xFFFFFF80] =	vst v3;
	v3 =	vadd.f32 v2, v62  }
0x376: {  	[tilespmem:s24+$0xFFFFFE80] =	vst v60  }
0x377: {  	[tilespmem:s24+$0x0] =	vst v61;
	v63 =	vpop (erf)  }
0x378: {  	[tilespmem:s24+$0x80] =	vst v2;
	v2 =	vadd.f32 v63, v3  }
0x379: {  	[tilespmem:s24+$0x100] =	vst v63;
	v3 =	vpop (erf)  }
0x37a: {  	[tilespmem:s24+$0x180] =	vst v3;
	v2 =	vadd.f32 v3, v2;
	s24 =	simm.s32 $0x0  }
.LBB2_55:
0x37b: {  	s25 =	sshra.s32 s24, $0x2  }
0x37c: {  	v3 =	vld [tilespmem:s25+$0x65E0];
	_ =	sdelay $0x4  }
0x37d: {  	v3 =	vmul.f32 $1.442695020e+00, v3;
	_ =	sdelay $0x1  }
0x37e: {  	(erf) = vpow2.f32 v3;
	_ =	sdelay $0x4  }
0x37f: {  	p1 =	sne.s32 s24, $0x800  }
.Ltmp31:
0x380: {  	_ = 	snop;
	(pc) =	sbr.rel @p1 .LBB2_55-.Ltmp31, $3  }
0x381: {  	_ =	sdelay $0x1  }
0x382: {  	v3 =	vpop (erf)  }
0x383: {  	s24 =	sadd.s32 $0x200, s24;
	[tilespmem:s25+$0x12DE0] =	vst v3;
	v2 =	vadd.f32 v3, v2  }
0x384: {  	_ = 	snop  }
0x385: {  	(erf) = vrcp.f32 v2;
	_ =	sdelay $0x3  }
0x386: {  	s24 =	simm.s32 $0xCFE0  }
0x387: {  	v5 =	vld [tilespmem:s24+$0x180]  }
0x388: {  	v7 =	vld [tilespmem:s24+$0xFFFFFE80]  }
0x389: {  	v9 =	vld [tilespmem:s24+$0xFFFFFF00]  }
0x38a: {  	v6 =	vld [tilespmem:s24+$0xFFFFFF80]  }
0x38b: {  	v4 =	vld [tilespmem:s24+$0x0];
	v2 =	vpop (erf)  }
0x38c: {  	v3 =	vld [tilespmem:s24+$0x80];
	v10 =	vmul.f32 v5, v2  }
0x38d: {  	v5 =	vld [tilespmem:s24+$0x100];
	v8 =	vmul.f32 v7, v2  }
0x38e: {  	s25 =	simm.s32 $0x0;
	s26 =	simm.s32 $0xD3E0;
	v7 =	vld [tilespmem:s24+$0xFFFFFE00];
	v9 =	vmul.f32 v9, v2;
	[tilespmem:s24+$0x180] =	vst v10  }
.LBB2_57:
0x38f: {  	v10 =	vld [tilespmem:s26+$0x180];
	s25 =	sadd.s32 $0x8, s25;
	[tilespmem:s24+$0xFFFFFE80] =	vst v8;
	v6 =	vmul.f32 v6, v2  }
0x390: {  	v8 =	vld [tilespmem:s26+$0xFFFFFE80];
	p1 =	slt.u32 s25, $0xB8;
	[tilespmem:s24+$0xFFFFFF00] =	vst v9;
	v4 =	vmul.f32 v4, v2  }
0x391: {  	v9 =	vld [tilespmem:s26+$0xFFFFFF00];
	[tilespmem:s24+$0xFFFFFF80] =	vst v6;
	v3 =	vmul.f32 v3, v2  }
.Ltmp32:
0x392: {  	v6 =	vld [tilespmem:s26+$0xFFFFFF80];
	[tilespmem:s24+$0x0] =	vst v4;
	v5 =	vmul.f32 v5, v2;
	(pc) =	sbr.rel @p1 .LBB2_57-.Ltmp32, $4  }
0x393: {  	v4 =	vld [tilespmem:s26+$0x0];
	v7 =	vmul.f32 v7, v2;
	[tilespmem:s24+$0x80] =	vst v3  }
0x394: {  	v3 =	vld [tilespmem:s26+$0x80];
	v10 =	vmul.f32 v10, v2;
	[tilespmem:s24+$0x100] =	vst v5  }
0x395: {  	v8 =	vmul.f32 v8, v2;
	v5 =	vld [tilespmem:s26+$0x100];
	[tilespmem:s24+$0xFFFFFE00] =	vst v7;
	s24 =	smov.u32 s26  }
0x396: {  	s28 =	simm.s32 $0x0;
	s26 =	sadd.s32 $0x400, s26;
	v7 =	vld [tilespmem:s24+$0xFFFFFE00];
	v9 =	vmul.f32 v9, v2;
	[tilespmem:s24+$0x180] =	vst v10  }
0x397: {  	[tilespmem:s24+$0xFFFFFE80] =	vst v8;
	v6 =	vmul.f32 v6, v2  }
0x398: {  	[tilespmem:s24+$0xFFFFFF00] =	vst v9;
	v4 =	vmul.f32 v4, v2  }
0x399: {  	[tilespmem:s24+$0xFFFFFF80] =	vst v6;
	v3 =	vmul.f32 v3, v2  }
0x39a: {  	[tilespmem:s24+$0x0] =	vst v4;
	v62 =	vmul.f32 v5, v2  }
0x39b: {  	v63 =	vmul.f32 v7, v2;
	[tilespmem:s24+$0x80] =	vst v3  }
0x39c: {  	[tilespmem:s24+$0x100] =	vst v62  }
0x39d: {  	[tilespmem:s24+$0xFFFFFE00] =	vst v63  }
.LBB2_59:
0x39e: {  	s24 =	sshra.s32 s28, $0x2  }
0x39f: {  	v3 =	vld [tilespmem:s24+$0x12DE0];
	_ =	sdelay $0x1  }
0x3a0: {  	p1 =	sne.s32 s28, $0x800  }
.Ltmp33:
0x3a1: {  	_ = 	snop;
	(pc) =	sbr.rel @p1 .LBB2_59-.Ltmp33, $3  }
0x3a2: {  	_ = 	snop  }
0x3a3: {  	v3 =	vmul.f32 v3, v2;
	_ =	sdelay $0x1  }
0x3a4: {  	s28 =	sadd.s32 $0x200, s28;
	[tilespmem:s24+$0x12DE0] =	vst v3  }
0x3a5: {  	s24 =	simm.s32 $0x7F0  }
0x3a6: {  	v2 =	vld [tilespmem:s24+$0xFFFFFE00]  }
0x3a7: {  	v3 =	vld [tilespmem:s24+$0xFFFFFE80];
	_ =	sdelay $0x1  }
0x3a8: {  	v4 =	vld [tilespmem:s24+$0xFFFFFF00];
	_ =	sdelay $0x1  }
0x3a9: {  	v5 =	vld [tilespmem:s24+$0xFFFFFF80];
	v2 =	vmul.f32 $1.442695020e+00, v2  }
0x3aa: {  	v3 =	vmul.f32 $1.442695020e+00, v3  }
0x3ab: {  	(erf) = vpow2.f32 v2;
	v2 =	vld [tilespmem:s24+$0x0]  }
0x3ac: {  	v4 =	vmul.f32 $1.442695020e+00, v4;
	(erf) = vpow2.f32 v3;
	v3 =	vld [tilespmem:s24+$0x80];
	_ =	sdelay $0x1  }
0x3ad: {  	v5 =	vmul.f32 $1.442695020e+00, v5;
	(erf) = vpow2.f32 v4;
	v4 =	vld [tilespmem:s24+$0x100];
	_ =	sdelay $0x1  }
0x3ae: {  	(erf) = vpow2.f32 v5  }
0x3af: {  	v2 =	vmul.f32 $1.442695020e+00, v2;
	v3 =	vmul.f32 $1.442695020e+00, v3  }
0x3b0: {  	v5 =	vld [tilespmem:s24+$0x180]  }
0x3b1: {  	(erf) = vpow2.f32 v2;
	v4 =	vmul.f32 $1.442695020e+00, v4  }
0x3b2: {  	s26 =	simm.s32 $0xBF0;
	v2 =	vimm.f32 $0.0e+00;
	v6 =	vpop (erf);
	(erf) = vpow2.f32 v3  }
0x3b3: {  	v2 =	vadd.f32 v6, v2;
	v3 =	vpop (erf);
	(erf) = vpow2.f32 v4;
	v4 =	vld [tilespmem:s26+$0xFFFFFE00];
	_ =	sdelay $0x1  }
0x3b4: {  	v8 =	vld [tilespmem:s26+$0xFFFFFE80];
	v5 =	vmul.f32 $1.442695020e+00, v5;
	v2 =	vadd.f32 v3, v2  }
0x3b5: {  	v7 =	vpop (erf)  }
0x3b6: {  	s24 =	simm.s32 $0xCFF0;
	(erf) = vpow2.f32 v5;
	v5 =	vld [tilespmem:s26+$0xFFFFFF00];
	v2 =	vadd.f32 v7, v2  }
0x3b7: {  	[tilespmem:s24+$0xFFFFFE80] =	vst v3;
	v9 =	vpop (erf);
	v3 =	vmul.f32 $1.442695020e+00, v4  }
0x3b8: {  	v10 =	vld [tilespmem:s26+$0xFFFFFF80];
	v2 =	vadd.f32 v9, v2  }
0x3b9: {  	v4 =	vmul.f32 $1.442695020e+00, v8;
	v11 =	vpop (erf);
	(erf) = vpow2.f32 v3  }
0x3ba: {  	[tilespmem:s24+$0xFFFFFE00] =	vst v6;
	v6 =	vld [tilespmem:s26+$0x0];
	v2 =	vadd.f32 v11, v2  }
0x3bb: {  	v3 =	vmul.f32 $1.442695020e+00, v5;
	v62 =	vpop (erf);
	(erf) = vpow2.f32 v4  }
0x3bc: {  	[tilespmem:s24+$0xFFFFFF00] =	vst v7;
	v7 =	vld [tilespmem:s26+$0x80];
	v2 =	vadd.f32 v62, v2  }
0x3bd: {  	[tilespmem:s24+$0xFFFFFF80] =	vst v9;
	v4 =	vmul.f32 $1.442695020e+00, v10;
	v5 =	vpop (erf);
	(erf) = vpow2.f32 v3  }
0x3be: {  	[tilespmem:s24+$0x0] =	vst v11;
	v63 =	vadd.f32 v5, v2;
	v2 =	vld [tilespmem:s26+$0x100]  }
0x3bf: {  	v6 =	vmul.f32 $1.442695020e+00, v6;
	[tilespmem:s24+$0x80] =	vst v62;
	(erf) = vpow2.f32 v4  }
0x3c0: {  	v3 =	vld [tilespmem:s26+$0x180];
	[tilespmem:s24+$0x100] =	vst v5;
	v5 =	vpop (erf)  }
0x3c1: {  	s25 =	simm.s32 $0x8;
	v4 =	vmul.f32 $1.442695020e+00, v7;
	(erf) = vpow2.f32 v6;
	s26 =	simm.s32 $0xFF0;
	[tilespmem:s24+$0x180] =	vst v5;
	v5 =	vadd.f32 v5, v63  }
.LBB2_61:
0x3c2: {  	v6 =	vld [tilespmem:s26+$0xFFFFFE00];
	s25 =	sadd.s32 $0x8, s25;
	v7 =	vpop (erf);
	s24 =	sadd.s32 $0x400, s24  }
0x3c3: {  	p1 =	slt.u32 s25, $0xB8;
	[tilespmem:s24+$0xFFFFFE00] =	vst v7;
	v5 =	vadd.f32 v7, v5;
	v2 =	vmul.f32 $1.442695020e+00, v2;
	(erf) = vpow2.f32 v4  }
0x3c4: {  	v4 =	vld [tilespmem:s26+$0xFFFFFE80];
	v7 =	vpop (erf)  }
0x3c5: {  	[tilespmem:s24+$0xFFFFFE80] =	vst v7;
	v5 =	vadd.f32 v7, v5;
	v3 =	vmul.f32 $1.442695020e+00, v3;
	(erf) = vpow2.f32 v2  }
0x3c6: {  	v2 =	vld [tilespmem:s26+$0xFFFFFF00];
	v7 =	vpop (erf)  }
0x3c7: {  	v6 =	vmul.f32 $1.442695020e+00, v6;
	[tilespmem:s24+$0xFFFFFF00] =	vst v7;
	v5 =	vadd.f32 v7, v5;
	(erf) = vpow2.f32 v3  }
0x3c8: {  	v3 =	vld [tilespmem:s26+$0xFFFFFF80];
	v7 =	vpop (erf)  }
0x3c9: {  	v4 =	vmul.f32 $1.442695020e+00, v4;
	(erf) = vpow2.f32 v6;
	[tilespmem:s24+$0xFFFFFF80] =	vst v7;
	v5 =	vadd.f32 v7, v5  }
0x3ca: {  	v6 =	vld [tilespmem:s26+$0x0];
	v7 =	vpop (erf)  }
0x3cb: {  	v2 =	vmul.f32 $1.442695020e+00, v2;
	(erf) = vpow2.f32 v4;
	[tilespmem:s24+$0x0] =	vst v7;
	v4 =	vadd.f32 v7, v5  }
0x3cc: {  	v5 =	vld [tilespmem:s26+$0x80];
	v7 =	vpop (erf)  }
.Ltmp34:
0x3cd: {  	v3 =	vmul.f32 $1.442695020e+00, v3;
	(erf) = vpow2.f32 v2;
	[tilespmem:s24+$0x80] =	vst v7;
	v4 =	vadd.f32 v7, v4;
	(pc) =	sbr.rel @p1 .LBB2_61-.Ltmp34, $4  }
0x3ce: {  	v2 =	vld [tilespmem:s26+$0x100];
	v7 =	vpop (erf)  }
0x3cf: {  	v6 =	vmul.f32 $1.442695020e+00, v6;
	(erf) = vpow2.f32 v3;
	[tilespmem:s24+$0x100] =	vst v7;
	v7 =	vadd.f32 v7, v4  }
0x3d0: {  	v3 =	vld [tilespmem:s26+$0x180];
	v8 =	vpop (erf)  }
0x3d1: {  	s26 =	sadd.s32 $0x400, s26;
	v4 =	vmul.f32 $1.442695020e+00, v5;
	(erf) = vpow2.f32 v6;
	[tilespmem:s24+$0x180] =	vst v8;
	v5 =	vadd.f32 v8, v7  }
0x3d2: {  	_ = 	snop  }
0x3d3: {  	v6 =	vpop (erf);
	v2 =	vmul.f32 $1.442695020e+00, v2  }
0x3d4: {  	v5 =	vadd.f32 v6, v5;
	(erf) = vpow2.f32 v4  }
0x3d5: {  	v60 =	vpop (erf);
	v3 =	vmul.f32 $1.442695020e+00, v3  }
0x3d6: {  	v5 =	vadd.f32 v60, v5  }
0x3d7: {  	(erf) = vpow2.f32 v2;
	v2 =	vpop (erf)  }
0x3d8: {  	v5 =	vadd.f32 v2, v5  }
0x3d9: {  	(erf) = vpow2.f32 v3;
	v3 =	vpop (erf)  }
0x3da: {  	v5 =	vadd.f32 v3, v5  }
0x3db: {  	s24 =	sadd.s32 $0x400, s24;
	v61 =	vpop (erf)  }
0x3dc: {  	[tilespmem:s24+$0xFFFFFE00] =	vst v6;
	v62 =	vadd.f32 v61, v5  }
0x3dd: {  	[tilespmem:s24+$0xFFFFFF00] =	vst v2;
	v2 =	vpop (erf)  }
0x3de: {  	[tilespmem:s24+$0xFFFFFF80] =	vst v3;
	v3 =	vadd.f32 v2, v62  }
0x3df: {  	[tilespmem:s24+$0xFFFFFE80] =	vst v60  }
0x3e0: {  	[tilespmem:s24+$0x0] =	vst v61;
	v63 =	vpop (erf)  }
0x3e1: {  	[tilespmem:s24+$0x80] =	vst v2;
	v2 =	vadd.f32 v63, v3  }
0x3e2: {  	[tilespmem:s24+$0x100] =	vst v63;
	v3 =	vpop (erf)  }
0x3e3: {  	[tilespmem:s24+$0x180] =	vst v3;
	v2 =	vadd.f32 v3, v2;
	s24 =	simm.s32 $0x0  }
.LBB2_63:
0x3e4: {  	s25 =	sshra.s32 s24, $0x2  }
0x3e5: {  	v3 =	vld [tilespmem:s25+$0x65F0];
	_ =	sdelay $0x4  }
0x3e6: {  	v3 =	vmul.f32 $1.442695020e+00, v3;
	_ =	sdelay $0x1  }
0x3e7: {  	(erf) = vpow2.f32 v3;
	_ =	sdelay $0x4  }
0x3e8: {  	p1 =	sne.s32 s24, $0x800  }
.Ltmp35:
0x3e9: {  	_ = 	snop;
	(pc) =	sbr.rel @p1 .LBB2_63-.Ltmp35, $3  }
0x3ea: {  	_ =	sdelay $0x1  }
0x3eb: {  	v3 =	vpop (erf)  }
0x3ec: {  	s24 =	sadd.s32 $0x200, s24;
	[tilespmem:s25+$0x12DF0] =	vst v3;
	v2 =	vadd.f32 v3, v2  }
0x3ed: {  	_ = 	snop  }
0x3ee: {  	(erf) = vrcp.f32 v2;
	_ =	sdelay $0x3  }
0x3ef: {  	s24 =	simm.s32 $0xCFF0  }
0x3f0: {  	v5 =	vld [tilespmem:s24+$0x180]  }
0x3f1: {  	v7 =	vld [tilespmem:s24+$0xFFFFFE80]  }
0x3f2: {  	v9 =	vld [tilespmem:s24+$0xFFFFFF00]  }
0x3f3: {  	v6 =	vld [tilespmem:s24+$0xFFFFFF80]  }
0x3f4: {  	v4 =	vld [tilespmem:s24+$0x0];
	v2 =	vpop (erf)  }
0x3f5: {  	v3 =	vld [tilespmem:s24+$0x80];
	v10 =	vmul.f32 v5, v2  }
0x3f6: {  	v5 =	vld [tilespmem:s24+$0x100];
	v8 =	vmul.f32 v7, v2  }
0x3f7: {  	s25 =	simm.s32 $0x0;
	s26 =	simm.s32 $0xD3F0;
	v7 =	vld [tilespmem:s24+$0xFFFFFE00];
	v9 =	vmul.f32 v9, v2;
	[tilespmem:s24+$0x180] =	vst v10  }
.LBB2_65:
0x3f8: {  	v10 =	vld [tilespmem:s26+$0x180];
	s25 =	sadd.s32 $0x8, s25;
	[tilespmem:s24+$0xFFFFFE80] =	vst v8;
	v6 =	vmul.f32 v6, v2  }
0x3f9: {  	v8 =	vld [tilespmem:s26+$0xFFFFFE80];
	p1 =	slt.u32 s25, $0xB8;
	[tilespmem:s24+$0xFFFFFF00] =	vst v9;
	v4 =	vmul.f32 v4, v2  }
0x3fa: {  	v9 =	vld [tilespmem:s26+$0xFFFFFF00];
	[tilespmem:s24+$0xFFFFFF80] =	vst v6;
	v3 =	vmul.f32 v3, v2  }
.Ltmp36:
0x3fb: {  	v6 =	vld [tilespmem:s26+$0xFFFFFF80];
	[tilespmem:s24+$0x0] =	vst v4;
	v5 =	vmul.f32 v5, v2;
	(pc) =	sbr.rel @p1 .LBB2_65-.Ltmp36, $4  }
0x3fc: {  	v4 =	vld [tilespmem:s26+$0x0];
	v7 =	vmul.f32 v7, v2;
	[tilespmem:s24+$0x80] =	vst v3  }
0x3fd: {  	v3 =	vld [tilespmem:s26+$0x80];
	v10 =	vmul.f32 v10, v2;
	[tilespmem:s24+$0x100] =	vst v5  }
0x3fe: {  	v8 =	vmul.f32 v8, v2;
	v5 =	vld [tilespmem:s26+$0x100];
	[tilespmem:s24+$0xFFFFFE00] =	vst v7;
	s24 =	smov.u32 s26  }
0x3ff: {  	s28 =	simm.s32 $0x0;
	s26 =	sadd.s32 $0x400, s26;
	v7 =	vld [tilespmem:s24+$0xFFFFFE00];
	v9 =	vmul.f32 v9, v2;
	[tilespmem:s24+$0x180] =	vst v10  }
0x400: {  	[tilespmem:s24+$0xFFFFFE80] =	vst v8;
	v6 =	vmul.f32 v6, v2  }
0x401: {  	[tilespmem:s24+$0xFFFFFF00] =	vst v9;
	v4 =	vmul.f32 v4, v2  }
0x402: {  	[tilespmem:s24+$0xFFFFFF80] =	vst v6;
	v3 =	vmul.f32 v3, v2  }
0x403: {  	[tilespmem:s24+$0x0] =	vst v4;
	v62 =	vmul.f32 v5, v2  }
0x404: {  	v63 =	vmul.f32 v7, v2;
	[tilespmem:s24+$0x80] =	vst v3  }
0x405: {  	[tilespmem:s24+$0x100] =	vst v62  }
0x406: {  	[tilespmem:s24+$0xFFFFFE00] =	vst v63  }
.LBB2_67:
0x407: {  	s24 =	sshra.s32 s28, $0x2  }
0x408: {  	v3 =	vld [tilespmem:s24+$0x12DF0];
	_ =	sdelay $0x1  }
0x409: {  	p1 =	seq.s32 s28, $0x800  }
.Ltmp37:
0x40a: {  	_ = 	snop;
	(pc) =	sbr.rel @!p1 .LBB2_67-.Ltmp37, $3  }
0x40b: {  	_ = 	snop  }
0x40c: {  	v3 =	vmul.f32 v3, v2;
	_ =	sdelay $0x1  }
0x40d: {  	s28 =	sadd.s32 $0x200, s28;
	[tilespmem:s24+$0x12DF0] =	vst v3  }
.Ltmp38:
0x40e: {  	_ = 	snop;
	(pc) =	sbr.rel .LBB2_100-.Ltmp38, $1  }
0x40f: {  	_ =	sdelay $0x3  }
.LBB2_68:
0x410: {  	v2 =	vld [tilespmem:s26+$0x180]  }
0x411: {  	v3 =	vld [tilespmem:s26+$0xFFFFFE80]  }
0x412: {  	v4 =	vld [tilespmem:s26+$0xFFFFFF00]  }
0x413: {  	v7 =	vld [tilespmem:s26+$0x0]  }
0x414: {  	v5 =	vld [tilespmem:s26+$0xFFFFFF80];
	_ =	sdelay $0x1  }
0x415: {  	v8 =	vld [tilespmem:s26+$0x80];
	v6 =	vmul.f32 $5.076142030e-03, v2  }
0x416: {  	v10 =	vld [tilespmem:s26+$0x100];
	v9 =	vmul.f32 $5.076142030e-03, v3;
	v12 =	vmul.f32 $5.076142030e-03, v4  }
0x417: {  	v11 =	vld [tilespmem:s26+$0xFFFFFE00];
	s31 =	sadd.s32 $0x400, s26;
	v14 =	vmul.f32 $5.076142030e-03, v7;
	v2 =	vmul.f32 v6, v2  }
0x418: {  	v13 =	vld [tilespmem:s31+$0x180];
	v3 =	vmul.f32 v9, v3;
	v9 =	vmul.f32 $5.076142030e-03, v5  }
0x419: {  	v6 =	vld [tilespmem:s31+$0xFFFFFE80];
	v12 =	vmul.f32 v12, v4;
	v7 =	vmul.f32 v14, v7;
	[tilespmem:s24+$0x180] =	vst v2  }
0x41a: {  	v4 =	vld [tilespmem:s31+$0xFFFFFF00];
	[tilespmem:s24+$0xFFFFFE80] =	vst v3;
	v3 =	vmul.f32 v9, v5;
	v9 =	vmul.f32 $5.076142030e-03, v8  }
0x41b: {  	v2 =	vld [tilespmem:s31+$0xFFFFFF80];
	[tilespmem:s24+$0xFFFFFF00] =	vst v12;
	v12 =	vmul.f32 $5.076142030e-03, v10  }
0x41c: {  	v14 =	vmul.f32 $5.076142030e-03, v11;
	v5 =	vld [tilespmem:s31+$0x0];
	[tilespmem:s24+$0x0] =	vst v7;
	v8 =	vmul.f32 v9, v8  }
0x41d: {  	[tilespmem:s24+$0xFFFFFF80] =	vst v3;
	v3 =	vld [tilespmem:s31+$0x80];
	v9 =	vmul.f32 $5.076142030e-03, v13;
	v15 =	vmul.f32 v12, v10  }
0x41e: {  	s25 =	sadd.s32 $0x8, s25;
	v7 =	vld [tilespmem:s31+$0x100];
	v11 =	vmul.f32 v14, v11;
	v10 =	vmul.f32 $5.076142030e-03, v6;
	[tilespmem:s24+$0x80] =	vst v8  }
0x41f: {  	s25 =	sadd.s32 $0x8, s25;
	s26 =	sadd.s32 $0x400, s31;
	v12 =	vmul.f32 $5.076142030e-03, v4;
	v8 =	vld [tilespmem:s31+$0xFFFFFE00];
	v9 =	vmul.f32 v9, v13;
	[tilespmem:s24+$0x100] =	vst v15  }
.LBB2_69:
0x420: {  	v13 =	vld [tilespmem:s26+$0x180];
	s25 =	sadd.s32 $0x8, s25;
	v10 =	vmul.f32 v10, v6;
	v14 =	vmul.f32 $5.076142030e-03, v2;
	[tilespmem:s24+$0xFFFFFE00] =	vst v11;
	s24 =	sadd.s32 $0x400, s24  }
0x421: {  	v6 =	vld [tilespmem:s26+$0xFFFFFE80];
	p1 =	slt.u32 s25, $0xB8;
	v11 =	vmul.f32 v12, v4;
	v12 =	vmul.f32 $5.076142030e-03, v5;
	[tilespmem:s24+$0x180] =	vst v9  }
0x422: {  	v4 =	vld [tilespmem:s26+$0xFFFFFF00];
	[tilespmem:s24+$0xFFFFFE80] =	vst v10;
	v9 =	vmul.f32 v14, v2;
	v10 =	vmul.f32 $5.076142030e-03, v3  }
.Ltmp39:
0x423: {  	v2 =	vld [tilespmem:s26+$0xFFFFFF80];
	[tilespmem:s24+$0xFFFFFF00] =	vst v11;
	v11 =	vmul.f32 v12, v5;
	v12 =	vmul.f32 $5.076142030e-03, v7;
	(pc) =	sbr.rel @p1 .LBB2_69-.Ltmp39, $4  }
0x424: {  	v5 =	vld [tilespmem:s26+$0x0];
	v14 =	vmul.f32 $5.076142030e-03, v8;
	[tilespmem:s24+$0xFFFFFF80] =	vst v9;
	v9 =	vmul.f32 v10, v3  }
0x425: {  	v3 =	vld [tilespmem:s26+$0x80];
	v15 =	vmul.f32 $5.076142030e-03, v13;
	[tilespmem:s24+$0x0] =	vst v11;
	v16 =	vmul.f32 v12, v7  }
0x426: {  	v10 =	vmul.f32 $5.076142030e-03, v6;
	v7 =	vld [tilespmem:s26+$0x100];
	v11 =	vmul.f32 v14, v8;
	[tilespmem:s24+$0x80] =	vst v9  }
0x427: {  	v8 =	vld [tilespmem:s26+$0xFFFFFE00];
	v12 =	vmul.f32 $5.076142030e-03, v4;
	v9 =	vmul.f32 v15, v13;
	s26 =	sadd.s32 $0x400, s26;
	[tilespmem:s24+$0x100] =	vst v16  }
0x428: {  	v6 =	vmul.f32 v10, v6;
	v57 =	vmul.f32 $5.076142030e-03, v2;
	[tilespmem:s24+$0xFFFFFE00] =	vst v11;
	s25 =	sadd.s32 $0x400, s24  }
0x429: {  	v4 =	vmul.f32 v12, v4;
	v58 =	vmul.f32 $5.076142030e-03, v5;
	[tilespmem:s25+$0x180] =	vst v9  }
0x42a: {  	[tilespmem:s25+$0xFFFFFE80] =	vst v6;
	v2 =	vmul.f32 v57, v2;
	v59 =	vmul.f32 $5.076142030e-03, v3  }
0x42b: {  	[tilespmem:s25+$0xFFFFFF00] =	vst v4;
	v60 =	vmul.f32 v58, v5;
	v61 =	vmul.f32 $5.076142030e-03, v7  }
0x42c: {  	v62 =	vmul.f32 $5.076142030e-03, v8;
	[tilespmem:s25+$0xFFFFFF80] =	vst v2;
	v2 =	vmul.f32 v59, v3  }
0x42d: {  	[tilespmem:s25+$0x0] =	vst v60;
	v3 =	vmul.f32 v61, v7  }
0x42e: {  	v63 =	vmul.f32 v62, v8;
	[tilespmem:s25+$0x80] =	vst v2  }
0x42f: {  	[tilespmem:s25+$0x100] =	vst v3  }
0x430: {  	s24 =	simm.s32 $0x0;
	[tilespmem:s25+$0xFFFFFE00] =	vst v63  }
.LBB2_71:
0x431: {  	s25 =	sshra.s32 s24, $0x2  }
0x432: {  	v2 =	vld [tilespmem:s25+$0x6580];
	_ =	sdelay $0x3  }
0x433: {  	p1 =	sne.s32 s24, $0x800  }
.Ltmp40:
0x434: {  	v3 =	vmul.f32 $5.076142030e-03, v2;
	(pc) =	sbr.rel @p1 .LBB2_71-.Ltmp40, $3  }
0x435: {  	_ = 	snop  }
0x436: {  	v2 =	vmul.f32 v3, v2;
	_ =	sdelay $0x1  }
0x437: {  	s24 =	sadd.s32 $0x200, s24;
	[tilespmem:s25+$0x12D80] =	vst v2  }
0x438: {  	s24 =	simm.s32 $0x790  }
0x439: {  	v2 =	vld [tilespmem:s24+$0x180]  }
0x43a: {  	v3 =	vld [tilespmem:s24+$0xFFFFFE80]  }
0x43b: {  	v4 =	vld [tilespmem:s24+$0xFFFFFF00]  }
0x43c: {  	v7 =	vld [tilespmem:s24+$0x0]  }
0x43d: {  	v5 =	vld [tilespmem:s24+$0xFFFFFF80];
	_ =	sdelay $0x1  }
0x43e: {  	v8 =	vld [tilespmem:s24+$0x80];
	v6 =	vmul.f32 $5.076142030e-03, v2  }
0x43f: {  	v10 =	vld [tilespmem:s24+$0x100];
	v9 =	vmul.f32 $5.076142030e-03, v3;
	v12 =	vmul.f32 $5.076142030e-03, v4  }
0x440: {  	s26 =	simm.s32 $0xB90;
	v11 =	vld [tilespmem:s24+$0xFFFFFE00];
	v14 =	vmul.f32 $5.076142030e-03, v7;
	v2 =	vmul.f32 v6, v2  }
0x441: {  	s24 =	simm.s32 $0xCF90;
	v13 =	vld [tilespmem:s26+$0x180];
	v3 =	vmul.f32 v9, v3;
	v9 =	vmul.f32 $5.076142030e-03, v5  }
0x442: {  	v6 =	vld [tilespmem:s26+$0xFFFFFE80];
	v12 =	vmul.f32 v12, v4;
	v7 =	vmul.f32 v14, v7;
	[tilespmem:s24+$0x180] =	vst v2  }
0x443: {  	v4 =	vld [tilespmem:s26+$0xFFFFFF00];
	[tilespmem:s24+$0xFFFFFE80] =	vst v3;
	v3 =	vmul.f32 v9, v5;
	v9 =	vmul.f32 $5.076142030e-03, v8  }
0x444: {  	v2 =	vld [tilespmem:s26+$0xFFFFFF80];
	[tilespmem:s24+$0xFFFFFF00] =	vst v12;
	v12 =	vmul.f32 $5.076142030e-03, v10  }
0x445: {  	v14 =	vmul.f32 $5.076142030e-03, v11;
	v5 =	vld [tilespmem:s26+$0x0];
	[tilespmem:s24+$0x0] =	vst v7;
	v8 =	vmul.f32 v9, v8  }
0x446: {  	[tilespmem:s24+$0xFFFFFF80] =	vst v3;
	v3 =	vld [tilespmem:s26+$0x80];
	v9 =	vmul.f32 $5.076142030e-03, v13;
	v15 =	vmul.f32 v12, v10  }
0x447: {  	v7 =	vld [tilespmem:s26+$0x100];
	v11 =	vmul.f32 v14, v11;
	v10 =	vmul.f32 $5.076142030e-03, v6;
	[tilespmem:s24+$0x80] =	vst v8  }
0x448: {  	s25 =	simm.s32 $0x8;
	v12 =	vmul.f32 $5.076142030e-03, v4;
	v8 =	vld [tilespmem:s26+$0xFFFFFE00];
	v9 =	vmul.f32 v9, v13;
	s26 =	simm.s32 $0xF90;
	[tilespmem:s24+$0x100] =	vst v15  }
.LBB2_73:
0x449: {  	v13 =	vld [tilespmem:s26+$0x180];
	s25 =	sadd.s32 $0x8, s25;
	v10 =	vmul.f32 v10, v6;
	v14 =	vmul.f32 $5.076142030e-03, v2;
	[tilespmem:s24+$0xFFFFFE00] =	vst v11;
	s24 =	sadd.s32 $0x400, s24  }
0x44a: {  	v6 =	vld [tilespmem:s26+$0xFFFFFE80];
	p1 =	slt.u32 s25, $0xB8;
	v11 =	vmul.f32 v12, v4;
	v12 =	vmul.f32 $5.076142030e-03, v5;
	[tilespmem:s24+$0x180] =	vst v9  }
0x44b: {  	v4 =	vld [tilespmem:s26+$0xFFFFFF00];
	[tilespmem:s24+$0xFFFFFE80] =	vst v10;
	v9 =	vmul.f32 v14, v2;
	v10 =	vmul.f32 $5.076142030e-03, v3  }
.Ltmp41:
0x44c: {  	v2 =	vld [tilespmem:s26+$0xFFFFFF80];
	[tilespmem:s24+$0xFFFFFF00] =	vst v11;
	v11 =	vmul.f32 v12, v5;
	v12 =	vmul.f32 $5.076142030e-03, v7;
	(pc) =	sbr.rel @p1 .LBB2_73-.Ltmp41, $4  }
0x44d: {  	v5 =	vld [tilespmem:s26+$0x0];
	v14 =	vmul.f32 $5.076142030e-03, v8;
	[tilespmem:s24+$0xFFFFFF80] =	vst v9;
	v9 =	vmul.f32 v10, v3  }
0x44e: {  	v3 =	vld [tilespmem:s26+$0x80];
	v15 =	vmul.f32 $5.076142030e-03, v13;
	[tilespmem:s24+$0x0] =	vst v11;
	v16 =	vmul.f32 v12, v7  }
0x44f: {  	v10 =	vmul.f32 $5.076142030e-03, v6;
	v7 =	vld [tilespmem:s26+$0x100];
	v11 =	vmul.f32 v14, v8;
	[tilespmem:s24+$0x80] =	vst v9  }
0x450: {  	v8 =	vld [tilespmem:s26+$0xFFFFFE00];
	v12 =	vmul.f32 $5.076142030e-03, v4;
	v9 =	vmul.f32 v15, v13;
	s26 =	sadd.s32 $0x400, s26;
	[tilespmem:s24+$0x100] =	vst v16  }
0x451: {  	v6 =	vmul.f32 v10, v6;
	v57 =	vmul.f32 $5.076142030e-03, v2;
	[tilespmem:s24+$0xFFFFFE00] =	vst v11;
	s25 =	sadd.s32 $0x400, s24  }
0x452: {  	v4 =	vmul.f32 v12, v4;
	v58 =	vmul.f32 $5.076142030e-03, v5;
	[tilespmem:s25+$0x180] =	vst v9  }
0x453: {  	[tilespmem:s25+$0xFFFFFE80] =	vst v6;
	v2 =	vmul.f32 v57, v2;
	v59 =	vmul.f32 $5.076142030e-03, v3  }
0x454: {  	[tilespmem:s25+$0xFFFFFF00] =	vst v4;
	v60 =	vmul.f32 v58, v5;
	v61 =	vmul.f32 $5.076142030e-03, v7  }
0x455: {  	v62 =	vmul.f32 $5.076142030e-03, v8;
	[tilespmem:s25+$0xFFFFFF80] =	vst v2;
	v2 =	vmul.f32 v59, v3  }
0x456: {  	[tilespmem:s25+$0x0] =	vst v60;
	v3 =	vmul.f32 v61, v7  }
0x457: {  	v63 =	vmul.f32 v62, v8;
	[tilespmem:s25+$0x80] =	vst v2  }
0x458: {  	[tilespmem:s25+$0x100] =	vst v3  }
0x459: {  	s24 =	simm.s32 $0x0;
	[tilespmem:s25+$0xFFFFFE00] =	vst v63  }
.LBB2_75:
0x45a: {  	s25 =	sshra.s32 s24, $0x2  }
0x45b: {  	v2 =	vld [tilespmem:s25+$0x6590];
	_ =	sdelay $0x3  }
0x45c: {  	p1 =	sne.s32 s24, $0x800  }
.Ltmp42:
0x45d: {  	v3 =	vmul.f32 $5.076142030e-03, v2;
	(pc) =	sbr.rel @p1 .LBB2_75-.Ltmp42, $3  }
0x45e: {  	_ = 	snop  }
0x45f: {  	v2 =	vmul.f32 v3, v2;
	_ =	sdelay $0x1  }
0x460: {  	s24 =	sadd.s32 $0x200, s24;
	[tilespmem:s25+$0x12D90] =	vst v2  }
0x461: {  	s24 =	simm.s32 $0x7A0  }
0x462: {  	v2 =	vld [tilespmem:s24+$0x180]  }
0x463: {  	v3 =	vld [tilespmem:s24+$0xFFFFFE80]  }
0x464: {  	v4 =	vld [tilespmem:s24+$0xFFFFFF00]  }
0x465: {  	v7 =	vld [tilespmem:s24+$0x0]  }
0x466: {  	v5 =	vld [tilespmem:s24+$0xFFFFFF80];
	_ =	sdelay $0x1  }
0x467: {  	v8 =	vld [tilespmem:s24+$0x80];
	v6 =	vmul.f32 $5.076142030e-03, v2  }
0x468: {  	v10 =	vld [tilespmem:s24+$0x100];
	v9 =	vmul.f32 $5.076142030e-03, v3;
	v12 =	vmul.f32 $5.076142030e-03, v4  }
0x469: {  	s26 =	simm.s32 $0xBA0;
	v11 =	vld [tilespmem:s24+$0xFFFFFE00];
	v14 =	vmul.f32 $5.076142030e-03, v7;
	v2 =	vmul.f32 v6, v2  }
0x46a: {  	s24 =	simm.s32 $0xCFA0;
	v13 =	vld [tilespmem:s26+$0x180];
	v3 =	vmul.f32 v9, v3;
	v9 =	vmul.f32 $5.076142030e-03, v5  }
0x46b: {  	v6 =	vld [tilespmem:s26+$0xFFFFFE80];
	v12 =	vmul.f32 v12, v4;
	v7 =	vmul.f32 v14, v7;
	[tilespmem:s24+$0x180] =	vst v2  }
0x46c: {  	v4 =	vld [tilespmem:s26+$0xFFFFFF00];
	[tilespmem:s24+$0xFFFFFE80] =	vst v3;
	v3 =	vmul.f32 v9, v5;
	v9 =	vmul.f32 $5.076142030e-03, v8  }
0x46d: {  	v2 =	vld [tilespmem:s26+$0xFFFFFF80];
	[tilespmem:s24+$0xFFFFFF00] =	vst v12;
	v12 =	vmul.f32 $5.076142030e-03, v10  }
0x46e: {  	v14 =	vmul.f32 $5.076142030e-03, v11;
	v5 =	vld [tilespmem:s26+$0x0];
	[tilespmem:s24+$0x0] =	vst v7;
	v8 =	vmul.f32 v9, v8  }
0x46f: {  	[tilespmem:s24+$0xFFFFFF80] =	vst v3;
	v3 =	vld [tilespmem:s26+$0x80];
	v9 =	vmul.f32 $5.076142030e-03, v13;
	v15 =	vmul.f32 v12, v10  }
0x470: {  	v7 =	vld [tilespmem:s26+$0x100];
	v11 =	vmul.f32 v14, v11;
	v10 =	vmul.f32 $5.076142030e-03, v6;
	[tilespmem:s24+$0x80] =	vst v8  }
0x471: {  	s25 =	simm.s32 $0x8;
	v12 =	vmul.f32 $5.076142030e-03, v4;
	v8 =	vld [tilespmem:s26+$0xFFFFFE00];
	v9 =	vmul.f32 v9, v13;
	s26 =	simm.s32 $0xFA0;
	[tilespmem:s24+$0x100] =	vst v15  }
.LBB2_77:
0x472: {  	v13 =	vld [tilespmem:s26+$0x180];
	s25 =	sadd.s32 $0x8, s25;
	v10 =	vmul.f32 v10, v6;
	v14 =	vmul.f32 $5.076142030e-03, v2;
	[tilespmem:s24+$0xFFFFFE00] =	vst v11;
	s24 =	sadd.s32 $0x400, s24  }
0x473: {  	v6 =	vld [tilespmem:s26+$0xFFFFFE80];
	p1 =	slt.u32 s25, $0xB8;
	v11 =	vmul.f32 v12, v4;
	v12 =	vmul.f32 $5.076142030e-03, v5;
	[tilespmem:s24+$0x180] =	vst v9  }
0x474: {  	v4 =	vld [tilespmem:s26+$0xFFFFFF00];
	[tilespmem:s24+$0xFFFFFE80] =	vst v10;
	v9 =	vmul.f32 v14, v2;
	v10 =	vmul.f32 $5.076142030e-03, v3  }
.Ltmp43:
0x475: {  	v2 =	vld [tilespmem:s26+$0xFFFFFF80];
	[tilespmem:s24+$0xFFFFFF00] =	vst v11;
	v11 =	vmul.f32 v12, v5;
	v12 =	vmul.f32 $5.076142030e-03, v7;
	(pc) =	sbr.rel @p1 .LBB2_77-.Ltmp43, $4  }
0x476: {  	v5 =	vld [tilespmem:s26+$0x0];
	v14 =	vmul.f32 $5.076142030e-03, v8;
	[tilespmem:s24+$0xFFFFFF80] =	vst v9;
	v9 =	vmul.f32 v10, v3  }
0x477: {  	v3 =	vld [tilespmem:s26+$0x80];
	v15 =	vmul.f32 $5.076142030e-03, v13;
	[tilespmem:s24+$0x0] =	vst v11;
	v16 =	vmul.f32 v12, v7  }
0x478: {  	v10 =	vmul.f32 $5.076142030e-03, v6;
	v7 =	vld [tilespmem:s26+$0x100];
	v11 =	vmul.f32 v14, v8;
	[tilespmem:s24+$0x80] =	vst v9  }
0x479: {  	v8 =	vld [tilespmem:s26+$0xFFFFFE00];
	v12 =	vmul.f32 $5.076142030e-03, v4;
	v9 =	vmul.f32 v15, v13;
	s26 =	sadd.s32 $0x400, s26;
	[tilespmem:s24+$0x100] =	vst v16  }
0x47a: {  	v6 =	vmul.f32 v10, v6;
	v57 =	vmul.f32 $5.076142030e-03, v2;
	[tilespmem:s24+$0xFFFFFE00] =	vst v11;
	s25 =	sadd.s32 $0x400, s24  }
0x47b: {  	v4 =	vmul.f32 v12, v4;
	v58 =	vmul.f32 $5.076142030e-03, v5;
	[tilespmem:s25+$0x180] =	vst v9  }
0x47c: {  	[tilespmem:s25+$0xFFFFFE80] =	vst v6;
	v2 =	vmul.f32 v57, v2;
	v59 =	vmul.f32 $5.076142030e-03, v3  }
0x47d: {  	[tilespmem:s25+$0xFFFFFF00] =	vst v4;
	v60 =	vmul.f32 v58, v5;
	v61 =	vmul.f32 $5.076142030e-03, v7  }
0x47e: {  	v62 =	vmul.f32 $5.076142030e-03, v8;
	[tilespmem:s25+$0xFFFFFF80] =	vst v2;
	v2 =	vmul.f32 v59, v3  }
0x47f: {  	[tilespmem:s25+$0x0] =	vst v60;
	v3 =	vmul.f32 v61, v7  }
0x480: {  	v63 =	vmul.f32 v62, v8;
	[tilespmem:s25+$0x80] =	vst v2  }
0x481: {  	[tilespmem:s25+$0x100] =	vst v3  }
0x482: {  	s24 =	simm.s32 $0x0;
	[tilespmem:s25+$0xFFFFFE00] =	vst v63  }
.LBB2_79:
0x483: {  	s25 =	sshra.s32 s24, $0x2  }
0x484: {  	v2 =	vld [tilespmem:s25+$0x65A0];
	_ =	sdelay $0x3  }
0x485: {  	p1 =	sne.s32 s24, $0x800  }
.Ltmp44:
0x486: {  	v3 =	vmul.f32 $5.076142030e-03, v2;
	(pc) =	sbr.rel @p1 .LBB2_79-.Ltmp44, $3  }
0x487: {  	_ = 	snop  }
0x488: {  	v2 =	vmul.f32 v3, v2;
	_ =	sdelay $0x1  }
0x489: {  	s24 =	sadd.s32 $0x200, s24;
	[tilespmem:s25+$0x12DA0] =	vst v2  }
0x48a: {  	s24 =	simm.s32 $0x7B0  }
0x48b: {  	v2 =	vld [tilespmem:s24+$0x180]  }
0x48c: {  	v3 =	vld [tilespmem:s24+$0xFFFFFE80]  }
0x48d: {  	v4 =	vld [tilespmem:s24+$0xFFFFFF00]  }
0x48e: {  	v7 =	vld [tilespmem:s24+$0x0]  }
0x48f: {  	v5 =	vld [tilespmem:s24+$0xFFFFFF80];
	_ =	sdelay $0x1  }
0x490: {  	v8 =	vld [tilespmem:s24+$0x80];
	v6 =	vmul.f32 $5.076142030e-03, v2  }
0x491: {  	v10 =	vld [tilespmem:s24+$0x100];
	v9 =	vmul.f32 $5.076142030e-03, v3;
	v12 =	vmul.f32 $5.076142030e-03, v4  }
0x492: {  	s26 =	simm.s32 $0xBB0;
	v11 =	vld [tilespmem:s24+$0xFFFFFE00];
	v14 =	vmul.f32 $5.076142030e-03, v7;
	v2 =	vmul.f32 v6, v2  }
0x493: {  	s24 =	simm.s32 $0xCFB0;
	v13 =	vld [tilespmem:s26+$0x180];
	v3 =	vmul.f32 v9, v3;
	v9 =	vmul.f32 $5.076142030e-03, v5  }
0x494: {  	v6 =	vld [tilespmem:s26+$0xFFFFFE80];
	v12 =	vmul.f32 v12, v4;
	v7 =	vmul.f32 v14, v7;
	[tilespmem:s24+$0x180] =	vst v2  }
0x495: {  	v4 =	vld [tilespmem:s26+$0xFFFFFF00];
	[tilespmem:s24+$0xFFFFFE80] =	vst v3;
	v3 =	vmul.f32 v9, v5;
	v9 =	vmul.f32 $5.076142030e-03, v8  }
0x496: {  	v2 =	vld [tilespmem:s26+$0xFFFFFF80];
	[tilespmem:s24+$0xFFFFFF00] =	vst v12;
	v12 =	vmul.f32 $5.076142030e-03, v10  }
0x497: {  	v14 =	vmul.f32 $5.076142030e-03, v11;
	v5 =	vld [tilespmem:s26+$0x0];
	[tilespmem:s24+$0x0] =	vst v7;
	v8 =	vmul.f32 v9, v8  }
0x498: {  	[tilespmem:s24+$0xFFFFFF80] =	vst v3;
	v3 =	vld [tilespmem:s26+$0x80];
	v9 =	vmul.f32 $5.076142030e-03, v13;
	v15 =	vmul.f32 v12, v10  }
0x499: {  	v7 =	vld [tilespmem:s26+$0x100];
	v11 =	vmul.f32 v14, v11;
	v10 =	vmul.f32 $5.076142030e-03, v6;
	[tilespmem:s24+$0x80] =	vst v8  }
0x49a: {  	s25 =	simm.s32 $0x8;
	v12 =	vmul.f32 $5.076142030e-03, v4;
	v8 =	vld [tilespmem:s26+$0xFFFFFE00];
	v9 =	vmul.f32 v9, v13;
	s26 =	simm.s32 $0xFB0;
	[tilespmem:s24+$0x100] =	vst v15  }
.LBB2_81:
0x49b: {  	v13 =	vld [tilespmem:s26+$0x180];
	s25 =	sadd.s32 $0x8, s25;
	v10 =	vmul.f32 v10, v6;
	v14 =	vmul.f32 $5.076142030e-03, v2;
	[tilespmem:s24+$0xFFFFFE00] =	vst v11;
	s24 =	sadd.s32 $0x400, s24  }
0x49c: {  	v6 =	vld [tilespmem:s26+$0xFFFFFE80];
	p1 =	slt.u32 s25, $0xB8;
	v11 =	vmul.f32 v12, v4;
	v12 =	vmul.f32 $5.076142030e-03, v5;
	[tilespmem:s24+$0x180] =	vst v9  }
0x49d: {  	v4 =	vld [tilespmem:s26+$0xFFFFFF00];
	[tilespmem:s24+$0xFFFFFE80] =	vst v10;
	v9 =	vmul.f32 v14, v2;
	v10 =	vmul.f32 $5.076142030e-03, v3  }
.Ltmp45:
0x49e: {  	v2 =	vld [tilespmem:s26+$0xFFFFFF80];
	[tilespmem:s24+$0xFFFFFF00] =	vst v11;
	v11 =	vmul.f32 v12, v5;
	v12 =	vmul.f32 $5.076142030e-03, v7;
	(pc) =	sbr.rel @p1 .LBB2_81-.Ltmp45, $4  }
0x49f: {  	v5 =	vld [tilespmem:s26+$0x0];
	v14 =	vmul.f32 $5.076142030e-03, v8;
	[tilespmem:s24+$0xFFFFFF80] =	vst v9;
	v9 =	vmul.f32 v10, v3  }
0x4a0: {  	v3 =	vld [tilespmem:s26+$0x80];
	v15 =	vmul.f32 $5.076142030e-03, v13;
	[tilespmem:s24+$0x0] =	vst v11;
	v16 =	vmul.f32 v12, v7  }
0x4a1: {  	v10 =	vmul.f32 $5.076142030e-03, v6;
	v7 =	vld [tilespmem:s26+$0x100];
	v11 =	vmul.f32 v14, v8;
	[tilespmem:s24+$0x80] =	vst v9  }
0x4a2: {  	v8 =	vld [tilespmem:s26+$0xFFFFFE00];
	v12 =	vmul.f32 $5.076142030e-03, v4;
	v9 =	vmul.f32 v15, v13;
	s26 =	sadd.s32 $0x400, s26;
	[tilespmem:s24+$0x100] =	vst v16  }
0x4a3: {  	v6 =	vmul.f32 v10, v6;
	v57 =	vmul.f32 $5.076142030e-03, v2;
	[tilespmem:s24+$0xFFFFFE00] =	vst v11;
	s25 =	sadd.s32 $0x400, s24  }
0x4a4: {  	v4 =	vmul.f32 v12, v4;
	v58 =	vmul.f32 $5.076142030e-03, v5;
	[tilespmem:s25+$0x180] =	vst v9  }
0x4a5: {  	[tilespmem:s25+$0xFFFFFE80] =	vst v6;
	v2 =	vmul.f32 v57, v2;
	v59 =	vmul.f32 $5.076142030e-03, v3  }
0x4a6: {  	[tilespmem:s25+$0xFFFFFF00] =	vst v4;
	v60 =	vmul.f32 v58, v5;
	v61 =	vmul.f32 $5.076142030e-03, v7  }
0x4a7: {  	v62 =	vmul.f32 $5.076142030e-03, v8;
	[tilespmem:s25+$0xFFFFFF80] =	vst v2;
	v2 =	vmul.f32 v59, v3  }
0x4a8: {  	[tilespmem:s25+$0x0] =	vst v60;
	v3 =	vmul.f32 v61, v7  }
0x4a9: {  	v63 =	vmul.f32 v62, v8;
	[tilespmem:s25+$0x80] =	vst v2  }
0x4aa: {  	[tilespmem:s25+$0x100] =	vst v3  }
0x4ab: {  	s24 =	simm.s32 $0x0;
	[tilespmem:s25+$0xFFFFFE00] =	vst v63  }
.LBB2_83:
0x4ac: {  	s25 =	sshra.s32 s24, $0x2  }
0x4ad: {  	v2 =	vld [tilespmem:s25+$0x65B0];
	_ =	sdelay $0x3  }
0x4ae: {  	p1 =	sne.s32 s24, $0x800  }
.Ltmp46:
0x4af: {  	v3 =	vmul.f32 $5.076142030e-03, v2;
	(pc) =	sbr.rel @p1 .LBB2_83-.Ltmp46, $3  }
0x4b0: {  	_ = 	snop  }
0x4b1: {  	v2 =	vmul.f32 v3, v2;
	_ =	sdelay $0x1  }
0x4b2: {  	s24 =	sadd.s32 $0x200, s24;
	[tilespmem:s25+$0x12DB0] =	vst v2  }
0x4b3: {  	s24 =	simm.s32 $0x7C0  }
0x4b4: {  	v2 =	vld [tilespmem:s24+$0x180]  }
0x4b5: {  	v3 =	vld [tilespmem:s24+$0xFFFFFE80]  }
0x4b6: {  	v4 =	vld [tilespmem:s24+$0xFFFFFF00]  }
0x4b7: {  	v7 =	vld [tilespmem:s24+$0x0]  }
0x4b8: {  	v5 =	vld [tilespmem:s24+$0xFFFFFF80];
	_ =	sdelay $0x1  }
0x4b9: {  	v8 =	vld [tilespmem:s24+$0x80];
	v6 =	vmul.f32 $5.076142030e-03, v2  }
0x4ba: {  	v10 =	vld [tilespmem:s24+$0x100];
	v9 =	vmul.f32 $5.076142030e-03, v3;
	v12 =	vmul.f32 $5.076142030e-03, v4  }
0x4bb: {  	s26 =	simm.s32 $0xBC0;
	v11 =	vld [tilespmem:s24+$0xFFFFFE00];
	v14 =	vmul.f32 $5.076142030e-03, v7;
	v2 =	vmul.f32 v6, v2  }
0x4bc: {  	s24 =	simm.s32 $0xCFC0;
	v13 =	vld [tilespmem:s26+$0x180];
	v3 =	vmul.f32 v9, v3;
	v9 =	vmul.f32 $5.076142030e-03, v5  }
0x4bd: {  	v6 =	vld [tilespmem:s26+$0xFFFFFE80];
	v12 =	vmul.f32 v12, v4;
	v7 =	vmul.f32 v14, v7;
	[tilespmem:s24+$0x180] =	vst v2  }
0x4be: {  	v4 =	vld [tilespmem:s26+$0xFFFFFF00];
	[tilespmem:s24+$0xFFFFFE80] =	vst v3;
	v3 =	vmul.f32 v9, v5;
	v9 =	vmul.f32 $5.076142030e-03, v8  }
0x4bf: {  	v2 =	vld [tilespmem:s26+$0xFFFFFF80];
	[tilespmem:s24+$0xFFFFFF00] =	vst v12;
	v12 =	vmul.f32 $5.076142030e-03, v10  }
0x4c0: {  	v14 =	vmul.f32 $5.076142030e-03, v11;
	v5 =	vld [tilespmem:s26+$0x0];
	[tilespmem:s24+$0x0] =	vst v7;
	v8 =	vmul.f32 v9, v8  }
0x4c1: {  	[tilespmem:s24+$0xFFFFFF80] =	vst v3;
	v3 =	vld [tilespmem:s26+$0x80];
	v9 =	vmul.f32 $5.076142030e-03, v13;
	v15 =	vmul.f32 v12, v10  }
0x4c2: {  	v7 =	vld [tilespmem:s26+$0x100];
	v11 =	vmul.f32 v14, v11;
	v10 =	vmul.f32 $5.076142030e-03, v6;
	[tilespmem:s24+$0x80] =	vst v8  }
0x4c3: {  	s25 =	simm.s32 $0x8;
	v12 =	vmul.f32 $5.076142030e-03, v4;
	v8 =	vld [tilespmem:s26+$0xFFFFFE00];
	v9 =	vmul.f32 v9, v13;
	s26 =	simm.s32 $0xFC0;
	[tilespmem:s24+$0x100] =	vst v15  }
.LBB2_85:
0x4c4: {  	v13 =	vld [tilespmem:s26+$0x180];
	s25 =	sadd.s32 $0x8, s25;
	v10 =	vmul.f32 v10, v6;
	v14 =	vmul.f32 $5.076142030e-03, v2;
	[tilespmem:s24+$0xFFFFFE00] =	vst v11;
	s24 =	sadd.s32 $0x400, s24  }
0x4c5: {  	v6 =	vld [tilespmem:s26+$0xFFFFFE80];
	p1 =	slt.u32 s25, $0xB8;
	v11 =	vmul.f32 v12, v4;
	v12 =	vmul.f32 $5.076142030e-03, v5;
	[tilespmem:s24+$0x180] =	vst v9  }
0x4c6: {  	v4 =	vld [tilespmem:s26+$0xFFFFFF00];
	[tilespmem:s24+$0xFFFFFE80] =	vst v10;
	v9 =	vmul.f32 v14, v2;
	v10 =	vmul.f32 $5.076142030e-03, v3  }
.Ltmp47:
0x4c7: {  	v2 =	vld [tilespmem:s26+$0xFFFFFF80];
	[tilespmem:s24+$0xFFFFFF00] =	vst v11;
	v11 =	vmul.f32 v12, v5;
	v12 =	vmul.f32 $5.076142030e-03, v7;
	(pc) =	sbr.rel @p1 .LBB2_85-.Ltmp47, $4  }
0x4c8: {  	v5 =	vld [tilespmem:s26+$0x0];
	v14 =	vmul.f32 $5.076142030e-03, v8;
	[tilespmem:s24+$0xFFFFFF80] =	vst v9;
	v9 =	vmul.f32 v10, v3  }
0x4c9: {  	v3 =	vld [tilespmem:s26+$0x80];
	v15 =	vmul.f32 $5.076142030e-03, v13;
	[tilespmem:s24+$0x0] =	vst v11;
	v16 =	vmul.f32 v12, v7  }
0x4ca: {  	v10 =	vmul.f32 $5.076142030e-03, v6;
	v7 =	vld [tilespmem:s26+$0x100];
	v11 =	vmul.f32 v14, v8;
	[tilespmem:s24+$0x80] =	vst v9  }
0x4cb: {  	v8 =	vld [tilespmem:s26+$0xFFFFFE00];
	v12 =	vmul.f32 $5.076142030e-03, v4;
	v9 =	vmul.f32 v15, v13;
	s26 =	sadd.s32 $0x400, s26;
	[tilespmem:s24+$0x100] =	vst v16  }
0x4cc: {  	v6 =	vmul.f32 v10, v6;
	v57 =	vmul.f32 $5.076142030e-03, v2;
	[tilespmem:s24+$0xFFFFFE00] =	vst v11;
	s25 =	sadd.s32 $0x400, s24  }
0x4cd: {  	v4 =	vmul.f32 v12, v4;
	v58 =	vmul.f32 $5.076142030e-03, v5;
	[tilespmem:s25+$0x180] =	vst v9  }
0x4ce: {  	[tilespmem:s25+$0xFFFFFE80] =	vst v6;
	v2 =	vmul.f32 v57, v2;
	v59 =	vmul.f32 $5.076142030e-03, v3  }
0x4cf: {  	[tilespmem:s25+$0xFFFFFF00] =	vst v4;
	v60 =	vmul.f32 v58, v5;
	v61 =	vmul.f32 $5.076142030e-03, v7  }
0x4d0: {  	v62 =	vmul.f32 $5.076142030e-03, v8;
	[tilespmem:s25+$0xFFFFFF80] =	vst v2;
	v2 =	vmul.f32 v59, v3  }
0x4d1: {  	[tilespmem:s25+$0x0] =	vst v60;
	v3 =	vmul.f32 v61, v7  }
0x4d2: {  	v63 =	vmul.f32 v62, v8;
	[tilespmem:s25+$0x80] =	vst v2  }
0x4d3: {  	[tilespmem:s25+$0x100] =	vst v3  }
0x4d4: {  	s24 =	simm.s32 $0x0;
	[tilespmem:s25+$0xFFFFFE00] =	vst v63  }
.LBB2_87:
0x4d5: {  	s25 =	sshra.s32 s24, $0x2  }
0x4d6: {  	v2 =	vld [tilespmem:s25+$0x65C0];
	_ =	sdelay $0x3  }
0x4d7: {  	p1 =	sne.s32 s24, $0x800  }
.Ltmp48:
0x4d8: {  	v3 =	vmul.f32 $5.076142030e-03, v2;
	(pc) =	sbr.rel @p1 .LBB2_87-.Ltmp48, $3  }
0x4d9: {  	_ = 	snop  }
0x4da: {  	v2 =	vmul.f32 v3, v2;
	_ =	sdelay $0x1  }
0x4db: {  	s24 =	sadd.s32 $0x200, s24;
	[tilespmem:s25+$0x12DC0] =	vst v2  }
0x4dc: {  	s24 =	simm.s32 $0x7D0  }
0x4dd: {  	v2 =	vld [tilespmem:s24+$0x180]  }
0x4de: {  	v3 =	vld [tilespmem:s24+$0xFFFFFE80]  }
0x4df: {  	v4 =	vld [tilespmem:s24+$0xFFFFFF00]  }
0x4e0: {  	v7 =	vld [tilespmem:s24+$0x0]  }
0x4e1: {  	v5 =	vld [tilespmem:s24+$0xFFFFFF80];
	_ =	sdelay $0x1  }
0x4e2: {  	v8 =	vld [tilespmem:s24+$0x80];
	v6 =	vmul.f32 $5.076142030e-03, v2  }
0x4e3: {  	v10 =	vld [tilespmem:s24+$0x100];
	v9 =	vmul.f32 $5.076142030e-03, v3;
	v12 =	vmul.f32 $5.076142030e-03, v4  }
0x4e4: {  	s26 =	simm.s32 $0xBD0;
	v11 =	vld [tilespmem:s24+$0xFFFFFE00];
	v14 =	vmul.f32 $5.076142030e-03, v7;
	v2 =	vmul.f32 v6, v2  }
0x4e5: {  	s24 =	simm.s32 $0xCFD0;
	v13 =	vld [tilespmem:s26+$0x180];
	v3 =	vmul.f32 v9, v3;
	v9 =	vmul.f32 $5.076142030e-03, v5  }
0x4e6: {  	v6 =	vld [tilespmem:s26+$0xFFFFFE80];
	v12 =	vmul.f32 v12, v4;
	v7 =	vmul.f32 v14, v7;
	[tilespmem:s24+$0x180] =	vst v2  }
0x4e7: {  	v4 =	vld [tilespmem:s26+$0xFFFFFF00];
	[tilespmem:s24+$0xFFFFFE80] =	vst v3;
	v3 =	vmul.f32 v9, v5;
	v9 =	vmul.f32 $5.076142030e-03, v8  }
0x4e8: {  	v2 =	vld [tilespmem:s26+$0xFFFFFF80];
	[tilespmem:s24+$0xFFFFFF00] =	vst v12;
	v12 =	vmul.f32 $5.076142030e-03, v10  }
0x4e9: {  	v14 =	vmul.f32 $5.076142030e-03, v11;
	v5 =	vld [tilespmem:s26+$0x0];
	[tilespmem:s24+$0x0] =	vst v7;
	v8 =	vmul.f32 v9, v8  }
0x4ea: {  	[tilespmem:s24+$0xFFFFFF80] =	vst v3;
	v3 =	vld [tilespmem:s26+$0x80];
	v9 =	vmul.f32 $5.076142030e-03, v13;
	v15 =	vmul.f32 v12, v10  }
0x4eb: {  	v7 =	vld [tilespmem:s26+$0x100];
	v11 =	vmul.f32 v14, v11;
	v10 =	vmul.f32 $5.076142030e-03, v6;
	[tilespmem:s24+$0x80] =	vst v8  }
0x4ec: {  	s25 =	simm.s32 $0x8;
	v12 =	vmul.f32 $5.076142030e-03, v4;
	v8 =	vld [tilespmem:s26+$0xFFFFFE00];
	v9 =	vmul.f32 v9, v13;
	s26 =	simm.s32 $0xFD0;
	[tilespmem:s24+$0x100] =	vst v15  }
.LBB2_89:
0x4ed: {  	v13 =	vld [tilespmem:s26+$0x180];
	s25 =	sadd.s32 $0x8, s25;
	v10 =	vmul.f32 v10, v6;
	v14 =	vmul.f32 $5.076142030e-03, v2;
	[tilespmem:s24+$0xFFFFFE00] =	vst v11;
	s24 =	sadd.s32 $0x400, s24  }
0x4ee: {  	v6 =	vld [tilespmem:s26+$0xFFFFFE80];
	p1 =	slt.u32 s25, $0xB8;
	v11 =	vmul.f32 v12, v4;
	v12 =	vmul.f32 $5.076142030e-03, v5;
	[tilespmem:s24+$0x180] =	vst v9  }
0x4ef: {  	v4 =	vld [tilespmem:s26+$0xFFFFFF00];
	[tilespmem:s24+$0xFFFFFE80] =	vst v10;
	v9 =	vmul.f32 v14, v2;
	v10 =	vmul.f32 $5.076142030e-03, v3  }
.Ltmp49:
0x4f0: {  	v2 =	vld [tilespmem:s26+$0xFFFFFF80];
	[tilespmem:s24+$0xFFFFFF00] =	vst v11;
	v11 =	vmul.f32 v12, v5;
	v12 =	vmul.f32 $5.076142030e-03, v7;
	(pc) =	sbr.rel @p1 .LBB2_89-.Ltmp49, $4  }
0x4f1: {  	v5 =	vld [tilespmem:s26+$0x0];
	v14 =	vmul.f32 $5.076142030e-03, v8;
	[tilespmem:s24+$0xFFFFFF80] =	vst v9;
	v9 =	vmul.f32 v10, v3  }
0x4f2: {  	v3 =	vld [tilespmem:s26+$0x80];
	v15 =	vmul.f32 $5.076142030e-03, v13;
	[tilespmem:s24+$0x0] =	vst v11;
	v16 =	vmul.f32 v12, v7  }
0x4f3: {  	v10 =	vmul.f32 $5.076142030e-03, v6;
	v7 =	vld [tilespmem:s26+$0x100];
	v11 =	vmul.f32 v14, v8;
	[tilespmem:s24+$0x80] =	vst v9  }
0x4f4: {  	v8 =	vld [tilespmem:s26+$0xFFFFFE00];
	v12 =	vmul.f32 $5.076142030e-03, v4;
	v9 =	vmul.f32 v15, v13;
	s26 =	sadd.s32 $0x400, s26;
	[tilespmem:s24+$0x100] =	vst v16  }
0x4f5: {  	v6 =	vmul.f32 v10, v6;
	v57 =	vmul.f32 $5.076142030e-03, v2;
	[tilespmem:s24+$0xFFFFFE00] =	vst v11;
	s25 =	sadd.s32 $0x400, s24  }
0x4f6: {  	v4 =	vmul.f32 v12, v4;
	v58 =	vmul.f32 $5.076142030e-03, v5;
	[tilespmem:s25+$0x180] =	vst v9  }
0x4f7: {  	[tilespmem:s25+$0xFFFFFE80] =	vst v6;
	v2 =	vmul.f32 v57, v2;
	v59 =	vmul.f32 $5.076142030e-03, v3  }
0x4f8: {  	[tilespmem:s25+$0xFFFFFF00] =	vst v4;
	v60 =	vmul.f32 v58, v5;
	v61 =	vmul.f32 $5.076142030e-03, v7  }
0x4f9: {  	v62 =	vmul.f32 $5.076142030e-03, v8;
	[tilespmem:s25+$0xFFFFFF80] =	vst v2;
	v2 =	vmul.f32 v59, v3  }
0x4fa: {  	[tilespmem:s25+$0x0] =	vst v60;
	v3 =	vmul.f32 v61, v7  }
0x4fb: {  	v63 =	vmul.f32 v62, v8;
	[tilespmem:s25+$0x80] =	vst v2  }
0x4fc: {  	[tilespmem:s25+$0x100] =	vst v3  }
0x4fd: {  	s24 =	simm.s32 $0x0;
	[tilespmem:s25+$0xFFFFFE00] =	vst v63  }
.LBB2_91:
0x4fe: {  	s25 =	sshra.s32 s24, $0x2  }
0x4ff: {  	v2 =	vld [tilespmem:s25+$0x65D0];
	_ =	sdelay $0x3  }
0x500: {  	p1 =	sne.s32 s24, $0x800  }
.Ltmp50:
0x501: {  	v3 =	vmul.f32 $5.076142030e-03, v2;
	(pc) =	sbr.rel @p1 .LBB2_91-.Ltmp50, $3  }
0x502: {  	_ = 	snop  }
0x503: {  	v2 =	vmul.f32 v3, v2;
	_ =	sdelay $0x1  }
0x504: {  	s24 =	sadd.s32 $0x200, s24;
	[tilespmem:s25+$0x12DD0] =	vst v2  }
0x505: {  	s24 =	simm.s32 $0x7E0  }
0x506: {  	v2 =	vld [tilespmem:s24+$0x180]  }
0x507: {  	v3 =	vld [tilespmem:s24+$0xFFFFFE80]  }
0x508: {  	v4 =	vld [tilespmem:s24+$0xFFFFFF00]  }
0x509: {  	v7 =	vld [tilespmem:s24+$0x0]  }
0x50a: {  	v5 =	vld [tilespmem:s24+$0xFFFFFF80];
	_ =	sdelay $0x1  }
0x50b: {  	v8 =	vld [tilespmem:s24+$0x80];
	v6 =	vmul.f32 $5.076142030e-03, v2  }
0x50c: {  	v10 =	vld [tilespmem:s24+$0x100];
	v9 =	vmul.f32 $5.076142030e-03, v3;
	v12 =	vmul.f32 $5.076142030e-03, v4  }
0x50d: {  	s26 =	simm.s32 $0xBE0;
	v11 =	vld [tilespmem:s24+$0xFFFFFE00];
	v14 =	vmul.f32 $5.076142030e-03, v7;
	v2 =	vmul.f32 v6, v2  }
0x50e: {  	s24 =	simm.s32 $0xCFE0;
	v13 =	vld [tilespmem:s26+$0x180];
	v3 =	vmul.f32 v9, v3;
	v9 =	vmul.f32 $5.076142030e-03, v5  }
0x50f: {  	v6 =	vld [tilespmem:s26+$0xFFFFFE80];
	v12 =	vmul.f32 v12, v4;
	v7 =	vmul.f32 v14, v7;
	[tilespmem:s24+$0x180] =	vst v2  }
0x510: {  	v4 =	vld [tilespmem:s26+$0xFFFFFF00];
	[tilespmem:s24+$0xFFFFFE80] =	vst v3;
	v3 =	vmul.f32 v9, v5;
	v9 =	vmul.f32 $5.076142030e-03, v8  }
0x511: {  	v2 =	vld [tilespmem:s26+$0xFFFFFF80];
	[tilespmem:s24+$0xFFFFFF00] =	vst v12;
	v12 =	vmul.f32 $5.076142030e-03, v10  }
0x512: {  	v14 =	vmul.f32 $5.076142030e-03, v11;
	v5 =	vld [tilespmem:s26+$0x0];
	[tilespmem:s24+$0x0] =	vst v7;
	v8 =	vmul.f32 v9, v8  }
0x513: {  	[tilespmem:s24+$0xFFFFFF80] =	vst v3;
	v3 =	vld [tilespmem:s26+$0x80];
	v9 =	vmul.f32 $5.076142030e-03, v13;
	v15 =	vmul.f32 v12, v10  }
0x514: {  	v7 =	vld [tilespmem:s26+$0x100];
	v11 =	vmul.f32 v14, v11;
	v10 =	vmul.f32 $5.076142030e-03, v6;
	[tilespmem:s24+$0x80] =	vst v8  }
0x515: {  	s25 =	simm.s32 $0x8;
	v12 =	vmul.f32 $5.076142030e-03, v4;
	v8 =	vld [tilespmem:s26+$0xFFFFFE00];
	v9 =	vmul.f32 v9, v13;
	s26 =	simm.s32 $0xFE0;
	[tilespmem:s24+$0x100] =	vst v15  }
.LBB2_93:
0x516: {  	v13 =	vld [tilespmem:s26+$0x180];
	s25 =	sadd.s32 $0x8, s25;
	v10 =	vmul.f32 v10, v6;
	v14 =	vmul.f32 $5.076142030e-03, v2;
	[tilespmem:s24+$0xFFFFFE00] =	vst v11;
	s24 =	sadd.s32 $0x400, s24  }
0x517: {  	v6 =	vld [tilespmem:s26+$0xFFFFFE80];
	p1 =	slt.u32 s25, $0xB8;
	v11 =	vmul.f32 v12, v4;
	v12 =	vmul.f32 $5.076142030e-03, v5;
	[tilespmem:s24+$0x180] =	vst v9  }
0x518: {  	v4 =	vld [tilespmem:s26+$0xFFFFFF00];
	[tilespmem:s24+$0xFFFFFE80] =	vst v10;
	v9 =	vmul.f32 v14, v2;
	v10 =	vmul.f32 $5.076142030e-03, v3  }
.Ltmp51:
0x519: {  	v2 =	vld [tilespmem:s26+$0xFFFFFF80];
	[tilespmem:s24+$0xFFFFFF00] =	vst v11;
	v11 =	vmul.f32 v12, v5;
	v12 =	vmul.f32 $5.076142030e-03, v7;
	(pc) =	sbr.rel @p1 .LBB2_93-.Ltmp51, $4  }
0x51a: {  	v5 =	vld [tilespmem:s26+$0x0];
	v14 =	vmul.f32 $5.076142030e-03, v8;
	[tilespmem:s24+$0xFFFFFF80] =	vst v9;
	v9 =	vmul.f32 v10, v3  }
0x51b: {  	v3 =	vld [tilespmem:s26+$0x80];
	v15 =	vmul.f32 $5.076142030e-03, v13;
	[tilespmem:s24+$0x0] =	vst v11;
	v16 =	vmul.f32 v12, v7  }
0x51c: {  	v10 =	vmul.f32 $5.076142030e-03, v6;
	v7 =	vld [tilespmem:s26+$0x100];
	v11 =	vmul.f32 v14, v8;
	[tilespmem:s24+$0x80] =	vst v9  }
0x51d: {  	v8 =	vld [tilespmem:s26+$0xFFFFFE00];
	v12 =	vmul.f32 $5.076142030e-03, v4;
	v9 =	vmul.f32 v15, v13;
	s26 =	sadd.s32 $0x400, s26;
	[tilespmem:s24+$0x100] =	vst v16  }
0x51e: {  	v6 =	vmul.f32 v10, v6;
	v57 =	vmul.f32 $5.076142030e-03, v2;
	[tilespmem:s24+$0xFFFFFE00] =	vst v11;
	s25 =	sadd.s32 $0x400, s24  }
0x51f: {  	v4 =	vmul.f32 v12, v4;
	v58 =	vmul.f32 $5.076142030e-03, v5;
	[tilespmem:s25+$0x180] =	vst v9  }
0x520: {  	[tilespmem:s25+$0xFFFFFE80] =	vst v6;
	v2 =	vmul.f32 v57, v2;
	v59 =	vmul.f32 $5.076142030e-03, v3  }
0x521: {  	[tilespmem:s25+$0xFFFFFF00] =	vst v4;
	v60 =	vmul.f32 v58, v5;
	v61 =	vmul.f32 $5.076142030e-03, v7  }
0x522: {  	v62 =	vmul.f32 $5.076142030e-03, v8;
	[tilespmem:s25+$0xFFFFFF80] =	vst v2;
	v2 =	vmul.f32 v59, v3  }
0x523: {  	[tilespmem:s25+$0x0] =	vst v60;
	v3 =	vmul.f32 v61, v7  }
0x524: {  	v63 =	vmul.f32 v62, v8;
	[tilespmem:s25+$0x80] =	vst v2  }
0x525: {  	[tilespmem:s25+$0x100] =	vst v3  }
0x526: {  	s24 =	simm.s32 $0x0;
	[tilespmem:s25+$0xFFFFFE00] =	vst v63  }
.LBB2_95:
0x527: {  	s25 =	sshra.s32 s24, $0x2  }
0x528: {  	v2 =	vld [tilespmem:s25+$0x65E0];
	_ =	sdelay $0x3  }
0x529: {  	p1 =	sne.s32 s24, $0x800  }
.Ltmp52:
0x52a: {  	v3 =	vmul.f32 $5.076142030e-03, v2;
	(pc) =	sbr.rel @p1 .LBB2_95-.Ltmp52, $3  }
0x52b: {  	_ = 	snop  }
0x52c: {  	v2 =	vmul.f32 v3, v2;
	_ =	sdelay $0x1  }
0x52d: {  	s24 =	sadd.s32 $0x200, s24;
	[tilespmem:s25+$0x12DE0] =	vst v2  }
0x52e: {  	s24 =	simm.s32 $0x7F0  }
0x52f: {  	v2 =	vld [tilespmem:s24+$0x180]  }
0x530: {  	v3 =	vld [tilespmem:s24+$0xFFFFFE80]  }
0x531: {  	v4 =	vld [tilespmem:s24+$0xFFFFFF00]  }
0x532: {  	v7 =	vld [tilespmem:s24+$0x0]  }
0x533: {  	v5 =	vld [tilespmem:s24+$0xFFFFFF80];
	_ =	sdelay $0x1  }
0x534: {  	v8 =	vld [tilespmem:s24+$0x80];
	v6 =	vmul.f32 $5.076142030e-03, v2  }
0x535: {  	v10 =	vld [tilespmem:s24+$0x100];
	v9 =	vmul.f32 $5.076142030e-03, v3;
	v12 =	vmul.f32 $5.076142030e-03, v4  }
0x536: {  	s26 =	simm.s32 $0xBF0;
	v11 =	vld [tilespmem:s24+$0xFFFFFE00];
	v14 =	vmul.f32 $5.076142030e-03, v7;
	v2 =	vmul.f32 v6, v2  }
0x537: {  	s24 =	simm.s32 $0xCFF0;
	v13 =	vld [tilespmem:s26+$0x180];
	v3 =	vmul.f32 v9, v3;
	v9 =	vmul.f32 $5.076142030e-03, v5  }
0x538: {  	v6 =	vld [tilespmem:s26+$0xFFFFFE80];
	v12 =	vmul.f32 v12, v4;
	v7 =	vmul.f32 v14, v7;
	[tilespmem:s24+$0x180] =	vst v2  }
0x539: {  	v4 =	vld [tilespmem:s26+$0xFFFFFF00];
	[tilespmem:s24+$0xFFFFFE80] =	vst v3;
	v3 =	vmul.f32 v9, v5;
	v9 =	vmul.f32 $5.076142030e-03, v8  }
0x53a: {  	v2 =	vld [tilespmem:s26+$0xFFFFFF80];
	[tilespmem:s24+$0xFFFFFF00] =	vst v12;
	v12 =	vmul.f32 $5.076142030e-03, v10  }
0x53b: {  	v14 =	vmul.f32 $5.076142030e-03, v11;
	v5 =	vld [tilespmem:s26+$0x0];
	[tilespmem:s24+$0x0] =	vst v7;
	v8 =	vmul.f32 v9, v8  }
0x53c: {  	[tilespmem:s24+$0xFFFFFF80] =	vst v3;
	v3 =	vld [tilespmem:s26+$0x80];
	v9 =	vmul.f32 $5.076142030e-03, v13;
	v15 =	vmul.f32 v12, v10  }
0x53d: {  	v7 =	vld [tilespmem:s26+$0x100];
	v11 =	vmul.f32 v14, v11;
	v10 =	vmul.f32 $5.076142030e-03, v6;
	[tilespmem:s24+$0x80] =	vst v8  }
0x53e: {  	s25 =	simm.s32 $0x8;
	v12 =	vmul.f32 $5.076142030e-03, v4;
	v8 =	vld [tilespmem:s26+$0xFFFFFE00];
	v9 =	vmul.f32 v9, v13;
	s26 =	simm.s32 $0xFF0;
	[tilespmem:s24+$0x100] =	vst v15  }
.LBB2_97:
0x53f: {  	v13 =	vld [tilespmem:s26+$0x180];
	s25 =	sadd.s32 $0x8, s25;
	v10 =	vmul.f32 v10, v6;
	v14 =	vmul.f32 $5.076142030e-03, v2;
	[tilespmem:s24+$0xFFFFFE00] =	vst v11;
	s24 =	sadd.s32 $0x400, s24  }
0x540: {  	v6 =	vld [tilespmem:s26+$0xFFFFFE80];
	p1 =	slt.u32 s25, $0xB8;
	v11 =	vmul.f32 v12, v4;
	v12 =	vmul.f32 $5.076142030e-03, v5;
	[tilespmem:s24+$0x180] =	vst v9  }
0x541: {  	v4 =	vld [tilespmem:s26+$0xFFFFFF00];
	[tilespmem:s24+$0xFFFFFE80] =	vst v10;
	v9 =	vmul.f32 v14, v2;
	v10 =	vmul.f32 $5.076142030e-03, v3  }
.Ltmp53:
0x542: {  	v2 =	vld [tilespmem:s26+$0xFFFFFF80];
	[tilespmem:s24+$0xFFFFFF00] =	vst v11;
	v11 =	vmul.f32 v12, v5;
	v12 =	vmul.f32 $5.076142030e-03, v7;
	(pc) =	sbr.rel @p1 .LBB2_97-.Ltmp53, $4  }
0x543: {  	v5 =	vld [tilespmem:s26+$0x0];
	v14 =	vmul.f32 $5.076142030e-03, v8;
	[tilespmem:s24+$0xFFFFFF80] =	vst v9;
	v9 =	vmul.f32 v10, v3  }
0x544: {  	v3 =	vld [tilespmem:s26+$0x80];
	v15 =	vmul.f32 $5.076142030e-03, v13;
	[tilespmem:s24+$0x0] =	vst v11;
	v16 =	vmul.f32 v12, v7  }
0x545: {  	v10 =	vmul.f32 $5.076142030e-03, v6;
	v7 =	vld [tilespmem:s26+$0x100];
	v11 =	vmul.f32 v14, v8;
	[tilespmem:s24+$0x80] =	vst v9  }
0x546: {  	v8 =	vld [tilespmem:s26+$0xFFFFFE00];
	v12 =	vmul.f32 $5.076142030e-03, v4;
	v9 =	vmul.f32 v15, v13;
	s26 =	sadd.s32 $0x400, s26;
	[tilespmem:s24+$0x100] =	vst v16  }
0x547: {  	v6 =	vmul.f32 v10, v6;
	v57 =	vmul.f32 $5.076142030e-03, v2;
	[tilespmem:s24+$0xFFFFFE00] =	vst v11;
	s25 =	sadd.s32 $0x400, s24  }
0x548: {  	v4 =	vmul.f32 v12, v4;
	v58 =	vmul.f32 $5.076142030e-03, v5;
	[tilespmem:s25+$0x180] =	vst v9  }
0x549: {  	[tilespmem:s25+$0xFFFFFE80] =	vst v6;
	v2 =	vmul.f32 v57, v2;
	v59 =	vmul.f32 $5.076142030e-03, v3  }
0x54a: {  	[tilespmem:s25+$0xFFFFFF00] =	vst v4;
	v60 =	vmul.f32 v58, v5;
	v61 =	vmul.f32 $5.076142030e-03, v7  }
0x54b: {  	v62 =	vmul.f32 $5.076142030e-03, v8;
	[tilespmem:s25+$0xFFFFFF80] =	vst v2;
	v2 =	vmul.f32 v59, v3  }
0x54c: {  	[tilespmem:s25+$0x0] =	vst v60;
	v3 =	vmul.f32 v61, v7  }
0x54d: {  	v63 =	vmul.f32 v62, v8;
	[tilespmem:s25+$0x80] =	vst v2  }
0x54e: {  	[tilespmem:s25+$0x100] =	vst v3  }
0x54f: {  	s24 =	simm.s32 $0x0;
	[tilespmem:s25+$0xFFFFFE00] =	vst v63  }
.LBB2_99:
0x550: {  	s25 =	sshra.s32 s24, $0x2  }
0x551: {  	v2 =	vld [tilespmem:s25+$0x65F0];
	_ =	sdelay $0x3  }
0x552: {  	p1 =	sne.s32 s24, $0x800  }
.Ltmp54:
0x553: {  	v3 =	vmul.f32 $5.076142030e-03, v2;
	(pc) =	sbr.rel @p1 .LBB2_99-.Ltmp54, $3  }
0x554: {  	_ = 	snop  }
0x555: {  	v2 =	vmul.f32 v3, v2;
	_ =	sdelay $0x1  }
0x556: {  	s24 =	sadd.s32 $0x200, s24;
	[tilespmem:s25+$0x12DF0] =	vst v2  }
.LBB2_100:
0x557: {  	p1 =	slt.u32 s23, $0x20F  }
.Ltmp55:
0x558: {  	_ = 	snop;
	(pc) =	sbr.rel @!p1 .LBB2_101-.Ltmp55, $3  }
0x559: {  	s24 =	smul.u32 $0xC80, s23;
	_ =	sdelay $0x1  }
0x55a: {  	s24 =	sadd.s32 s5, s24  }
0x55b: {  	[hbm4b:s24+s7] =	stream.linear.scatter [tilespmem:s17], [sflag:$0x3], $0x6280, $0x38;
	[tilespmem:$0x19580] =	vst v63  }
0x55c: {  	s24 =	smul.u32 $0x6400, s23;
	_ =	sdelay $0x1  }
0x55d: {  	s24 =	sshrl.u32 s24, $0x3  }
0x55e: {  	s24 =	sadd.s32 s1, s24  }
0x55f: {  	s24 =	sadd.s32 $0x32000, s24  }
0x560: {  	[tilespmem:s14], [sflag:$0x1] =	stream.linear.gather [hbm4b:s24+s7], $0x6280, $0x38;
	[tilespmem:$0x19580] =	vst v63  }
.LBB2_103:
0x561: {  	s24 =	sadd.s32 $0xFFFFFFE0, s23  }
0x562: {  	p1 =	sgt.u32 s24, $0x24E  }
.Ltmp56:
0x563: {  	_ = 	snop;
	(pc) =	sbr.rel @p1 .LBB2_105-.Ltmp56, $4  }
.Ltmp57:
0x564: {  	_ = 	snop;
	(pc) =	sbr.rel @!p1 .LBB2_104-.Ltmp57, $4  }
0x565: {  	_ = 	snop  }
0x566: {  	_ = 	snop  }
0x567: {  	s24 =	sor.u32 $0x20, s23  }
0x568: {  	_ = 	snop  }
.LBB2_101:
0x569: {  	s24 =	sor.u32 $0x20, s23  }
.LBB2_104:
0x56a: {  	_ =	swait.ge [sflag:s18], $0x6280  }
0x56b: {  	[sflag:s18] =	ssyncset.done $0x0  }
0x56c: {  	[sflag:s18] =	ssyncadd.s32 $0xFFFF9D80  }
.LBB2_105:
0x56d: {  	p1 =	sgt.u32 s24, $0x24E  }
.Ltmp58:
0x56e: {  	_ = 	snop;
	(pc) =	sbr.rel @p1 .LBB2_204-.Ltmp58, $1  }
0x56f: {  	_ =	sdelay $0x3  }
0x570: {  	v2 =	vmov s24;
	_ =	sdelay $0x1  }
0x571: {  	_ =	swait.ge [sflag:s19], $0x6280  }
0x572: {  	[sflag:s19] =	ssyncset.done $0x0  }
0x573: {  	[sflag:s19] =	ssyncadd.s32 $0xFFFF9D80  }
0x574: {  	v2 =	vld.idx.msk [tilespmem:v2+s7+$0x0], $0xffff;
	_ =	sdelay $0x4  }
0x575: {  	(v2sf) =	vpush v2, $0x0;
	_ =	sdelay $0xe  }
0x576: {  	s25 =	spop (v2sf)  }
0x577: {  	p1 =	sgt.f32 s25, $5.000000000e-01  }
.Ltmp59:
0x578: {  	_ = 	snop;
	(pc) =	sbr.rel @!p1 .LBB2_171-.Ltmp59, $2  }
0x579: {  	_ =	sdelay $0x2  }
0x57a: {  	s26 =	simm.s32 $0xFFFFFFF8;
	s28 =	simm.s32 $0x6B80;
	v2 =	vimm.f32 $0.0e+00;
	s25 =	simm.s32 $0x13380  }
0x57b: {  	v3 =	vld [tilespmem:s28+$0xFFFFFE00]  }
0x57c: {  	v4 =	vld [tilespmem:s28+$0xFFFFFE80];
	_ =	sdelay $0x1  }
0x57d: {  	v5 =	vld [tilespmem:s28+$0xFFFFFF00];
	_ =	sdelay $0x1  }
0x57e: {  	v3 =	vmul.f32 $1.442695020e+00, v3  }
0x57f: {  	v6 =	vld [tilespmem:s28+$0xFFFFFF80];
	v4 =	vmul.f32 $1.442695020e+00, v4  }
0x580: {  	(erf) = vpow2.f32 v3;
	v3 =	vld [tilespmem:s28+$0x0]  }
0x581: {  	v5 =	vmul.f32 $1.442695020e+00, v5;
	(erf) = vpow2.f32 v4;
	v4 =	vld [tilespmem:s28+$0x80];
	_ =	sdelay $0x1  }
0x582: {  	(erf) = vpow2.f32 v5;
	v5 =	vld [tilespmem:s28+$0x100]  }
0x583: {  	v6 =	vmul.f32 $1.442695020e+00, v6  }
0x584: {  	v3 =	vmul.f32 $1.442695020e+00, v3  }
0x585: {  	(erf) = vpow2.f32 v6;
	v4 =	vmul.f32 $1.442695020e+00, v4  }
0x586: {  	v6 =	vld [tilespmem:s28+$0x180]  }
0x587: {  	(erf) = vpow2.f32 v3;
	v5 =	vmul.f32 $1.442695020e+00, v5  }
0x588: {  	s28 =	sadd.s32 $0x400, s28;
	v3 =	vpop (erf);
	(erf) = vpow2.f32 v4  }
0x589: {  	v2 =	vadd.f32 v3, v2;
	v4 =	vpop (erf);
	(erf) = vpow2.f32 v5;
	v5 =	vld [tilespmem:s28+$0xFFFFFE00];
	_ =	sdelay $0x1  }
0x58a: {  	v8 =	vld [tilespmem:s28+$0xFFFFFE80];
	v6 =	vmul.f32 $1.442695020e+00, v6;
	v2 =	vadd.f32 v4, v2  }
0x58b: {  	v7 =	vpop (erf)  }
0x58c: {  	(erf) = vpow2.f32 v6;
	v6 =	vld [tilespmem:s28+$0xFFFFFF00];
	v2 =	vadd.f32 v7, v2  }
0x58d: {  	v10 =	vld [tilespmem:s28+$0xFFFFFF80];
	[tilespmem:s25+$0xFFFFFE80] =	vst v4;
	v9 =	vpop (erf);
	v4 =	vmul.f32 $1.442695020e+00, v5  }
0x58e: {  	v2 =	vadd.f32 v9, v2  }
0x58f: {  	v5 =	vmul.f32 $1.442695020e+00, v8;
	v11 =	vpop (erf);
	(erf) = vpow2.f32 v4  }
0x590: {  	[tilespmem:s25+$0xFFFFFE00] =	vst v3;
	v3 =	vld [tilespmem:s28+$0x0];
	v2 =	vadd.f32 v11, v2  }
0x591: {  	v4 =	vmul.f32 $1.442695020e+00, v6;
	v61 =	vpop (erf);
	(erf) = vpow2.f32 v5  }
0x592: {  	[tilespmem:s25+$0xFFFFFF00] =	vst v7;
	v7 =	vld [tilespmem:s28+$0x80];
	v5 =	vmul.f32 $1.442695020e+00, v10;
	v2 =	vadd.f32 v61, v2  }
0x593: {  	[tilespmem:s25+$0xFFFFFF80] =	vst v9;
	v6 =	vpop (erf);
	(erf) = vpow2.f32 v4  }
0x594: {  	[tilespmem:s25+$0x0] =	vst v11;
	v63 =	vadd.f32 v6, v2;
	v2 =	vld [tilespmem:s28+$0x100]  }
0x595: {  	v62 =	vmul.f32 $1.442695020e+00, v3;
	[tilespmem:s25+$0x80] =	vst v61;
	(erf) = vpow2.f32 v5  }
0x596: {  	s26 =	sadd.s32 $0x8, s26;
	v3 =	vld [tilespmem:s28+$0x180];
	[tilespmem:s25+$0x100] =	vst v6;
	v5 =	vpop (erf)  }
0x597: {  	s26 =	sadd.s32 $0x8, s26;
	v4 =	vmul.f32 $1.442695020e+00, v7;
	(erf) = vpow2.f32 v62;
	s28 =	sadd.s32 $0x400, s28;
	[tilespmem:s25+$0x180] =	vst v5;
	v5 =	vadd.f32 v5, v63  }
.LBB2_108:
0x598: {  	v6 =	vld [tilespmem:s28+$0xFFFFFE00];
	s26 =	sadd.s32 $0x8, s26;
	v7 =	vpop (erf);
	s25 =	sadd.s32 $0x400, s25  }
0x599: {  	p1 =	slt.u32 s26, $0xB8;
	[tilespmem:s25+$0xFFFFFE00] =	vst v7;
	v5 =	vadd.f32 v7, v5;
	v2 =	vmul.f32 $1.442695020e+00, v2;
	(erf) = vpow2.f32 v4  }
0x59a: {  	v4 =	vld [tilespmem:s28+$0xFFFFFE80];
	v7 =	vpop (erf)  }
0x59b: {  	[tilespmem:s25+$0xFFFFFE80] =	vst v7;
	v5 =	vadd.f32 v7, v5;
	v3 =	vmul.f32 $1.442695020e+00, v3;
	(erf) = vpow2.f32 v2  }
0x59c: {  	v2 =	vld [tilespmem:s28+$0xFFFFFF00];
	v7 =	vpop (erf)  }
0x59d: {  	v6 =	vmul.f32 $1.442695020e+00, v6;
	[tilespmem:s25+$0xFFFFFF00] =	vst v7;
	v5 =	vadd.f32 v7, v5;
	(erf) = vpow2.f32 v3  }
0x59e: {  	v3 =	vld [tilespmem:s28+$0xFFFFFF80];
	v7 =	vpop (erf)  }
0x59f: {  	v4 =	vmul.f32 $1.442695020e+00, v4;
	(erf) = vpow2.f32 v6;
	[tilespmem:s25+$0xFFFFFF80] =	vst v7;
	v5 =	vadd.f32 v7, v5  }
0x5a0: {  	v6 =	vld [tilespmem:s28+$0x0];
	v7 =	vpop (erf)  }
0x5a1: {  	v2 =	vmul.f32 $1.442695020e+00, v2;
	(erf) = vpow2.f32 v4;
	[tilespmem:s25+$0x0] =	vst v7;
	v4 =	vadd.f32 v7, v5  }
0x5a2: {  	v5 =	vld [tilespmem:s28+$0x80];
	v7 =	vpop (erf)  }
.Ltmp60:
0x5a3: {  	v3 =	vmul.f32 $1.442695020e+00, v3;
	(erf) = vpow2.f32 v2;
	[tilespmem:s25+$0x80] =	vst v7;
	v4 =	vadd.f32 v7, v4;
	(pc) =	sbr.rel @p1 .LBB2_108-.Ltmp60, $4  }
0x5a4: {  	v2 =	vld [tilespmem:s28+$0x100];
	v7 =	vpop (erf)  }
0x5a5: {  	v6 =	vmul.f32 $1.442695020e+00, v6;
	(erf) = vpow2.f32 v3;
	[tilespmem:s25+$0x100] =	vst v7;
	v7 =	vadd.f32 v7, v4  }
0x5a6: {  	v3 =	vld [tilespmem:s28+$0x180];
	v8 =	vpop (erf)  }
0x5a7: {  	s28 =	sadd.s32 $0x400, s28;
	v4 =	vmul.f32 $1.442695020e+00, v5;
	(erf) = vpow2.f32 v6;
	[tilespmem:s25+$0x180] =	vst v8;
	v5 =	vadd.f32 v8, v7  }
0x5a8: {  	_ = 	snop  }
0x5a9: {  	v6 =	vpop (erf);
	v2 =	vmul.f32 $1.442695020e+00, v2  }
0x5aa: {  	v5 =	vadd.f32 v6, v5;
	(erf) = vpow2.f32 v4  }
0x5ab: {  	v60 =	vpop (erf);
	v3 =	vmul.f32 $1.442695020e+00, v3  }
0x5ac: {  	v5 =	vadd.f32 v60, v5  }
0x5ad: {  	(erf) = vpow2.f32 v2;
	v2 =	vpop (erf)  }
0x5ae: {  	v5 =	vadd.f32 v2, v5  }
0x5af: {  	(erf) = vpow2.f32 v3;
	v3 =	vpop (erf)  }
0x5b0: {  	v5 =	vadd.f32 v3, v5  }
0x5b1: {  	s25 =	sadd.s32 $0x400, s25;
	v61 =	vpop (erf)  }
0x5b2: {  	[tilespmem:s25+$0xFFFFFE00] =	vst v6;
	v62 =	vadd.f32 v61, v5  }
0x5b3: {  	[tilespmem:s25+$0xFFFFFF00] =	vst v2;
	v2 =	vpop (erf)  }
0x5b4: {  	[tilespmem:s25+$0xFFFFFF80] =	vst v3;
	v3 =	vadd.f32 v2, v62  }
0x5b5: {  	[tilespmem:s25+$0xFFFFFE80] =	vst v60  }
0x5b6: {  	[tilespmem:s25+$0x0] =	vst v61;
	v63 =	vpop (erf)  }
0x5b7: {  	[tilespmem:s25+$0x80] =	vst v2;
	v2 =	vadd.f32 v63, v3  }
0x5b8: {  	[tilespmem:s25+$0x100] =	vst v63;
	v3 =	vpop (erf)  }
0x5b9: {  	[tilespmem:s25+$0x180] =	vst v3;
	v2 =	vadd.f32 v3, v2;
	s25 =	simm.s32 $0x0  }
.LBB2_110:
0x5ba: {  	s26 =	sshra.s32 s25, $0x2  }
0x5bb: {  	v3 =	vld [tilespmem:s26+$0xC980];
	_ =	sdelay $0x4  }
0x5bc: {  	v3 =	vmul.f32 $1.442695020e+00, v3;
	_ =	sdelay $0x1  }
0x5bd: {  	(erf) = vpow2.f32 v3;
	_ =	sdelay $0x4  }
0x5be: {  	p1 =	sne.s32 s25, $0x800  }
.Ltmp61:
0x5bf: {  	_ = 	snop;
	(pc) =	sbr.rel @p1 .LBB2_110-.Ltmp61, $3  }
0x5c0: {  	_ =	sdelay $0x1  }
0x5c1: {  	v3 =	vpop (erf)  }
0x5c2: {  	s25 =	sadd.s32 $0x200, s25;
	[tilespmem:s26+$0x19180] =	vst v3;
	v2 =	vadd.f32 v3, v2  }
0x5c3: {  	_ = 	snop  }
0x5c4: {  	(erf) = vrcp.f32 v2;
	_ =	sdelay $0x3  }
0x5c5: {  	s25 =	simm.s32 $0x13380  }
0x5c6: {  	v5 =	vld [tilespmem:s25+$0x180]  }
0x5c7: {  	v7 =	vld [tilespmem:s25+$0xFFFFFE80]  }
0x5c8: {  	v9 =	vld [tilespmem:s25+$0xFFFFFF00]  }
0x5c9: {  	v6 =	vld [tilespmem:s25+$0xFFFFFF80]  }
0x5ca: {  	v4 =	vld [tilespmem:s25+$0x0];
	v2 =	vpop (erf)  }
0x5cb: {  	v3 =	vld [tilespmem:s25+$0x80];
	v10 =	vmul.f32 v5, v2  }
0x5cc: {  	v5 =	vld [tilespmem:s25+$0x100];
	v8 =	vmul.f32 v7, v2  }
0x5cd: {  	s26 =	simm.s32 $0x0;
	s28 =	simm.s32 $0x13780;
	v7 =	vld [tilespmem:s25+$0xFFFFFE00];
	v9 =	vmul.f32 v9, v2;
	[tilespmem:s25+$0x180] =	vst v10  }
.LBB2_112:
0x5ce: {  	v10 =	vld [tilespmem:s28+$0x180];
	s26 =	sadd.s32 $0x8, s26;
	[tilespmem:s25+$0xFFFFFE80] =	vst v8;
	v6 =	vmul.f32 v6, v2  }
0x5cf: {  	v8 =	vld [tilespmem:s28+$0xFFFFFE80];
	p1 =	slt.u32 s26, $0xB8;
	[tilespmem:s25+$0xFFFFFF00] =	vst v9;
	v4 =	vmul.f32 v4, v2  }
0x5d0: {  	v9 =	vld [tilespmem:s28+$0xFFFFFF00];
	[tilespmem:s25+$0xFFFFFF80] =	vst v6;
	v3 =	vmul.f32 v3, v2  }
.Ltmp62:
0x5d1: {  	v6 =	vld [tilespmem:s28+$0xFFFFFF80];
	[tilespmem:s25+$0x0] =	vst v4;
	v5 =	vmul.f32 v5, v2;
	(pc) =	sbr.rel @p1 .LBB2_112-.Ltmp62, $4  }
0x5d2: {  	v4 =	vld [tilespmem:s28+$0x0];
	v7 =	vmul.f32 v7, v2;
	[tilespmem:s25+$0x80] =	vst v3  }
0x5d3: {  	v3 =	vld [tilespmem:s28+$0x80];
	v10 =	vmul.f32 v10, v2;
	[tilespmem:s25+$0x100] =	vst v5  }
0x5d4: {  	v8 =	vmul.f32 v8, v2;
	v5 =	vld [tilespmem:s28+$0x100];
	[tilespmem:s25+$0xFFFFFE00] =	vst v7;
	s25 =	smov.u32 s28  }
0x5d5: {  	s29 =	simm.s32 $0x0;
	s28 =	sadd.s32 $0x400, s28;
	v7 =	vld [tilespmem:s25+$0xFFFFFE00];
	v9 =	vmul.f32 v9, v2;
	[tilespmem:s25+$0x180] =	vst v10  }
0x5d6: {  	[tilespmem:s25+$0xFFFFFE80] =	vst v8;
	v6 =	vmul.f32 v6, v2  }
0x5d7: {  	[tilespmem:s25+$0xFFFFFF00] =	vst v9;
	v4 =	vmul.f32 v4, v2  }
0x5d8: {  	[tilespmem:s25+$0xFFFFFF80] =	vst v6;
	v3 =	vmul.f32 v3, v2  }
0x5d9: {  	[tilespmem:s25+$0x0] =	vst v4;
	v62 =	vmul.f32 v5, v2  }
0x5da: {  	v63 =	vmul.f32 v7, v2;
	[tilespmem:s25+$0x80] =	vst v3  }
0x5db: {  	[tilespmem:s25+$0x100] =	vst v62  }
0x5dc: {  	[tilespmem:s25+$0xFFFFFE00] =	vst v63  }
.LBB2_114:
0x5dd: {  	s25 =	sshra.s32 s29, $0x2  }
0x5de: {  	v3 =	vld [tilespmem:s25+$0x19180];
	_ =	sdelay $0x1  }
0x5df: {  	p1 =	sne.s32 s29, $0x800  }
.Ltmp63:
0x5e0: {  	_ = 	snop;
	(pc) =	sbr.rel @p1 .LBB2_114-.Ltmp63, $3  }
0x5e1: {  	_ = 	snop  }
0x5e2: {  	v3 =	vmul.f32 v3, v2;
	_ =	sdelay $0x1  }
0x5e3: {  	s29 =	sadd.s32 $0x200, s29;
	[tilespmem:s25+$0x19180] =	vst v3  }
0x5e4: {  	s25 =	simm.s32 $0x6B90  }
0x5e5: {  	v2 =	vld [tilespmem:s25+$0xFFFFFE00]  }
0x5e6: {  	v3 =	vld [tilespmem:s25+$0xFFFFFE80];
	_ =	sdelay $0x1  }
0x5e7: {  	v4 =	vld [tilespmem:s25+$0xFFFFFF00];
	_ =	sdelay $0x1  }
0x5e8: {  	v5 =	vld [tilespmem:s25+$0xFFFFFF80];
	v2 =	vmul.f32 $1.442695020e+00, v2  }
0x5e9: {  	v3 =	vmul.f32 $1.442695020e+00, v3  }
0x5ea: {  	(erf) = vpow2.f32 v2;
	v2 =	vld [tilespmem:s25+$0x0]  }
0x5eb: {  	v4 =	vmul.f32 $1.442695020e+00, v4;
	(erf) = vpow2.f32 v3;
	v3 =	vld [tilespmem:s25+$0x80];
	_ =	sdelay $0x1  }
0x5ec: {  	v5 =	vmul.f32 $1.442695020e+00, v5;
	(erf) = vpow2.f32 v4;
	v4 =	vld [tilespmem:s25+$0x100];
	_ =	sdelay $0x1  }
0x5ed: {  	(erf) = vpow2.f32 v5  }
0x5ee: {  	v2 =	vmul.f32 $1.442695020e+00, v2;
	v3 =	vmul.f32 $1.442695020e+00, v3  }
0x5ef: {  	v5 =	vld [tilespmem:s25+$0x180]  }
0x5f0: {  	(erf) = vpow2.f32 v2;
	v4 =	vmul.f32 $1.442695020e+00, v4  }
0x5f1: {  	s28 =	simm.s32 $0x6F90;
	v2 =	vimm.f32 $0.0e+00;
	v6 =	vpop (erf);
	(erf) = vpow2.f32 v3  }
0x5f2: {  	v2 =	vadd.f32 v6, v2;
	v3 =	vpop (erf);
	(erf) = vpow2.f32 v4;
	v4 =	vld [tilespmem:s28+$0xFFFFFE00];
	_ =	sdelay $0x1  }
0x5f3: {  	v8 =	vld [tilespmem:s28+$0xFFFFFE80];
	v5 =	vmul.f32 $1.442695020e+00, v5;
	v2 =	vadd.f32 v3, v2  }
0x5f4: {  	v7 =	vpop (erf)  }
0x5f5: {  	s25 =	simm.s32 $0x13390;
	(erf) = vpow2.f32 v5;
	v5 =	vld [tilespmem:s28+$0xFFFFFF00];
	v2 =	vadd.f32 v7, v2  }
0x5f6: {  	[tilespmem:s25+$0xFFFFFE80] =	vst v3;
	v9 =	vpop (erf);
	v3 =	vmul.f32 $1.442695020e+00, v4  }
0x5f7: {  	v10 =	vld [tilespmem:s28+$0xFFFFFF80];
	v2 =	vadd.f32 v9, v2  }
0x5f8: {  	v4 =	vmul.f32 $1.442695020e+00, v8;
	v11 =	vpop (erf);
	(erf) = vpow2.f32 v3  }
0x5f9: {  	[tilespmem:s25+$0xFFFFFE00] =	vst v6;
	v6 =	vld [tilespmem:s28+$0x0];
	v2 =	vadd.f32 v11, v2  }
0x5fa: {  	v3 =	vmul.f32 $1.442695020e+00, v5;
	v62 =	vpop (erf);
	(erf) = vpow2.f32 v4  }
0x5fb: {  	[tilespmem:s25+$0xFFFFFF00] =	vst v7;
	v7 =	vld [tilespmem:s28+$0x80];
	v2 =	vadd.f32 v62, v2  }
0x5fc: {  	[tilespmem:s25+$0xFFFFFF80] =	vst v9;
	v4 =	vmul.f32 $1.442695020e+00, v10;
	v5 =	vpop (erf);
	(erf) = vpow2.f32 v3  }
0x5fd: {  	[tilespmem:s25+$0x0] =	vst v11;
	v63 =	vadd.f32 v5, v2;
	v2 =	vld [tilespmem:s28+$0x100]  }
0x5fe: {  	v6 =	vmul.f32 $1.442695020e+00, v6;
	[tilespmem:s25+$0x80] =	vst v62;
	(erf) = vpow2.f32 v4  }
0x5ff: {  	v3 =	vld [tilespmem:s28+$0x180];
	[tilespmem:s25+$0x100] =	vst v5;
	v5 =	vpop (erf)  }
0x600: {  	s26 =	simm.s32 $0x8;
	v4 =	vmul.f32 $1.442695020e+00, v7;
	(erf) = vpow2.f32 v6;
	s28 =	simm.s32 $0x7390;
	[tilespmem:s25+$0x180] =	vst v5;
	v5 =	vadd.f32 v5, v63  }
.LBB2_116:
0x601: {  	v6 =	vld [tilespmem:s28+$0xFFFFFE00];
	s26 =	sadd.s32 $0x8, s26;
	v7 =	vpop (erf);
	s25 =	sadd.s32 $0x400, s25  }
0x602: {  	p1 =	slt.u32 s26, $0xB8;
	[tilespmem:s25+$0xFFFFFE00] =	vst v7;
	v5 =	vadd.f32 v7, v5;
	v2 =	vmul.f32 $1.442695020e+00, v2;
	(erf) = vpow2.f32 v4  }
0x603: {  	v4 =	vld [tilespmem:s28+$0xFFFFFE80];
	v7 =	vpop (erf)  }
0x604: {  	[tilespmem:s25+$0xFFFFFE80] =	vst v7;
	v5 =	vadd.f32 v7, v5;
	v3 =	vmul.f32 $1.442695020e+00, v3;
	(erf) = vpow2.f32 v2  }
0x605: {  	v2 =	vld [tilespmem:s28+$0xFFFFFF00];
	v7 =	vpop (erf)  }
0x606: {  	v6 =	vmul.f32 $1.442695020e+00, v6;
	[tilespmem:s25+$0xFFFFFF00] =	vst v7;
	v5 =	vadd.f32 v7, v5;
	(erf) = vpow2.f32 v3  }
0x607: {  	v3 =	vld [tilespmem:s28+$0xFFFFFF80];
	v7 =	vpop (erf)  }
0x608: {  	v4 =	vmul.f32 $1.442695020e+00, v4;
	(erf) = vpow2.f32 v6;
	[tilespmem:s25+$0xFFFFFF80] =	vst v7;
	v5 =	vadd.f32 v7, v5  }
0x609: {  	v6 =	vld [tilespmem:s28+$0x0];
	v7 =	vpop (erf)  }
0x60a: {  	v2 =	vmul.f32 $1.442695020e+00, v2;
	(erf) = vpow2.f32 v4;
	[tilespmem:s25+$0x0] =	vst v7;
	v4 =	vadd.f32 v7, v5  }
0x60b: {  	v5 =	vld [tilespmem:s28+$0x80];
	v7 =	vpop (erf)  }
.Ltmp64:
0x60c: {  	v3 =	vmul.f32 $1.442695020e+00, v3;
	(erf) = vpow2.f32 v2;
	[tilespmem:s25+$0x80] =	vst v7;
	v4 =	vadd.f32 v7, v4;
	(pc) =	sbr.rel @p1 .LBB2_116-.Ltmp64, $4  }
0x60d: {  	v2 =	vld [tilespmem:s28+$0x100];
	v7 =	vpop (erf)  }
0x60e: {  	v6 =	vmul.f32 $1.442695020e+00, v6;
	(erf) = vpow2.f32 v3;
	[tilespmem:s25+$0x100] =	vst v7;
	v7 =	vadd.f32 v7, v4  }
0x60f: {  	v3 =	vld [tilespmem:s28+$0x180];
	v8 =	vpop (erf)  }
0x610: {  	s28 =	sadd.s32 $0x400, s28;
	v4 =	vmul.f32 $1.442695020e+00, v5;
	(erf) = vpow2.f32 v6;
	[tilespmem:s25+$0x180] =	vst v8;
	v5 =	vadd.f32 v8, v7  }
0x611: {  	_ = 	snop  }
0x612: {  	v6 =	vpop (erf);
	v2 =	vmul.f32 $1.442695020e+00, v2  }
0x613: {  	v5 =	vadd.f32 v6, v5;
	(erf) = vpow2.f32 v4  }
0x614: {  	v60 =	vpop (erf);
	v3 =	vmul.f32 $1.442695020e+00, v3  }
0x615: {  	v5 =	vadd.f32 v60, v5  }
0x616: {  	(erf) = vpow2.f32 v2;
	v2 =	vpop (erf)  }
0x617: {  	v5 =	vadd.f32 v2, v5  }
0x618: {  	(erf) = vpow2.f32 v3;
	v3 =	vpop (erf)  }
0x619: {  	v5 =	vadd.f32 v3, v5  }
0x61a: {  	s25 =	sadd.s32 $0x400, s25;
	v61 =	vpop (erf)  }
0x61b: {  	[tilespmem:s25+$0xFFFFFE00] =	vst v6;
	v62 =	vadd.f32 v61, v5  }
0x61c: {  	[tilespmem:s25+$0xFFFFFF00] =	vst v2;
	v2 =	vpop (erf)  }
0x61d: {  	[tilespmem:s25+$0xFFFFFF80] =	vst v3;
	v3 =	vadd.f32 v2, v62  }
0x61e: {  	[tilespmem:s25+$0xFFFFFE80] =	vst v60  }
0x61f: {  	[tilespmem:s25+$0x0] =	vst v61;
	v63 =	vpop (erf)  }
0x620: {  	[tilespmem:s25+$0x80] =	vst v2;
	v2 =	vadd.f32 v63, v3  }
0x621: {  	[tilespmem:s25+$0x100] =	vst v63;
	v3 =	vpop (erf)  }
0x622: {  	[tilespmem:s25+$0x180] =	vst v3;
	v2 =	vadd.f32 v3, v2;
	s25 =	simm.s32 $0x0  }
.LBB2_118:
0x623: {  	s26 =	sshra.s32 s25, $0x2  }
0x624: {  	v3 =	vld [tilespmem:s26+$0xC990];
	_ =	sdelay $0x4  }
0x625: {  	v3 =	vmul.f32 $1.442695020e+00, v3;
	_ =	sdelay $0x1  }
0x626: {  	(erf) = vpow2.f32 v3;
	_ =	sdelay $0x4  }
0x627: {  	p1 =	sne.s32 s25, $0x800  }
.Ltmp65:
0x628: {  	_ = 	snop;
	(pc) =	sbr.rel @p1 .LBB2_118-.Ltmp65, $3  }
0x629: {  	_ =	sdelay $0x1  }
0x62a: {  	v3 =	vpop (erf)  }
0x62b: {  	s25 =	sadd.s32 $0x200, s25;
	[tilespmem:s26+$0x19190] =	vst v3;
	v2 =	vadd.f32 v3, v2  }
0x62c: {  	_ = 	snop  }
0x62d: {  	(erf) = vrcp.f32 v2;
	_ =	sdelay $0x3  }
0x62e: {  	s25 =	simm.s32 $0x13390  }
0x62f: {  	v5 =	vld [tilespmem:s25+$0x180]  }
0x630: {  	v7 =	vld [tilespmem:s25+$0xFFFFFE80]  }
0x631: {  	v9 =	vld [tilespmem:s25+$0xFFFFFF00]  }
0x632: {  	v6 =	vld [tilespmem:s25+$0xFFFFFF80]  }
0x633: {  	v4 =	vld [tilespmem:s25+$0x0];
	v2 =	vpop (erf)  }
0x634: {  	v3 =	vld [tilespmem:s25+$0x80];
	v10 =	vmul.f32 v5, v2  }
0x635: {  	v5 =	vld [tilespmem:s25+$0x100];
	v8 =	vmul.f32 v7, v2  }
0x636: {  	s26 =	simm.s32 $0x0;
	s28 =	simm.s32 $0x13790;
	v7 =	vld [tilespmem:s25+$0xFFFFFE00];
	v9 =	vmul.f32 v9, v2;
	[tilespmem:s25+$0x180] =	vst v10  }
.LBB2_120:
0x637: {  	v10 =	vld [tilespmem:s28+$0x180];
	s26 =	sadd.s32 $0x8, s26;
	[tilespmem:s25+$0xFFFFFE80] =	vst v8;
	v6 =	vmul.f32 v6, v2  }
0x638: {  	v8 =	vld [tilespmem:s28+$0xFFFFFE80];
	p1 =	slt.u32 s26, $0xB8;
	[tilespmem:s25+$0xFFFFFF00] =	vst v9;
	v4 =	vmul.f32 v4, v2  }
0x639: {  	v9 =	vld [tilespmem:s28+$0xFFFFFF00];
	[tilespmem:s25+$0xFFFFFF80] =	vst v6;
	v3 =	vmul.f32 v3, v2  }
.Ltmp66:
0x63a: {  	v6 =	vld [tilespmem:s28+$0xFFFFFF80];
	[tilespmem:s25+$0x0] =	vst v4;
	v5 =	vmul.f32 v5, v2;
	(pc) =	sbr.rel @p1 .LBB2_120-.Ltmp66, $4  }
0x63b: {  	v4 =	vld [tilespmem:s28+$0x0];
	v7 =	vmul.f32 v7, v2;
	[tilespmem:s25+$0x80] =	vst v3  }
0x63c: {  	v3 =	vld [tilespmem:s28+$0x80];
	v10 =	vmul.f32 v10, v2;
	[tilespmem:s25+$0x100] =	vst v5  }
0x63d: {  	v8 =	vmul.f32 v8, v2;
	v5 =	vld [tilespmem:s28+$0x100];
	[tilespmem:s25+$0xFFFFFE00] =	vst v7;
	s25 =	smov.u32 s28  }
0x63e: {  	s29 =	simm.s32 $0x0;
	s28 =	sadd.s32 $0x400, s28;
	v7 =	vld [tilespmem:s25+$0xFFFFFE00];
	v9 =	vmul.f32 v9, v2;
	[tilespmem:s25+$0x180] =	vst v10  }
0x63f: {  	[tilespmem:s25+$0xFFFFFE80] =	vst v8;
	v6 =	vmul.f32 v6, v2  }
0x640: {  	[tilespmem:s25+$0xFFFFFF00] =	vst v9;
	v4 =	vmul.f32 v4, v2  }
0x641: {  	[tilespmem:s25+$0xFFFFFF80] =	vst v6;
	v3 =	vmul.f32 v3, v2  }
0x642: {  	[tilespmem:s25+$0x0] =	vst v4;
	v62 =	vmul.f32 v5, v2  }
0x643: {  	v63 =	vmul.f32 v7, v2;
	[tilespmem:s25+$0x80] =	vst v3  }
0x644: {  	[tilespmem:s25+$0x100] =	vst v62  }
0x645: {  	[tilespmem:s25+$0xFFFFFE00] =	vst v63  }
.LBB2_122:
0x646: {  	s25 =	sshra.s32 s29, $0x2  }
0x647: {  	v3 =	vld [tilespmem:s25+$0x19190];
	_ =	sdelay $0x1  }
0x648: {  	p1 =	sne.s32 s29, $0x800  }
.Ltmp67:
0x649: {  	_ = 	snop;
	(pc) =	sbr.rel @p1 .LBB2_122-.Ltmp67, $3  }
0x64a: {  	_ = 	snop  }
0x64b: {  	v3 =	vmul.f32 v3, v2;
	_ =	sdelay $0x1  }
0x64c: {  	s29 =	sadd.s32 $0x200, s29;
	[tilespmem:s25+$0x19190] =	vst v3  }
0x64d: {  	s25 =	simm.s32 $0x6BA0  }
0x64e: {  	v2 =	vld [tilespmem:s25+$0xFFFFFE00]  }
0x64f: {  	v3 =	vld [tilespmem:s25+$0xFFFFFE80];
	_ =	sdelay $0x1  }
0x650: {  	v4 =	vld [tilespmem:s25+$0xFFFFFF00];
	_ =	sdelay $0x1  }
0x651: {  	v5 =	vld [tilespmem:s25+$0xFFFFFF80];
	v2 =	vmul.f32 $1.442695020e+00, v2  }
0x652: {  	v3 =	vmul.f32 $1.442695020e+00, v3  }
0x653: {  	(erf) = vpow2.f32 v2;
	v2 =	vld [tilespmem:s25+$0x0]  }
0x654: {  	v4 =	vmul.f32 $1.442695020e+00, v4;
	(erf) = vpow2.f32 v3;
	v3 =	vld [tilespmem:s25+$0x80];
	_ =	sdelay $0x1  }
0x655: {  	v5 =	vmul.f32 $1.442695020e+00, v5;
	(erf) = vpow2.f32 v4;
	v4 =	vld [tilespmem:s25+$0x100];
	_ =	sdelay $0x1  }
0x656: {  	(erf) = vpow2.f32 v5  }
0x657: {  	v2 =	vmul.f32 $1.442695020e+00, v2;
	v3 =	vmul.f32 $1.442695020e+00, v3  }
0x658: {  	v5 =	vld [tilespmem:s25+$0x180]  }
0x659: {  	(erf) = vpow2.f32 v2;
	v4 =	vmul.f32 $1.442695020e+00, v4  }
0x65a: {  	s28 =	simm.s32 $0x6FA0;
	v2 =	vimm.f32 $0.0e+00;
	v6 =	vpop (erf);
	(erf) = vpow2.f32 v3  }
0x65b: {  	v2 =	vadd.f32 v6, v2;
	v3 =	vpop (erf);
	(erf) = vpow2.f32 v4;
	v4 =	vld [tilespmem:s28+$0xFFFFFE00];
	_ =	sdelay $0x1  }
0x65c: {  	v8 =	vld [tilespmem:s28+$0xFFFFFE80];
	v5 =	vmul.f32 $1.442695020e+00, v5;
	v2 =	vadd.f32 v3, v2  }
0x65d: {  	v7 =	vpop (erf)  }
0x65e: {  	s25 =	simm.s32 $0x133A0;
	(erf) = vpow2.f32 v5;
	v5 =	vld [tilespmem:s28+$0xFFFFFF00];
	v2 =	vadd.f32 v7, v2  }
0x65f: {  	[tilespmem:s25+$0xFFFFFE80] =	vst v3;
	v9 =	vpop (erf);
	v3 =	vmul.f32 $1.442695020e+00, v4  }
0x660: {  	v10 =	vld [tilespmem:s28+$0xFFFFFF80];
	v2 =	vadd.f32 v9, v2  }
0x661: {  	v4 =	vmul.f32 $1.442695020e+00, v8;
	v11 =	vpop (erf);
	(erf) = vpow2.f32 v3  }
0x662: {  	[tilespmem:s25+$0xFFFFFE00] =	vst v6;
	v6 =	vld [tilespmem:s28+$0x0];
	v2 =	vadd.f32 v11, v2  }
0x663: {  	v3 =	vmul.f32 $1.442695020e+00, v5;
	v62 =	vpop (erf);
	(erf) = vpow2.f32 v4  }
0x664: {  	[tilespmem:s25+$0xFFFFFF00] =	vst v7;
	v7 =	vld [tilespmem:s28+$0x80];
	v2 =	vadd.f32 v62, v2  }
0x665: {  	[tilespmem:s25+$0xFFFFFF80] =	vst v9;
	v4 =	vmul.f32 $1.442695020e+00, v10;
	v5 =	vpop (erf);
	(erf) = vpow2.f32 v3  }
0x666: {  	[tilespmem:s25+$0x0] =	vst v11;
	v63 =	vadd.f32 v5, v2;
	v2 =	vld [tilespmem:s28+$0x100]  }
0x667: {  	v6 =	vmul.f32 $1.442695020e+00, v6;
	[tilespmem:s25+$0x80] =	vst v62;
	(erf) = vpow2.f32 v4  }
0x668: {  	v3 =	vld [tilespmem:s28+$0x180];
	[tilespmem:s25+$0x100] =	vst v5;
	v5 =	vpop (erf)  }
0x669: {  	s26 =	simm.s32 $0x8;
	v4 =	vmul.f32 $1.442695020e+00, v7;
	(erf) = vpow2.f32 v6;
	s28 =	simm.s32 $0x73A0;
	[tilespmem:s25+$0x180] =	vst v5;
	v5 =	vadd.f32 v5, v63  }
.LBB2_124:
0x66a: {  	v6 =	vld [tilespmem:s28+$0xFFFFFE00];
	s26 =	sadd.s32 $0x8, s26;
	v7 =	vpop (erf);
	s25 =	sadd.s32 $0x400, s25  }
0x66b: {  	p1 =	slt.u32 s26, $0xB8;
	[tilespmem:s25+$0xFFFFFE00] =	vst v7;
	v5 =	vadd.f32 v7, v5;
	v2 =	vmul.f32 $1.442695020e+00, v2;
	(erf) = vpow2.f32 v4  }
0x66c: {  	v4 =	vld [tilespmem:s28+$0xFFFFFE80];
	v7 =	vpop (erf)  }
0x66d: {  	[tilespmem:s25+$0xFFFFFE80] =	vst v7;
	v5 =	vadd.f32 v7, v5;
	v3 =	vmul.f32 $1.442695020e+00, v3;
	(erf) = vpow2.f32 v2  }
0x66e: {  	v2 =	vld [tilespmem:s28+$0xFFFFFF00];
	v7 =	vpop (erf)  }
0x66f: {  	v6 =	vmul.f32 $1.442695020e+00, v6;
	[tilespmem:s25+$0xFFFFFF00] =	vst v7;
	v5 =	vadd.f32 v7, v5;
	(erf) = vpow2.f32 v3  }
0x670: {  	v3 =	vld [tilespmem:s28+$0xFFFFFF80];
	v7 =	vpop (erf)  }
0x671: {  	v4 =	vmul.f32 $1.442695020e+00, v4;
	(erf) = vpow2.f32 v6;
	[tilespmem:s25+$0xFFFFFF80] =	vst v7;
	v5 =	vadd.f32 v7, v5  }
0x672: {  	v6 =	vld [tilespmem:s28+$0x0];
	v7 =	vpop (erf)  }
0x673: {  	v2 =	vmul.f32 $1.442695020e+00, v2;
	(erf) = vpow2.f32 v4;
	[tilespmem:s25+$0x0] =	vst v7;
	v4 =	vadd.f32 v7, v5  }
0x674: {  	v5 =	vld [tilespmem:s28+$0x80];
	v7 =	vpop (erf)  }
.Ltmp68:
0x675: {  	v3 =	vmul.f32 $1.442695020e+00, v3;
	(erf) = vpow2.f32 v2;
	[tilespmem:s25+$0x80] =	vst v7;
	v4 =	vadd.f32 v7, v4;
	(pc) =	sbr.rel @p1 .LBB2_124-.Ltmp68, $4  }
0x676: {  	v2 =	vld [tilespmem:s28+$0x100];
	v7 =	vpop (erf)  }
0x677: {  	v6 =	vmul.f32 $1.442695020e+00, v6;
	(erf) = vpow2.f32 v3;
	[tilespmem:s25+$0x100] =	vst v7;
	v7 =	vadd.f32 v7, v4  }
0x678: {  	v3 =	vld [tilespmem:s28+$0x180];
	v8 =	vpop (erf)  }
0x679: {  	s28 =	sadd.s32 $0x400, s28;
	v4 =	vmul.f32 $1.442695020e+00, v5;
	(erf) = vpow2.f32 v6;
	[tilespmem:s25+$0x180] =	vst v8;
	v5 =	vadd.f32 v8, v7  }
0x67a: {  	_ = 	snop  }
0x67b: {  	v6 =	vpop (erf);
	v2 =	vmul.f32 $1.442695020e+00, v2  }
0x67c: {  	v5 =	vadd.f32 v6, v5;
	(erf) = vpow2.f32 v4  }
0x67d: {  	v60 =	vpop (erf);
	v3 =	vmul.f32 $1.442695020e+00, v3  }
0x67e: {  	v5 =	vadd.f32 v60, v5  }
0x67f: {  	(erf) = vpow2.f32 v2;
	v2 =	vpop (erf)  }
0x680: {  	v5 =	vadd.f32 v2, v5  }
0x681: {  	(erf) = vpow2.f32 v3;
	v3 =	vpop (erf)  }
0x682: {  	v5 =	vadd.f32 v3, v5  }
0x683: {  	s25 =	sadd.s32 $0x400, s25;
	v61 =	vpop (erf)  }
0x684: {  	[tilespmem:s25+$0xFFFFFE00] =	vst v6;
	v62 =	vadd.f32 v61, v5  }
0x685: {  	[tilespmem:s25+$0xFFFFFF00] =	vst v2;
	v2 =	vpop (erf)  }
0x686: {  	[tilespmem:s25+$0xFFFFFF80] =	vst v3;
	v3 =	vadd.f32 v2, v62  }
0x687: {  	[tilespmem:s25+$0xFFFFFE80] =	vst v60  }
0x688: {  	[tilespmem:s25+$0x0] =	vst v61;
	v63 =	vpop (erf)  }
0x689: {  	[tilespmem:s25+$0x80] =	vst v2;
	v2 =	vadd.f32 v63, v3  }
0x68a: {  	[tilespmem:s25+$0x100] =	vst v63;
	v3 =	vpop (erf)  }
0x68b: {  	[tilespmem:s25+$0x180] =	vst v3;
	v2 =	vadd.f32 v3, v2;
	s25 =	simm.s32 $0x0  }
.LBB2_126:
0x68c: {  	s26 =	sshra.s32 s25, $0x2  }
0x68d: {  	v3 =	vld [tilespmem:s26+$0xC9A0];
	_ =	sdelay $0x4  }
0x68e: {  	v3 =	vmul.f32 $1.442695020e+00, v3;
	_ =	sdelay $0x1  }
0x68f: {  	(erf) = vpow2.f32 v3;
	_ =	sdelay $0x4  }
0x690: {  	p1 =	sne.s32 s25, $0x800  }
.Ltmp69:
0x691: {  	_ = 	snop;
	(pc) =	sbr.rel @p1 .LBB2_126-.Ltmp69, $3  }
0x692: {  	_ =	sdelay $0x1  }
0x693: {  	v3 =	vpop (erf)  }
0x694: {  	s25 =	sadd.s32 $0x200, s25;
	[tilespmem:s26+$0x191A0] =	vst v3;
	v2 =	vadd.f32 v3, v2  }
0x695: {  	_ = 	snop  }
0x696: {  	(erf) = vrcp.f32 v2;
	_ =	sdelay $0x3  }
0x697: {  	s25 =	simm.s32 $0x133A0  }
0x698: {  	v5 =	vld [tilespmem:s25+$0x180]  }
0x699: {  	v7 =	vld [tilespmem:s25+$0xFFFFFE80]  }
0x69a: {  	v9 =	vld [tilespmem:s25+$0xFFFFFF00]  }
0x69b: {  	v6 =	vld [tilespmem:s25+$0xFFFFFF80]  }
0x69c: {  	v4 =	vld [tilespmem:s25+$0x0];
	v2 =	vpop (erf)  }
0x69d: {  	v3 =	vld [tilespmem:s25+$0x80];
	v10 =	vmul.f32 v5, v2  }
0x69e: {  	v5 =	vld [tilespmem:s25+$0x100];
	v8 =	vmul.f32 v7, v2  }
0x69f: {  	s26 =	simm.s32 $0x0;
	s28 =	simm.s32 $0x137A0;
	v7 =	vld [tilespmem:s25+$0xFFFFFE00];
	v9 =	vmul.f32 v9, v2;
	[tilespmem:s25+$0x180] =	vst v10  }
.LBB2_128:
0x6a0: {  	v10 =	vld [tilespmem:s28+$0x180];
	s26 =	sadd.s32 $0x8, s26;
	[tilespmem:s25+$0xFFFFFE80] =	vst v8;
	v6 =	vmul.f32 v6, v2  }
0x6a1: {  	v8 =	vld [tilespmem:s28+$0xFFFFFE80];
	p1 =	slt.u32 s26, $0xB8;
	[tilespmem:s25+$0xFFFFFF00] =	vst v9;
	v4 =	vmul.f32 v4, v2  }
0x6a2: {  	v9 =	vld [tilespmem:s28+$0xFFFFFF00];
	[tilespmem:s25+$0xFFFFFF80] =	vst v6;
	v3 =	vmul.f32 v3, v2  }
.Ltmp70:
0x6a3: {  	v6 =	vld [tilespmem:s28+$0xFFFFFF80];
	[tilespmem:s25+$0x0] =	vst v4;
	v5 =	vmul.f32 v5, v2;
	(pc) =	sbr.rel @p1 .LBB2_128-.Ltmp70, $4  }
0x6a4: {  	v4 =	vld [tilespmem:s28+$0x0];
	v7 =	vmul.f32 v7, v2;
	[tilespmem:s25+$0x80] =	vst v3  }
0x6a5: {  	v3 =	vld [tilespmem:s28+$0x80];
	v10 =	vmul.f32 v10, v2;
	[tilespmem:s25+$0x100] =	vst v5  }
0x6a6: {  	v8 =	vmul.f32 v8, v2;
	v5 =	vld [tilespmem:s28+$0x100];
	[tilespmem:s25+$0xFFFFFE00] =	vst v7;
	s25 =	smov.u32 s28  }
0x6a7: {  	s29 =	simm.s32 $0x0;
	s28 =	sadd.s32 $0x400, s28;
	v7 =	vld [tilespmem:s25+$0xFFFFFE00];
	v9 =	vmul.f32 v9, v2;
	[tilespmem:s25+$0x180] =	vst v10  }
0x6a8: {  	[tilespmem:s25+$0xFFFFFE80] =	vst v8;
	v6 =	vmul.f32 v6, v2  }
0x6a9: {  	[tilespmem:s25+$0xFFFFFF00] =	vst v9;
	v4 =	vmul.f32 v4, v2  }
0x6aa: {  	[tilespmem:s25+$0xFFFFFF80] =	vst v6;
	v3 =	vmul.f32 v3, v2  }
0x6ab: {  	[tilespmem:s25+$0x0] =	vst v4;
	v62 =	vmul.f32 v5, v2  }
0x6ac: {  	v63 =	vmul.f32 v7, v2;
	[tilespmem:s25+$0x80] =	vst v3  }
0x6ad: {  	[tilespmem:s25+$0x100] =	vst v62  }
0x6ae: {  	[tilespmem:s25+$0xFFFFFE00] =	vst v63  }
.LBB2_130:
0x6af: {  	s25 =	sshra.s32 s29, $0x2  }
0x6b0: {  	v3 =	vld [tilespmem:s25+$0x191A0];
	_ =	sdelay $0x1  }
0x6b1: {  	p1 =	sne.s32 s29, $0x800  }
.Ltmp71:
0x6b2: {  	_ = 	snop;
	(pc) =	sbr.rel @p1 .LBB2_130-.Ltmp71, $3  }
0x6b3: {  	_ = 	snop  }
0x6b4: {  	v3 =	vmul.f32 v3, v2;
	_ =	sdelay $0x1  }
0x6b5: {  	s29 =	sadd.s32 $0x200, s29;
	[tilespmem:s25+$0x191A0] =	vst v3  }
0x6b6: {  	s25 =	simm.s32 $0x6BB0  }
0x6b7: {  	v2 =	vld [tilespmem:s25+$0xFFFFFE00]  }
0x6b8: {  	v3 =	vld [tilespmem:s25+$0xFFFFFE80];
	_ =	sdelay $0x1  }
0x6b9: {  	v4 =	vld [tilespmem:s25+$0xFFFFFF00];
	_ =	sdelay $0x1  }
0x6ba: {  	v5 =	vld [tilespmem:s25+$0xFFFFFF80];
	v2 =	vmul.f32 $1.442695020e+00, v2  }
0x6bb: {  	v3 =	vmul.f32 $1.442695020e+00, v3  }
0x6bc: {  	(erf) = vpow2.f32 v2;
	v2 =	vld [tilespmem:s25+$0x0]  }
0x6bd: {  	v4 =	vmul.f32 $1.442695020e+00, v4;
	(erf) = vpow2.f32 v3;
	v3 =	vld [tilespmem:s25+$0x80];
	_ =	sdelay $0x1  }
0x6be: {  	v5 =	vmul.f32 $1.442695020e+00, v5;
	(erf) = vpow2.f32 v4;
	v4 =	vld [tilespmem:s25+$0x100];
	_ =	sdelay $0x1  }
0x6bf: {  	(erf) = vpow2.f32 v5  }
0x6c0: {  	v2 =	vmul.f32 $1.442695020e+00, v2;
	v3 =	vmul.f32 $1.442695020e+00, v3  }
0x6c1: {  	v5 =	vld [tilespmem:s25+$0x180]  }
0x6c2: {  	(erf) = vpow2.f32 v2;
	v4 =	vmul.f32 $1.442695020e+00, v4  }
0x6c3: {  	s28 =	simm.s32 $0x6FB0;
	v2 =	vimm.f32 $0.0e+00;
	v6 =	vpop (erf);
	(erf) = vpow2.f32 v3  }
0x6c4: {  	v2 =	vadd.f32 v6, v2;
	v3 =	vpop (erf);
	(erf) = vpow2.f32 v4;
	v4 =	vld [tilespmem:s28+$0xFFFFFE00];
	_ =	sdelay $0x1  }
0x6c5: {  	v8 =	vld [tilespmem:s28+$0xFFFFFE80];
	v5 =	vmul.f32 $1.442695020e+00, v5;
	v2 =	vadd.f32 v3, v2  }
0x6c6: {  	v7 =	vpop (erf)  }
0x6c7: {  	s25 =	simm.s32 $0x133B0;
	(erf) = vpow2.f32 v5;
	v5 =	vld [tilespmem:s28+$0xFFFFFF00];
	v2 =	vadd.f32 v7, v2  }
0x6c8: {  	[tilespmem:s25+$0xFFFFFE80] =	vst v3;
	v9 =	vpop (erf);
	v3 =	vmul.f32 $1.442695020e+00, v4  }
0x6c9: {  	v10 =	vld [tilespmem:s28+$0xFFFFFF80];
	v2 =	vadd.f32 v9, v2  }
0x6ca: {  	v4 =	vmul.f32 $1.442695020e+00, v8;
	v11 =	vpop (erf);
	(erf) = vpow2.f32 v3  }
0x6cb: {  	[tilespmem:s25+$0xFFFFFE00] =	vst v6;
	v6 =	vld [tilespmem:s28+$0x0];
	v2 =	vadd.f32 v11, v2  }
0x6cc: {  	v3 =	vmul.f32 $1.442695020e+00, v5;
	v62 =	vpop (erf);
	(erf) = vpow2.f32 v4  }
0x6cd: {  	[tilespmem:s25+$0xFFFFFF00] =	vst v7;
	v7 =	vld [tilespmem:s28+$0x80];
	v2 =	vadd.f32 v62, v2  }
0x6ce: {  	[tilespmem:s25+$0xFFFFFF80] =	vst v9;
	v4 =	vmul.f32 $1.442695020e+00, v10;
	v5 =	vpop (erf);
	(erf) = vpow2.f32 v3  }
0x6cf: {  	[tilespmem:s25+$0x0] =	vst v11;
	v63 =	vadd.f32 v5, v2;
	v2 =	vld [tilespmem:s28+$0x100]  }
0x6d0: {  	v6 =	vmul.f32 $1.442695020e+00, v6;
	[tilespmem:s25+$0x80] =	vst v62;
	(erf) = vpow2.f32 v4  }
0x6d1: {  	v3 =	vld [tilespmem:s28+$0x180];
	[tilespmem:s25+$0x100] =	vst v5;
	v5 =	vpop (erf)  }
0x6d2: {  	s26 =	simm.s32 $0x8;
	v4 =	vmul.f32 $1.442695020e+00, v7;
	(erf) = vpow2.f32 v6;
	s28 =	simm.s32 $0x73B0;
	[tilespmem:s25+$0x180] =	vst v5;
	v5 =	vadd.f32 v5, v63  }
.LBB2_132:
0x6d3: {  	v6 =	vld [tilespmem:s28+$0xFFFFFE00];
	s26 =	sadd.s32 $0x8, s26;
	v7 =	vpop (erf);
	s25 =	sadd.s32 $0x400, s25  }
0x6d4: {  	p1 =	slt.u32 s26, $0xB8;
	[tilespmem:s25+$0xFFFFFE00] =	vst v7;
	v5 =	vadd.f32 v7, v5;
	v2 =	vmul.f32 $1.442695020e+00, v2;
	(erf) = vpow2.f32 v4  }
0x6d5: {  	v4 =	vld [tilespmem:s28+$0xFFFFFE80];
	v7 =	vpop (erf)  }
0x6d6: {  	[tilespmem:s25+$0xFFFFFE80] =	vst v7;
	v5 =	vadd.f32 v7, v5;
	v3 =	vmul.f32 $1.442695020e+00, v3;
	(erf) = vpow2.f32 v2  }
0x6d7: {  	v2 =	vld [tilespmem:s28+$0xFFFFFF00];
	v7 =	vpop (erf)  }
0x6d8: {  	v6 =	vmul.f32 $1.442695020e+00, v6;
	[tilespmem:s25+$0xFFFFFF00] =	vst v7;
	v5 =	vadd.f32 v7, v5;
	(erf) = vpow2.f32 v3  }
0x6d9: {  	v3 =	vld [tilespmem:s28+$0xFFFFFF80];
	v7 =	vpop (erf)  }
0x6da: {  	v4 =	vmul.f32 $1.442695020e+00, v4;
	(erf) = vpow2.f32 v6;
	[tilespmem:s25+$0xFFFFFF80] =	vst v7;
	v5 =	vadd.f32 v7, v5  }
0x6db: {  	v6 =	vld [tilespmem:s28+$0x0];
	v7 =	vpop (erf)  }
0x6dc: {  	v2 =	vmul.f32 $1.442695020e+00, v2;
	(erf) = vpow2.f32 v4;
	[tilespmem:s25+$0x0] =	vst v7;
	v4 =	vadd.f32 v7, v5  }
0x6dd: {  	v5 =	vld [tilespmem:s28+$0x80];
	v7 =	vpop (erf)  }
.Ltmp72:
0x6de: {  	v3 =	vmul.f32 $1.442695020e+00, v3;
	(erf) = vpow2.f32 v2;
	[tilespmem:s25+$0x80] =	vst v7;
	v4 =	vadd.f32 v7, v4;
	(pc) =	sbr.rel @p1 .LBB2_132-.Ltmp72, $4  }
0x6df: {  	v2 =	vld [tilespmem:s28+$0x100];
	v7 =	vpop (erf)  }
0x6e0: {  	v6 =	vmul.f32 $1.442695020e+00, v6;
	(erf) = vpow2.f32 v3;
	[tilespmem:s25+$0x100] =	vst v7;
	v7 =	vadd.f32 v7, v4  }
0x6e1: {  	v3 =	vld [tilespmem:s28+$0x180];
	v8 =	vpop (erf)  }
0x6e2: {  	s28 =	sadd.s32 $0x400, s28;
	v4 =	vmul.f32 $1.442695020e+00, v5;
	(erf) = vpow2.f32 v6;
	[tilespmem:s25+$0x180] =	vst v8;
	v5 =	vadd.f32 v8, v7  }
0x6e3: {  	_ = 	snop  }
0x6e4: {  	v6 =	vpop (erf);
	v2 =	vmul.f32 $1.442695020e+00, v2  }
0x6e5: {  	v5 =	vadd.f32 v6, v5;
	(erf) = vpow2.f32 v4  }
0x6e6: {  	v60 =	vpop (erf);
	v3 =	vmul.f32 $1.442695020e+00, v3  }
0x6e7: {  	v5 =	vadd.f32 v60, v5  }
0x6e8: {  	(erf) = vpow2.f32 v2;
	v2 =	vpop (erf)  }
0x6e9: {  	v5 =	vadd.f32 v2, v5  }
0x6ea: {  	(erf) = vpow2.f32 v3;
	v3 =	vpop (erf)  }
0x6eb: {  	v5 =	vadd.f32 v3, v5  }
0x6ec: {  	s25 =	sadd.s32 $0x400, s25;
	v61 =	vpop (erf)  }
0x6ed: {  	[tilespmem:s25+$0xFFFFFE00] =	vst v6;
	v62 =	vadd.f32 v61, v5  }
0x6ee: {  	[tilespmem:s25+$0xFFFFFF00] =	vst v2;
	v2 =	vpop (erf)  }
0x6ef: {  	[tilespmem:s25+$0xFFFFFF80] =	vst v3;
	v3 =	vadd.f32 v2, v62  }
0x6f0: {  	[tilespmem:s25+$0xFFFFFE80] =	vst v60  }
0x6f1: {  	[tilespmem:s25+$0x0] =	vst v61;
	v63 =	vpop (erf)  }
0x6f2: {  	[tilespmem:s25+$0x80] =	vst v2;
	v2 =	vadd.f32 v63, v3  }
0x6f3: {  	[tilespmem:s25+$0x100] =	vst v63;
	v3 =	vpop (erf)  }
0x6f4: {  	[tilespmem:s25+$0x180] =	vst v3;
	v2 =	vadd.f32 v3, v2;
	s25 =	simm.s32 $0x0  }
.LBB2_134:
0x6f5: {  	s26 =	sshra.s32 s25, $0x2  }
0x6f6: {  	v3 =	vld [tilespmem:s26+$0xC9B0];
	_ =	sdelay $0x4  }
0x6f7: {  	v3 =	vmul.f32 $1.442695020e+00, v3;
	_ =	sdelay $0x1  }
0x6f8: {  	(erf) = vpow2.f32 v3;
	_ =	sdelay $0x4  }
0x6f9: {  	p1 =	sne.s32 s25, $0x800  }
.Ltmp73:
0x6fa: {  	_ = 	snop;
	(pc) =	sbr.rel @p1 .LBB2_134-.Ltmp73, $3  }
0x6fb: {  	_ =	sdelay $0x1  }
0x6fc: {  	v3 =	vpop (erf)  }
0x6fd: {  	s25 =	sadd.s32 $0x200, s25;
	[tilespmem:s26+$0x191B0] =	vst v3;
	v2 =	vadd.f32 v3, v2  }
0x6fe: {  	_ = 	snop  }
0x6ff: {  	(erf) = vrcp.f32 v2;
	_ =	sdelay $0x3  }
0x700: {  	s25 =	simm.s32 $0x133B0  }
0x701: {  	v5 =	vld [tilespmem:s25+$0x180]  }
0x702: {  	v7 =	vld [tilespmem:s25+$0xFFFFFE80]  }
0x703: {  	v9 =	vld [tilespmem:s25+$0xFFFFFF00]  }
0x704: {  	v6 =	vld [tilespmem:s25+$0xFFFFFF80]  }
0x705: {  	v4 =	vld [tilespmem:s25+$0x0];
	v2 =	vpop (erf)  }
0x706: {  	v3 =	vld [tilespmem:s25+$0x80];
	v10 =	vmul.f32 v5, v2  }
0x707: {  	v5 =	vld [tilespmem:s25+$0x100];
	v8 =	vmul.f32 v7, v2  }
0x708: {  	s26 =	simm.s32 $0x0;
	s28 =	simm.s32 $0x137B0;
	v7 =	vld [tilespmem:s25+$0xFFFFFE00];
	v9 =	vmul.f32 v9, v2;
	[tilespmem:s25+$0x180] =	vst v10  }
.LBB2_136:
0x709: {  	v10 =	vld [tilespmem:s28+$0x180];
	s26 =	sadd.s32 $0x8, s26;
	[tilespmem:s25+$0xFFFFFE80] =	vst v8;
	v6 =	vmul.f32 v6, v2  }
0x70a: {  	v8 =	vld [tilespmem:s28+$0xFFFFFE80];
	p1 =	slt.u32 s26, $0xB8;
	[tilespmem:s25+$0xFFFFFF00] =	vst v9;
	v4 =	vmul.f32 v4, v2  }
0x70b: {  	v9 =	vld [tilespmem:s28+$0xFFFFFF00];
	[tilespmem:s25+$0xFFFFFF80] =	vst v6;
	v3 =	vmul.f32 v3, v2  }
.Ltmp74:
0x70c: {  	v6 =	vld [tilespmem:s28+$0xFFFFFF80];
	[tilespmem:s25+$0x0] =	vst v4;
	v5 =	vmul.f32 v5, v2;
	(pc) =	sbr.rel @p1 .LBB2_136-.Ltmp74, $4  }
0x70d: {  	v4 =	vld [tilespmem:s28+$0x0];
	v7 =	vmul.f32 v7, v2;
	[tilespmem:s25+$0x80] =	vst v3  }
0x70e: {  	v3 =	vld [tilespmem:s28+$0x80];
	v10 =	vmul.f32 v10, v2;
	[tilespmem:s25+$0x100] =	vst v5  }
0x70f: {  	v8 =	vmul.f32 v8, v2;
	v5 =	vld [tilespmem:s28+$0x100];
	[tilespmem:s25+$0xFFFFFE00] =	vst v7;
	s25 =	smov.u32 s28  }
0x710: {  	s29 =	simm.s32 $0x0;
	s28 =	sadd.s32 $0x400, s28;
	v7 =	vld [tilespmem:s25+$0xFFFFFE00];
	v9 =	vmul.f32 v9, v2;
	[tilespmem:s25+$0x180] =	vst v10  }
0x711: {  	[tilespmem:s25+$0xFFFFFE80] =	vst v8;
	v6 =	vmul.f32 v6, v2  }
0x712: {  	[tilespmem:s25+$0xFFFFFF00] =	vst v9;
	v4 =	vmul.f32 v4, v2  }
0x713: {  	[tilespmem:s25+$0xFFFFFF80] =	vst v6;
	v3 =	vmul.f32 v3, v2  }
0x714: {  	[tilespmem:s25+$0x0] =	vst v4;
	v62 =	vmul.f32 v5, v2  }
0x715: {  	v63 =	vmul.f32 v7, v2;
	[tilespmem:s25+$0x80] =	vst v3  }
0x716: {  	[tilespmem:s25+$0x100] =	vst v62  }
0x717: {  	[tilespmem:s25+$0xFFFFFE00] =	vst v63  }
.LBB2_138:
0x718: {  	s25 =	sshra.s32 s29, $0x2  }
0x719: {  	v3 =	vld [tilespmem:s25+$0x191B0];
	_ =	sdelay $0x1  }
0x71a: {  	p1 =	sne.s32 s29, $0x800  }
.Ltmp75:
0x71b: {  	_ = 	snop;
	(pc) =	sbr.rel @p1 .LBB2_138-.Ltmp75, $3  }
0x71c: {  	_ = 	snop  }
0x71d: {  	v3 =	vmul.f32 v3, v2;
	_ =	sdelay $0x1  }
0x71e: {  	s29 =	sadd.s32 $0x200, s29;
	[tilespmem:s25+$0x191B0] =	vst v3  }
0x71f: {  	s25 =	simm.s32 $0x6BC0  }
0x720: {  	v2 =	vld [tilespmem:s25+$0xFFFFFE00]  }
0x721: {  	v3 =	vld [tilespmem:s25+$0xFFFFFE80];
	_ =	sdelay $0x1  }
0x722: {  	v4 =	vld [tilespmem:s25+$0xFFFFFF00];
	_ =	sdelay $0x1  }
0x723: {  	v5 =	vld [tilespmem:s25+$0xFFFFFF80];
	v2 =	vmul.f32 $1.442695020e+00, v2  }
0x724: {  	v3 =	vmul.f32 $1.442695020e+00, v3  }
0x725: {  	(erf) = vpow2.f32 v2;
	v2 =	vld [tilespmem:s25+$0x0]  }
0x726: {  	v4 =	vmul.f32 $1.442695020e+00, v4;
	(erf) = vpow2.f32 v3;
	v3 =	vld [tilespmem:s25+$0x80];
	_ =	sdelay $0x1  }
0x727: {  	v5 =	vmul.f32 $1.442695020e+00, v5;
	(erf) = vpow2.f32 v4;
	v4 =	vld [tilespmem:s25+$0x100];
	_ =	sdelay $0x1  }
0x728: {  	(erf) = vpow2.f32 v5  }
0x729: {  	v2 =	vmul.f32 $1.442695020e+00, v2;
	v3 =	vmul.f32 $1.442695020e+00, v3  }
0x72a: {  	v5 =	vld [tilespmem:s25+$0x180]  }
0x72b: {  	(erf) = vpow2.f32 v2;
	v4 =	vmul.f32 $1.442695020e+00, v4  }
0x72c: {  	s28 =	simm.s32 $0x6FC0;
	v2 =	vimm.f32 $0.0e+00;
	v6 =	vpop (erf);
	(erf) = vpow2.f32 v3  }
0x72d: {  	v2 =	vadd.f32 v6, v2;
	v3 =	vpop (erf);
	(erf) = vpow2.f32 v4;
	v4 =	vld [tilespmem:s28+$0xFFFFFE00];
	_ =	sdelay $0x1  }
0x72e: {  	v8 =	vld [tilespmem:s28+$0xFFFFFE80];
	v5 =	vmul.f32 $1.442695020e+00, v5;
	v2 =	vadd.f32 v3, v2  }
0x72f: {  	v7 =	vpop (erf)  }
0x730: {  	s25 =	simm.s32 $0x133C0;
	(erf) = vpow2.f32 v5;
	v5 =	vld [tilespmem:s28+$0xFFFFFF00];
	v2 =	vadd.f32 v7, v2  }
0x731: {  	[tilespmem:s25+$0xFFFFFE80] =	vst v3;
	v9 =	vpop (erf);
	v3 =	vmul.f32 $1.442695020e+00, v4  }
0x732: {  	v10 =	vld [tilespmem:s28+$0xFFFFFF80];
	v2 =	vadd.f32 v9, v2  }
0x733: {  	v4 =	vmul.f32 $1.442695020e+00, v8;
	v11 =	vpop (erf);
	(erf) = vpow2.f32 v3  }
0x734: {  	[tilespmem:s25+$0xFFFFFE00] =	vst v6;
	v6 =	vld [tilespmem:s28+$0x0];
	v2 =	vadd.f32 v11, v2  }
0x735: {  	v3 =	vmul.f32 $1.442695020e+00, v5;
	v62 =	vpop (erf);
	(erf) = vpow2.f32 v4  }
0x736: {  	[tilespmem:s25+$0xFFFFFF00] =	vst v7;
	v7 =	vld [tilespmem:s28+$0x80];
	v2 =	vadd.f32 v62, v2  }
0x737: {  	[tilespmem:s25+$0xFFFFFF80] =	vst v9;
	v4 =	vmul.f32 $1.442695020e+00, v10;
	v5 =	vpop (erf);
	(erf) = vpow2.f32 v3  }
0x738: {  	[tilespmem:s25+$0x0] =	vst v11;
	v63 =	vadd.f32 v5, v2;
	v2 =	vld [tilespmem:s28+$0x100]  }
0x739: {  	v6 =	vmul.f32 $1.442695020e+00, v6;
	[tilespmem:s25+$0x80] =	vst v62;
	(erf) = vpow2.f32 v4  }
0x73a: {  	v3 =	vld [tilespmem:s28+$0x180];
	[tilespmem:s25+$0x100] =	vst v5;
	v5 =	vpop (erf)  }
0x73b: {  	s26 =	simm.s32 $0x8;
	v4 =	vmul.f32 $1.442695020e+00, v7;
	(erf) = vpow2.f32 v6;
	s28 =	simm.s32 $0x73C0;
	[tilespmem:s25+$0x180] =	vst v5;
	v5 =	vadd.f32 v5, v63  }
.LBB2_140:
0x73c: {  	v6 =	vld [tilespmem:s28+$0xFFFFFE00];
	s26 =	sadd.s32 $0x8, s26;
	v7 =	vpop (erf);
	s25 =	sadd.s32 $0x400, s25  }
0x73d: {  	p1 =	slt.u32 s26, $0xB8;
	[tilespmem:s25+$0xFFFFFE00] =	vst v7;
	v5 =	vadd.f32 v7, v5;
	v2 =	vmul.f32 $1.442695020e+00, v2;
	(erf) = vpow2.f32 v4  }
0x73e: {  	v4 =	vld [tilespmem:s28+$0xFFFFFE80];
	v7 =	vpop (erf)  }
0x73f: {  	[tilespmem:s25+$0xFFFFFE80] =	vst v7;
	v5 =	vadd.f32 v7, v5;
	v3 =	vmul.f32 $1.442695020e+00, v3;
	(erf) = vpow2.f32 v2  }
0x740: {  	v2 =	vld [tilespmem:s28+$0xFFFFFF00];
	v7 =	vpop (erf)  }
0x741: {  	v6 =	vmul.f32 $1.442695020e+00, v6;
	[tilespmem:s25+$0xFFFFFF00] =	vst v7;
	v5 =	vadd.f32 v7, v5;
	(erf) = vpow2.f32 v3  }
0x742: {  	v3 =	vld [tilespmem:s28+$0xFFFFFF80];
	v7 =	vpop (erf)  }
0x743: {  	v4 =	vmul.f32 $1.442695020e+00, v4;
	(erf) = vpow2.f32 v6;
	[tilespmem:s25+$0xFFFFFF80] =	vst v7;
	v5 =	vadd.f32 v7, v5  }
0x744: {  	v6 =	vld [tilespmem:s28+$0x0];
	v7 =	vpop (erf)  }
0x745: {  	v2 =	vmul.f32 $1.442695020e+00, v2;
	(erf) = vpow2.f32 v4;
	[tilespmem:s25+$0x0] =	vst v7;
	v4 =	vadd.f32 v7, v5  }
0x746: {  	v5 =	vld [tilespmem:s28+$0x80];
	v7 =	vpop (erf)  }
.Ltmp76:
0x747: {  	v3 =	vmul.f32 $1.442695020e+00, v3;
	(erf) = vpow2.f32 v2;
	[tilespmem:s25+$0x80] =	vst v7;
	v4 =	vadd.f32 v7, v4;
	(pc) =	sbr.rel @p1 .LBB2_140-.Ltmp76, $4  }
0x748: {  	v2 =	vld [tilespmem:s28+$0x100];
	v7 =	vpop (erf)  }
0x749: {  	v6 =	vmul.f32 $1.442695020e+00, v6;
	(erf) = vpow2.f32 v3;
	[tilespmem:s25+$0x100] =	vst v7;
	v7 =	vadd.f32 v7, v4  }
0x74a: {  	v3 =	vld [tilespmem:s28+$0x180];
	v8 =	vpop (erf)  }
0x74b: {  	s28 =	sadd.s32 $0x400, s28;
	v4 =	vmul.f32 $1.442695020e+00, v5;
	(erf) = vpow2.f32 v6;
	[tilespmem:s25+$0x180] =	vst v8;
	v5 =	vadd.f32 v8, v7  }
0x74c: {  	_ = 	snop  }
0x74d: {  	v6 =	vpop (erf);
	v2 =	vmul.f32 $1.442695020e+00, v2  }
0x74e: {  	v5 =	vadd.f32 v6, v5;
	(erf) = vpow2.f32 v4  }
0x74f: {  	v60 =	vpop (erf);
	v3 =	vmul.f32 $1.442695020e+00, v3  }
0x750: {  	v5 =	vadd.f32 v60, v5  }
0x751: {  	(erf) = vpow2.f32 v2;
	v2 =	vpop (erf)  }
0x752: {  	v5 =	vadd.f32 v2, v5  }
0x753: {  	(erf) = vpow2.f32 v3;
	v3 =	vpop (erf)  }
0x754: {  	v5 =	vadd.f32 v3, v5  }
0x755: {  	s25 =	sadd.s32 $0x400, s25;
	v61 =	vpop (erf)  }
0x756: {  	[tilespmem:s25+$0xFFFFFE00] =	vst v6;
	v62 =	vadd.f32 v61, v5  }
0x757: {  	[tilespmem:s25+$0xFFFFFF00] =	vst v2;
	v2 =	vpop (erf)  }
0x758: {  	[tilespmem:s25+$0xFFFFFF80] =	vst v3;
	v3 =	vadd.f32 v2, v62  }
0x759: {  	[tilespmem:s25+$0xFFFFFE80] =	vst v60  }
0x75a: {  	[tilespmem:s25+$0x0] =	vst v61;
	v63 =	vpop (erf)  }
0x75b: {  	[tilespmem:s25+$0x80] =	vst v2;
	v2 =	vadd.f32 v63, v3  }
0x75c: {  	[tilespmem:s25+$0x100] =	vst v63;
	v3 =	vpop (erf)  }
0x75d: {  	[tilespmem:s25+$0x180] =	vst v3;
	v2 =	vadd.f32 v3, v2;
	s25 =	simm.s32 $0x0  }
.LBB2_142:
0x75e: {  	s26 =	sshra.s32 s25, $0x2  }
0x75f: {  	v3 =	vld [tilespmem:s26+$0xC9C0];
	_ =	sdelay $0x4  }
0x760: {  	v3 =	vmul.f32 $1.442695020e+00, v3;
	_ =	sdelay $0x1  }
0x761: {  	(erf) = vpow2.f32 v3;
	_ =	sdelay $0x4  }
0x762: {  	p1 =	sne.s32 s25, $0x800  }
.Ltmp77:
0x763: {  	_ = 	snop;
	(pc) =	sbr.rel @p1 .LBB2_142-.Ltmp77, $3  }
0x764: {  	_ =	sdelay $0x1  }
0x765: {  	v3 =	vpop (erf)  }
0x766: {  	s25 =	sadd.s32 $0x200, s25;
	[tilespmem:s26+$0x191C0] =	vst v3;
	v2 =	vadd.f32 v3, v2  }
0x767: {  	_ = 	snop  }
0x768: {  	(erf) = vrcp.f32 v2;
	_ =	sdelay $0x3  }
0x769: {  	s25 =	simm.s32 $0x133C0  }
0x76a: {  	v5 =	vld [tilespmem:s25+$0x180]  }
0x76b: {  	v7 =	vld [tilespmem:s25+$0xFFFFFE80]  }
0x76c: {  	v9 =	vld [tilespmem:s25+$0xFFFFFF00]  }
0x76d: {  	v6 =	vld [tilespmem:s25+$0xFFFFFF80]  }
0x76e: {  	v4 =	vld [tilespmem:s25+$0x0];
	v2 =	vpop (erf)  }
0x76f: {  	v3 =	vld [tilespmem:s25+$0x80];
	v10 =	vmul.f32 v5, v2  }
0x770: {  	v5 =	vld [tilespmem:s25+$0x100];
	v8 =	vmul.f32 v7, v2  }
0x771: {  	s26 =	simm.s32 $0x0;
	s28 =	simm.s32 $0x137C0;
	v7 =	vld [tilespmem:s25+$0xFFFFFE00];
	v9 =	vmul.f32 v9, v2;
	[tilespmem:s25+$0x180] =	vst v10  }
.LBB2_144:
0x772: {  	v10 =	vld [tilespmem:s28+$0x180];
	s26 =	sadd.s32 $0x8, s26;
	[tilespmem:s25+$0xFFFFFE80] =	vst v8;
	v6 =	vmul.f32 v6, v2  }
0x773: {  	v8 =	vld [tilespmem:s28+$0xFFFFFE80];
	p1 =	slt.u32 s26, $0xB8;
	[tilespmem:s25+$0xFFFFFF00] =	vst v9;
	v4 =	vmul.f32 v4, v2  }
0x774: {  	v9 =	vld [tilespmem:s28+$0xFFFFFF00];
	[tilespmem:s25+$0xFFFFFF80] =	vst v6;
	v3 =	vmul.f32 v3, v2  }
.Ltmp78:
0x775: {  	v6 =	vld [tilespmem:s28+$0xFFFFFF80];
	[tilespmem:s25+$0x0] =	vst v4;
	v5 =	vmul.f32 v5, v2;
	(pc) =	sbr.rel @p1 .LBB2_144-.Ltmp78, $4  }
0x776: {  	v4 =	vld [tilespmem:s28+$0x0];
	v7 =	vmul.f32 v7, v2;
	[tilespmem:s25+$0x80] =	vst v3  }
0x777: {  	v3 =	vld [tilespmem:s28+$0x80];
	v10 =	vmul.f32 v10, v2;
	[tilespmem:s25+$0x100] =	vst v5  }
0x778: {  	v8 =	vmul.f32 v8, v2;
	v5 =	vld [tilespmem:s28+$0x100];
	[tilespmem:s25+$0xFFFFFE00] =	vst v7;
	s25 =	smov.u32 s28  }
0x779: {  	s29 =	simm.s32 $0x0;
	s28 =	sadd.s32 $0x400, s28;
	v7 =	vld [tilespmem:s25+$0xFFFFFE00];
	v9 =	vmul.f32 v9, v2;
	[tilespmem:s25+$0x180] =	vst v10  }
0x77a: {  	[tilespmem:s25+$0xFFFFFE80] =	vst v8;
	v6 =	vmul.f32 v6, v2  }
0x77b: {  	[tilespmem:s25+$0xFFFFFF00] =	vst v9;
	v4 =	vmul.f32 v4, v2  }
0x77c: {  	[tilespmem:s25+$0xFFFFFF80] =	vst v6;
	v3 =	vmul.f32 v3, v2  }
0x77d: {  	[tilespmem:s25+$0x0] =	vst v4;
	v62 =	vmul.f32 v5, v2  }
0x77e: {  	v63 =	vmul.f32 v7, v2;
	[tilespmem:s25+$0x80] =	vst v3  }
0x77f: {  	[tilespmem:s25+$0x100] =	vst v62  }
0x780: {  	[tilespmem:s25+$0xFFFFFE00] =	vst v63  }
.LBB2_146:
0x781: {  	s25 =	sshra.s32 s29, $0x2  }
0x782: {  	v3 =	vld [tilespmem:s25+$0x191C0];
	_ =	sdelay $0x1  }
0x783: {  	p1 =	sne.s32 s29, $0x800  }
.Ltmp79:
0x784: {  	_ = 	snop;
	(pc) =	sbr.rel @p1 .LBB2_146-.Ltmp79, $3  }
0x785: {  	_ = 	snop  }
0x786: {  	v3 =	vmul.f32 v3, v2;
	_ =	sdelay $0x1  }
0x787: {  	s29 =	sadd.s32 $0x200, s29;
	[tilespmem:s25+$0x191C0] =	vst v3  }
0x788: {  	s25 =	simm.s32 $0x6BD0  }
0x789: {  	v2 =	vld [tilespmem:s25+$0xFFFFFE00]  }
0x78a: {  	v3 =	vld [tilespmem:s25+$0xFFFFFE80];
	_ =	sdelay $0x1  }
0x78b: {  	v4 =	vld [tilespmem:s25+$0xFFFFFF00];
	_ =	sdelay $0x1  }
0x78c: {  	v5 =	vld [tilespmem:s25+$0xFFFFFF80];
	v2 =	vmul.f32 $1.442695020e+00, v2  }
0x78d: {  	v3 =	vmul.f32 $1.442695020e+00, v3  }
0x78e: {  	(erf) = vpow2.f32 v2;
	v2 =	vld [tilespmem:s25+$0x0]  }
0x78f: {  	v4 =	vmul.f32 $1.442695020e+00, v4;
	(erf) = vpow2.f32 v3;
	v3 =	vld [tilespmem:s25+$0x80];
	_ =	sdelay $0x1  }
0x790: {  	v5 =	vmul.f32 $1.442695020e+00, v5;
	(erf) = vpow2.f32 v4;
	v4 =	vld [tilespmem:s25+$0x100];
	_ =	sdelay $0x1  }
0x791: {  	(erf) = vpow2.f32 v5  }
0x792: {  	v2 =	vmul.f32 $1.442695020e+00, v2;
	v3 =	vmul.f32 $1.442695020e+00, v3  }
0x793: {  	v5 =	vld [tilespmem:s25+$0x180]  }
0x794: {  	(erf) = vpow2.f32 v2;
	v4 =	vmul.f32 $1.442695020e+00, v4  }
0x795: {  	s28 =	simm.s32 $0x6FD0;
	v2 =	vimm.f32 $0.0e+00;
	v6 =	vpop (erf);
	(erf) = vpow2.f32 v3  }
0x796: {  	v2 =	vadd.f32 v6, v2;
	v3 =	vpop (erf);
	(erf) = vpow2.f32 v4;
	v4 =	vld [tilespmem:s28+$0xFFFFFE00];
	_ =	sdelay $0x1  }
0x797: {  	v8 =	vld [tilespmem:s28+$0xFFFFFE80];
	v5 =	vmul.f32 $1.442695020e+00, v5;
	v2 =	vadd.f32 v3, v2  }
0x798: {  	v7 =	vpop (erf)  }
0x799: {  	s25 =	simm.s32 $0x133D0;
	(erf) = vpow2.f32 v5;
	v5 =	vld [tilespmem:s28+$0xFFFFFF00];
	v2 =	vadd.f32 v7, v2  }
0x79a: {  	[tilespmem:s25+$0xFFFFFE80] =	vst v3;
	v9 =	vpop (erf);
	v3 =	vmul.f32 $1.442695020e+00, v4  }
0x79b: {  	v10 =	vld [tilespmem:s28+$0xFFFFFF80];
	v2 =	vadd.f32 v9, v2  }
0x79c: {  	v4 =	vmul.f32 $1.442695020e+00, v8;
	v11 =	vpop (erf);
	(erf) = vpow2.f32 v3  }
0x79d: {  	[tilespmem:s25+$0xFFFFFE00] =	vst v6;
	v6 =	vld [tilespmem:s28+$0x0];
	v2 =	vadd.f32 v11, v2  }
0x79e: {  	v3 =	vmul.f32 $1.442695020e+00, v5;
	v62 =	vpop (erf);
	(erf) = vpow2.f32 v4  }
0x79f: {  	[tilespmem:s25+$0xFFFFFF00] =	vst v7;
	v7 =	vld [tilespmem:s28+$0x80];
	v2 =	vadd.f32 v62, v2  }
0x7a0: {  	[tilespmem:s25+$0xFFFFFF80] =	vst v9;
	v4 =	vmul.f32 $1.442695020e+00, v10;
	v5 =	vpop (erf);
	(erf) = vpow2.f32 v3  }
0x7a1: {  	[tilespmem:s25+$0x0] =	vst v11;
	v63 =	vadd.f32 v5, v2;
	v2 =	vld [tilespmem:s28+$0x100]  }
0x7a2: {  	v6 =	vmul.f32 $1.442695020e+00, v6;
	[tilespmem:s25+$0x80] =	vst v62;
	(erf) = vpow2.f32 v4  }
0x7a3: {  	v3 =	vld [tilespmem:s28+$0x180];
	[tilespmem:s25+$0x100] =	vst v5;
	v5 =	vpop (erf)  }
0x7a4: {  	s26 =	simm.s32 $0x8;
	v4 =	vmul.f32 $1.442695020e+00, v7;
	(erf) = vpow2.f32 v6;
	s28 =	simm.s32 $0x73D0;
	[tilespmem:s25+$0x180] =	vst v5;
	v5 =	vadd.f32 v5, v63  }
.LBB2_148:
0x7a5: {  	v6 =	vld [tilespmem:s28+$0xFFFFFE00];
	s26 =	sadd.s32 $0x8, s26;
	v7 =	vpop (erf);
	s25 =	sadd.s32 $0x400, s25  }
0x7a6: {  	p1 =	slt.u32 s26, $0xB8;
	[tilespmem:s25+$0xFFFFFE00] =	vst v7;
	v5 =	vadd.f32 v7, v5;
	v2 =	vmul.f32 $1.442695020e+00, v2;
	(erf) = vpow2.f32 v4  }
0x7a7: {  	v4 =	vld [tilespmem:s28+$0xFFFFFE80];
	v7 =	vpop (erf)  }
0x7a8: {  	[tilespmem:s25+$0xFFFFFE80] =	vst v7;
	v5 =	vadd.f32 v7, v5;
	v3 =	vmul.f32 $1.442695020e+00, v3;
	(erf) = vpow2.f32 v2  }
0x7a9: {  	v2 =	vld [tilespmem:s28+$0xFFFFFF00];
	v7 =	vpop (erf)  }
0x7aa: {  	v6 =	vmul.f32 $1.442695020e+00, v6;
	[tilespmem:s25+$0xFFFFFF00] =	vst v7;
	v5 =	vadd.f32 v7, v5;
	(erf) = vpow2.f32 v3  }
0x7ab: {  	v3 =	vld [tilespmem:s28+$0xFFFFFF80];
	v7 =	vpop (erf)  }
0x7ac: {  	v4 =	vmul.f32 $1.442695020e+00, v4;
	(erf) = vpow2.f32 v6;
	[tilespmem:s25+$0xFFFFFF80] =	vst v7;
	v5 =	vadd.f32 v7, v5  }
0x7ad: {  	v6 =	vld [tilespmem:s28+$0x0];
	v7 =	vpop (erf)  }
0x7ae: {  	v2 =	vmul.f32 $1.442695020e+00, v2;
	(erf) = vpow2.f32 v4;
	[tilespmem:s25+$0x0] =	vst v7;
	v4 =	vadd.f32 v7, v5  }
0x7af: {  	v5 =	vld [tilespmem:s28+$0x80];
	v7 =	vpop (erf)  }
.Ltmp80:
0x7b0: {  	v3 =	vmul.f32 $1.442695020e+00, v3;
	(erf) = vpow2.f32 v2;
	[tilespmem:s25+$0x80] =	vst v7;
	v4 =	vadd.f32 v7, v4;
	(pc) =	sbr.rel @p1 .LBB2_148-.Ltmp80, $4  }
0x7b1: {  	v2 =	vld [tilespmem:s28+$0x100];
	v7 =	vpop (erf)  }
0x7b2: {  	v6 =	vmul.f32 $1.442695020e+00, v6;
	(erf) = vpow2.f32 v3;
	[tilespmem:s25+$0x100] =	vst v7;
	v7 =	vadd.f32 v7, v4  }
0x7b3: {  	v3 =	vld [tilespmem:s28+$0x180];
	v8 =	vpop (erf)  }
0x7b4: {  	s28 =	sadd.s32 $0x400, s28;
	v4 =	vmul.f32 $1.442695020e+00, v5;
	(erf) = vpow2.f32 v6;
	[tilespmem:s25+$0x180] =	vst v8;
	v5 =	vadd.f32 v8, v7  }
0x7b5: {  	_ = 	snop  }
0x7b6: {  	v6 =	vpop (erf);
	v2 =	vmul.f32 $1.442695020e+00, v2  }
0x7b7: {  	v5 =	vadd.f32 v6, v5;
	(erf) = vpow2.f32 v4  }
0x7b8: {  	v60 =	vpop (erf);
	v3 =	vmul.f32 $1.442695020e+00, v3  }
0x7b9: {  	v5 =	vadd.f32 v60, v5  }
0x7ba: {  	(erf) = vpow2.f32 v2;
	v2 =	vpop (erf)  }
0x7bb: {  	v5 =	vadd.f32 v2, v5  }
0x7bc: {  	(erf) = vpow2.f32 v3;
	v3 =	vpop (erf)  }
0x7bd: {  	v5 =	vadd.f32 v3, v5  }
0x7be: {  	s25 =	sadd.s32 $0x400, s25;
	v61 =	vpop (erf)  }
0x7bf: {  	[tilespmem:s25+$0xFFFFFE00] =	vst v6;
	v62 =	vadd.f32 v61, v5  }
0x7c0: {  	[tilespmem:s25+$0xFFFFFF00] =	vst v2;
	v2 =	vpop (erf)  }
0x7c1: {  	[tilespmem:s25+$0xFFFFFF80] =	vst v3;
	v3 =	vadd.f32 v2, v62  }
0x7c2: {  	[tilespmem:s25+$0xFFFFFE80] =	vst v60  }
0x7c3: {  	[tilespmem:s25+$0x0] =	vst v61;
	v63 =	vpop (erf)  }
0x7c4: {  	[tilespmem:s25+$0x80] =	vst v2;
	v2 =	vadd.f32 v63, v3  }
0x7c5: {  	[tilespmem:s25+$0x100] =	vst v63;
	v3 =	vpop (erf)  }
0x7c6: {  	[tilespmem:s25+$0x180] =	vst v3;
	v2 =	vadd.f32 v3, v2;
	s25 =	simm.s32 $0x0  }
.LBB2_150:
0x7c7: {  	s26 =	sshra.s32 s25, $0x2  }
0x7c8: {  	v3 =	vld [tilespmem:s26+$0xC9D0];
	_ =	sdelay $0x4  }
0x7c9: {  	v3 =	vmul.f32 $1.442695020e+00, v3;
	_ =	sdelay $0x1  }
0x7ca: {  	(erf) = vpow2.f32 v3;
	_ =	sdelay $0x4  }
0x7cb: {  	p1 =	sne.s32 s25, $0x800  }
.Ltmp81:
0x7cc: {  	_ = 	snop;
	(pc) =	sbr.rel @p1 .LBB2_150-.Ltmp81, $3  }
0x7cd: {  	_ =	sdelay $0x1  }
0x7ce: {  	v3 =	vpop (erf)  }
0x7cf: {  	s25 =	sadd.s32 $0x200, s25;
	[tilespmem:s26+$0x191D0] =	vst v3;
	v2 =	vadd.f32 v3, v2  }
0x7d0: {  	_ = 	snop  }
0x7d1: {  	(erf) = vrcp.f32 v2;
	_ =	sdelay $0x3  }
0x7d2: {  	s25 =	simm.s32 $0x133D0  }
0x7d3: {  	v5 =	vld [tilespmem:s25+$0x180]  }
0x7d4: {  	v7 =	vld [tilespmem:s25+$0xFFFFFE80]  }
0x7d5: {  	v9 =	vld [tilespmem:s25+$0xFFFFFF00]  }
0x7d6: {  	v6 =	vld [tilespmem:s25+$0xFFFFFF80]  }
0x7d7: {  	v4 =	vld [tilespmem:s25+$0x0];
	v2 =	vpop (erf)  }
0x7d8: {  	v3 =	vld [tilespmem:s25+$0x80];
	v10 =	vmul.f32 v5, v2  }
0x7d9: {  	v5 =	vld [tilespmem:s25+$0x100];
	v8 =	vmul.f32 v7, v2  }
0x7da: {  	s26 =	simm.s32 $0x0;
	s28 =	simm.s32 $0x137D0;
	v7 =	vld [tilespmem:s25+$0xFFFFFE00];
	v9 =	vmul.f32 v9, v2;
	[tilespmem:s25+$0x180] =	vst v10  }
.LBB2_152:
0x7db: {  	v10 =	vld [tilespmem:s28+$0x180];
	s26 =	sadd.s32 $0x8, s26;
	[tilespmem:s25+$0xFFFFFE80] =	vst v8;
	v6 =	vmul.f32 v6, v2  }
0x7dc: {  	v8 =	vld [tilespmem:s28+$0xFFFFFE80];
	p1 =	slt.u32 s26, $0xB8;
	[tilespmem:s25+$0xFFFFFF00] =	vst v9;
	v4 =	vmul.f32 v4, v2  }
0x7dd: {  	v9 =	vld [tilespmem:s28+$0xFFFFFF00];
	[tilespmem:s25+$0xFFFFFF80] =	vst v6;
	v3 =	vmul.f32 v3, v2  }
.Ltmp82:
0x7de: {  	v6 =	vld [tilespmem:s28+$0xFFFFFF80];
	[tilespmem:s25+$0x0] =	vst v4;
	v5 =	vmul.f32 v5, v2;
	(pc) =	sbr.rel @p1 .LBB2_152-.Ltmp82, $4  }
0x7df: {  	v4 =	vld [tilespmem:s28+$0x0];
	v7 =	vmul.f32 v7, v2;
	[tilespmem:s25+$0x80] =	vst v3  }
0x7e0: {  	v3 =	vld [tilespmem:s28+$0x80];
	v10 =	vmul.f32 v10, v2;
	[tilespmem:s25+$0x100] =	vst v5  }
0x7e1: {  	v8 =	vmul.f32 v8, v2;
	v5 =	vld [tilespmem:s28+$0x100];
	[tilespmem:s25+$0xFFFFFE00] =	vst v7;
	s25 =	smov.u32 s28  }
0x7e2: {  	s29 =	simm.s32 $0x0;
	s28 =	sadd.s32 $0x400, s28;
	v7 =	vld [tilespmem:s25+$0xFFFFFE00];
	v9 =	vmul.f32 v9, v2;
	[tilespmem:s25+$0x180] =	vst v10  }
0x7e3: {  	[tilespmem:s25+$0xFFFFFE80] =	vst v8;
	v6 =	vmul.f32 v6, v2  }
0x7e4: {  	[tilespmem:s25+$0xFFFFFF00] =	vst v9;
	v4 =	vmul.f32 v4, v2  }
0x7e5: {  	[tilespmem:s25+$0xFFFFFF80] =	vst v6;
	v3 =	vmul.f32 v3, v2  }
0x7e6: {  	[tilespmem:s25+$0x0] =	vst v4;
	v62 =	vmul.f32 v5, v2  }
0x7e7: {  	v63 =	vmul.f32 v7, v2;
	[tilespmem:s25+$0x80] =	vst v3  }
0x7e8: {  	[tilespmem:s25+$0x100] =	vst v62  }
0x7e9: {  	[tilespmem:s25+$0xFFFFFE00] =	vst v63  }
.LBB2_154:
0x7ea: {  	s25 =	sshra.s32 s29, $0x2  }
0x7eb: {  	v3 =	vld [tilespmem:s25+$0x191D0];
	_ =	sdelay $0x1  }
0x7ec: {  	p1 =	sne.s32 s29, $0x800  }
.Ltmp83:
0x7ed: {  	_ = 	snop;
	(pc) =	sbr.rel @p1 .LBB2_154-.Ltmp83, $3  }
0x7ee: {  	_ = 	snop  }
0x7ef: {  	v3 =	vmul.f32 v3, v2;
	_ =	sdelay $0x1  }
0x7f0: {  	s29 =	sadd.s32 $0x200, s29;
	[tilespmem:s25+$0x191D0] =	vst v3  }
0x7f1: {  	s25 =	simm.s32 $0x6BE0  }
0x7f2: {  	v2 =	vld [tilespmem:s25+$0xFFFFFE00]  }
0x7f3: {  	v3 =	vld [tilespmem:s25+$0xFFFFFE80];
	_ =	sdelay $0x1  }
0x7f4: {  	v4 =	vld [tilespmem:s25+$0xFFFFFF00];
	_ =	sdelay $0x1  }
0x7f5: {  	v5 =	vld [tilespmem:s25+$0xFFFFFF80];
	v2 =	vmul.f32 $1.442695020e+00, v2  }
0x7f6: {  	v3 =	vmul.f32 $1.442695020e+00, v3  }
0x7f7: {  	(erf) = vpow2.f32 v2;
	v2 =	vld [tilespmem:s25+$0x0]  }
0x7f8: {  	v4 =	vmul.f32 $1.442695020e+00, v4;
	(erf) = vpow2.f32 v3;
	v3 =	vld [tilespmem:s25+$0x80];
	_ =	sdelay $0x1  }
0x7f9: {  	v5 =	vmul.f32 $1.442695020e+00, v5;
	(erf) = vpow2.f32 v4;
	v4 =	vld [tilespmem:s25+$0x100];
	_ =	sdelay $0x1  }
0x7fa: {  	(erf) = vpow2.f32 v5  }
0x7fb: {  	v2 =	vmul.f32 $1.442695020e+00, v2;
	v3 =	vmul.f32 $1.442695020e+00, v3  }
0x7fc: {  	v5 =	vld [tilespmem:s25+$0x180]  }
0x7fd: {  	(erf) = vpow2.f32 v2;
	v4 =	vmul.f32 $1.442695020e+00, v4  }
0x7fe: {  	s28 =	simm.s32 $0x6FE0;
	v2 =	vimm.f32 $0.0e+00;
	v6 =	vpop (erf);
	(erf) = vpow2.f32 v3  }
0x7ff: {  	v2 =	vadd.f32 v6, v2;
	v3 =	vpop (erf);
	(erf) = vpow2.f32 v4;
	v4 =	vld [tilespmem:s28+$0xFFFFFE00];
	_ =	sdelay $0x1  }
0x800: {  	v8 =	vld [tilespmem:s28+$0xFFFFFE80];
	v5 =	vmul.f32 $1.442695020e+00, v5;
	v2 =	vadd.f32 v3, v2  }
0x801: {  	v7 =	vpop (erf)  }
0x802: {  	s25 =	simm.s32 $0x133E0;
	(erf) = vpow2.f32 v5;
	v5 =	vld [tilespmem:s28+$0xFFFFFF00];
	v2 =	vadd.f32 v7, v2  }
0x803: {  	[tilespmem:s25+$0xFFFFFE80] =	vst v3;
	v9 =	vpop (erf);
	v3 =	vmul.f32 $1.442695020e+00, v4  }
0x804: {  	v10 =	vld [tilespmem:s28+$0xFFFFFF80];
	v2 =	vadd.f32 v9, v2  }
0x805: {  	v4 =	vmul.f32 $1.442695020e+00, v8;
	v11 =	vpop (erf);
	(erf) = vpow2.f32 v3  }
0x806: {  	[tilespmem:s25+$0xFFFFFE00] =	vst v6;
	v6 =	vld [tilespmem:s28+$0x0];
	v2 =	vadd.f32 v11, v2  }
0x807: {  	v3 =	vmul.f32 $1.442695020e+00, v5;
	v62 =	vpop (erf);
	(erf) = vpow2.f32 v4  }
0x808: {  	[tilespmem:s25+$0xFFFFFF00] =	vst v7;
	v7 =	vld [tilespmem:s28+$0x80];
	v2 =	vadd.f32 v62, v2  }
0x809: {  	[tilespmem:s25+$0xFFFFFF80] =	vst v9;
	v4 =	vmul.f32 $1.442695020e+00, v10;
	v5 =	vpop (erf);
	(erf) = vpow2.f32 v3  }
0x80a: {  	[tilespmem:s25+$0x0] =	vst v11;
	v63 =	vadd.f32 v5, v2;
	v2 =	vld [tilespmem:s28+$0x100]  }
0x80b: {  	v6 =	vmul.f32 $1.442695020e+00, v6;
	[tilespmem:s25+$0x80] =	vst v62;
	(erf) = vpow2.f32 v4  }
0x80c: {  	v3 =	vld [tilespmem:s28+$0x180];
	[tilespmem:s25+$0x100] =	vst v5;
	v5 =	vpop (erf)  }
0x80d: {  	s26 =	simm.s32 $0x8;
	v4 =	vmul.f32 $1.442695020e+00, v7;
	(erf) = vpow2.f32 v6;
	s28 =	simm.s32 $0x73E0;
	[tilespmem:s25+$0x180] =	vst v5;
	v5 =	vadd.f32 v5, v63  }
.LBB2_156:
0x80e: {  	v6 =	vld [tilespmem:s28+$0xFFFFFE00];
	s26 =	sadd.s32 $0x8, s26;
	v7 =	vpop (erf);
	s25 =	sadd.s32 $0x400, s25  }
0x80f: {  	p1 =	slt.u32 s26, $0xB8;
	[tilespmem:s25+$0xFFFFFE00] =	vst v7;
	v5 =	vadd.f32 v7, v5;
	v2 =	vmul.f32 $1.442695020e+00, v2;
	(erf) = vpow2.f32 v4  }
0x810: {  	v4 =	vld [tilespmem:s28+$0xFFFFFE80];
	v7 =	vpop (erf)  }
0x811: {  	[tilespmem:s25+$0xFFFFFE80] =	vst v7;
	v5 =	vadd.f32 v7, v5;
	v3 =	vmul.f32 $1.442695020e+00, v3;
	(erf) = vpow2.f32 v2  }
0x812: {  	v2 =	vld [tilespmem:s28+$0xFFFFFF00];
	v7 =	vpop (erf)  }
0x813: {  	v6 =	vmul.f32 $1.442695020e+00, v6;
	[tilespmem:s25+$0xFFFFFF00] =	vst v7;
	v5 =	vadd.f32 v7, v5;
	(erf) = vpow2.f32 v3  }
0x814: {  	v3 =	vld [tilespmem:s28+$0xFFFFFF80];
	v7 =	vpop (erf)  }
0x815: {  	v4 =	vmul.f32 $1.442695020e+00, v4;
	(erf) = vpow2.f32 v6;
	[tilespmem:s25+$0xFFFFFF80] =	vst v7;
	v5 =	vadd.f32 v7, v5  }
0x816: {  	v6 =	vld [tilespmem:s28+$0x0];
	v7 =	vpop (erf)  }
0x817: {  	v2 =	vmul.f32 $1.442695020e+00, v2;
	(erf) = vpow2.f32 v4;
	[tilespmem:s25+$0x0] =	vst v7;
	v4 =	vadd.f32 v7, v5  }
0x818: {  	v5 =	vld [tilespmem:s28+$0x80];
	v7 =	vpop (erf)  }
.Ltmp84:
0x819: {  	v3 =	vmul.f32 $1.442695020e+00, v3;
	(erf) = vpow2.f32 v2;
	[tilespmem:s25+$0x80] =	vst v7;
	v4 =	vadd.f32 v7, v4;
	(pc) =	sbr.rel @p1 .LBB2_156-.Ltmp84, $4  }
0x81a: {  	v2 =	vld [tilespmem:s28+$0x100];
	v7 =	vpop (erf)  }
0x81b: {  	v6 =	vmul.f32 $1.442695020e+00, v6;
	(erf) = vpow2.f32 v3;
	[tilespmem:s25+$0x100] =	vst v7;
	v7 =	vadd.f32 v7, v4  }
0x81c: {  	v3 =	vld [tilespmem:s28+$0x180];
	v8 =	vpop (erf)  }
0x81d: {  	s28 =	sadd.s32 $0x400, s28;
	v4 =	vmul.f32 $1.442695020e+00, v5;
	(erf) = vpow2.f32 v6;
	[tilespmem:s25+$0x180] =	vst v8;
	v5 =	vadd.f32 v8, v7  }
0x81e: {  	_ = 	snop  }
0x81f: {  	v6 =	vpop (erf);
	v2 =	vmul.f32 $1.442695020e+00, v2  }
0x820: {  	v5 =	vadd.f32 v6, v5;
	(erf) = vpow2.f32 v4  }
0x821: {  	v60 =	vpop (erf);
	v3 =	vmul.f32 $1.442695020e+00, v3  }
0x822: {  	v5 =	vadd.f32 v60, v5  }
0x823: {  	(erf) = vpow2.f32 v2;
	v2 =	vpop (erf)  }
0x824: {  	v5 =	vadd.f32 v2, v5  }
0x825: {  	(erf) = vpow2.f32 v3;
	v3 =	vpop (erf)  }
0x826: {  	v5 =	vadd.f32 v3, v5  }
0x827: {  	s25 =	sadd.s32 $0x400, s25;
	v61 =	vpop (erf)  }
0x828: {  	[tilespmem:s25+$0xFFFFFE00] =	vst v6;
	v62 =	vadd.f32 v61, v5  }
0x829: {  	[tilespmem:s25+$0xFFFFFF00] =	vst v2;
	v2 =	vpop (erf)  }
0x82a: {  	[tilespmem:s25+$0xFFFFFF80] =	vst v3;
	v3 =	vadd.f32 v2, v62  }
0x82b: {  	[tilespmem:s25+$0xFFFFFE80] =	vst v60  }
0x82c: {  	[tilespmem:s25+$0x0] =	vst v61;
	v63 =	vpop (erf)  }
0x82d: {  	[tilespmem:s25+$0x80] =	vst v2;
	v2 =	vadd.f32 v63, v3  }
0x82e: {  	[tilespmem:s25+$0x100] =	vst v63;
	v3 =	vpop (erf)  }
0x82f: {  	[tilespmem:s25+$0x180] =	vst v3;
	v2 =	vadd.f32 v3, v2;
	s25 =	simm.s32 $0x0  }
.LBB2_158:
0x830: {  	s26 =	sshra.s32 s25, $0x2  }
0x831: {  	v3 =	vld [tilespmem:s26+$0xC9E0];
	_ =	sdelay $0x4  }
0x832: {  	v3 =	vmul.f32 $1.442695020e+00, v3;
	_ =	sdelay $0x1  }
0x833: {  	(erf) = vpow2.f32 v3;
	_ =	sdelay $0x4  }
0x834: {  	p1 =	sne.s32 s25, $0x800  }
.Ltmp85:
0x835: {  	_ = 	snop;
	(pc) =	sbr.rel @p1 .LBB2_158-.Ltmp85, $3  }
0x836: {  	_ =	sdelay $0x1  }
0x837: {  	v3 =	vpop (erf)  }
0x838: {  	s25 =	sadd.s32 $0x200, s25;
	[tilespmem:s26+$0x191E0] =	vst v3;
	v2 =	vadd.f32 v3, v2  }
0x839: {  	_ = 	snop  }
0x83a: {  	(erf) = vrcp.f32 v2;
	_ =	sdelay $0x3  }
0x83b: {  	s25 =	simm.s32 $0x133E0  }
0x83c: {  	v5 =	vld [tilespmem:s25+$0x180]  }
0x83d: {  	v7 =	vld [tilespmem:s25+$0xFFFFFE80]  }
0x83e: {  	v9 =	vld [tilespmem:s25+$0xFFFFFF00]  }
0x83f: {  	v6 =	vld [tilespmem:s25+$0xFFFFFF80]  }
0x840: {  	v4 =	vld [tilespmem:s25+$0x0];
	v2 =	vpop (erf)  }
0x841: {  	v3 =	vld [tilespmem:s25+$0x80];
	v10 =	vmul.f32 v5, v2  }
0x842: {  	v5 =	vld [tilespmem:s25+$0x100];
	v8 =	vmul.f32 v7, v2  }
0x843: {  	s26 =	simm.s32 $0x0;
	s28 =	simm.s32 $0x137E0;
	v7 =	vld [tilespmem:s25+$0xFFFFFE00];
	v9 =	vmul.f32 v9, v2;
	[tilespmem:s25+$0x180] =	vst v10  }
.LBB2_160:
0x844: {  	v10 =	vld [tilespmem:s28+$0x180];
	s26 =	sadd.s32 $0x8, s26;
	[tilespmem:s25+$0xFFFFFE80] =	vst v8;
	v6 =	vmul.f32 v6, v2  }
0x845: {  	v8 =	vld [tilespmem:s28+$0xFFFFFE80];
	p1 =	slt.u32 s26, $0xB8;
	[tilespmem:s25+$0xFFFFFF00] =	vst v9;
	v4 =	vmul.f32 v4, v2  }
0x846: {  	v9 =	vld [tilespmem:s28+$0xFFFFFF00];
	[tilespmem:s25+$0xFFFFFF80] =	vst v6;
	v3 =	vmul.f32 v3, v2  }
.Ltmp86:
0x847: {  	v6 =	vld [tilespmem:s28+$0xFFFFFF80];
	[tilespmem:s25+$0x0] =	vst v4;
	v5 =	vmul.f32 v5, v2;
	(pc) =	sbr.rel @p1 .LBB2_160-.Ltmp86, $4  }
0x848: {  	v4 =	vld [tilespmem:s28+$0x0];
	v7 =	vmul.f32 v7, v2;
	[tilespmem:s25+$0x80] =	vst v3  }
0x849: {  	v3 =	vld [tilespmem:s28+$0x80];
	v10 =	vmul.f32 v10, v2;
	[tilespmem:s25+$0x100] =	vst v5  }
0x84a: {  	v8 =	vmul.f32 v8, v2;
	v5 =	vld [tilespmem:s28+$0x100];
	[tilespmem:s25+$0xFFFFFE00] =	vst v7;
	s25 =	smov.u32 s28  }
0x84b: {  	s29 =	simm.s32 $0x0;
	s28 =	sadd.s32 $0x400, s28;
	v7 =	vld [tilespmem:s25+$0xFFFFFE00];
	v9 =	vmul.f32 v9, v2;
	[tilespmem:s25+$0x180] =	vst v10  }
0x84c: {  	[tilespmem:s25+$0xFFFFFE80] =	vst v8;
	v6 =	vmul.f32 v6, v2  }
0x84d: {  	[tilespmem:s25+$0xFFFFFF00] =	vst v9;
	v4 =	vmul.f32 v4, v2  }
0x84e: {  	[tilespmem:s25+$0xFFFFFF80] =	vst v6;
	v3 =	vmul.f32 v3, v2  }
0x84f: {  	[tilespmem:s25+$0x0] =	vst v4;
	v62 =	vmul.f32 v5, v2  }
0x850: {  	v63 =	vmul.f32 v7, v2;
	[tilespmem:s25+$0x80] =	vst v3  }
0x851: {  	[tilespmem:s25+$0x100] =	vst v62  }
0x852: {  	[tilespmem:s25+$0xFFFFFE00] =	vst v63  }
.LBB2_162:
0x853: {  	s25 =	sshra.s32 s29, $0x2  }
0x854: {  	v3 =	vld [tilespmem:s25+$0x191E0];
	_ =	sdelay $0x1  }
0x855: {  	p1 =	sne.s32 s29, $0x800  }
.Ltmp87:
0x856: {  	_ = 	snop;
	(pc) =	sbr.rel @p1 .LBB2_162-.Ltmp87, $3  }
0x857: {  	_ = 	snop  }
0x858: {  	v3 =	vmul.f32 v3, v2;
	_ =	sdelay $0x1  }
0x859: {  	s29 =	sadd.s32 $0x200, s29;
	[tilespmem:s25+$0x191E0] =	vst v3  }
0x85a: {  	s25 =	simm.s32 $0x6BF0  }
0x85b: {  	v2 =	vld [tilespmem:s25+$0xFFFFFE00]  }
0x85c: {  	v3 =	vld [tilespmem:s25+$0xFFFFFE80];
	_ =	sdelay $0x1  }
0x85d: {  	v4 =	vld [tilespmem:s25+$0xFFFFFF00];
	_ =	sdelay $0x1  }
0x85e: {  	v5 =	vld [tilespmem:s25+$0xFFFFFF80];
	v2 =	vmul.f32 $1.442695020e+00, v2  }
0x85f: {  	v3 =	vmul.f32 $1.442695020e+00, v3  }
0x860: {  	(erf) = vpow2.f32 v2;
	v2 =	vld [tilespmem:s25+$0x0]  }
0x861: {  	v4 =	vmul.f32 $1.442695020e+00, v4;
	(erf) = vpow2.f32 v3;
	v3 =	vld [tilespmem:s25+$0x80];
	_ =	sdelay $0x1  }
0x862: {  	v5 =	vmul.f32 $1.442695020e+00, v5;
	(erf) = vpow2.f32 v4;
	v4 =	vld [tilespmem:s25+$0x100];
	_ =	sdelay $0x1  }
0x863: {  	(erf) = vpow2.f32 v5  }
0x864: {  	v2 =	vmul.f32 $1.442695020e+00, v2;
	v3 =	vmul.f32 $1.442695020e+00, v3  }
0x865: {  	v5 =	vld [tilespmem:s25+$0x180]  }
0x866: {  	(erf) = vpow2.f32 v2;
	v4 =	vmul.f32 $1.442695020e+00, v4  }
0x867: {  	s28 =	simm.s32 $0x6FF0;
	v2 =	vimm.f32 $0.0e+00;
	v6 =	vpop (erf);
	(erf) = vpow2.f32 v3  }
0x868: {  	v2 =	vadd.f32 v6, v2;
	v3 =	vpop (erf);
	(erf) = vpow2.f32 v4;
	v4 =	vld [tilespmem:s28+$0xFFFFFE00];
	_ =	sdelay $0x1  }
0x869: {  	v8 =	vld [tilespmem:s28+$0xFFFFFE80];
	v5 =	vmul.f32 $1.442695020e+00, v5;
	v2 =	vadd.f32 v3, v2  }
0x86a: {  	v7 =	vpop (erf)  }
0x86b: {  	s25 =	simm.s32 $0x133F0;
	(erf) = vpow2.f32 v5;
	v5 =	vld [tilespmem:s28+$0xFFFFFF00];
	v2 =	vadd.f32 v7, v2  }
0x86c: {  	[tilespmem:s25+$0xFFFFFE80] =	vst v3;
	v9 =	vpop (erf);
	v3 =	vmul.f32 $1.442695020e+00, v4  }
0x86d: {  	v10 =	vld [tilespmem:s28+$0xFFFFFF80];
	v2 =	vadd.f32 v9, v2  }
0x86e: {  	v4 =	vmul.f32 $1.442695020e+00, v8;
	v11 =	vpop (erf);
	(erf) = vpow2.f32 v3  }
0x86f: {  	[tilespmem:s25+$0xFFFFFE00] =	vst v6;
	v6 =	vld [tilespmem:s28+$0x0];
	v2 =	vadd.f32 v11, v2  }
0x870: {  	v3 =	vmul.f32 $1.442695020e+00, v5;
	v62 =	vpop (erf);
	(erf) = vpow2.f32 v4  }
0x871: {  	[tilespmem:s25+$0xFFFFFF00] =	vst v7;
	v7 =	vld [tilespmem:s28+$0x80];
	v2 =	vadd.f32 v62, v2  }
0x872: {  	[tilespmem:s25+$0xFFFFFF80] =	vst v9;
	v4 =	vmul.f32 $1.442695020e+00, v10;
	v5 =	vpop (erf);
	(erf) = vpow2.f32 v3  }
0x873: {  	[tilespmem:s25+$0x0] =	vst v11;
	v63 =	vadd.f32 v5, v2;
	v2 =	vld [tilespmem:s28+$0x100]  }
0x874: {  	v6 =	vmul.f32 $1.442695020e+00, v6;
	[tilespmem:s25+$0x80] =	vst v62;
	(erf) = vpow2.f32 v4  }
0x875: {  	v3 =	vld [tilespmem:s28+$0x180];
	[tilespmem:s25+$0x100] =	vst v5;
	v5 =	vpop (erf)  }
0x876: {  	s26 =	simm.s32 $0x8;
	v4 =	vmul.f32 $1.442695020e+00, v7;
	(erf) = vpow2.f32 v6;
	s28 =	simm.s32 $0x73F0;
	[tilespmem:s25+$0x180] =	vst v5;
	v5 =	vadd.f32 v5, v63  }
.LBB2_164:
0x877: {  	v6 =	vld [tilespmem:s28+$0xFFFFFE00];
	s26 =	sadd.s32 $0x8, s26;
	v7 =	vpop (erf);
	s25 =	sadd.s32 $0x400, s25  }
0x878: {  	p1 =	slt.u32 s26, $0xB8;
	[tilespmem:s25+$0xFFFFFE00] =	vst v7;
	v5 =	vadd.f32 v7, v5;
	v2 =	vmul.f32 $1.442695020e+00, v2;
	(erf) = vpow2.f32 v4  }
0x879: {  	v4 =	vld [tilespmem:s28+$0xFFFFFE80];
	v7 =	vpop (erf)  }
0x87a: {  	[tilespmem:s25+$0xFFFFFE80] =	vst v7;
	v5 =	vadd.f32 v7, v5;
	v3 =	vmul.f32 $1.442695020e+00, v3;
	(erf) = vpow2.f32 v2  }
0x87b: {  	v2 =	vld [tilespmem:s28+$0xFFFFFF00];
	v7 =	vpop (erf)  }
0x87c: {  	v6 =	vmul.f32 $1.442695020e+00, v6;
	[tilespmem:s25+$0xFFFFFF00] =	vst v7;
	v5 =	vadd.f32 v7, v5;
	(erf) = vpow2.f32 v3  }
0x87d: {  	v3 =	vld [tilespmem:s28+$0xFFFFFF80];
	v7 =	vpop (erf)  }
0x87e: {  	v4 =	vmul.f32 $1.442695020e+00, v4;
	(erf) = vpow2.f32 v6;
	[tilespmem:s25+$0xFFFFFF80] =	vst v7;
	v5 =	vadd.f32 v7, v5  }
0x87f: {  	v6 =	vld [tilespmem:s28+$0x0];
	v7 =	vpop (erf)  }
0x880: {  	v2 =	vmul.f32 $1.442695020e+00, v2;
	(erf) = vpow2.f32 v4;
	[tilespmem:s25+$0x0] =	vst v7;
	v4 =	vadd.f32 v7, v5  }
0x881: {  	v5 =	vld [tilespmem:s28+$0x80];
	v7 =	vpop (erf)  }
.Ltmp88:
0x882: {  	v3 =	vmul.f32 $1.442695020e+00, v3;
	(erf) = vpow2.f32 v2;
	[tilespmem:s25+$0x80] =	vst v7;
	v4 =	vadd.f32 v7, v4;
	(pc) =	sbr.rel @p1 .LBB2_164-.Ltmp88, $4  }
0x883: {  	v2 =	vld [tilespmem:s28+$0x100];
	v7 =	vpop (erf)  }
0x884: {  	v6 =	vmul.f32 $1.442695020e+00, v6;
	(erf) = vpow2.f32 v3;
	[tilespmem:s25+$0x100] =	vst v7;
	v7 =	vadd.f32 v7, v4  }
0x885: {  	v3 =	vld [tilespmem:s28+$0x180];
	v8 =	vpop (erf)  }
0x886: {  	s28 =	sadd.s32 $0x400, s28;
	v4 =	vmul.f32 $1.442695020e+00, v5;
	(erf) = vpow2.f32 v6;
	[tilespmem:s25+$0x180] =	vst v8;
	v5 =	vadd.f32 v8, v7  }
0x887: {  	_ = 	snop  }
0x888: {  	v6 =	vpop (erf);
	v2 =	vmul.f32 $1.442695020e+00, v2  }
0x889: {  	v5 =	vadd.f32 v6, v5;
	(erf) = vpow2.f32 v4  }
0x88a: {  	v60 =	vpop (erf);
	v3 =	vmul.f32 $1.442695020e+00, v3  }
0x88b: {  	v5 =	vadd.f32 v60, v5  }
0x88c: {  	(erf) = vpow2.f32 v2;
	v2 =	vpop (erf)  }
0x88d: {  	v5 =	vadd.f32 v2, v5  }
0x88e: {  	(erf) = vpow2.f32 v3;
	v3 =	vpop (erf)  }
0x88f: {  	v5 =	vadd.f32 v3, v5  }
0x890: {  	s25 =	sadd.s32 $0x400, s25;
	v61 =	vpop (erf)  }
0x891: {  	[tilespmem:s25+$0xFFFFFE00] =	vst v6;
	v62 =	vadd.f32 v61, v5  }
0x892: {  	[tilespmem:s25+$0xFFFFFF00] =	vst v2;
	v2 =	vpop (erf)  }
0x893: {  	[tilespmem:s25+$0xFFFFFF80] =	vst v3;
	v3 =	vadd.f32 v2, v62  }
0x894: {  	[tilespmem:s25+$0xFFFFFE80] =	vst v60  }
0x895: {  	[tilespmem:s25+$0x0] =	vst v61;
	v63 =	vpop (erf)  }
0x896: {  	[tilespmem:s25+$0x80] =	vst v2;
	v2 =	vadd.f32 v63, v3  }
0x897: {  	[tilespmem:s25+$0x100] =	vst v63;
	v3 =	vpop (erf)  }
0x898: {  	[tilespmem:s25+$0x180] =	vst v3;
	v2 =	vadd.f32 v3, v2;
	s25 =	simm.s32 $0x0  }
.LBB2_166:
0x899: {  	s26 =	sshra.s32 s25, $0x2  }
0x89a: {  	v3 =	vld [tilespmem:s26+$0xC9F0];
	_ =	sdelay $0x4  }
0x89b: {  	v3 =	vmul.f32 $1.442695020e+00, v3;
	_ =	sdelay $0x1  }
0x89c: {  	(erf) = vpow2.f32 v3;
	_ =	sdelay $0x4  }
0x89d: {  	p1 =	sne.s32 s25, $0x800  }
.Ltmp89:
0x89e: {  	_ = 	snop;
	(pc) =	sbr.rel @p1 .LBB2_166-.Ltmp89, $3  }
0x89f: {  	_ =	sdelay $0x1  }
0x8a0: {  	v3 =	vpop (erf)  }
0x8a1: {  	s25 =	sadd.s32 $0x200, s25;
	[tilespmem:s26+$0x191F0] =	vst v3;
	v2 =	vadd.f32 v3, v2  }
0x8a2: {  	_ = 	snop  }
0x8a3: {  	(erf) = vrcp.f32 v2;
	_ =	sdelay $0x3  }
0x8a4: {  	s25 =	simm.s32 $0x133F0  }
0x8a5: {  	v5 =	vld [tilespmem:s25+$0x180]  }
0x8a6: {  	v7 =	vld [tilespmem:s25+$0xFFFFFE80]  }
0x8a7: {  	v9 =	vld [tilespmem:s25+$0xFFFFFF00]  }
0x8a8: {  	v6 =	vld [tilespmem:s25+$0xFFFFFF80]  }
0x8a9: {  	v4 =	vld [tilespmem:s25+$0x0];
	v2 =	vpop (erf)  }
0x8aa: {  	v3 =	vld [tilespmem:s25+$0x80];
	v10 =	vmul.f32 v5, v2  }
0x8ab: {  	v5 =	vld [tilespmem:s25+$0x100];
	v8 =	vmul.f32 v7, v2  }
0x8ac: {  	s26 =	simm.s32 $0x0;
	s28 =	simm.s32 $0x137F0;
	v7 =	vld [tilespmem:s25+$0xFFFFFE00];
	v9 =	vmul.f32 v9, v2;
	[tilespmem:s25+$0x180] =	vst v10  }
.LBB2_168:
0x8ad: {  	v10 =	vld [tilespmem:s28+$0x180];
	s26 =	sadd.s32 $0x8, s26;
	[tilespmem:s25+$0xFFFFFE80] =	vst v8;
	v6 =	vmul.f32 v6, v2  }
0x8ae: {  	v8 =	vld [tilespmem:s28+$0xFFFFFE80];
	p1 =	slt.u32 s26, $0xB8;
	[tilespmem:s25+$0xFFFFFF00] =	vst v9;
	v4 =	vmul.f32 v4, v2  }
0x8af: {  	v9 =	vld [tilespmem:s28+$0xFFFFFF00];
	[tilespmem:s25+$0xFFFFFF80] =	vst v6;
	v3 =	vmul.f32 v3, v2  }
.Ltmp90:
0x8b0: {  	v6 =	vld [tilespmem:s28+$0xFFFFFF80];
	[tilespmem:s25+$0x0] =	vst v4;
	v5 =	vmul.f32 v5, v2;
	(pc) =	sbr.rel @p1 .LBB2_168-.Ltmp90, $4  }
0x8b1: {  	v4 =	vld [tilespmem:s28+$0x0];
	v7 =	vmul.f32 v7, v2;
	[tilespmem:s25+$0x80] =	vst v3  }
0x8b2: {  	v3 =	vld [tilespmem:s28+$0x80];
	v10 =	vmul.f32 v10, v2;
	[tilespmem:s25+$0x100] =	vst v5  }
0x8b3: {  	v8 =	vmul.f32 v8, v2;
	v5 =	vld [tilespmem:s28+$0x100];
	[tilespmem:s25+$0xFFFFFE00] =	vst v7;
	s25 =	smov.u32 s28  }
0x8b4: {  	s29 =	simm.s32 $0x0;
	s28 =	sadd.s32 $0x400, s28;
	v7 =	vld [tilespmem:s25+$0xFFFFFE00];
	v9 =	vmul.f32 v9, v2;
	[tilespmem:s25+$0x180] =	vst v10  }
0x8b5: {  	[tilespmem:s25+$0xFFFFFE80] =	vst v8;
	v6 =	vmul.f32 v6, v2  }
0x8b6: {  	[tilespmem:s25+$0xFFFFFF00] =	vst v9;
	v4 =	vmul.f32 v4, v2  }
0x8b7: {  	[tilespmem:s25+$0xFFFFFF80] =	vst v6;
	v3 =	vmul.f32 v3, v2  }
0x8b8: {  	[tilespmem:s25+$0x0] =	vst v4;
	v62 =	vmul.f32 v5, v2  }
0x8b9: {  	v63 =	vmul.f32 v7, v2;
	[tilespmem:s25+$0x80] =	vst v3  }
0x8ba: {  	[tilespmem:s25+$0x100] =	vst v62  }
0x8bb: {  	[tilespmem:s25+$0xFFFFFE00] =	vst v63  }
.LBB2_170:
0x8bc: {  	s25 =	sshra.s32 s29, $0x2  }
0x8bd: {  	v3 =	vld [tilespmem:s25+$0x191F0];
	_ =	sdelay $0x1  }
0x8be: {  	p1 =	seq.s32 s29, $0x800  }
.Ltmp91:
0x8bf: {  	_ = 	snop;
	(pc) =	sbr.rel @!p1 .LBB2_170-.Ltmp91, $3  }
0x8c0: {  	_ = 	snop  }
0x8c1: {  	v3 =	vmul.f32 v3, v2;
	_ =	sdelay $0x1  }
0x8c2: {  	s29 =	sadd.s32 $0x200, s29;
	[tilespmem:s25+$0x191F0] =	vst v3  }
.Ltmp92:
0x8c3: {  	_ = 	snop;
	(pc) =	sbr.rel .LBB2_203-.Ltmp92, $1  }
0x8c4: {  	_ =	sdelay $0x3  }
.LBB2_171:
0x8c5: {  	v2 =	vld [tilespmem:s28+$0x180]  }
0x8c6: {  	v3 =	vld [tilespmem:s28+$0xFFFFFE80]  }
0x8c7: {  	v4 =	vld [tilespmem:s28+$0xFFFFFF00]  }
0x8c8: {  	v7 =	vld [tilespmem:s28+$0x0]  }
0x8c9: {  	v5 =	vld [tilespmem:s28+$0xFFFFFF80];
	_ =	sdelay $0x1  }
0x8ca: {  	v8 =	vld [tilespmem:s28+$0x80];
	v6 =	vmul.f32 $5.076142030e-03, v2  }
0x8cb: {  	v10 =	vld [tilespmem:s28+$0x100];
	v9 =	vmul.f32 $5.076142030e-03, v3;
	v12 =	vmul.f32 $5.076142030e-03, v4  }
0x8cc: {  	v11 =	vld [tilespmem:s28+$0xFFFFFE00];
	s28 =	sadd.s32 $0x400, s28;
	v14 =	vmul.f32 $5.076142030e-03, v7;
	v2 =	vmul.f32 v6, v2  }
0x8cd: {  	v13 =	vld [tilespmem:s28+$0x180];
	v3 =	vmul.f32 v9, v3;
	v9 =	vmul.f32 $5.076142030e-03, v5  }
0x8ce: {  	v6 =	vld [tilespmem:s28+$0xFFFFFE80];
	v12 =	vmul.f32 v12, v4;
	v7 =	vmul.f32 v14, v7;
	[tilespmem:s25+$0x180] =	vst v2  }
0x8cf: {  	v4 =	vld [tilespmem:s28+$0xFFFFFF00];
	[tilespmem:s25+$0xFFFFFE80] =	vst v3;
	v3 =	vmul.f32 v9, v5;
	v9 =	vmul.f32 $5.076142030e-03, v8  }
0x8d0: {  	v2 =	vld [tilespmem:s28+$0xFFFFFF80];
	[tilespmem:s25+$0xFFFFFF00] =	vst v12;
	v12 =	vmul.f32 $5.076142030e-03, v10  }
0x8d1: {  	v14 =	vmul.f32 $5.076142030e-03, v11;
	v5 =	vld [tilespmem:s28+$0x0];
	[tilespmem:s25+$0x0] =	vst v7;
	v8 =	vmul.f32 v9, v8  }
0x8d2: {  	[tilespmem:s25+$0xFFFFFF80] =	vst v3;
	v3 =	vld [tilespmem:s28+$0x80];
	v9 =	vmul.f32 $5.076142030e-03, v13;
	v15 =	vmul.f32 v12, v10  }
0x8d3: {  	s26 =	sadd.s32 $0x8, s26;
	v7 =	vld [tilespmem:s28+$0x100];
	v11 =	vmul.f32 v14, v11;
	v10 =	vmul.f32 $5.076142030e-03, v6;
	[tilespmem:s25+$0x80] =	vst v8  }
0x8d4: {  	s26 =	sadd.s32 $0x8, s26;
	v12 =	vmul.f32 $5.076142030e-03, v4;
	v8 =	vld [tilespmem:s28+$0xFFFFFE00];
	v9 =	vmul.f32 v9, v13;
	s28 =	sadd.s32 $0x400, s28;
	[tilespmem:s25+$0x100] =	vst v15  }
.LBB2_172:
0x8d5: {  	v13 =	vld [tilespmem:s28+$0x180];
	s26 =	sadd.s32 $0x8, s26;
	v10 =	vmul.f32 v10, v6;
	v14 =	vmul.f32 $5.076142030e-03, v2;
	[tilespmem:s25+$0xFFFFFE00] =	vst v11;
	s25 =	sadd.s32 $0x400, s25  }
0x8d6: {  	v6 =	vld [tilespmem:s28+$0xFFFFFE80];
	p1 =	slt.u32 s26, $0xB8;
	v11 =	vmul.f32 v12, v4;
	v12 =	vmul.f32 $5.076142030e-03, v5;
	[tilespmem:s25+$0x180] =	vst v9  }
0x8d7: {  	v4 =	vld [tilespmem:s28+$0xFFFFFF00];
	[tilespmem:s25+$0xFFFFFE80] =	vst v10;
	v9 =	vmul.f32 v14, v2;
	v10 =	vmul.f32 $5.076142030e-03, v3  }
.Ltmp93:
0x8d8: {  	v2 =	vld [tilespmem:s28+$0xFFFFFF80];
	[tilespmem:s25+$0xFFFFFF00] =	vst v11;
	v11 =	vmul.f32 v12, v5;
	v12 =	vmul.f32 $5.076142030e-03, v7;
	(pc) =	sbr.rel @p1 .LBB2_172-.Ltmp93, $4  }
0x8d9: {  	v5 =	vld [tilespmem:s28+$0x0];
	v14 =	vmul.f32 $5.076142030e-03, v8;
	[tilespmem:s25+$0xFFFFFF80] =	vst v9;
	v9 =	vmul.f32 v10, v3  }
0x8da: {  	v3 =	vld [tilespmem:s28+$0x80];
	v15 =	vmul.f32 $5.076142030e-03, v13;
	[tilespmem:s25+$0x0] =	vst v11;
	v16 =	vmul.f32 v12, v7  }
0x8db: {  	v10 =	vmul.f32 $5.076142030e-03, v6;
	v7 =	vld [tilespmem:s28+$0x100];
	v11 =	vmul.f32 v14, v8;
	[tilespmem:s25+$0x80] =	vst v9  }
0x8dc: {  	v8 =	vld [tilespmem:s28+$0xFFFFFE00];
	v12 =	vmul.f32 $5.076142030e-03, v4;
	v9 =	vmul.f32 v15, v13;
	s28 =	sadd.s32 $0x400, s28;
	[tilespmem:s25+$0x100] =	vst v16  }
0x8dd: {  	v6 =	vmul.f32 v10, v6;
	v57 =	vmul.f32 $5.076142030e-03, v2;
	[tilespmem:s25+$0xFFFFFE00] =	vst v11;
	s26 =	sadd.s32 $0x400, s25  }
0x8de: {  	v4 =	vmul.f32 v12, v4;
	v58 =	vmul.f32 $5.076142030e-03, v5;
	[tilespmem:s26+$0x180] =	vst v9  }
0x8df: {  	[tilespmem:s26+$0xFFFFFE80] =	vst v6;
	v2 =	vmul.f32 v57, v2;
	v59 =	vmul.f32 $5.076142030e-03, v3  }
0x8e0: {  	[tilespmem:s26+$0xFFFFFF00] =	vst v4;
	v60 =	vmul.f32 v58, v5;
	v61 =	vmul.f32 $5.076142030e-03, v7  }
0x8e1: {  	v62 =	vmul.f32 $5.076142030e-03, v8;
	[tilespmem:s26+$0xFFFFFF80] =	vst v2;
	v2 =	vmul.f32 v59, v3  }
0x8e2: {  	[tilespmem:s26+$0x0] =	vst v60;
	v3 =	vmul.f32 v61, v7  }
0x8e3: {  	v63 =	vmul.f32 v62, v8;
	[tilespmem:s26+$0x80] =	vst v2  }
0x8e4: {  	[tilespmem:s26+$0x100] =	vst v3  }
0x8e5: {  	s25 =	simm.s32 $0x0;
	[tilespmem:s26+$0xFFFFFE00] =	vst v63  }
.LBB2_174:
0x8e6: {  	s26 =	sshra.s32 s25, $0x2  }
0x8e7: {  	v2 =	vld [tilespmem:s26+$0xC980];
	_ =	sdelay $0x3  }
0x8e8: {  	p1 =	sne.s32 s25, $0x800  }
.Ltmp94:
0x8e9: {  	v3 =	vmul.f32 $5.076142030e-03, v2;
	(pc) =	sbr.rel @p1 .LBB2_174-.Ltmp94, $3  }
0x8ea: {  	_ = 	snop  }
0x8eb: {  	v2 =	vmul.f32 v3, v2;
	_ =	sdelay $0x1  }
0x8ec: {  	s25 =	sadd.s32 $0x200, s25;
	[tilespmem:s26+$0x19180] =	vst v2  }
0x8ed: {  	s25 =	simm.s32 $0x6B90  }
0x8ee: {  	v2 =	vld [tilespmem:s25+$0x180]  }
0x8ef: {  	v3 =	vld [tilespmem:s25+$0xFFFFFE80]  }
0x8f0: {  	v4 =	vld [tilespmem:s25+$0xFFFFFF00]  }
0x8f1: {  	v7 =	vld [tilespmem:s25+$0x0]  }
0x8f2: {  	v5 =	vld [tilespmem:s25+$0xFFFFFF80];
	_ =	sdelay $0x1  }
0x8f3: {  	v8 =	vld [tilespmem:s25+$0x80];
	v6 =	vmul.f32 $5.076142030e-03, v2  }
0x8f4: {  	v10 =	vld [tilespmem:s25+$0x100];
	v9 =	vmul.f32 $5.076142030e-03, v3;
	v12 =	vmul.f32 $5.076142030e-03, v4  }
0x8f5: {  	s28 =	simm.s32 $0x6F90;
	v11 =	vld [tilespmem:s25+$0xFFFFFE00];
	v14 =	vmul.f32 $5.076142030e-03, v7;
	v2 =	vmul.f32 v6, v2  }
0x8f6: {  	s25 =	simm.s32 $0x13390;
	v13 =	vld [tilespmem:s28+$0x180];
	v3 =	vmul.f32 v9, v3;
	v9 =	vmul.f32 $5.076142030e-03, v5  }
0x8f7: {  	v6 =	vld [tilespmem:s28+$0xFFFFFE80];
	v12 =	vmul.f32 v12, v4;
	v7 =	vmul.f32 v14, v7;
	[tilespmem:s25+$0x180] =	vst v2  }
0x8f8: {  	v4 =	vld [tilespmem:s28+$0xFFFFFF00];
	[tilespmem:s25+$0xFFFFFE80] =	vst v3;
	v3 =	vmul.f32 v9, v5;
	v9 =	vmul.f32 $5.076142030e-03, v8  }
0x8f9: {  	v2 =	vld [tilespmem:s28+$0xFFFFFF80];
	[tilespmem:s25+$0xFFFFFF00] =	vst v12;
	v12 =	vmul.f32 $5.076142030e-03, v10  }
0x8fa: {  	v14 =	vmul.f32 $5.076142030e-03, v11;
	v5 =	vld [tilespmem:s28+$0x0];
	[tilespmem:s25+$0x0] =	vst v7;
	v8 =	vmul.f32 v9, v8  }
0x8fb: {  	[tilespmem:s25+$0xFFFFFF80] =	vst v3;
	v3 =	vld [tilespmem:s28+$0x80];
	v9 =	vmul.f32 $5.076142030e-03, v13;
	v15 =	vmul.f32 v12, v10  }
0x8fc: {  	v7 =	vld [tilespmem:s28+$0x100];
	v11 =	vmul.f32 v14, v11;
	v10 =	vmul.f32 $5.076142030e-03, v6;
	[tilespmem:s25+$0x80] =	vst v8  }
0x8fd: {  	s26 =	simm.s32 $0x8;
	v12 =	vmul.f32 $5.076142030e-03, v4;
	v8 =	vld [tilespmem:s28+$0xFFFFFE00];
	v9 =	vmul.f32 v9, v13;
	s28 =	simm.s32 $0x7390;
	[tilespmem:s25+$0x100] =	vst v15  }
.LBB2_176:
0x8fe: {  	v13 =	vld [tilespmem:s28+$0x180];
	s26 =	sadd.s32 $0x8, s26;
	v10 =	vmul.f32 v10, v6;
	v14 =	vmul.f32 $5.076142030e-03, v2;
	[tilespmem:s25+$0xFFFFFE00] =	vst v11;
	s25 =	sadd.s32 $0x400, s25  }
0x8ff: {  	v6 =	vld [tilespmem:s28+$0xFFFFFE80];
	p1 =	slt.u32 s26, $0xB8;
	v11 =	vmul.f32 v12, v4;
	v12 =	vmul.f32 $5.076142030e-03, v5;
	[tilespmem:s25+$0x180] =	vst v9  }
0x900: {  	v4 =	vld [tilespmem:s28+$0xFFFFFF00];
	[tilespmem:s25+$0xFFFFFE80] =	vst v10;
	v9 =	vmul.f32 v14, v2;
	v10 =	vmul.f32 $5.076142030e-03, v3  }
.Ltmp95:
0x901: {  	v2 =	vld [tilespmem:s28+$0xFFFFFF80];
	[tilespmem:s25+$0xFFFFFF00] =	vst v11;
	v11 =	vmul.f32 v12, v5;
	v12 =	vmul.f32 $5.076142030e-03, v7;
	(pc) =	sbr.rel @p1 .LBB2_176-.Ltmp95, $4  }
0x902: {  	v5 =	vld [tilespmem:s28+$0x0];
	v14 =	vmul.f32 $5.076142030e-03, v8;
	[tilespmem:s25+$0xFFFFFF80] =	vst v9;
	v9 =	vmul.f32 v10, v3  }
0x903: {  	v3 =	vld [tilespmem:s28+$0x80];
	v15 =	vmul.f32 $5.076142030e-03, v13;
	[tilespmem:s25+$0x0] =	vst v11;
	v16 =	vmul.f32 v12, v7  }
0x904: {  	v10 =	vmul.f32 $5.076142030e-03, v6;
	v7 =	vld [tilespmem:s28+$0x100];
	v11 =	vmul.f32 v14, v8;
	[tilespmem:s25+$0x80] =	vst v9  }
0x905: {  	v8 =	vld [tilespmem:s28+$0xFFFFFE00];
	v12 =	vmul.f32 $5.076142030e-03, v4;
	v9 =	vmul.f32 v15, v13;
	s28 =	sadd.s32 $0x400, s28;
	[tilespmem:s25+$0x100] =	vst v16  }
0x906: {  	v6 =	vmul.f32 v10, v6;
	v57 =	vmul.f32 $5.076142030e-03, v2;
	[tilespmem:s25+$0xFFFFFE00] =	vst v11;
	s26 =	sadd.s32 $0x400, s25  }
0x907: {  	v4 =	vmul.f32 v12, v4;
	v58 =	vmul.f32 $5.076142030e-03, v5;
	[tilespmem:s26+$0x180] =	vst v9  }
0x908: {  	[tilespmem:s26+$0xFFFFFE80] =	vst v6;
	v2 =	vmul.f32 v57, v2;
	v59 =	vmul.f32 $5.076142030e-03, v3  }
0x909: {  	[tilespmem:s26+$0xFFFFFF00] =	vst v4;
	v60 =	vmul.f32 v58, v5;
	v61 =	vmul.f32 $5.076142030e-03, v7  }
0x90a: {  	v62 =	vmul.f32 $5.076142030e-03, v8;
	[tilespmem:s26+$0xFFFFFF80] =	vst v2;
	v2 =	vmul.f32 v59, v3  }
0x90b: {  	[tilespmem:s26+$0x0] =	vst v60;
	v3 =	vmul.f32 v61, v7  }
0x90c: {  	v63 =	vmul.f32 v62, v8;
	[tilespmem:s26+$0x80] =	vst v2  }
0x90d: {  	[tilespmem:s26+$0x100] =	vst v3  }
0x90e: {  	s25 =	simm.s32 $0x0;
	[tilespmem:s26+$0xFFFFFE00] =	vst v63  }
.LBB2_178:
0x90f: {  	s26 =	sshra.s32 s25, $0x2  }
0x910: {  	v2 =	vld [tilespmem:s26+$0xC990];
	_ =	sdelay $0x3  }
0x911: {  	p1 =	sne.s32 s25, $0x800  }
.Ltmp96:
0x912: {  	v3 =	vmul.f32 $5.076142030e-03, v2;
	(pc) =	sbr.rel @p1 .LBB2_178-.Ltmp96, $3  }
0x913: {  	_ = 	snop  }
0x914: {  	v2 =	vmul.f32 v3, v2;
	_ =	sdelay $0x1  }
0x915: {  	s25 =	sadd.s32 $0x200, s25;
	[tilespmem:s26+$0x19190] =	vst v2  }
0x916: {  	s25 =	simm.s32 $0x6BA0  }
0x917: {  	v2 =	vld [tilespmem:s25+$0x180]  }
0x918: {  	v3 =	vld [tilespmem:s25+$0xFFFFFE80]  }
0x919: {  	v4 =	vld [tilespmem:s25+$0xFFFFFF00]  }
0x91a: {  	v7 =	vld [tilespmem:s25+$0x0]  }
0x91b: {  	v5 =	vld [tilespmem:s25+$0xFFFFFF80];
	_ =	sdelay $0x1  }
0x91c: {  	v8 =	vld [tilespmem:s25+$0x80];
	v6 =	vmul.f32 $5.076142030e-03, v2  }
0x91d: {  	v10 =	vld [tilespmem:s25+$0x100];
	v9 =	vmul.f32 $5.076142030e-03, v3;
	v12 =	vmul.f32 $5.076142030e-03, v4  }
0x91e: {  	s28 =	simm.s32 $0x6FA0;
	v11 =	vld [tilespmem:s25+$0xFFFFFE00];
	v14 =	vmul.f32 $5.076142030e-03, v7;
	v2 =	vmul.f32 v6, v2  }
0x91f: {  	s25 =	simm.s32 $0x133A0;
	v13 =	vld [tilespmem:s28+$0x180];
	v3 =	vmul.f32 v9, v3;
	v9 =	vmul.f32 $5.076142030e-03, v5  }
0x920: {  	v6 =	vld [tilespmem:s28+$0xFFFFFE80];
	v12 =	vmul.f32 v12, v4;
	v7 =	vmul.f32 v14, v7;
	[tilespmem:s25+$0x180] =	vst v2  }
0x921: {  	v4 =	vld [tilespmem:s28+$0xFFFFFF00];
	[tilespmem:s25+$0xFFFFFE80] =	vst v3;
	v3 =	vmul.f32 v9, v5;
	v9 =	vmul.f32 $5.076142030e-03, v8  }
0x922: {  	v2 =	vld [tilespmem:s28+$0xFFFFFF80];
	[tilespmem:s25+$0xFFFFFF00] =	vst v12;
	v12 =	vmul.f32 $5.076142030e-03, v10  }
0x923: {  	v14 =	vmul.f32 $5.076142030e-03, v11;
	v5 =	vld [tilespmem:s28+$0x0];
	[tilespmem:s25+$0x0] =	vst v7;
	v8 =	vmul.f32 v9, v8  }
0x924: {  	[tilespmem:s25+$0xFFFFFF80] =	vst v3;
	v3 =	vld [tilespmem:s28+$0x80];
	v9 =	vmul.f32 $5.076142030e-03, v13;
	v15 =	vmul.f32 v12, v10  }
0x925: {  	v7 =	vld [tilespmem:s28+$0x100];
	v11 =	vmul.f32 v14, v11;
	v10 =	vmul.f32 $5.076142030e-03, v6;
	[tilespmem:s25+$0x80] =	vst v8  }
0x926: {  	s26 =	simm.s32 $0x8;
	v12 =	vmul.f32 $5.076142030e-03, v4;
	v8 =	vld [tilespmem:s28+$0xFFFFFE00];
	v9 =	vmul.f32 v9, v13;
	s28 =	simm.s32 $0x73A0;
	[tilespmem:s25+$0x100] =	vst v15  }
.LBB2_180:
0x927: {  	v13 =	vld [tilespmem:s28+$0x180];
	s26 =	sadd.s32 $0x8, s26;
	v10 =	vmul.f32 v10, v6;
	v14 =	vmul.f32 $5.076142030e-03, v2;
	[tilespmem:s25+$0xFFFFFE00] =	vst v11;
	s25 =	sadd.s32 $0x400, s25  }
0x928: {  	v6 =	vld [tilespmem:s28+$0xFFFFFE80];
	p1 =	slt.u32 s26, $0xB8;
	v11 =	vmul.f32 v12, v4;
	v12 =	vmul.f32 $5.076142030e-03, v5;
	[tilespmem:s25+$0x180] =	vst v9  }
0x929: {  	v4 =	vld [tilespmem:s28+$0xFFFFFF00];
	[tilespmem:s25+$0xFFFFFE80] =	vst v10;
	v9 =	vmul.f32 v14, v2;
	v10 =	vmul.f32 $5.076142030e-03, v3  }
.Ltmp97:
0x92a: {  	v2 =	vld [tilespmem:s28+$0xFFFFFF80];
	[tilespmem:s25+$0xFFFFFF00] =	vst v11;
	v11 =	vmul.f32 v12, v5;
	v12 =	vmul.f32 $5.076142030e-03, v7;
	(pc) =	sbr.rel @p1 .LBB2_180-.Ltmp97, $4  }
0x92b: {  	v5 =	vld [tilespmem:s28+$0x0];
	v14 =	vmul.f32 $5.076142030e-03, v8;
	[tilespmem:s25+$0xFFFFFF80] =	vst v9;
	v9 =	vmul.f32 v10, v3  }
0x92c: {  	v3 =	vld [tilespmem:s28+$0x80];
	v15 =	vmul.f32 $5.076142030e-03, v13;
	[tilespmem:s25+$0x0] =	vst v11;
	v16 =	vmul.f32 v12, v7  }
0x92d: {  	v10 =	vmul.f32 $5.076142030e-03, v6;
	v7 =	vld [tilespmem:s28+$0x100];
	v11 =	vmul.f32 v14, v8;
	[tilespmem:s25+$0x80] =	vst v9  }
0x92e: {  	v8 =	vld [tilespmem:s28+$0xFFFFFE00];
	v12 =	vmul.f32 $5.076142030e-03, v4;
	v9 =	vmul.f32 v15, v13;
	s28 =	sadd.s32 $0x400, s28;
	[tilespmem:s25+$0x100] =	vst v16  }
0x92f: {  	v6 =	vmul.f32 v10, v6;
	v57 =	vmul.f32 $5.076142030e-03, v2;
	[tilespmem:s25+$0xFFFFFE00] =	vst v11;
	s26 =	sadd.s32 $0x400, s25  }
0x930: {  	v4 =	vmul.f32 v12, v4;
	v58 =	vmul.f32 $5.076142030e-03, v5;
	[tilespmem:s26+$0x180] =	vst v9  }
0x931: {  	[tilespmem:s26+$0xFFFFFE80] =	vst v6;
	v2 =	vmul.f32 v57, v2;
	v59 =	vmul.f32 $5.076142030e-03, v3  }
0x932: {  	[tilespmem:s26+$0xFFFFFF00] =	vst v4;
	v60 =	vmul.f32 v58, v5;
	v61 =	vmul.f32 $5.076142030e-03, v7  }
0x933: {  	v62 =	vmul.f32 $5.076142030e-03, v8;
	[tilespmem:s26+$0xFFFFFF80] =	vst v2;
	v2 =	vmul.f32 v59, v3  }
0x934: {  	[tilespmem:s26+$0x0] =	vst v60;
	v3 =	vmul.f32 v61, v7  }
0x935: {  	v63 =	vmul.f32 v62, v8;
	[tilespmem:s26+$0x80] =	vst v2  }
0x936: {  	[tilespmem:s26+$0x100] =	vst v3  }
0x937: {  	s25 =	simm.s32 $0x0;
	[tilespmem:s26+$0xFFFFFE00] =	vst v63  }
.LBB2_182:
0x938: {  	s26 =	sshra.s32 s25, $0x2  }
0x939: {  	v2 =	vld [tilespmem:s26+$0xC9A0];
	_ =	sdelay $0x3  }
0x93a: {  	p1 =	sne.s32 s25, $0x800  }
.Ltmp98:
0x93b: {  	v3 =	vmul.f32 $5.076142030e-03, v2;
	(pc) =	sbr.rel @p1 .LBB2_182-.Ltmp98, $3  }
0x93c: {  	_ = 	snop  }
0x93d: {  	v2 =	vmul.f32 v3, v2;
	_ =	sdelay $0x1  }
0x93e: {  	s25 =	sadd.s32 $0x200, s25;
	[tilespmem:s26+$0x191A0] =	vst v2  }
0x93f: {  	s25 =	simm.s32 $0x6BB0  }
0x940: {  	v2 =	vld [tilespmem:s25+$0x180]  }
0x941: {  	v3 =	vld [tilespmem:s25+$0xFFFFFE80]  }
0x942: {  	v4 =	vld [tilespmem:s25+$0xFFFFFF00]  }
0x943: {  	v7 =	vld [tilespmem:s25+$0x0]  }
0x944: {  	v5 =	vld [tilespmem:s25+$0xFFFFFF80];
	_ =	sdelay $0x1  }
0x945: {  	v8 =	vld [tilespmem:s25+$0x80];
	v6 =	vmul.f32 $5.076142030e-03, v2  }
0x946: {  	v10 =	vld [tilespmem:s25+$0x100];
	v9 =	vmul.f32 $5.076142030e-03, v3;
	v12 =	vmul.f32 $5.076142030e-03, v4  }
0x947: {  	s28 =	simm.s32 $0x6FB0;
	v11 =	vld [tilespmem:s25+$0xFFFFFE00];
	v14 =	vmul.f32 $5.076142030e-03, v7;
	v2 =	vmul.f32 v6, v2  }
0x948: {  	s25 =	simm.s32 $0x133B0;
	v13 =	vld [tilespmem:s28+$0x180];
	v3 =	vmul.f32 v9, v3;
	v9 =	vmul.f32 $5.076142030e-03, v5  }
0x949: {  	v6 =	vld [tilespmem:s28+$0xFFFFFE80];
	v12 =	vmul.f32 v12, v4;
	v7 =	vmul.f32 v14, v7;
	[tilespmem:s25+$0x180] =	vst v2  }
0x94a: {  	v4 =	vld [tilespmem:s28+$0xFFFFFF00];
	[tilespmem:s25+$0xFFFFFE80] =	vst v3;
	v3 =	vmul.f32 v9, v5;
	v9 =	vmul.f32 $5.076142030e-03, v8  }
0x94b: {  	v2 =	vld [tilespmem:s28+$0xFFFFFF80];
	[tilespmem:s25+$0xFFFFFF00] =	vst v12;
	v12 =	vmul.f32 $5.076142030e-03, v10  }
0x94c: {  	v14 =	vmul.f32 $5.076142030e-03, v11;
	v5 =	vld [tilespmem:s28+$0x0];
	[tilespmem:s25+$0x0] =	vst v7;
	v8 =	vmul.f32 v9, v8  }
0x94d: {  	[tilespmem:s25+$0xFFFFFF80] =	vst v3;
	v3 =	vld [tilespmem:s28+$0x80];
	v9 =	vmul.f32 $5.076142030e-03, v13;
	v15 =	vmul.f32 v12, v10  }
0x94e: {  	v7 =	vld [tilespmem:s28+$0x100];
	v11 =	vmul.f32 v14, v11;
	v10 =	vmul.f32 $5.076142030e-03, v6;
	[tilespmem:s25+$0x80] =	vst v8  }
0x94f: {  	s26 =	simm.s32 $0x8;
	v12 =	vmul.f32 $5.076142030e-03, v4;
	v8 =	vld [tilespmem:s28+$0xFFFFFE00];
	v9 =	vmul.f32 v9, v13;
	s28 =	simm.s32 $0x73B0;
	[tilespmem:s25+$0x100] =	vst v15  }
.LBB2_184:
0x950: {  	v13 =	vld [tilespmem:s28+$0x180];
	s26 =	sadd.s32 $0x8, s26;
	v10 =	vmul.f32 v10, v6;
	v14 =	vmul.f32 $5.076142030e-03, v2;
	[tilespmem:s25+$0xFFFFFE00] =	vst v11;
	s25 =	sadd.s32 $0x400, s25  }
0x951: {  	v6 =	vld [tilespmem:s28+$0xFFFFFE80];
	p1 =	slt.u32 s26, $0xB8;
	v11 =	vmul.f32 v12, v4;
	v12 =	vmul.f32 $5.076142030e-03, v5;
	[tilespmem:s25+$0x180] =	vst v9  }
0x952: {  	v4 =	vld [tilespmem:s28+$0xFFFFFF00];
	[tilespmem:s25+$0xFFFFFE80] =	vst v10;
	v9 =	vmul.f32 v14, v2;
	v10 =	vmul.f32 $5.076142030e-03, v3  }
.Ltmp99:
0x953: {  	v2 =	vld [tilespmem:s28+$0xFFFFFF80];
	[tilespmem:s25+$0xFFFFFF00] =	vst v11;
	v11 =	vmul.f32 v12, v5;
	v12 =	vmul.f32 $5.076142030e-03, v7;
	(pc) =	sbr.rel @p1 .LBB2_184-.Ltmp99, $4  }
0x954: {  	v5 =	vld [tilespmem:s28+$0x0];
	v14 =	vmul.f32 $5.076142030e-03, v8;
	[tilespmem:s25+$0xFFFFFF80] =	vst v9;
	v9 =	vmul.f32 v10, v3  }
0x955: {  	v3 =	vld [tilespmem:s28+$0x80];
	v15 =	vmul.f32 $5.076142030e-03, v13;
	[tilespmem:s25+$0x0] =	vst v11;
	v16 =	vmul.f32 v12, v7  }
0x956: {  	v10 =	vmul.f32 $5.076142030e-03, v6;
	v7 =	vld [tilespmem:s28+$0x100];
	v11 =	vmul.f32 v14, v8;
	[tilespmem:s25+$0x80] =	vst v9  }
0x957: {  	v8 =	vld [tilespmem:s28+$0xFFFFFE00];
	v12 =	vmul.f32 $5.076142030e-03, v4;
	v9 =	vmul.f32 v15, v13;
	s28 =	sadd.s32 $0x400, s28;
	[tilespmem:s25+$0x100] =	vst v16  }
0x958: {  	v6 =	vmul.f32 v10, v6;
	v57 =	vmul.f32 $5.076142030e-03, v2;
	[tilespmem:s25+$0xFFFFFE00] =	vst v11;
	s26 =	sadd.s32 $0x400, s25  }
0x959: {  	v4 =	vmul.f32 v12, v4;
	v58 =	vmul.f32 $5.076142030e-03, v5;
	[tilespmem:s26+$0x180] =	vst v9  }
0x95a: {  	[tilespmem:s26+$0xFFFFFE80] =	vst v6;
	v2 =	vmul.f32 v57, v2;
	v59 =	vmul.f32 $5.076142030e-03, v3  }
0x95b: {  	[tilespmem:s26+$0xFFFFFF00] =	vst v4;
	v60 =	vmul.f32 v58, v5;
	v61 =	vmul.f32 $5.076142030e-03, v7  }
0x95c: {  	v62 =	vmul.f32 $5.076142030e-03, v8;
	[tilespmem:s26+$0xFFFFFF80] =	vst v2;
	v2 =	vmul.f32 v59, v3  }
0x95d: {  	[tilespmem:s26+$0x0] =	vst v60;
	v3 =	vmul.f32 v61, v7  }
0x95e: {  	v63 =	vmul.f32 v62, v8;
	[tilespmem:s26+$0x80] =	vst v2  }
0x95f: {  	[tilespmem:s26+$0x100] =	vst v3  }
0x960: {  	s25 =	simm.s32 $0x0;
	[tilespmem:s26+$0xFFFFFE00] =	vst v63  }
.LBB2_186:
0x961: {  	s26 =	sshra.s32 s25, $0x2  }
0x962: {  	v2 =	vld [tilespmem:s26+$0xC9B0];
	_ =	sdelay $0x3  }
0x963: {  	p1 =	sne.s32 s25, $0x800  }
.Ltmp100:
0x964: {  	v3 =	vmul.f32 $5.076142030e-03, v2;
	(pc) =	sbr.rel @p1 .LBB2_186-.Ltmp100, $3  }
0x965: {  	_ = 	snop  }
0x966: {  	v2 =	vmul.f32 v3, v2;
	_ =	sdelay $0x1  }
0x967: {  	s25 =	sadd.s32 $0x200, s25;
	[tilespmem:s26+$0x191B0] =	vst v2  }
0x968: {  	s25 =	simm.s32 $0x6BC0  }
0x969: {  	v2 =	vld [tilespmem:s25+$0x180]  }
0x96a: {  	v3 =	vld [tilespmem:s25+$0xFFFFFE80]  }
0x96b: {  	v4 =	vld [tilespmem:s25+$0xFFFFFF00]  }
0x96c: {  	v7 =	vld [tilespmem:s25+$0x0]  }
0x96d: {  	v5 =	vld [tilespmem:s25+$0xFFFFFF80];
	_ =	sdelay $0x1  }
0x96e: {  	v8 =	vld [tilespmem:s25+$0x80];
	v6 =	vmul.f32 $5.076142030e-03, v2  }
0x96f: {  	v10 =	vld [tilespmem:s25+$0x100];
	v9 =	vmul.f32 $5.076142030e-03, v3;
	v12 =	vmul.f32 $5.076142030e-03, v4  }
0x970: {  	s28 =	simm.s32 $0x6FC0;
	v11 =	vld [tilespmem:s25+$0xFFFFFE00];
	v14 =	vmul.f32 $5.076142030e-03, v7;
	v2 =	vmul.f32 v6, v2  }
0x971: {  	s25 =	simm.s32 $0x133C0;
	v13 =	vld [tilespmem:s28+$0x180];
	v3 =	vmul.f32 v9, v3;
	v9 =	vmul.f32 $5.076142030e-03, v5  }
0x972: {  	v6 =	vld [tilespmem:s28+$0xFFFFFE80];
	v12 =	vmul.f32 v12, v4;
	v7 =	vmul.f32 v14, v7;
	[tilespmem:s25+$0x180] =	vst v2  }
0x973: {  	v4 =	vld [tilespmem:s28+$0xFFFFFF00];
	[tilespmem:s25+$0xFFFFFE80] =	vst v3;
	v3 =	vmul.f32 v9, v5;
	v9 =	vmul.f32 $5.076142030e-03, v8  }
0x974: {  	v2 =	vld [tilespmem:s28+$0xFFFFFF80];
	[tilespmem:s25+$0xFFFFFF00] =	vst v12;
	v12 =	vmul.f32 $5.076142030e-03, v10  }
0x975: {  	v14 =	vmul.f32 $5.076142030e-03, v11;
	v5 =	vld [tilespmem:s28+$0x0];
	[tilespmem:s25+$0x0] =	vst v7;
	v8 =	vmul.f32 v9, v8  }
0x976: {  	[tilespmem:s25+$0xFFFFFF80] =	vst v3;
	v3 =	vld [tilespmem:s28+$0x80];
	v9 =	vmul.f32 $5.076142030e-03, v13;
	v15 =	vmul.f32 v12, v10  }
0x977: {  	v7 =	vld [tilespmem:s28+$0x100];
	v11 =	vmul.f32 v14, v11;
	v10 =	vmul.f32 $5.076142030e-03, v6;
	[tilespmem:s25+$0x80] =	vst v8  }
0x978: {  	s26 =	simm.s32 $0x8;
	v12 =	vmul.f32 $5.076142030e-03, v4;
	v8 =	vld [tilespmem:s28+$0xFFFFFE00];
	v9 =	vmul.f32 v9, v13;
	s28 =	simm.s32 $0x73C0;
	[tilespmem:s25+$0x100] =	vst v15  }
.LBB2_188:
0x979: {  	v13 =	vld [tilespmem:s28+$0x180];
	s26 =	sadd.s32 $0x8, s26;
	v10 =	vmul.f32 v10, v6;
	v14 =	vmul.f32 $5.076142030e-03, v2;
	[tilespmem:s25+$0xFFFFFE00] =	vst v11;
	s25 =	sadd.s32 $0x400, s25  }
0x97a: {  	v6 =	vld [tilespmem:s28+$0xFFFFFE80];
	p1 =	slt.u32 s26, $0xB8;
	v11 =	vmul.f32 v12, v4;
	v12 =	vmul.f32 $5.076142030e-03, v5;
	[tilespmem:s25+$0x180] =	vst v9  }
0x97b: {  	v4 =	vld [tilespmem:s28+$0xFFFFFF00];
	[tilespmem:s25+$0xFFFFFE80] =	vst v10;
	v9 =	vmul.f32 v14, v2;
	v10 =	vmul.f32 $5.076142030e-03, v3  }
.Ltmp101:
0x97c: {  	v2 =	vld [tilespmem:s28+$0xFFFFFF80];
	[tilespmem:s25+$0xFFFFFF00] =	vst v11;
	v11 =	vmul.f32 v12, v5;
	v12 =	vmul.f32 $5.076142030e-03, v7;
	(pc) =	sbr.rel @p1 .LBB2_188-.Ltmp101, $4  }
0x97d: {  	v5 =	vld [tilespmem:s28+$0x0];
	v14 =	vmul.f32 $5.076142030e-03, v8;
	[tilespmem:s25+$0xFFFFFF80] =	vst v9;
	v9 =	vmul.f32 v10, v3  }
0x97e: {  	v3 =	vld [tilespmem:s28+$0x80];
	v15 =	vmul.f32 $5.076142030e-03, v13;
	[tilespmem:s25+$0x0] =	vst v11;
	v16 =	vmul.f32 v12, v7  }
0x97f: {  	v10 =	vmul.f32 $5.076142030e-03, v6;
	v7 =	vld [tilespmem:s28+$0x100];
	v11 =	vmul.f32 v14, v8;
	[tilespmem:s25+$0x80] =	vst v9  }
0x980: {  	v8 =	vld [tilespmem:s28+$0xFFFFFE00];
	v12 =	vmul.f32 $5.076142030e-03, v4;
	v9 =	vmul.f32 v15, v13;
	s28 =	sadd.s32 $0x400, s28;
	[tilespmem:s25+$0x100] =	vst v16  }
0x981: {  	v6 =	vmul.f32 v10, v6;
	v57 =	vmul.f32 $5.076142030e-03, v2;
	[tilespmem:s25+$0xFFFFFE00] =	vst v11;
	s26 =	sadd.s32 $0x400, s25  }
0x982: {  	v4 =	vmul.f32 v12, v4;
	v58 =	vmul.f32 $5.076142030e-03, v5;
	[tilespmem:s26+$0x180] =	vst v9  }
0x983: {  	[tilespmem:s26+$0xFFFFFE80] =	vst v6;
	v2 =	vmul.f32 v57, v2;
	v59 =	vmul.f32 $5.076142030e-03, v3  }
0x984: {  	[tilespmem:s26+$0xFFFFFF00] =	vst v4;
	v60 =	vmul.f32 v58, v5;
	v61 =	vmul.f32 $5.076142030e-03, v7  }
0x985: {  	v62 =	vmul.f32 $5.076142030e-03, v8;
	[tilespmem:s26+$0xFFFFFF80] =	vst v2;
	v2 =	vmul.f32 v59, v3  }
0x986: {  	[tilespmem:s26+$0x0] =	vst v60;
	v3 =	vmul.f32 v61, v7  }
0x987: {  	v63 =	vmul.f32 v62, v8;
	[tilespmem:s26+$0x80] =	vst v2  }
0x988: {  	[tilespmem:s26+$0x100] =	vst v3  }
0x989: {  	s25 =	simm.s32 $0x0;
	[tilespmem:s26+$0xFFFFFE00] =	vst v63  }
.LBB2_190:
0x98a: {  	s26 =	sshra.s32 s25, $0x2  }
0x98b: {  	v2 =	vld [tilespmem:s26+$0xC9C0];
	_ =	sdelay $0x3  }
0x98c: {  	p1 =	sne.s32 s25, $0x800  }
.Ltmp102:
0x98d: {  	v3 =	vmul.f32 $5.076142030e-03, v2;
	(pc) =	sbr.rel @p1 .LBB2_190-.Ltmp102, $3  }
0x98e: {  	_ = 	snop  }
0x98f: {  	v2 =	vmul.f32 v3, v2;
	_ =	sdelay $0x1  }
0x990: {  	s25 =	sadd.s32 $0x200, s25;
	[tilespmem:s26+$0x191C0] =	vst v2  }
0x991: {  	s25 =	simm.s32 $0x6BD0  }
0x992: {  	v2 =	vld [tilespmem:s25+$0x180]  }
0x993: {  	v3 =	vld [tilespmem:s25+$0xFFFFFE80]  }
0x994: {  	v4 =	vld [tilespmem:s25+$0xFFFFFF00]  }
0x995: {  	v7 =	vld [tilespmem:s25+$0x0]  }
0x996: {  	v5 =	vld [tilespmem:s25+$0xFFFFFF80];
	_ =	sdelay $0x1  }
0x997: {  	v8 =	vld [tilespmem:s25+$0x80];
	v6 =	vmul.f32 $5.076142030e-03, v2  }
0x998: {  	v10 =	vld [tilespmem:s25+$0x100];
	v9 =	vmul.f32 $5.076142030e-03, v3;
	v12 =	vmul.f32 $5.076142030e-03, v4  }
0x999: {  	s28 =	simm.s32 $0x6FD0;
	v11 =	vld [tilespmem:s25+$0xFFFFFE00];
	v14 =	vmul.f32 $5.076142030e-03, v7;
	v2 =	vmul.f32 v6, v2  }
0x99a: {  	s25 =	simm.s32 $0x133D0;
	v13 =	vld [tilespmem:s28+$0x180];
	v3 =	vmul.f32 v9, v3;
	v9 =	vmul.f32 $5.076142030e-03, v5  }
0x99b: {  	v6 =	vld [tilespmem:s28+$0xFFFFFE80];
	v12 =	vmul.f32 v12, v4;
	v7 =	vmul.f32 v14, v7;
	[tilespmem:s25+$0x180] =	vst v2  }
0x99c: {  	v4 =	vld [tilespmem:s28+$0xFFFFFF00];
	[tilespmem:s25+$0xFFFFFE80] =	vst v3;
	v3 =	vmul.f32 v9, v5;
	v9 =	vmul.f32 $5.076142030e-03, v8  }
0x99d: {  	v2 =	vld [tilespmem:s28+$0xFFFFFF80];
	[tilespmem:s25+$0xFFFFFF00] =	vst v12;
	v12 =	vmul.f32 $5.076142030e-03, v10  }
0x99e: {  	v14 =	vmul.f32 $5.076142030e-03, v11;
	v5 =	vld [tilespmem:s28+$0x0];
	[tilespmem:s25+$0x0] =	vst v7;
	v8 =	vmul.f32 v9, v8  }
0x99f: {  	[tilespmem:s25+$0xFFFFFF80] =	vst v3;
	v3 =	vld [tilespmem:s28+$0x80];
	v9 =	vmul.f32 $5.076142030e-03, v13;
	v15 =	vmul.f32 v12, v10  }
0x9a0: {  	v7 =	vld [tilespmem:s28+$0x100];
	v11 =	vmul.f32 v14, v11;
	v10 =	vmul.f32 $5.076142030e-03, v6;
	[tilespmem:s25+$0x80] =	vst v8  }
0x9a1: {  	s26 =	simm.s32 $0x8;
	v12 =	vmul.f32 $5.076142030e-03, v4;
	v8 =	vld [tilespmem:s28+$0xFFFFFE00];
	v9 =	vmul.f32 v9, v13;
	s28 =	simm.s32 $0x73D0;
	[tilespmem:s25+$0x100] =	vst v15  }
.LBB2_192:
0x9a2: {  	v13 =	vld [tilespmem:s28+$0x180];
	s26 =	sadd.s32 $0x8, s26;
	v10 =	vmul.f32 v10, v6;
	v14 =	vmul.f32 $5.076142030e-03, v2;
	[tilespmem:s25+$0xFFFFFE00] =	vst v11;
	s25 =	sadd.s32 $0x400, s25  }
0x9a3: {  	v6 =	vld [tilespmem:s28+$0xFFFFFE80];
	p1 =	slt.u32 s26, $0xB8;
	v11 =	vmul.f32 v12, v4;
	v12 =	vmul.f32 $5.076142030e-03, v5;
	[tilespmem:s25+$0x180] =	vst v9  }
0x9a4: {  	v4 =	vld [tilespmem:s28+$0xFFFFFF00];
	[tilespmem:s25+$0xFFFFFE80] =	vst v10;
	v9 =	vmul.f32 v14, v2;
	v10 =	vmul.f32 $5.076142030e-03, v3  }
.Ltmp103:
0x9a5: {  	v2 =	vld [tilespmem:s28+$0xFFFFFF80];
	[tilespmem:s25+$0xFFFFFF00] =	vst v11;
	v11 =	vmul.f32 v12, v5;
	v12 =	vmul.f32 $5.076142030e-03, v7;
	(pc) =	sbr.rel @p1 .LBB2_192-.Ltmp103, $4  }
0x9a6: {  	v5 =	vld [tilespmem:s28+$0x0];
	v14 =	vmul.f32 $5.076142030e-03, v8;
	[tilespmem:s25+$0xFFFFFF80] =	vst v9;
	v9 =	vmul.f32 v10, v3  }
0x9a7: {  	v3 =	vld [tilespmem:s28+$0x80];
	v15 =	vmul.f32 $5.076142030e-03, v13;
	[tilespmem:s25+$0x0] =	vst v11;
	v16 =	vmul.f32 v12, v7  }
0x9a8: {  	v10 =	vmul.f32 $5.076142030e-03, v6;
	v7 =	vld [tilespmem:s28+$0x100];
	v11 =	vmul.f32 v14, v8;
	[tilespmem:s25+$0x80] =	vst v9  }
0x9a9: {  	v8 =	vld [tilespmem:s28+$0xFFFFFE00];
	v12 =	vmul.f32 $5.076142030e-03, v4;
	v9 =	vmul.f32 v15, v13;
	s28 =	sadd.s32 $0x400, s28;
	[tilespmem:s25+$0x100] =	vst v16  }
0x9aa: {  	v6 =	vmul.f32 v10, v6;
	v57 =	vmul.f32 $5.076142030e-03, v2;
	[tilespmem:s25+$0xFFFFFE00] =	vst v11;
	s26 =	sadd.s32 $0x400, s25  }
0x9ab: {  	v4 =	vmul.f32 v12, v4;
	v58 =	vmul.f32 $5.076142030e-03, v5;
	[tilespmem:s26+$0x180] =	vst v9  }
0x9ac: {  	[tilespmem:s26+$0xFFFFFE80] =	vst v6;
	v2 =	vmul.f32 v57, v2;
	v59 =	vmul.f32 $5.076142030e-03, v3  }
0x9ad: {  	[tilespmem:s26+$0xFFFFFF00] =	vst v4;
	v60 =	vmul.f32 v58, v5;
	v61 =	vmul.f32 $5.076142030e-03, v7  }
0x9ae: {  	v62 =	vmul.f32 $5.076142030e-03, v8;
	[tilespmem:s26+$0xFFFFFF80] =	vst v2;
	v2 =	vmul.f32 v59, v3  }
0x9af: {  	[tilespmem:s26+$0x0] =	vst v60;
	v3 =	vmul.f32 v61, v7  }
0x9b0: {  	v63 =	vmul.f32 v62, v8;
	[tilespmem:s26+$0x80] =	vst v2  }
0x9b1: {  	[tilespmem:s26+$0x100] =	vst v3  }
0x9b2: {  	s25 =	simm.s32 $0x0;
	[tilespmem:s26+$0xFFFFFE00] =	vst v63  }
.LBB2_194:
0x9b3: {  	s26 =	sshra.s32 s25, $0x2  }
0x9b4: {  	v2 =	vld [tilespmem:s26+$0xC9D0];
	_ =	sdelay $0x3  }
0x9b5: {  	p1 =	sne.s32 s25, $0x800  }
.Ltmp104:
0x9b6: {  	v3 =	vmul.f32 $5.076142030e-03, v2;
	(pc) =	sbr.rel @p1 .LBB2_194-.Ltmp104, $3  }
0x9b7: {  	_ = 	snop  }
0x9b8: {  	v2 =	vmul.f32 v3, v2;
	_ =	sdelay $0x1  }
0x9b9: {  	s25 =	sadd.s32 $0x200, s25;
	[tilespmem:s26+$0x191D0] =	vst v2  }
0x9ba: {  	s25 =	simm.s32 $0x6BE0  }
0x9bb: {  	v2 =	vld [tilespmem:s25+$0x180]  }
0x9bc: {  	v3 =	vld [tilespmem:s25+$0xFFFFFE80]  }
0x9bd: {  	v4 =	vld [tilespmem:s25+$0xFFFFFF00]  }
0x9be: {  	v7 =	vld [tilespmem:s25+$0x0]  }
0x9bf: {  	v5 =	vld [tilespmem:s25+$0xFFFFFF80];
	_ =	sdelay $0x1  }
0x9c0: {  	v8 =	vld [tilespmem:s25+$0x80];
	v6 =	vmul.f32 $5.076142030e-03, v2  }
0x9c1: {  	v10 =	vld [tilespmem:s25+$0x100];
	v9 =	vmul.f32 $5.076142030e-03, v3;
	v12 =	vmul.f32 $5.076142030e-03, v4  }
0x9c2: {  	s28 =	simm.s32 $0x6FE0;
	v11 =	vld [tilespmem:s25+$0xFFFFFE00];
	v14 =	vmul.f32 $5.076142030e-03, v7;
	v2 =	vmul.f32 v6, v2  }
0x9c3: {  	s25 =	simm.s32 $0x133E0;
	v13 =	vld [tilespmem:s28+$0x180];
	v3 =	vmul.f32 v9, v3;
	v9 =	vmul.f32 $5.076142030e-03, v5  }
0x9c4: {  	v6 =	vld [tilespmem:s28+$0xFFFFFE80];
	v12 =	vmul.f32 v12, v4;
	v7 =	vmul.f32 v14, v7;
	[tilespmem:s25+$0x180] =	vst v2  }
0x9c5: {  	v4 =	vld [tilespmem:s28+$0xFFFFFF00];
	[tilespmem:s25+$0xFFFFFE80] =	vst v3;
	v3 =	vmul.f32 v9, v5;
	v9 =	vmul.f32 $5.076142030e-03, v8  }
0x9c6: {  	v2 =	vld [tilespmem:s28+$0xFFFFFF80];
	[tilespmem:s25+$0xFFFFFF00] =	vst v12;
	v12 =	vmul.f32 $5.076142030e-03, v10  }
0x9c7: {  	v14 =	vmul.f32 $5.076142030e-03, v11;
	v5 =	vld [tilespmem:s28+$0x0];
	[tilespmem:s25+$0x0] =	vst v7;
	v8 =	vmul.f32 v9, v8  }
0x9c8: {  	[tilespmem:s25+$0xFFFFFF80] =	vst v3;
	v3 =	vld [tilespmem:s28+$0x80];
	v9 =	vmul.f32 $5.076142030e-03, v13;
	v15 =	vmul.f32 v12, v10  }
0x9c9: {  	v7 =	vld [tilespmem:s28+$0x100];
	v11 =	vmul.f32 v14, v11;
	v10 =	vmul.f32 $5.076142030e-03, v6;
	[tilespmem:s25+$0x80] =	vst v8  }
0x9ca: {  	s26 =	simm.s32 $0x8;
	v12 =	vmul.f32 $5.076142030e-03, v4;
	v8 =	vld [tilespmem:s28+$0xFFFFFE00];
	v9 =	vmul.f32 v9, v13;
	s28 =	simm.s32 $0x73E0;
	[tilespmem:s25+$0x100] =	vst v15  }
.LBB2_196:
0x9cb: {  	v13 =	vld [tilespmem:s28+$0x180];
	s26 =	sadd.s32 $0x8, s26;
	v10 =	vmul.f32 v10, v6;
	v14 =	vmul.f32 $5.076142030e-03, v2;
	[tilespmem:s25+$0xFFFFFE00] =	vst v11;
	s25 =	sadd.s32 $0x400, s25  }
0x9cc: {  	v6 =	vld [tilespmem:s28+$0xFFFFFE80];
	p1 =	slt.u32 s26, $0xB8;
	v11 =	vmul.f32 v12, v4;
	v12 =	vmul.f32 $5.076142030e-03, v5;
	[tilespmem:s25+$0x180] =	vst v9  }
0x9cd: {  	v4 =	vld [tilespmem:s28+$0xFFFFFF00];
	[tilespmem:s25+$0xFFFFFE80] =	vst v10;
	v9 =	vmul.f32 v14, v2;
	v10 =	vmul.f32 $5.076142030e-03, v3  }
.Ltmp105:
0x9ce: {  	v2 =	vld [tilespmem:s28+$0xFFFFFF80];
	[tilespmem:s25+$0xFFFFFF00] =	vst v11;
	v11 =	vmul.f32 v12, v5;
	v12 =	vmul.f32 $5.076142030e-03, v7;
	(pc) =	sbr.rel @p1 .LBB2_196-.Ltmp105, $4  }
0x9cf: {  	v5 =	vld [tilespmem:s28+$0x0];
	v14 =	vmul.f32 $5.076142030e-03, v8;
	[tilespmem:s25+$0xFFFFFF80] =	vst v9;
	v9 =	vmul.f32 v10, v3  }
0x9d0: {  	v3 =	vld [tilespmem:s28+$0x80];
	v15 =	vmul.f32 $5.076142030e-03, v13;
	[tilespmem:s25+$0x0] =	vst v11;
	v16 =	vmul.f32 v12, v7  }
0x9d1: {  	v10 =	vmul.f32 $5.076142030e-03, v6;
	v7 =	vld [tilespmem:s28+$0x100];
	v11 =	vmul.f32 v14, v8;
	[tilespmem:s25+$0x80] =	vst v9  }
0x9d2: {  	v8 =	vld [tilespmem:s28+$0xFFFFFE00];
	v12 =	vmul.f32 $5.076142030e-03, v4;
	v9 =	vmul.f32 v15, v13;
	s28 =	sadd.s32 $0x400, s28;
	[tilespmem:s25+$0x100] =	vst v16  }
0x9d3: {  	v6 =	vmul.f32 v10, v6;
	v57 =	vmul.f32 $5.076142030e-03, v2;
	[tilespmem:s25+$0xFFFFFE00] =	vst v11;
	s26 =	sadd.s32 $0x400, s25  }
0x9d4: {  	v4 =	vmul.f32 v12, v4;
	v58 =	vmul.f32 $5.076142030e-03, v5;
	[tilespmem:s26+$0x180] =	vst v9  }
0x9d5: {  	[tilespmem:s26+$0xFFFFFE80] =	vst v6;
	v2 =	vmul.f32 v57, v2;
	v59 =	vmul.f32 $5.076142030e-03, v3  }
0x9d6: {  	[tilespmem:s26+$0xFFFFFF00] =	vst v4;
	v60 =	vmul.f32 v58, v5;
	v61 =	vmul.f32 $5.076142030e-03, v7  }
0x9d7: {  	v62 =	vmul.f32 $5.076142030e-03, v8;
	[tilespmem:s26+$0xFFFFFF80] =	vst v2;
	v2 =	vmul.f32 v59, v3  }
0x9d8: {  	[tilespmem:s26+$0x0] =	vst v60;
	v3 =	vmul.f32 v61, v7  }
0x9d9: {  	v63 =	vmul.f32 v62, v8;
	[tilespmem:s26+$0x80] =	vst v2  }
0x9da: {  	[tilespmem:s26+$0x100] =	vst v3  }
0x9db: {  	s25 =	simm.s32 $0x0;
	[tilespmem:s26+$0xFFFFFE00] =	vst v63  }
.LBB2_198:
0x9dc: {  	s26 =	sshra.s32 s25, $0x2  }
0x9dd: {  	v2 =	vld [tilespmem:s26+$0xC9E0];
	_ =	sdelay $0x3  }
0x9de: {  	p1 =	sne.s32 s25, $0x800  }
.Ltmp106:
0x9df: {  	v3 =	vmul.f32 $5.076142030e-03, v2;
	(pc) =	sbr.rel @p1 .LBB2_198-.Ltmp106, $3  }
0x9e0: {  	_ = 	snop  }
0x9e1: {  	v2 =	vmul.f32 v3, v2;
	_ =	sdelay $0x1  }
0x9e2: {  	s25 =	sadd.s32 $0x200, s25;
	[tilespmem:s26+$0x191E0] =	vst v2  }
0x9e3: {  	s25 =	simm.s32 $0x6BF0  }
0x9e4: {  	v2 =	vld [tilespmem:s25+$0x180]  }
0x9e5: {  	v3 =	vld [tilespmem:s25+$0xFFFFFE80]  }
0x9e6: {  	v4 =	vld [tilespmem:s25+$0xFFFFFF00]  }
0x9e7: {  	v7 =	vld [tilespmem:s25+$0x0]  }
0x9e8: {  	v5 =	vld [tilespmem:s25+$0xFFFFFF80];
	_ =	sdelay $0x1  }
0x9e9: {  	v8 =	vld [tilespmem:s25+$0x80];
	v6 =	vmul.f32 $5.076142030e-03, v2  }
0x9ea: {  	v10 =	vld [tilespmem:s25+$0x100];
	v9 =	vmul.f32 $5.076142030e-03, v3;
	v12 =	vmul.f32 $5.076142030e-03, v4  }
0x9eb: {  	s28 =	simm.s32 $0x6FF0;
	v11 =	vld [tilespmem:s25+$0xFFFFFE00];
	v14 =	vmul.f32 $5.076142030e-03, v7;
	v2 =	vmul.f32 v6, v2  }
0x9ec: {  	s25 =	simm.s32 $0x133F0;
	v13 =	vld [tilespmem:s28+$0x180];
	v3 =	vmul.f32 v9, v3;
	v9 =	vmul.f32 $5.076142030e-03, v5  }
0x9ed: {  	v6 =	vld [tilespmem:s28+$0xFFFFFE80];
	v12 =	vmul.f32 v12, v4;
	v7 =	vmul.f32 v14, v7;
	[tilespmem:s25+$0x180] =	vst v2  }
0x9ee: {  	v4 =	vld [tilespmem:s28+$0xFFFFFF00];
	[tilespmem:s25+$0xFFFFFE80] =	vst v3;
	v3 =	vmul.f32 v9, v5;
	v9 =	vmul.f32 $5.076142030e-03, v8  }
0x9ef: {  	v2 =	vld [tilespmem:s28+$0xFFFFFF80];
	[tilespmem:s25+$0xFFFFFF00] =	vst v12;
	v12 =	vmul.f32 $5.076142030e-03, v10  }
0x9f0: {  	v14 =	vmul.f32 $5.076142030e-03, v11;
	v5 =	vld [tilespmem:s28+$0x0];
	[tilespmem:s25+$0x0] =	vst v7;
	v8 =	vmul.f32 v9, v8  }
0x9f1: {  	[tilespmem:s25+$0xFFFFFF80] =	vst v3;
	v3 =	vld [tilespmem:s28+$0x80];
	v9 =	vmul.f32 $5.076142030e-03, v13;
	v15 =	vmul.f32 v12, v10  }
0x9f2: {  	v7 =	vld [tilespmem:s28+$0x100];
	v11 =	vmul.f32 v14, v11;
	v10 =	vmul.f32 $5.076142030e-03, v6;
	[tilespmem:s25+$0x80] =	vst v8  }
0x9f3: {  	s26 =	simm.s32 $0x8;
	v12 =	vmul.f32 $5.076142030e-03, v4;
	v8 =	vld [tilespmem:s28+$0xFFFFFE00];
	v9 =	vmul.f32 v9, v13;
	s28 =	simm.s32 $0x73F0;
	[tilespmem:s25+$0x100] =	vst v15  }
.LBB2_200:
0x9f4: {  	v13 =	vld [tilespmem:s28+$0x180];
	s26 =	sadd.s32 $0x8, s26;
	v10 =	vmul.f32 v10, v6;
	v14 =	vmul.f32 $5.076142030e-03, v2;
	[tilespmem:s25+$0xFFFFFE00] =	vst v11;
	s25 =	sadd.s32 $0x400, s25  }
0x9f5: {  	v6 =	vld [tilespmem:s28+$0xFFFFFE80];
	p1 =	slt.u32 s26, $0xB8;
	v11 =	vmul.f32 v12, v4;
	v12 =	vmul.f32 $5.076142030e-03, v5;
	[tilespmem:s25+$0x180] =	vst v9  }
0x9f6: {  	v4 =	vld [tilespmem:s28+$0xFFFFFF00];
	[tilespmem:s25+$0xFFFFFE80] =	vst v10;
	v9 =	vmul.f32 v14, v2;
	v10 =	vmul.f32 $5.076142030e-03, v3  }
.Ltmp107:
0x9f7: {  	v2 =	vld [tilespmem:s28+$0xFFFFFF80];
	[tilespmem:s25+$0xFFFFFF00] =	vst v11;
	v11 =	vmul.f32 v12, v5;
	v12 =	vmul.f32 $5.076142030e-03, v7;
	(pc) =	sbr.rel @p1 .LBB2_200-.Ltmp107, $4  }
0x9f8: {  	v5 =	vld [tilespmem:s28+$0x0];
	v14 =	vmul.f32 $5.076142030e-03, v8;
	[tilespmem:s25+$0xFFFFFF80] =	vst v9;
	v9 =	vmul.f32 v10, v3  }
0x9f9: {  	v3 =	vld [tilespmem:s28+$0x80];
	v15 =	vmul.f32 $5.076142030e-03, v13;
	[tilespmem:s25+$0x0] =	vst v11;
	v16 =	vmul.f32 v12, v7  }
0x9fa: {  	v10 =	vmul.f32 $5.076142030e-03, v6;
	v7 =	vld [tilespmem:s28+$0x100];
	v11 =	vmul.f32 v14, v8;
	[tilespmem:s25+$0x80] =	vst v9  }
0x9fb: {  	v8 =	vld [tilespmem:s28+$0xFFFFFE00];
	v12 =	vmul.f32 $5.076142030e-03, v4;
	v9 =	vmul.f32 v15, v13;
	s28 =	sadd.s32 $0x400, s28;
	[tilespmem:s25+$0x100] =	vst v16  }
0x9fc: {  	v6 =	vmul.f32 v10, v6;
	v57 =	vmul.f32 $5.076142030e-03, v2;
	[tilespmem:s25+$0xFFFFFE00] =	vst v11;
	s26 =	sadd.s32 $0x400, s25  }
0x9fd: {  	v4 =	vmul.f32 v12, v4;
	v58 =	vmul.f32 $5.076142030e-03, v5;
	[tilespmem:s26+$0x180] =	vst v9  }
0x9fe: {  	[tilespmem:s26+$0xFFFFFE80] =	vst v6;
	v2 =	vmul.f32 v57, v2;
	v59 =	vmul.f32 $5.076142030e-03, v3  }
0x9ff: {  	[tilespmem:s26+$0xFFFFFF00] =	vst v4;
	v60 =	vmul.f32 v58, v5;
	v61 =	vmul.f32 $5.076142030e-03, v7  }
0xa00: {  	v62 =	vmul.f32 $5.076142030e-03, v8;
	[tilespmem:s26+$0xFFFFFF80] =	vst v2;
	v2 =	vmul.f32 v59, v3  }
0xa01: {  	[tilespmem:s26+$0x0] =	vst v60;
	v3 =	vmul.f32 v61, v7  }
0xa02: {  	v63 =	vmul.f32 v62, v8;
	[tilespmem:s26+$0x80] =	vst v2  }
0xa03: {  	[tilespmem:s26+$0x100] =	vst v3  }
0xa04: {  	s25 =	simm.s32 $0x0;
	[tilespmem:s26+$0xFFFFFE00] =	vst v63  }
.LBB2_202:
0xa05: {  	s26 =	sshra.s32 s25, $0x2  }
0xa06: {  	v2 =	vld [tilespmem:s26+$0xC9F0];
	_ =	sdelay $0x3  }
0xa07: {  	p1 =	sne.s32 s25, $0x800  }
.Ltmp108:
0xa08: {  	v3 =	vmul.f32 $5.076142030e-03, v2;
	(pc) =	sbr.rel @p1 .LBB2_202-.Ltmp108, $3  }
0xa09: {  	_ = 	snop  }
0xa0a: {  	v2 =	vmul.f32 v3, v2;
	_ =	sdelay $0x1  }
0xa0b: {  	s25 =	sadd.s32 $0x200, s25;
	[tilespmem:s26+$0x191F0] =	vst v2  }
.Ltmp109:
0xa0c: {  	_ = 	snop;
	(pc) =	sbr.rel .LBB2_203-.Ltmp109, $1  }
0xa0d: {  	_ =	sdelay $0x3  }
.LBB2_206:
0xa0e: {  	_ =	sfence.sel $0x180000  }
0xa0f: {  	[bflag:$0x0] =	sbarrier.arrive $0xFFFF  }
0xa10: {  	p0 =	sne.s32 s0, $0x0;
	_ =	strace $0x90000047  }
0xa11: {  	s0 =	sadd.s32 @!p0 $0x100000, s3;
	[bflag:$0x2] =	sbarrier.arrive $0xFFFF  }
0xa12: {  	[sflag:s0] =	ssyncadd.tile.s32 @!p0 $0x1;
	_ =	shalt  }
.Lfunc_end2:
_tile_overlayer_lowered:
.L_overlay_start_2:
0xa13: {  	(tag) =	ssettag $0x2  }
0xa14: {  	s0 =	rddreg [dreg:$0x0];
	s2 =	stileid.u32  }
0xa15: {  	s1 =	rddreg [dreg:$0x1];
	p0 =	sne.s32 s2, $0x0  }
0xa16: {  	s3 =	rddreg [dreg:$0x2];
	[bflag:$0x3] =	sbarrier.arrive $0xFFFF;
	s2 =	simm.s32 @!p0 $0x1C05  }
0xa17: {  	[timem:s3], [sflag:s2] =	dma.local @!p0 [hbm:s0], s1  }
0xa18: {  	s0 =	simm.s32 @!p0 $0x5  }
0xa19: {  	_ =	swait.ge @!p0 [sflag:s0], s1  }
0xa1a: {  	s1 =	ssub.s32 @!p0 $0x0, s1;
	[sflag:s0] =	ssyncset.done @!p0 $0x0  }
0xa1b: {  	[sflag:s0] =	ssyncadd.s32 @!p0 s1  }
0xa1c: {  	[bflag:$0x3] =	sbarrier.arrive $0xFFFF  }
0xa1d: {  	_ =	shalt  }

</sc_bundles>
